<compile_context>
chip_gen: v7x
topology: tpu7x:2x2x1
jax: 0.10.2.dev20260603
libtpu: 0.0.44.dev20260713+nightly
codegen_flags: <defaults>
</compile_context>

<pallas_src>
import functools
import jax
import jax.numpy as jnp
from jax import lax
from jax.experimental import pallas as pl
from jax.experimental.pallas import tpu as pltpu, tpu_sc as plsc

_D = 64
_DP = 128
_N = 16384
_S = 50
_SP = 56


def _make_gather(N, S, D):
  info = plsc.get_sparse_core_info()
  NC, NS = info.num_cores, info.num_subcores
  NW = NC * NS
  assert N % NW == 0
  n_per_w = N // NW
  R = 8
  NBUF = 4
  assert n_per_w % (R * NBUF) == 0
  n_chunks = n_per_w // R

  mesh = plsc.VectorSubcoreMesh(core_axis_name="c", subcore_axis_name="s")

  @functools.partial(
      pl.kernel,
      out_type=jax.ShapeDtypeStruct((N, _SP, _DP), jnp.float32),
      mesh=mesh,
      compiler_params=pltpu.CompilerParams(use_tc_tiling_on_sc=False),
      scratch_types=[
          pltpu.VMEM((n_per_w, S), jnp.int32),
          pltpu.VMEM((NBUF, R, S, _D), jnp.float32),
          [pltpu.SemaphoreType.DMA] * NBUF,
          [pltpu.SemaphoreType.DMA] * NBUF,
      ],
  )
  def gather_kernel(x_hbm, table_hbm, out_hbm, idx_v, rows_v, gsems, wsems):
    wid = lax.axis_index("s") * NC + lax.axis_index("c")
    base = wid * n_per_w
    pltpu.sync_copy(x_hbm.at[pl.ds(base, n_per_w)], idx_v)

    def start_gather(c, b):
      for i in range(R):
        pltpu.async_copy(
            table_hbm.at[idx_v.at[c * R + i]], rows_v.at[b, i], gsems[b])

    def wait_gather(b):
      for i in range(R):
        pltpu.make_async_copy(
            table_hbm.at[idx_v.at[0]], rows_v.at[b, i], gsems[b]).wait()

    def start_write(c, b):
      pltpu.async_copy(
          rows_v.at[b],
          out_hbm.at[pl.ds(base + c * R, R), pl.ds(0, S), pl.ds(0, _D)],
          wsems[b])

    def wait_write(b):
      pltpu.make_async_copy(
          rows_v.at[b],
          out_hbm.at[pl.ds(base, R), pl.ds(0, S), pl.ds(0, _D)],
          wsems[b]).wait()

    for c in range(NBUF - 1):
      start_gather(c, c)

    for j in range(NBUF):
      wait_gather(j)
      start_write(j, j)
      pf = j + NBUF - 1
      if pf >= NBUF:
        wait_write(pf % NBUF)
      start_gather(pf, pf % NBUF)

    @pl.loop(1, n_chunks // NBUF - 1)
    def _group(i):
      c0 = i * NBUF
      for j in range(NBUF):
        c = c0 + j
        wait_gather(j)
        start_write(c, j)
        wait_write((j + NBUF - 1) % NBUF)
        start_gather(c + NBUF - 1, (j + NBUF - 1) % NBUF)

    c0 = n_chunks - NBUF
    for j in range(NBUF):
      c = c0 + j
      wait_gather(j)
      start_write(c, j)
      if c + NBUF - 1 < n_chunks:
        wait_write((j + NBUF - 1) % NBUF)
        start_gather(c + NBUF - 1, (j + NBUF - 1) % NBUF)
    for j in range(NBUF):
      wait_write(j)

  return gather_kernel


_gather = _make_gather(_N, _S, _D)


def kernel(x, table):
  table_p = jnp.pad(table, ((0, 0), (0, _DP - _D)))
  table_v = table_p.reshape(2 * table.shape[0], _D)
  out_p = _gather(x * 2, table_v)
  return out_p[:, :_S, :_D]

# --- scband reference (transcript-rebuilt; emitter-appended) ---
"""Pipeline reference for scband-embedding-24541443129581 (READ-ONLY COPY).

The authoritative reference and input builder live on the scoring server;
editing this copy changes nothing except your own understanding.
"""

import jax, jax.numpy as jnp
import numpy as np

VOCAB = 1000000
D_MODEL = 64

def setup_inputs(seed: int = 0) -> dict:
    key = jax.random.key(seed)
    k1, k2 = jax.random.split(key)
    x = jax.random.randint(k1, (16384, 50), 0, VOCAB, dtype=jnp.int64) if jax.config.jax_enable_x64 else jax.random.randint(k1, (16384, 50), 0, VOCAB, dtype=jnp.int32)
    table = jax.random.normal(k2, (VOCAB, D_MODEL), dtype=jnp.float32)
    return {"x": x, "table": table}

def reference(x, table):
    # nn.Embedding forward: row gather from the embedding table
    return jnp.take(table, x, axis=0)

if __name__ == "__main__":
    import jax
    _d = setup_inputs()
    print(jax.jit(kernel)(*tuple(_d.values())))

</pallas_src>

<mosaic_0001>
#map = affine_map<(d0, d1) -> (0, 0)>
#map1 = affine_map<(d0, d1) -> (0, 0, 0)>
module attributes {stable_mosaic.version = 14 : i64} {
  func.func @gather_kernel(%arg0: i32, %arg1: i32, %arg2: memref<16384x50xi32, #tpu.memory_space<hbm>>, %arg3: memref<2000000x64xf32, #tpu.memory_space<hbm>>, %arg4: memref<16384x56x128xf32, #tpu.memory_space<hbm>>, %arg5: memref<512x50xi32, #tpu.memory_space<vmem>>, %arg6: memref<4x8x50x64xf32, #tpu.memory_space<vmem>>, %arg7: memref<!tpu.dma_semaphore, #tpu.memory_space<semaphore_mem>>, %arg8: memref<!tpu.dma_semaphore, #tpu.memory_space<semaphore_mem>>, %arg9: memref<!tpu.dma_semaphore, #tpu.memory_space<semaphore_mem>>, %arg10: memref<!tpu.dma_semaphore, #tpu.memory_space<semaphore_mem>>, %arg11: memref<!tpu.dma_semaphore, #tpu.memory_space<semaphore_mem>>, %arg12: memref<!tpu.dma_semaphore, #tpu.memory_space<semaphore_mem>>, %arg13: memref<!tpu.dma_semaphore, #tpu.memory_space<semaphore_mem>>, %arg14: memref<!tpu.dma_semaphore, #tpu.memory_space<semaphore_mem>>) attributes {dimension_semantics = [#tpu.dimension_semantics<core_parallel>, #tpu.dimension_semantics<subcore_parallel>], iteration_bounds = array<i64: 2, 16>, scalar_prefetch = 0 : i64, scratch_operands = 10 : i64, tpu.core_type = #tpu.core_type<sc_vector_subcore>, window_params = [{transform_indices = #map}, {transform_indices = #map}, {transform_indices = #map1}]} {
    %mul3A = arith.constant 2 : i32
    %mul3A_0 = arith.muli %arg1, %mul3A : i32
    %add3A = arith.addi %mul3A_0, %arg0 : i32
    %mul3A_1 = arith.constant 512 : i32
    %mul3A_2 = arith.muli %add3A, %mul3A_1 : i32
    "tpu.region"() ({
      %run_scoped3A = tpu.sem_alloc : memref<!tpu.dma_semaphore, #tpu.memory_space<semaphore_mem>>
      %dma_start3A_1957 = arith.constant 0 : i32
      %dma_start3A_1958 = tpu.memref_slice %arg2[%mul3A_2, %dma_start3A_1957] : memref<16384x50xi32, #tpu.memory_space<hbm>> -> memref<512x50xi32, #tpu.memory_space<hbm>>
      %dma_start3A_1959 = arith.constant 0 : i32
      %dma_start3A_1960 = tpu.memref_slice %arg2[%mul3A_2, %dma_start3A_1959] : memref<16384x50xi32, #tpu.memory_space<hbm>> -> memref<512x50xi32, #tpu.memory_space<hbm>>
      tpu.enqueue_dma source(%dma_start3A_1960 : memref<512x50xi32, #tpu.memory_space<hbm>>) target(%arg5 : memref<512x50xi32, #tpu.memory_space<vmem>>) target_semaphore(%run_scoped3A : memref<!tpu.dma_semaphore, #tpu.memory_space<semaphore_mem>>)
      %dma_wait3A_1961 = arith.constant 0 : i32
      %dma_wait3A_1962 = tpu.memref_slice %arg2[%mul3A_2, %dma_wait3A_1961] : memref<16384x50xi32, #tpu.memory_space<hbm>> -> memref<512x50xi32, #tpu.memory_space<hbm>>
      %dma_wait3A_1963 = arith.constant 0 : i32
      %dma_wait3A_1964 = tpu.memref_slice %arg2[%mul3A_2, %dma_wait3A_1963] : memref<16384x50xi32, #tpu.memory_space<hbm>> -> memref<512x50xi32, #tpu.memory_space<hbm>>
      tpu.wait_dma2 semaphore(%run_scoped3A : memref<!tpu.dma_semaphore, #tpu.memory_space<semaphore_mem>>) src(%dma_wait3A_1964 : memref<512x50xi32, #tpu.memory_space<hbm>>) dst(%arg5 : memref<512x50xi32, #tpu.memory_space<vmem>>)
      tpu.yield
    }) : () -> ()
    %dma_start3A = arith.constant 0 : i32
    %dma_start3A_3 = arith.constant 0 : i32
    %dma_start3A_4 = arith.constant 0 : i32
    %dma_start3A_5 = arith.constant 0 : i32
    %dma_start3A_6 = arith.constant 0 : i32
    %dma_start3A_7 = tpu.memref_slice %arg6[%dma_start3A_3, %dma_start3A_4, %dma_start3A_5, %dma_start3A_6] : memref<4x8x50x64xf32, #tpu.memory_space<vmem>> -> memref<1x1x50x64xf32, #tpu.memory_space<vmem>>
    %dma_start3A_8 = tpu.memref_squeeze %dma_start3A_7 : memref<1x1x50x64xf32, #tpu.memory_space<vmem>> -> memref<50x64xf32, #tpu.memory_space<vmem>>
    %dma_start3A_9 = arith.constant 0 : i32
    %dma_start3A_10 = tpu.memref_slice %arg5[%dma_start3A, %dma_start3A_9] : memref<512x50xi32, #tpu.memory_space<vmem>> -> memref<1x50xi32, #tpu.memory_space<vmem>>
    %dma_start3A_11 = tpu.memref_squeeze %dma_start3A_10 : memref<1x50xi32, #tpu.memory_space<vmem>> -> memref<50xi32, #tpu.memory_space<vmem>>
    %dma_start3A_12 = arith.constant 0 : i32
    %dma_start3A_13 = arith.constant 0 : i32
    %dma_start3A_14 = tpu.memref_slice %arg3[%dma_start3A_12, %dma_start3A_13] : memref<2000000x64xf32, #tpu.memory_space<hbm>> -> memref<2000000x64xf32, #tpu.memory_space<hbm>>
    tpu.enqueue_indirect_dma source(%dma_start3A_14 : memref<2000000x64xf32, #tpu.memory_space<hbm>>) target(%dma_start3A_8 : memref<50x64xf32, #tpu.memory_space<vmem>>) offsets(%dma_start3A_11 : memref<50xi32, #tpu.memory_space<vmem>>) semaphore(%arg7 : memref<!tpu.dma_semaphore, #tpu.memory_space<semaphore_mem>>)
    %dma_start3A_15 = arith.constant 1 : i32
    %dma_start3A_16 = arith.constant 0 : i32
    %dma_start3A_17 = arith.constant 1 : i32
    %dma_start3A_18 = arith.constant 0 : i32
    %dma_start3A_19 = arith.constant 0 : i32
    %dma_start3A_20 = tpu.memref_slice %arg6[%dma_start3A_16, %dma_start3A_17, %dma_start3A_18, %dma_start3A_19] : memref<4x8x50x64xf32, #tpu.memory_space<vmem>> -> memref<1x1x50x64xf32, #tpu.memory_space<vmem>>
    %dma_start3A_21 = tpu.memref_squeeze %dma_start3A_20 : memref<1x1x50x64xf32, #tpu.memory_space<vmem>> -> memref<50x64xf32, #tpu.memory_space<vmem>>
    %dma_start3A_22 = arith.constant 0 : i32
    %dma_start3A_23 = tpu.memref_slice %arg5[%dma_start3A_15, %dma_start3A_22] : memref<512x50xi32, #tpu.memory_space<vmem>> -> memref<1x50xi32, #tpu.memory_space<vmem>>
    %dma_start3A_24 = tpu.memref_squeeze %dma_start3A_23 : memref<1x50xi32, #tpu.memory_space<vmem>> -> memref<50xi32, #tpu.memory_space<vmem>>
    %dma_start3A_25 = arith.constant 0 : i32
    %dma_start3A_26 = arith.constant 0 : i32
    %dma_start3A_27 = tpu.memref_slice %arg3[%dma_start3A_25, %dma_start3A_26] : memref<2000000x64xf32, #tpu.memory_space<hbm>> -> memref<2000000x64xf32, #tpu.memory_space<hbm>>
    tpu.enqueue_indirect_dma source(%dma_start3A_27 : memref<2000000x64xf32, #tpu.memory_space<hbm>>) target(%dma_start3A_21 : memref<50x64xf32, #tpu.memory_space<vmem>>) offsets(%dma_start3A_24 : memref<50xi32, #tpu.memory_space<vmem>>) semaphore(%arg7 : memref<!tpu.dma_semaphore, #tpu.memory_space<semaphore_mem>>)
    %dma_start3A_28 = arith.constant 2 : i32
    %dma_start3A_29 = arith.constant 0 : i32
    %dma_start3A_30 = arith.constant 2 : i32
    %dma_start3A_31 = arith.constant 0 : i32
    %dma_start3A_32 = arith.constant 0 : i32
    %dma_start3A_33 = tpu.memref_slice %arg6[%dma_start3A_29, %dma_start3A_30, %dma_start3A_31, %dma_start3A_32] : memref<4x8x50x64xf32, #tpu.memory_space<vmem>> -> memref<1x1x50x64xf32, #tpu.memory_space<vmem>>
    %dma_start3A_34 = tpu.memref_squeeze %dma_start3A_33 : memref<1x1x50x64xf32, #tpu.memory_space<vmem>> -> memref<50x64xf32, #tpu.memory_space<vmem>>
    %dma_start3A_35 = arith.constant 0 : i32
    %dma_start3A_36 = tpu.memref_slice %arg5[%dma_start3A_28, %dma_start3A_35] : memref<512x50xi32, #tpu.memory_space<vmem>> -> memref<1x50xi32, #tpu.memory_space<vmem>>
    %dma_start3A_37 = tpu.memref_squeeze %dma_start3A_36 : memref<1x50xi32, #tpu.memory_space<vmem>> -> memref<50xi32, #tpu.memory_space<vmem>>
    %dma_start3A_38 = arith.constant 0 : i32
    %dma_start3A_39 = arith.constant 0 : i32
    %dma_start3A_40 = tpu.memref_slice %arg3[%dma_start3A_38, %dma_start3A_39] : memref<2000000x64xf32, #tpu.memory_space<hbm>> -> memref<2000000x64xf32, #tpu.memory_space<hbm>>
    tpu.enqueue_indirect_dma source(%dma_start3A_40 : memref<2000000x64xf32, #tpu.memory_space<hbm>>) target(%dma_start3A_34 : memref<50x64xf32, #tpu.memory_space<vmem>>) offsets(%dma_start3A_37 : memref<50xi32, #tpu.memory_space<vmem>>) semaphore(%arg7 : memref<!tpu.dma_semaphore, #tpu.memory_space<semaphore_mem>>)
    %dma_start3A_41 = arith.constant 3 : i32
    %dma_start3A_42 = arith.constant 0 : i32
    %dma_start3A_43 = arith.constant 3 : i32
    %dma_start3A_44 = arith.constant 0 : i32
    %dma_start3A_45 = arith.constant 0 : i32
    %dma_start3A_46 = tpu.memref_slice %arg6[%dma_start3A_42, %dma_start3A_43, %dma_start3A_44, %dma_start3A_45] : memref<4x8x50x64xf32, #tpu.memory_space<vmem>> -> memref<1x1x50x64xf32, #tpu.memory_space<vmem>>
    %dma_start3A_47 = tpu.memref_squeeze %dma_start3A_46 : memref<1x1x50x64xf32, #tpu.memory_space<vmem>> -> memref<50x64xf32, #tpu.memory_space<vmem>>
    %dma_start3A_48 = arith.constant 0 : i32
    %dma_start3A_49 = tpu.memref_slice %arg5[%dma_start3A_41, %dma_start3A_48] : memref<512x50xi32, #tpu.memory_space<vmem>> -> memref<1x50xi32, #tpu.memory_space<vmem>>
    %dma_start3A_50 = tpu.memref_squeeze %dma_start3A_49 : memref<1x50xi32, #tpu.memory_space<vmem>> -> memref<50xi32, #tpu.memory_space<vmem>>
    %dma_start3A_51 = arith.constant 0 : i32
    %dma_start3A_52 = arith.constant 0 : i32
    %dma_start3A_53 = tpu.memref_slice %arg3[%dma_start3A_51, %dma_start3A_52] : memref<2000000x64xf32, #tpu.memory_space<hbm>> -> memref<2000000x64xf32, #tpu.memory_space<hbm>>
    tpu.enqueue_indirect_dma source(%dma_start3A_53 : memref<2000000x64xf32, #tpu.memory_space<hbm>>) target(%dma_start3A_47 : memref<50x64xf32, #tpu.memory_space<vmem>>) offsets(%dma_start3A_50 : memref<50xi32, #tpu.memory_space<vmem>>) semaphore(%arg7 : memref<!tpu.dma_semaphore, #tpu.memory_space<semaphore_mem>>)
    %dma_start3A_54 = arith.constant 4 : i32
    %dma_start3A_55 = arith.constant 0 : i32
    %dma_start3A_56 = arith.constant 4 : i32
    %dma_start3A_57 = arith.constant 0 : i32
    %dma_start3A_58 = arith.constant 0 : i32
    %dma_start3A_59 = tpu.memref_slice %arg6[%dma_start3A_55, %dma_start3A_56, %dma_start3A_57, %dma_start3A_58] : memref<4x8x50x64xf32, #tpu.memory_space<vmem>> -> memref<1x1x50x64xf32, #tpu.memory_space<vmem>>
    %dma_start3A_60 = tpu.memref_squeeze %dma_start3A_59 : memref<1x1x50x64xf32, #tpu.memory_space<vmem>> -> memref<50x64xf32, #tpu.memory_space<vmem>>
    %dma_start3A_61 = arith.constant 0 : i32
    %dma_start3A_62 = tpu.memref_slice %arg5[%dma_start3A_54, %dma_start3A_61] : memref<512x50xi32, #tpu.memory_space<vmem>> -> memref<1x50xi32, #tpu.memory_space<vmem>>
    %dma_start3A_63 = tpu.memref_squeeze %dma_start3A_62 : memref<1x50xi32, #tpu.memory_space<vmem>> -> memref<50xi32, #tpu.memory_space<vmem>>
    %dma_start3A_64 = arith.constant 0 : i32
    %dma_start3A_65 = arith.constant 0 : i32
    %dma_start3A_66 = tpu.memref_slice %arg3[%dma_start3A_64, %dma_start3A_65] : memref<2000000x64xf32, #tpu.memory_space<hbm>> -> memref<2000000x64xf32, #tpu.memory_space<hbm>>
    tpu.enqueue_indirect_dma source(%dma_start3A_66 : memref<2000000x64xf32, #tpu.memory_space<hbm>>) target(%dma_start3A_60 : memref<50x64xf32, #tpu.memory_space<vmem>>) offsets(%dma_start3A_63 : memref<50xi32, #tpu.memory_space<vmem>>) semaphore(%arg7 : memref<!tpu.dma_semaphore, #tpu.memory_space<semaphore_mem>>)
    %dma_start3A_67 = arith.constant 5 : i32
    %dma_start3A_68 = arith.constant 0 : i32
    %dma_start3A_69 = arith.constant 5 : i32
    %dma_start3A_70 = arith.constant 0 : i32
    %dma_start3A_71 = arith.constant 0 : i32
    %dma_start3A_72 = tpu.memref_slice %arg6[%dma_start3A_68, %dma_start3A_69, %dma_start3A_70, %dma_start3A_71] : memref<4x8x50x64xf32, #tpu.memory_space<vmem>> -> memref<1x1x50x64xf32, #tpu.memory_space<vmem>>
    %dma_start3A_73 = tpu.memref_squeeze %dma_start3A_72 : memref<1x1x50x64xf32, #tpu.memory_space<vmem>> -> memref<50x64xf32, #tpu.memory_space<vmem>>
    %dma_start3A_74 = arith.constant 0 : i32
    %dma_start3A_75 = tpu.memref_slice %arg5[%dma_start3A_67, %dma_start3A_74] : memref<512x50xi32, #tpu.memory_space<vmem>> -> memref<1x50xi32, #tpu.memory_space<vmem>>
    %dma_start3A_76 = tpu.memref_squeeze %dma_start3A_75 : memref<1x50xi32, #tpu.memory_space<vmem>> -> memref<50xi32, #tpu.memory_space<vmem>>
    %dma_start3A_77 = arith.constant 0 : i32
    %dma_start3A_78 = arith.constant 0 : i32
    %dma_start3A_79 = tpu.memref_slice %arg3[%dma_start3A_77, %dma_start3A_78] : memref<2000000x64xf32, #tpu.memory_space<hbm>> -> memref<2000000x64xf32, #tpu.memory_space<hbm>>
    tpu.enqueue_indirect_dma source(%dma_start3A_79 : memref<2000000x64xf32, #tpu.memory_space<hbm>>) target(%dma_start3A_73 : memref<50x64xf32, #tpu.memory_space<vmem>>) offsets(%dma_start3A_76 : memref<50xi32, #tpu.memory_space<vmem>>) semaphore(%arg7 : memref<!tpu.dma_semaphore, #tpu.memory_space<semaphore_mem>>)
    %dma_start3A_80 = arith.constant 6 : i32
    %dma_start3A_81 = arith.constant 0 : i32
    %dma_start3A_82 = arith.constant 6 : i32
    %dma_start3A_83 = arith.constant 0 : i32
    %dma_start3A_84 = arith.constant 0 : i32
    %dma_start3A_85 = tpu.memref_slice %arg6[%dma_start3A_81, %dma_start3A_82, %dma_start3A_83, %dma_start3A_84] : memref<4x8x50x64xf32, #tpu.memory_space<vmem>> -> memref<1x1x50x64xf32, #tpu.memory_space<vmem>>
    %dma_start3A_86 = tpu.memref_squeeze %dma_start3A_85 : memref<1x1x50x64xf32, #tpu.memory_space<vmem>> -> memref<50x64xf32, #tpu.memory_space<vmem>>
    %dma_start3A_87 = arith.constant 0 : i32
    %dma_start3A_88 = tpu.memref_slice %arg5[%dma_start3A_80, %dma_start3A_87] : memref<512x50xi32, #tpu.memory_space<vmem>> -> memref<1x50xi32, #tpu.memory_space<vmem>>
    %dma_start3A_89 = tpu.memref_squeeze %dma_start3A_88 : memref<1x50xi32, #tpu.memory_space<vmem>> -> memref<50xi32, #tpu.memory_space<vmem>>
    %dma_start3A_90 = arith.constant 0 : i32
    %dma_start3A_91 = arith.constant 0 : i32
    %dma_start3A_92 = tpu.memref_slice %arg3[%dma_start3A_90, %dma_start3A_91] : memref<2000000x64xf32, #tpu.memory_space<hbm>> -> memref<2000000x64xf32, #tpu.memory_space<hbm>>
    tpu.enqueue_indirect_dma source(%dma_start3A_92 : memref<2000000x64xf32, #tpu.memory_space<hbm>>) target(%dma_start3A_86 : memref<50x64xf32, #tpu.memory_space<vmem>>) offsets(%dma_start3A_89 : memref<50xi32, #tpu.memory_space<vmem>>) semaphore(%arg7 : memref<!tpu.dma_semaphore, #tpu.memory_space<semaphore_mem>>)
    %dma_start3A_93 = arith.constant 7 : i32
    %dma_start3A_94 = arith.constant 0 : i32
    %dma_start3A_95 = arith.constant 7 : i32
    %dma_start3A_96 = arith.constant 0 : i32
    %dma_start3A_97 = arith.constant 0 : i32
    %dma_start3A_98 = tpu.memref_slice %arg6[%dma_start3A_94, %dma_start3A_95, %dma_start3A_96, %dma_start3A_97] : memref<4x8x50x64xf32, #tpu.memory_space<vmem>> -> memref<1x1x50x64xf32, #tpu.memory_space<vmem>>
    %dma_start3A_99 = tpu.memref_squeeze %dma_start3A_98 : memref<1x1x50x64xf32, #tpu.memory_space<vmem>> -> memref<50x64xf32, #tpu.memory_space<vmem>>
    %dma_start3A_100 = arith.constant 0 : i32
    %dma_start3A_101 = tpu.memref_slice %arg5[%dma_start3A_93, %dma_start3A_100] : memref<512x50xi32, #tpu.memory_space<vmem>> -> memref<1x50xi32, #tpu.memory_space<vmem>>
    %dma_start3A_102 = tpu.memref_squeeze %dma_start3A_101 : memref<1x50xi32, #tpu.memory_space<vmem>> -> memref<50xi32, #tpu.memory_space<vmem>>
    %dma_start3A_103 = arith.constant 0 : i32
    %dma_start3A_104 = arith.constant 0 : i32
    %dma_start3A_105 = tpu.memref_slice %arg3[%dma_start3A_103, %dma_start3A_104] : memref<2000000x64xf32, #tpu.memory_space<hbm>> -> memref<2000000x64xf32, #tpu.memory_space<hbm>>
    tpu.enqueue_indirect_dma source(%dma_start3A_105 : memref<2000000x64xf32, #tpu.memory_space<hbm>>) target(%dma_start3A_99 : memref<50x64xf32, #tpu.memory_space<vmem>>) offsets(%dma_start3A_102 : memref<50xi32, #tpu.memory_space<vmem>>) semaphore(%arg7 : memref<!tpu.dma_semaphore, #tpu.memory_space<semaphore_mem>>)
    %dma_start3A_106 = arith.constant 8 : i32
    %dma_start3A_107 = arith.constant 1 : i32
    %dma_start3A_108 = arith.constant 0 : i32
    %dma_start3A_109 = arith.constant 0 : i32
    %dma_start3A_110 = arith.constant 0 : i32
    %dma_start3A_111 = tpu.memref_slice %arg6[%dma_start3A_107, %dma_start3A_108, %dma_start3A_109, %dma_start3A_110] : memref<4x8x50x64xf32, #tpu.memory_space<vmem>> -> memref<1x1x50x64xf32, #tpu.memory_space<vmem>>
    %dma_start3A_112 = tpu.memref_squeeze %dma_start3A_111 : memref<1x1x50x64xf32, #tpu.memory_space<vmem>> -> memref<50x64xf32, #tpu.memory_space<vmem>>
    %dma_start3A_113 = arith.constant 0 : i32
    %dma_start3A_114 = tpu.memref_slice %arg5[%dma_start3A_106, %dma_start3A_113] : memref<512x50xi32, #tpu.memory_space<vmem>> -> memref<1x50xi32, #tpu.memory_space<vmem>>
    %dma_start3A_115 = tpu.memref_squeeze %dma_start3A_114 : memref<1x50xi32, #tpu.memory_space<vmem>> -> memref<50xi32, #tpu.memory_space<vmem>>
    %dma_start3A_116 = arith.constant 0 : i32
    %dma_start3A_117 = arith.constant 0 : i32
    %dma_start3A_118 = tpu.memref_slice %arg3[%dma_start3A_116, %dma_start3A_117] : memref<2000000x64xf32, #tpu.memory_space<hbm>> -> memref<2000000x64xf32, #tpu.memory_space<hbm>>
    tpu.enqueue_indirect_dma source(%dma_start3A_118 : memref<2000000x64xf32, #tpu.memory_space<hbm>>) target(%dma_start3A_112 : memref<50x64xf32, #tpu.memory_space<vmem>>) offsets(%dma_start3A_115 : memref<50xi32, #tpu.memory_space<vmem>>) semaphore(%arg8 : memref<!tpu.dma_semaphore, #tpu.memory_space<semaphore_mem>>)
    %dma_start3A_119 = arith.constant 9 : i32
    %dma_start3A_120 = arith.constant 1 : i32
    %dma_start3A_121 = arith.constant 1 : i32
    %dma_start3A_122 = arith.constant 0 : i32
    %dma_start3A_123 = arith.constant 0 : i32
    %dma_start3A_124 = tpu.memref_slice %arg6[%dma_start3A_120, %dma_start3A_121, %dma_start3A_122, %dma_start3A_123] : memref<4x8x50x64xf32, #tpu.memory_space<vmem>> -> memref<1x1x50x64xf32, #tpu.memory_space<vmem>>
    %dma_start3A_125 = tpu.memref_squeeze %dma_start3A_124 : memref<1x1x50x64xf32, #tpu.memory_space<vmem>> -> memref<50x64xf32, #tpu.memory_space<vmem>>
    %dma_start3A_126 = arith.constant 0 : i32
    %dma_start3A_127 = tpu.memref_slice %arg5[%dma_start3A_119, %dma_start3A_126] : memref<512x50xi32, #tpu.memory_space<vmem>> -> memref<1x50xi32, #tpu.memory_space<vmem>>
    %dma_start3A_128 = tpu.memref_squeeze %dma_start3A_127 : memref<1x50xi32, #tpu.memory_space<vmem>> -> memref<50xi32, #tpu.memory_space<vmem>>
    %dma_start3A_129 = arith.constant 0 : i32
    %dma_start3A_130 = arith.constant 0 : i32
    %dma_start3A_131 = tpu.memref_slice %arg3[%dma_start3A_129, %dma_start3A_130] : memref<2000000x64xf32, #tpu.memory_space<hbm>> -> memref<2000000x64xf32, #tpu.memory_space<hbm>>
    tpu.enqueue_indirect_dma source(%dma_start3A_131 : memref<2000000x64xf32, #tpu.memory_space<hbm>>) target(%dma_start3A_125 : memref<50x64xf32, #tpu.memory_space<vmem>>) offsets(%dma_start3A_128 : memref<50xi32, #tpu.memory_space<vmem>>) semaphore(%arg8 : memref<!tpu.dma_semaphore, #tpu.memory_space<semaphore_mem>>)
    %dma_start3A_132 = arith.constant 10 : i32
    %dma_start3A_133 = arith.constant 1 : i32
    %dma_start3A_134 = arith.constant 2 : i32
    %dma_start3A_135 = arith.constant 0 : i32
    %dma_start3A_136 = arith.constant 0 : i32
    %dma_start3A_137 = tpu.memref_slice %arg6[%dma_start3A_133, %dma_start3A_134, %dma_start3A_135, %dma_start3A_136] : memref<4x8x50x64xf32, #tpu.memory_space<vmem>> -> memref<1x1x50x64xf32, #tpu.memory_space<vmem>>
    %dma_start3A_138 = tpu.memref_squeeze %dma_start3A_137 : memref<1x1x50x64xf32, #tpu.memory_space<vmem>> -> memref<50x64xf32, #tpu.memory_space<vmem>>
    %dma_start3A_139 = arith.constant 0 : i32
    %dma_start3A_140 = tpu.memref_slice %arg5[%dma_start3A_132, %dma_start3A_139] : memref<512x50xi32, #tpu.memory_space<vmem>> -> memref<1x50xi32, #tpu.memory_space<vmem>>
    %dma_start3A_141 = tpu.memref_squeeze %dma_start3A_140 : memref<1x50xi32, #tpu.memory_space<vmem>> -> memref<50xi32, #tpu.memory_space<vmem>>
    %dma_start3A_142 = arith.constant 0 : i32
    %dma_start3A_143 = arith.constant 0 : i32
    %dma_start3A_144 = tpu.memref_slice %arg3[%dma_start3A_142, %dma_start3A_143] : memref<2000000x64xf32, #tpu.memory_space<hbm>> -> memref<2000000x64xf32, #tpu.memory_space<hbm>>
    tpu.enqueue_indirect_dma source(%dma_start3A_144 : memref<2000000x64xf32, #tpu.memory_space<hbm>>) target(%dma_start3A_138 : memref<50x64xf32, #tpu.memory_space<vmem>>) offsets(%dma_start3A_141 : memref<50xi32, #tpu.memory_space<vmem>>) semaphore(%arg8 : memref<!tpu.dma_semaphore, #tpu.memory_space<semaphore_mem>>)
    %dma_start3A_145 = arith.constant 11 : i32
    %dma_start3A_146 = arith.constant 1 : i32
    %dma_start3A_147 = arith.constant 3 : i32
    %dma_start3A_148 = arith.constant 0 : i32
    %dma_start3A_149 = arith.constant 0 : i32
    %dma_start3A_150 = tpu.memref_slice %arg6[%dma_start3A_146, %dma_start3A_147, %dma_start3A_148, %dma_start3A_149] : memref<4x8x50x64xf32, #tpu.memory_space<vmem>> -> memref<1x1x50x64xf32, #tpu.memory_space<vmem>>
    %dma_start3A_151 = tpu.memref_squeeze %dma_start3A_150 : memref<1x1x50x64xf32, #tpu.memory_space<vmem>> -> memref<50x64xf32, #tpu.memory_space<vmem>>
    %dma_start3A_152 = arith.constant 0 : i32
    %dma_start3A_153 = tpu.memref_slice %arg5[%dma_start3A_145, %dma_start3A_152] : memref<512x50xi32, #tpu.memory_space<vmem>> -> memref<1x50xi32, #tpu.memory_space<vmem>>
    %dma_start3A_154 = tpu.memref_squeeze %dma_start3A_153 : memref<1x50xi32, #tpu.memory_space<vmem>> -> memref<50xi32, #tpu.memory_space<vmem>>
    %dma_start3A_155 = arith.constant 0 : i32
    %dma_start3A_156 = arith.constant 0 : i32
    %dma_start3A_157 = tpu.memref_slice %arg3[%dma_start3A_155, %dma_start3A_156] : memref<2000000x64xf32, #tpu.memory_space<hbm>> -> memref<2000000x64xf32, #tpu.memory_space<hbm>>
    tpu.enqueue_indirect_dma source(%dma_start3A_157 : memref<2000000x64xf32, #tpu.memory_space<hbm>>) target(%dma_start3A_151 : memref<50x64xf32, #tpu.memory_space<vmem>>) offsets(%dma_start3A_154 : memref<50xi32, #tpu.memory_space<vmem>>) semaphore(%arg8 : memref<!tpu.dma_semaphore, #tpu.memory_space<semaphore_mem>>)
    %dma_start3A_158 = arith.constant 12 : i32
    %dma_start3A_159 = arith.constant 1 : i32
    %dma_start3A_160 = arith.constant 4 : i32
    %dma_start3A_161 = arith.constant 0 : i32
    %dma_start3A_162 = arith.constant 0 : i32
    %dma_start3A_163 = tpu.memref_slice %arg6[%dma_start3A_159, %dma_start3A_160, %dma_start3A_161, %dma_start3A_162] : memref<4x8x50x64xf32, #tpu.memory_space<vmem>> -> memref<1x1x50x64xf32, #tpu.memory_space<vmem>>
    %dma_start3A_164 = tpu.memref_squeeze %dma_start3A_163 : memref<1x1x50x64xf32, #tpu.memory_space<vmem>> -> memref<50x64xf32, #tpu.memory_space<vmem>>
    %dma_start3A_165 = arith.constant 0 : i32
    %dma_start3A_166 = tpu.memref_slice %arg5[%dma_start3A_158, %dma_start3A_165] : memref<512x50xi32, #tpu.memory_space<vmem>> -> memref<1x50xi32, #tpu.memory_space<vmem>>
    %dma_start3A_167 = tpu.memref_squeeze %dma_start3A_166 : memref<1x50xi32, #tpu.memory_space<vmem>> -> memref<50xi32, #tpu.memory_space<vmem>>
    %dma_start3A_168 = arith.constant 0 : i32
    %dma_start3A_169 = arith.constant 0 : i32
    %dma_start3A_170 = tpu.memref_slice %arg3[%dma_start3A_168, %dma_start3A_169] : memref<2000000x64xf32, #tpu.memory_space<hbm>> -> memref<2000000x64xf32, #tpu.memory_space<hbm>>
    tpu.enqueue_indirect_dma source(%dma_start3A_170 : memref<2000000x64xf32, #tpu.memory_space<hbm>>) target(%dma_start3A_164 : memref<50x64xf32, #tpu.memory_space<vmem>>) offsets(%dma_start3A_167 : memref<50xi32, #tpu.memory_space<vmem>>) semaphore(%arg8 : memref<!tpu.dma_semaphore, #tpu.memory_space<semaphore_mem>>)
    %dma_start3A_171 = arith.constant 13 : i32
    %dma_start3A_172 = arith.constant 1 : i32
    %dma_start3A_173 = arith.constant 5 : i32
    %dma_start3A_174 = arith.constant 0 : i32
    %dma_start3A_175 = arith.constant 0 : i32
    %dma_start3A_176 = tpu.memref_slice %arg6[%dma_start3A_172, %dma_start3A_173, %dma_start3A_174, %dma_start3A_175] : memref<4x8x50x64xf32, #tpu.memory_space<vmem>> -> memref<1x1x50x64xf32, #tpu.memory_space<vmem>>
    %dma_start3A_177 = tpu.memref_squeeze %dma_start3A_176 : memref<1x1x50x64xf32, #tpu.memory_space<vmem>> -> memref<50x64xf32, #tpu.memory_space<vmem>>
    %dma_start3A_178 = arith.constant 0 : i32
    %dma_start3A_179 = tpu.memref_slice %arg5[%dma_start3A_171, %dma_start3A_178] : memref<512x50xi32, #tpu.memory_space<vmem>> -> memref<1x50xi32, #tpu.memory_space<vmem>>
    %dma_start3A_180 = tpu.memref_squeeze %dma_start3A_179 : memref<1x50xi32, #tpu.memory_space<vmem>> -> memref<50xi32, #tpu.memory_space<vmem>>
    %dma_start3A_181 = arith.constant 0 : i32
    %dma_start3A_182 = arith.constant 0 : i32
    %dma_start3A_183 = tpu.memref_slice %arg3[%dma_start3A_181, %dma_start3A_182] : memref<2000000x64xf32, #tpu.memory_space<hbm>> -> memref<2000000x64xf32, #tpu.memory_space<hbm>>
    tpu.enqueue_indirect_dma source(%dma_start3A_183 : memref<2000000x64xf32, #tpu.memory_space<hbm>>) target(%dma_start3A_177 : memref<50x64xf32, #tpu.memory_space<vmem>>) offsets(%dma_start3A_180 : memref<50xi32, #tpu.memory_space<vmem>>) semaphore(%arg8 : memref<!tpu.dma_semaphore, #tpu.memory_space<semaphore_mem>>)
    %dma_start3A_184 = arith.constant 14 : i32
    %dma_start3A_185 = arith.constant 1 : i32
    %dma_start3A_186 = arith.constant 6 : i32
    %dma_start3A_187 = arith.constant 0 : i32
    %dma_start3A_188 = arith.constant 0 : i32
    %dma_start3A_189 = tpu.memref_slice %arg6[%dma_start3A_185, %dma_start3A_186, %dma_start3A_187, %dma_start3A_188] : memref<4x8x50x64xf32, #tpu.memory_space<vmem>> -> memref<1x1x50x64xf32, #tpu.memory_space<vmem>>
    %dma_start3A_190 = tpu.memref_squeeze %dma_start3A_189 : memref<1x1x50x64xf32, #tpu.memory_space<vmem>> -> memref<50x64xf32, #tpu.memory_space<vmem>>
    %dma_start3A_191 = arith.constant 0 : i32
    %dma_start3A_192 = tpu.memref_slice %arg5[%dma_start3A_184, %dma_start3A_191] : memref<512x50xi32, #tpu.memory_space<vmem>> -> memref<1x50xi32, #tpu.memory_space<vmem>>
    %dma_start3A_193 = tpu.memref_squeeze %dma_start3A_192 : memref<1x50xi32, #tpu.memory_space<vmem>> -> memref<50xi32, #tpu.memory_space<vmem>>
    %dma_start3A_194 = arith.constant 0 : i32
    %dma_start3A_195 = arith.constant 0 : i32
    %dma_start3A_196 = tpu.memref_slice %arg3[%dma_start3A_194, %dma_start3A_195] : memref<2000000x64xf32, #tpu.memory_space<hbm>> -> memref<2000000x64xf32, #tpu.memory_space<hbm>>
    tpu.enqueue_indirect_dma source(%dma_start3A_196 : memref<2000000x64xf32, #tpu.memory_space<hbm>>) target(%dma_start3A_190 : memref<50x64xf32, #tpu.memory_space<vmem>>) offsets(%dma_start3A_193 : memref<50xi32, #tpu.memory_space<vmem>>) semaphore(%arg8 : memref<!tpu.dma_semaphore, #tpu.memory_space<semaphore_mem>>)
    %dma_start3A_197 = arith.constant 15 : i32
    %dma_start3A_198 = arith.constant 1 : i32
    %dma_start3A_199 = arith.constant 7 : i32
    %dma_start3A_200 = arith.constant 0 : i32
    %dma_start3A_201 = arith.constant 0 : i32
    %dma_start3A_202 = tpu.memref_slice %arg6[%dma_start3A_198, %dma_start3A_199, %dma_start3A_200, %dma_start3A_201] : memref<4x8x50x64xf32, #tpu.memory_space<vmem>> -> memref<1x1x50x64xf32, #tpu.memory_space<vmem>>
    %dma_start3A_203 = tpu.memref_squeeze %dma_start3A_202 : memref<1x1x50x64xf32, #tpu.memory_space<vmem>> -> memref<50x64xf32, #tpu.memory_space<vmem>>
    %dma_start3A_204 = arith.constant 0 : i32
    %dma_start3A_205 = tpu.memref_slice %arg5[%dma_start3A_197, %dma_start3A_204] : memref<512x50xi32, #tpu.memory_space<vmem>> -> memref<1x50xi32, #tpu.memory_space<vmem>>
    %dma_start3A_206 = tpu.memref_squeeze %dma_start3A_205 : memref<1x50xi32, #tpu.memory_space<vmem>> -> memref<50xi32, #tpu.memory_space<vmem>>
    %dma_start3A_207 = arith.constant 0 : i32
    %dma_start3A_208 = arith.constant 0 : i32
    %dma_start3A_209 = tpu.memref_slice %arg3[%dma_start3A_207, %dma_start3A_208] : memref<2000000x64xf32, #tpu.memory_space<hbm>> -> memref<2000000x64xf32, #tpu.memory_space<hbm>>
    tpu.enqueue_indirect_dma source(%dma_start3A_209 : memref<2000000x64xf32, #tpu.memory_space<hbm>>) target(%dma_start3A_203 : memref<50x64xf32, #tpu.memory_space<vmem>>) offsets(%dma_start3A_206 : memref<50xi32, #tpu.memory_space<vmem>>) semaphore(%arg8 : memref<!tpu.dma_semaphore, #tpu.memory_space<semaphore_mem>>)
    %dma_start3A_210 = arith.constant 16 : i32
    %dma_start3A_211 = arith.constant 2 : i32
    %dma_start3A_212 = arith.constant 0 : i32
    %dma_start3A_213 = arith.constant 0 : i32
    %dma_start3A_214 = arith.constant 0 : i32
    %dma_start3A_215 = tpu.memref_slice %arg6[%dma_start3A_211, %dma_start3A_212, %dma_start3A_213, %dma_start3A_214] : memref<4x8x50x64xf32, #tpu.memory_space<vmem>> -> memref<1x1x50x64xf32, #tpu.memory_space<vmem>>
    %dma_start3A_216 = tpu.memref_squeeze %dma_start3A_215 : memref<1x1x50x64xf32, #tpu.memory_space<vmem>> -> memref<50x64xf32, #tpu.memory_space<vmem>>
    %dma_start3A_217 = arith.constant 0 : i32
    %dma_start3A_218 = tpu.memref_slice %arg5[%dma_start3A_210, %dma_start3A_217] : memref<512x50xi32, #tpu.memory_space<vmem>> -> memref<1x50xi32, #tpu.memory_space<vmem>>
    %dma_start3A_219 = tpu.memref_squeeze %dma_start3A_218 : memref<1x50xi32, #tpu.memory_space<vmem>> -> memref<50xi32, #tpu.memory_space<vmem>>
    %dma_start3A_220 = arith.constant 0 : i32
    %dma_start3A_221 = arith.constant 0 : i32
    %dma_start3A_222 = tpu.memref_slice %arg3[%dma_start3A_220, %dma_start3A_221] : memref<2000000x64xf32, #tpu.memory_space<hbm>> -> memref<2000000x64xf32, #tpu.memory_space<hbm>>
    tpu.enqueue_indirect_dma source(%dma_start3A_222 : memref<2000000x64xf32, #tpu.memory_space<hbm>>) target(%dma_start3A_216 : memref<50x64xf32, #tpu.memory_space<vmem>>) offsets(%dma_start3A_219 : memref<50xi32, #tpu.memory_space<vmem>>) semaphore(%arg9 : memref<!tpu.dma_semaphore, #tpu.memory_space<semaphore_mem>>)
    %dma_start3A_223 = arith.constant 17 : i32
    %dma_start3A_224 = arith.constant 2 : i32
    %dma_start3A_225 = arith.constant 1 : i32
    %dma_start3A_226 = arith.constant 0 : i32
    %dma_start3A_227 = arith.constant 0 : i32
    %dma_start3A_228 = tpu.memref_slice %arg6[%dma_start3A_224, %dma_start3A_225, %dma_start3A_226, %dma_start3A_227] : memref<4x8x50x64xf32, #tpu.memory_space<vmem>> -> memref<1x1x50x64xf32, #tpu.memory_space<vmem>>
    %dma_start3A_229 = tpu.memref_squeeze %dma_start3A_228 : memref<1x1x50x64xf32, #tpu.memory_space<vmem>> -> memref<50x64xf32, #tpu.memory_space<vmem>>
    %dma_start3A_230 = arith.constant 0 : i32
    %dma_start3A_231 = tpu.memref_slice %arg5[%dma_start3A_223, %dma_start3A_230] : memref<512x50xi32, #tpu.memory_space<vmem>> -> memref<1x50xi32, #tpu.memory_space<vmem>>
    %dma_start3A_232 = tpu.memref_squeeze %dma_start3A_231 : memref<1x50xi32, #tpu.memory_space<vmem>> -> memref<50xi32, #tpu.memory_space<vmem>>
    %dma_start3A_233 = arith.constant 0 : i32
    %dma_start3A_234 = arith.constant 0 : i32
    %dma_start3A_235 = tpu.memref_slice %arg3[%dma_start3A_233, %dma_start3A_234] : memref<2000000x64xf32, #tpu.memory_space<hbm>> -> memref<2000000x64xf32, #tpu.memory_space<hbm>>
    tpu.enqueue_indirect_dma source(%dma_start3A_235 : memref<2000000x64xf32, #tpu.memory_space<hbm>>) target(%dma_start3A_229 : memref<50x64xf32, #tpu.memory_space<vmem>>) offsets(%dma_start3A_232 : memref<50xi32, #tpu.memory_space<vmem>>) semaphore(%arg9 : memref<!tpu.dma_semaphore, #tpu.memory_space<semaphore_mem>>)
    %dma_start3A_236 = arith.constant 18 : i32
    %dma_start3A_237 = arith.constant 2 : i32
    %dma_start3A_238 = arith.constant 2 : i32
    %dma_start3A_239 = arith.constant 0 : i32
    %dma_start3A_240 = arith.constant 0 : i32
    %dma_start3A_241 = tpu.memref_slice %arg6[%dma_start3A_237, %dma_start3A_238, %dma_start3A_239, %dma_start3A_240] : memref<4x8x50x64xf32, #tpu.memory_space<vmem>> -> memref<1x1x50x64xf32, #tpu.memory_space<vmem>>
    %dma_start3A_242 = tpu.memref_squeeze %dma_start3A_241 : memref<1x1x50x64xf32, #tpu.memory_space<vmem>> -> memref<50x64xf32, #tpu.memory_space<vmem>>
    %dma_start3A_243 = arith.constant 0 : i32
    %dma_start3A_244 = tpu.memref_slice %arg5[%dma_start3A_236, %dma_start3A_243] : memref<512x50xi32, #tpu.memory_space<vmem>> -> memref<1x50xi32, #tpu.memory_space<vmem>>
    %dma_start3A_245 = tpu.memref_squeeze %dma_start3A_244 : memref<1x50xi32, #tpu.memory_space<vmem>> -> memref<50xi32, #tpu.memory_space<vmem>>
    %dma_start3A_246 = arith.constant 0 : i32
    %dma_start3A_247 = arith.constant 0 : i32
    %dma_start3A_248 = tpu.memref_slice %arg3[%dma_start3A_246, %dma_start3A_247] : memref<2000000x64xf32, #tpu.memory_space<hbm>> -> memref<2000000x64xf32, #tpu.memory_space<hbm>>
    tpu.enqueue_indirect_dma source(%dma_start3A_248 : memref<2000000x64xf32, #tpu.memory_space<hbm>>) target(%dma_start3A_242 : memref<50x64xf32, #tpu.memory_space<vmem>>) offsets(%dma_start3A_245 : memref<50xi32, #tpu.memory_space<vmem>>) semaphore(%arg9 : memref<!tpu.dma_semaphore, #tpu.memory_space<semaphore_mem>>)
    %dma_start3A_249 = arith.constant 19 : i32
    %dma_start3A_250 = arith.constant 2 : i32
    %dma_start3A_251 = arith.constant 3 : i32
    %dma_start3A_252 = arith.constant 0 : i32
    %dma_start3A_253 = arith.constant 0 : i32
    %dma_start3A_254 = tpu.memref_slice %arg6[%dma_start3A_250, %dma_start3A_251, %dma_start3A_252, %dma_start3A_253] : memref<4x8x50x64xf32, #tpu.memory_space<vmem>> -> memref<1x1x50x64xf32, #tpu.memory_space<vmem>>
    %dma_start3A_255 = tpu.memref_squeeze %dma_start3A_254 : memref<1x1x50x64xf32, #tpu.memory_space<vmem>> -> memref<50x64xf32, #tpu.memory_space<vmem>>
    %dma_start3A_256 = arith.constant 0 : i32
    %dma_start3A_257 = tpu.memref_slice %arg5[%dma_start3A_249, %dma_start3A_256] : memref<512x50xi32, #tpu.memory_space<vmem>> -> memref<1x50xi32, #tpu.memory_space<vmem>>
    %dma_start3A_258 = tpu.memref_squeeze %dma_start3A_257 : memref<1x50xi32, #tpu.memory_space<vmem>> -> memref<50xi32, #tpu.memory_space<vmem>>
    %dma_start3A_259 = arith.constant 0 : i32
    %dma_start3A_260 = arith.constant 0 : i32
    %dma_start3A_261 = tpu.memref_slice %arg3[%dma_start3A_259, %dma_start3A_260] : memref<2000000x64xf32, #tpu.memory_space<hbm>> -> memref<2000000x64xf32, #tpu.memory_space<hbm>>
    tpu.enqueue_indirect_dma source(%dma_start3A_261 : memref<2000000x64xf32, #tpu.memory_space<hbm>>) target(%dma_start3A_255 : memref<50x64xf32, #tpu.memory_space<vmem>>) offsets(%dma_start3A_258 : memref<50xi32, #tpu.memory_space<vmem>>) semaphore(%arg9 : memref<!tpu.dma_semaphore, #tpu.memory_space<semaphore_mem>>)
    %dma_start3A_262 = arith.constant 20 : i32
    %dma_start3A_263 = arith.constant 2 : i32
    %dma_start3A_264 = arith.constant 4 : i32
    %dma_start3A_265 = arith.constant 0 : i32
    %dma_start3A_266 = arith.constant 0 : i32
    %dma_start3A_267 = tpu.memref_slice %arg6[%dma_start3A_263, %dma_start3A_264, %dma_start3A_265, %dma_start3A_266] : memref<4x8x50x64xf32, #tpu.memory_space<vmem>> -> memref<1x1x50x64xf32, #tpu.memory_space<vmem>>
    %dma_start3A_268 = tpu.memref_squeeze %dma_start3A_267 : memref<1x1x50x64xf32, #tpu.memory_space<vmem>> -> memref<50x64xf32, #tpu.memory_space<vmem>>
    %dma_start3A_269 = arith.constant 0 : i32
    %dma_start3A_270 = tpu.memref_slice %arg5[%dma_start3A_262, %dma_start3A_269] : memref<512x50xi32, #tpu.memory_space<vmem>> -> memref<1x50xi32, #tpu.memory_space<vmem>>
    %dma_start3A_271 = tpu.memref_squeeze %dma_start3A_270 : memref<1x50xi32, #tpu.memory_space<vmem>> -> memref<50xi32, #tpu.memory_space<vmem>>
    %dma_start3A_272 = arith.constant 0 : i32
    %dma_start3A_273 = arith.constant 0 : i32
    %dma_start3A_274 = tpu.memref_slice %arg3[%dma_start3A_272, %dma_start3A_273] : memref<2000000x64xf32, #tpu.memory_space<hbm>> -> memref<2000000x64xf32, #tpu.memory_space<hbm>>
    tpu.enqueue_indirect_dma source(%dma_start3A_274 : memref<2000000x64xf32, #tpu.memory_space<hbm>>) target(%dma_start3A_268 : memref<50x64xf32, #tpu.memory_space<vmem>>) offsets(%dma_start3A_271 : memref<50xi32, #tpu.memory_space<vmem>>) semaphore(%arg9 : memref<!tpu.dma_semaphore, #tpu.memory_space<semaphore_mem>>)
    %dma_start3A_275 = arith.constant 21 : i32
    %dma_start3A_276 = arith.constant 2 : i32
    %dma_start3A_277 = arith.constant 5 : i32
    %dma_start3A_278 = arith.constant 0 : i32
    %dma_start3A_279 = arith.constant 0 : i32
    %dma_start3A_280 = tpu.memref_slice %arg6[%dma_start3A_276, %dma_start3A_277, %dma_start3A_278, %dma_start3A_279] : memref<4x8x50x64xf32, #tpu.memory_space<vmem>> -> memref<1x1x50x64xf32, #tpu.memory_space<vmem>>
    %dma_start3A_281 = tpu.memref_squeeze %dma_start3A_280 : memref<1x1x50x64xf32, #tpu.memory_space<vmem>> -> memref<50x64xf32, #tpu.memory_space<vmem>>
    %dma_start3A_282 = arith.constant 0 : i32
    %dma_start3A_283 = tpu.memref_slice %arg5[%dma_start3A_275, %dma_start3A_282] : memref<512x50xi32, #tpu.memory_space<vmem>> -> memref<1x50xi32, #tpu.memory_space<vmem>>
    %dma_start3A_284 = tpu.memref_squeeze %dma_start3A_283 : memref<1x50xi32, #tpu.memory_space<vmem>> -> memref<50xi32, #tpu.memory_space<vmem>>
    %dma_start3A_285 = arith.constant 0 : i32
    %dma_start3A_286 = arith.constant 0 : i32
    %dma_start3A_287 = tpu.memref_slice %arg3[%dma_start3A_285, %dma_start3A_286] : memref<2000000x64xf32, #tpu.memory_space<hbm>> -> memref<2000000x64xf32, #tpu.memory_space<hbm>>
    tpu.enqueue_indirect_dma source(%dma_start3A_287 : memref<2000000x64xf32, #tpu.memory_space<hbm>>) target(%dma_start3A_281 : memref<50x64xf32, #tpu.memory_space<vmem>>) offsets(%dma_start3A_284 : memref<50xi32, #tpu.memory_space<vmem>>) semaphore(%arg9 : memref<!tpu.dma_semaphore, #tpu.memory_space<semaphore_mem>>)
    %dma_start3A_288 = arith.constant 22 : i32
    %dma_start3A_289 = arith.constant 2 : i32
    %dma_start3A_290 = arith.constant 6 : i32
    %dma_start3A_291 = arith.constant 0 : i32
    %dma_start3A_292 = arith.constant 0 : i32
    %dma_start3A_293 = tpu.memref_slice %arg6[%dma_start3A_289, %dma_start3A_290, %dma_start3A_291, %dma_start3A_292] : memref<4x8x50x64xf32, #tpu.memory_space<vmem>> -> memref<1x1x50x64xf32, #tpu.memory_space<vmem>>
    %dma_start3A_294 = tpu.memref_squeeze %dma_start3A_293 : memref<1x1x50x64xf32, #tpu.memory_space<vmem>> -> memref<50x64xf32, #tpu.memory_space<vmem>>
    %dma_start3A_295 = arith.constant 0 : i32
    %dma_start3A_296 = tpu.memref_slice %arg5[%dma_start3A_288, %dma_start3A_295] : memref<512x50xi32, #tpu.memory_space<vmem>> -> memref<1x50xi32, #tpu.memory_space<vmem>>
    %dma_start3A_297 = tpu.memref_squeeze %dma_start3A_296 : memref<1x50xi32, #tpu.memory_space<vmem>> -> memref<50xi32, #tpu.memory_space<vmem>>
    %dma_start3A_298 = arith.constant 0 : i32
    %dma_start3A_299 = arith.constant 0 : i32
    %dma_start3A_300 = tpu.memref_slice %arg3[%dma_start3A_298, %dma_start3A_299] : memref<2000000x64xf32, #tpu.memory_space<hbm>> -> memref<2000000x64xf32, #tpu.memory_space<hbm>>
    tpu.enqueue_indirect_dma source(%dma_start3A_300 : memref<2000000x64xf32, #tpu.memory_space<hbm>>) target(%dma_start3A_294 : memref<50x64xf32, #tpu.memory_space<vmem>>) offsets(%dma_start3A_297 : memref<50xi32, #tpu.memory_space<vmem>>) semaphore(%arg9 : memref<!tpu.dma_semaphore, #tpu.memory_space<semaphore_mem>>)
    %dma_start3A_301 = arith.constant 23 : i32
    %dma_start3A_302 = arith.constant 2 : i32
    %dma_start3A_303 = arith.constant 7 : i32
    %dma_start3A_304 = arith.constant 0 : i32
    %dma_start3A_305 = arith.constant 0 : i32
    %dma_start3A_306 = tpu.memref_slice %arg6[%dma_start3A_302, %dma_start3A_303, %dma_start3A_304, %dma_start3A_305] : memref<4x8x50x64xf32, #tpu.memory_space<vmem>> -> memref<1x1x50x64xf32, #tpu.memory_space<vmem>>
    %dma_start3A_307 = tpu.memref_squeeze %dma_start3A_306 : memref<1x1x50x64xf32, #tpu.memory_space<vmem>> -> memref<50x64xf32, #tpu.memory_space<vmem>>
    %dma_start3A_308 = arith.constant 0 : i32
    %dma_start3A_309 = tpu.memref_slice %arg5[%dma_start3A_301, %dma_start3A_308] : memref<512x50xi32, #tpu.memory_space<vmem>> -> memref<1x50xi32, #tpu.memory_space<vmem>>
    %dma_start3A_310 = tpu.memref_squeeze %dma_start3A_309 : memref<1x50xi32, #tpu.memory_space<vmem>> -> memref<50xi32, #tpu.memory_space<vmem>>
    %dma_start3A_311 = arith.constant 0 : i32
    %dma_start3A_312 = arith.constant 0 : i32
    %dma_start3A_313 = tpu.memref_slice %arg3[%dma_start3A_311, %dma_start3A_312] : memref<2000000x64xf32, #tpu.memory_space<hbm>> -> memref<2000000x64xf32, #tpu.memory_space<hbm>>
    tpu.enqueue_indirect_dma source(%dma_start3A_313 : memref<2000000x64xf32, #tpu.memory_space<hbm>>) target(%dma_start3A_307 : memref<50x64xf32, #tpu.memory_space<vmem>>) offsets(%dma_start3A_310 : memref<50xi32, #tpu.memory_space<vmem>>) semaphore(%arg9 : memref<!tpu.dma_semaphore, #tpu.memory_space<semaphore_mem>>)
    %dma_wait3A = arith.constant 0 : i32
    %dma_wait3A_314 = arith.constant 0 : i32
    %dma_wait3A_315 = arith.constant 0 : i32
    %dma_wait3A_316 = arith.constant 0 : i32
    %dma_wait3A_317 = arith.constant 0 : i32
    %dma_wait3A_318 = tpu.memref_slice %arg6[%dma_wait3A_314, %dma_wait3A_315, %dma_wait3A_316, %dma_wait3A_317] : memref<4x8x50x64xf32, #tpu.memory_space<vmem>> -> memref<1x1x50x64xf32, #tpu.memory_space<vmem>>
    %dma_wait3A_319 = tpu.memref_squeeze %dma_wait3A_318 : memref<1x1x50x64xf32, #tpu.memory_space<vmem>> -> memref<50x64xf32, #tpu.memory_space<vmem>>
    %dma_wait3A_320 = arith.constant 0 : i32
    %dma_wait3A_321 = tpu.memref_slice %arg5[%dma_wait3A, %dma_wait3A_320] : memref<512x50xi32, #tpu.memory_space<vmem>> -> memref<1x50xi32, #tpu.memory_space<vmem>>
    %dma_wait3A_322 = tpu.memref_squeeze %dma_wait3A_321 : memref<1x50xi32, #tpu.memory_space<vmem>> -> memref<50xi32, #tpu.memory_space<vmem>>
    %dma_wait3A_323 = arith.constant 0 : i32
    %dma_wait3A_324 = arith.constant 0 : i32
    %dma_wait3A_325 = tpu.memref_slice %arg3[%dma_wait3A_323, %dma_wait3A_324] : memref<2000000x64xf32, #tpu.memory_space<hbm>> -> memref<2000000x64xf32, #tpu.memory_space<hbm>>
    tpu.wait_indirect_dma semaphore(%arg7 : memref<!tpu.dma_semaphore, #tpu.memory_space<semaphore_mem>>) src(%dma_wait3A_325 : memref<2000000x64xf32, #tpu.memory_space<hbm>>) dst(%dma_wait3A_319 : memref<50x64xf32, #tpu.memory_space<vmem>>)
    %dma_wait3A_326 = arith.constant 0 : i32
    %dma_wait3A_327 = arith.constant 0 : i32
    %dma_wait3A_328 = arith.constant 1 : i32
    %dma_wait3A_329 = arith.constant 0 : i32
    %dma_wait3A_330 = arith.constant 0 : i32
    %dma_wait3A_331 = tpu.memref_slice %arg6[%dma_wait3A_327, %dma_wait3A_328, %dma_wait3A_329, %dma_wait3A_330] : memref<4x8x50x64xf32, #tpu.memory_space<vmem>> -> memref<1x1x50x64xf32, #tpu.memory_space<vmem>>
    %dma_wait3A_332 = tpu.memref_squeeze %dma_wait3A_331 : memref<1x1x50x64xf32, #tpu.memory_space<vmem>> -> memref<50x64xf32, #tpu.memory_space<vmem>>
    %dma_wait3A_333 = arith.constant 0 : i32
    %dma_wait3A_334 = tpu.memref_slice %arg5[%dma_wait3A_326, %dma_wait3A_333] : memref<512x50xi32, #tpu.memory_space<vmem>> -> memref<1x50xi32, #tpu.memory_space<vmem>>
    %dma_wait3A_335 = tpu.memref_squeeze %dma_wait3A_334 : memref<1x50xi32, #tpu.memory_space<vmem>> -> memref<50xi32, #tpu.memory_space<vmem>>
    %dma_wait3A_336 = arith.constant 0 : i32
    %dma_wait3A_337 = arith.constant 0 : i32
    %dma_wait3A_338 = tpu.memref_slice %arg3[%dma_wait3A_336, %dma_wait3A_337] : memref<2000000x64xf32, #tpu.memory_space<hbm>> -> memref<2000000x64xf32, #tpu.memory_space<hbm>>
    tpu.wait_indirect_dma semaphore(%arg7 : memref<!tpu.dma_semaphore, #tpu.memory_space<semaphore_mem>>) src(%dma_wait3A_338 : memref<2000000x64xf32, #tpu.memory_space<hbm>>) dst(%dma_wait3A_332 : memref<50x64xf32, #tpu.memory_space<vmem>>)
    %dma_wait3A_339 = arith.constant 0 : i32
    %dma_wait3A_340 = arith.constant 0 : i32
    %dma_wait3A_341 = arith.constant 2 : i32
    %dma_wait3A_342 = arith.constant 0 : i32
    %dma_wait3A_343 = arith.constant 0 : i32
    %dma_wait3A_344 = tpu.memref_slice %arg6[%dma_wait3A_340, %dma_wait3A_341, %dma_wait3A_342, %dma_wait3A_343] : memref<4x8x50x64xf32, #tpu.memory_space<vmem>> -> memref<1x1x50x64xf32, #tpu.memory_space<vmem>>
    %dma_wait3A_345 = tpu.memref_squeeze %dma_wait3A_344 : memref<1x1x50x64xf32, #tpu.memory_space<vmem>> -> memref<50x64xf32, #tpu.memory_space<vmem>>
    %dma_wait3A_346 = arith.constant 0 : i32
    %dma_wait3A_347 = tpu.memref_slice %arg5[%dma_wait3A_339, %dma_wait3A_346] : memref<512x50xi32, #tpu.memory_space<vmem>> -> memref<1x50xi32, #tpu.memory_space<vmem>>
    %dma_wait3A_348 = tpu.memref_squeeze %dma_wait3A_347 : memref<1x50xi32, #tpu.memory_space<vmem>> -> memref<50xi32, #tpu.memory_space<vmem>>
    %dma_wait3A_349 = arith.constant 0 : i32
    %dma_wait3A_350 = arith.constant 0 : i32
    %dma_wait3A_351 = tpu.memref_slice %arg3[%dma_wait3A_349, %dma_wait3A_350] : memref<2000000x64xf32, #tpu.memory_space<hbm>> -> memref<2000000x64xf32, #tpu.memory_space<hbm>>
    tpu.wait_indirect_dma semaphore(%arg7 : memref<!tpu.dma_semaphore, #tpu.memory_space<semaphore_mem>>) src(%dma_wait3A_351 : memref<2000000x64xf32, #tpu.memory_space<hbm>>) dst(%dma_wait3A_345 : memref<50x64xf32, #tpu.memory_space<vmem>>)
    %dma_wait3A_352 = arith.constant 0 : i32
    %dma_wait3A_353 = arith.constant 0 : i32
    %dma_wait3A_354 = arith.constant 3 : i32
    %dma_wait3A_355 = arith.constant 0 : i32
    %dma_wait3A_356 = arith.constant 0 : i32
    %dma_wait3A_357 = tpu.memref_slice %arg6[%dma_wait3A_353, %dma_wait3A_354, %dma_wait3A_355, %dma_wait3A_356] : memref<4x8x50x64xf32, #tpu.memory_space<vmem>> -> memref<1x1x50x64xf32, #tpu.memory_space<vmem>>
    %dma_wait3A_358 = tpu.memref_squeeze %dma_wait3A_357 : memref<1x1x50x64xf32, #tpu.memory_space<vmem>> -> memref<50x64xf32, #tpu.memory_space<vmem>>
    %dma_wait3A_359 = arith.constant 0 : i32
    %dma_wait3A_360 = tpu.memref_slice %arg5[%dma_wait3A_352, %dma_wait3A_359] : memref<512x50xi32, #tpu.memory_space<vmem>> -> memref<1x50xi32, #tpu.memory_space<vmem>>
    %dma_wait3A_361 = tpu.memref_squeeze %dma_wait3A_360 : memref<1x50xi32, #tpu.memory_space<vmem>> -> memref<50xi32, #tpu.memory_space<vmem>>
    %dma_wait3A_362 = arith.constant 0 : i32
    %dma_wait3A_363 = arith.constant 0 : i32
    %dma_wait3A_364 = tpu.memref_slice %arg3[%dma_wait3A_362, %dma_wait3A_363] : memref<2000000x64xf32, #tpu.memory_space<hbm>> -> memref<2000000x64xf32, #tpu.memory_space<hbm>>
    tpu.wait_indirect_dma semaphore(%arg7 : memref<!tpu.dma_semaphore, #tpu.memory_space<semaphore_mem>>) src(%dma_wait3A_364 : memref<2000000x64xf32, #tpu.memory_space<hbm>>) dst(%dma_wait3A_358 : memref<50x64xf32, #tpu.memory_space<vmem>>)
    %dma_wait3A_365 = arith.constant 0 : i32
    %dma_wait3A_366 = arith.constant 0 : i32
    %dma_wait3A_367 = arith.constant 4 : i32
    %dma_wait3A_368 = arith.constant 0 : i32
    %dma_wait3A_369 = arith.constant 0 : i32
    %dma_wait3A_370 = tpu.memref_slice %arg6[%dma_wait3A_366, %dma_wait3A_367, %dma_wait3A_368, %dma_wait3A_369] : memref<4x8x50x64xf32, #tpu.memory_space<vmem>> -> memref<1x1x50x64xf32, #tpu.memory_space<vmem>>
    %dma_wait3A_371 = tpu.memref_squeeze %dma_wait3A_370 : memref<1x1x50x64xf32, #tpu.memory_space<vmem>> -> memref<50x64xf32, #tpu.memory_space<vmem>>
    %dma_wait3A_372 = arith.constant 0 : i32
    %dma_wait3A_373 = tpu.memref_slice %arg5[%dma_wait3A_365, %dma_wait3A_372] : memref<512x50xi32, #tpu.memory_space<vmem>> -> memref<1x50xi32, #tpu.memory_space<vmem>>
    %dma_wait3A_374 = tpu.memref_squeeze %dma_wait3A_373 : memref<1x50xi32, #tpu.memory_space<vmem>> -> memref<50xi32, #tpu.memory_space<vmem>>
    %dma_wait3A_375 = arith.constant 0 : i32
    %dma_wait3A_376 = arith.constant 0 : i32
    %dma_wait3A_377 = tpu.memref_slice %arg3[%dma_wait3A_375, %dma_wait3A_376] : memref<2000000x64xf32, #tpu.memory_space<hbm>> -> memref<2000000x64xf32, #tpu.memory_space<hbm>>
    tpu.wait_indirect_dma semaphore(%arg7 : memref<!tpu.dma_semaphore, #tpu.memory_space<semaphore_mem>>) src(%dma_wait3A_377 : memref<2000000x64xf32, #tpu.memory_space<hbm>>) dst(%dma_wait3A_371 : memref<50x64xf32, #tpu.memory_space<vmem>>)
    %dma_wait3A_378 = arith.constant 0 : i32
    %dma_wait3A_379 = arith.constant 0 : i32
    %dma_wait3A_380 = arith.constant 5 : i32
    %dma_wait3A_381 = arith.constant 0 : i32
    %dma_wait3A_382 = arith.constant 0 : i32
    %dma_wait3A_383 = tpu.memref_slice %arg6[%dma_wait3A_379, %dma_wait3A_380, %dma_wait3A_381, %dma_wait3A_382] : memref<4x8x50x64xf32, #tpu.memory_space<vmem>> -> memref<1x1x50x64xf32, #tpu.memory_space<vmem>>
    %dma_wait3A_384 = tpu.memref_squeeze %dma_wait3A_383 : memref<1x1x50x64xf32, #tpu.memory_space<vmem>> -> memref<50x64xf32, #tpu.memory_space<vmem>>
    %dma_wait3A_385 = arith.constant 0 : i32
    %dma_wait3A_386 = tpu.memref_slice %arg5[%dma_wait3A_378, %dma_wait3A_385] : memref<512x50xi32, #tpu.memory_space<vmem>> -> memref<1x50xi32, #tpu.memory_space<vmem>>
    %dma_wait3A_387 = tpu.memref_squeeze %dma_wait3A_386 : memref<1x50xi32, #tpu.memory_space<vmem>> -> memref<50xi32, #tpu.memory_space<vmem>>
    %dma_wait3A_388 = arith.constant 0 : i32
    %dma_wait3A_389 = arith.constant 0 : i32
    %dma_wait3A_390 = tpu.memref_slice %arg3[%dma_wait3A_388, %dma_wait3A_389] : memref<2000000x64xf32, #tpu.memory_space<hbm>> -> memref<2000000x64xf32, #tpu.memory_space<hbm>>
    tpu.wait_indirect_dma semaphore(%arg7 : memref<!tpu.dma_semaphore, #tpu.memory_space<semaphore_mem>>) src(%dma_wait3A_390 : memref<2000000x64xf32, #tpu.memory_space<hbm>>) dst(%dma_wait3A_384 : memref<50x64xf32, #tpu.memory_space<vmem>>)
    %dma_wait3A_391 = arith.constant 0 : i32
    %dma_wait3A_392 = arith.constant 0 : i32
    %dma_wait3A_393 = arith.constant 6 : i32
    %dma_wait3A_394 = arith.constant 0 : i32
    %dma_wait3A_395 = arith.constant 0 : i32
    %dma_wait3A_396 = tpu.memref_slice %arg6[%dma_wait3A_392, %dma_wait3A_393, %dma_wait3A_394, %dma_wait3A_395] : memref<4x8x50x64xf32, #tpu.memory_space<vmem>> -> memref<1x1x50x64xf32, #tpu.memory_space<vmem>>
    %dma_wait3A_397 = tpu.memref_squeeze %dma_wait3A_396 : memref<1x1x50x64xf32, #tpu.memory_space<vmem>> -> memref<50x64xf32, #tpu.memory_space<vmem>>
    %dma_wait3A_398 = arith.constant 0 : i32
    %dma_wait3A_399 = tpu.memref_slice %arg5[%dma_wait3A_391, %dma_wait3A_398] : memref<512x50xi32, #tpu.memory_space<vmem>> -> memref<1x50xi32, #tpu.memory_space<vmem>>
    %dma_wait3A_400 = tpu.memref_squeeze %dma_wait3A_399 : memref<1x50xi32, #tpu.memory_space<vmem>> -> memref<50xi32, #tpu.memory_space<vmem>>
    %dma_wait3A_401 = arith.constant 0 : i32
    %dma_wait3A_402 = arith.constant 0 : i32
    %dma_wait3A_403 = tpu.memref_slice %arg3[%dma_wait3A_401, %dma_wait3A_402] : memref<2000000x64xf32, #tpu.memory_space<hbm>> -> memref<2000000x64xf32, #tpu.memory_space<hbm>>
    tpu.wait_indirect_dma semaphore(%arg7 : memref<!tpu.dma_semaphore, #tpu.memory_space<semaphore_mem>>) src(%dma_wait3A_403 : memref<2000000x64xf32, #tpu.memory_space<hbm>>) dst(%dma_wait3A_397 : memref<50x64xf32, #tpu.memory_space<vmem>>)
    %dma_wait3A_404 = arith.constant 0 : i32
    %dma_wait3A_405 = arith.constant 0 : i32
    %dma_wait3A_406 = arith.constant 7 : i32
    %dma_wait3A_407 = arith.constant 0 : i32
    %dma_wait3A_408 = arith.constant 0 : i32
    %dma_wait3A_409 = tpu.memref_slice %arg6[%dma_wait3A_405, %dma_wait3A_406, %dma_wait3A_407, %dma_wait3A_408] : memref<4x8x50x64xf32, #tpu.memory_space<vmem>> -> memref<1x1x50x64xf32, #tpu.memory_space<vmem>>
    %dma_wait3A_410 = tpu.memref_squeeze %dma_wait3A_409 : memref<1x1x50x64xf32, #tpu.memory_space<vmem>> -> memref<50x64xf32, #tpu.memory_space<vmem>>
    %dma_wait3A_411 = arith.constant 0 : i32
    %dma_wait3A_412 = tpu.memref_slice %arg5[%dma_wait3A_404, %dma_wait3A_411] : memref<512x50xi32, #tpu.memory_space<vmem>> -> memref<1x50xi32, #tpu.memory_space<vmem>>
    %dma_wait3A_413 = tpu.memref_squeeze %dma_wait3A_412 : memref<1x50xi32, #tpu.memory_space<vmem>> -> memref<50xi32, #tpu.memory_space<vmem>>
    %dma_wait3A_414 = arith.constant 0 : i32
    %dma_wait3A_415 = arith.constant 0 : i32
    %dma_wait3A_416 = tpu.memref_slice %arg3[%dma_wait3A_414, %dma_wait3A_415] : memref<2000000x64xf32, #tpu.memory_space<hbm>> -> memref<2000000x64xf32, #tpu.memory_space<hbm>>
    tpu.wait_indirect_dma semaphore(%arg7 : memref<!tpu.dma_semaphore, #tpu.memory_space<semaphore_mem>>) src(%dma_wait3A_416 : memref<2000000x64xf32, #tpu.memory_space<hbm>>) dst(%dma_wait3A_410 : memref<50x64xf32, #tpu.memory_space<vmem>>)
    %add3A_417 = arith.constant 0 : i32
    %add3A_418 = arith.addi %mul3A_2, %add3A_417 : i32
    %dma_start3A_419 = arith.constant 0 : i32
    %dma_start3A_420 = arith.constant 0 : i32
    %dma_start3A_421 = arith.constant 0 : i32
    %dma_start3A_422 = arith.constant 0 : i32
    %dma_start3A_423 = tpu.memref_slice %arg6[%dma_start3A_419, %dma_start3A_420, %dma_start3A_421, %dma_start3A_422] : memref<4x8x50x64xf32, #tpu.memory_space<vmem>> -> memref<1x8x50x64xf32, #tpu.memory_space<vmem>>
    %dma_start3A_424 = tpu.memref_squeeze %dma_start3A_423 : memref<1x8x50x64xf32, #tpu.memory_space<vmem>> -> memref<8x50x64xf32, #tpu.memory_space<vmem>>
    %dma_start3A_425 = arith.constant 0 : i32
    %dma_start3A_426 = arith.constant 0 : i32
    %dma_start3A_427 = tpu.memref_slice %arg4[%add3A_418, %dma_start3A_425, %dma_start3A_426] : memref<16384x56x128xf32, #tpu.memory_space<hbm>> -> memref<8x50x64xf32, #tpu.memory_space<hbm>>
    %dma_start3A_428 = arith.constant 0 : i32
    %dma_start3A_429 = arith.constant 0 : i32
    %dma_start3A_430 = tpu.memref_slice %arg4[%add3A_418, %dma_start3A_428, %dma_start3A_429] : memref<16384x56x128xf32, #tpu.memory_space<hbm>> -> memref<8x50x64xf32, #tpu.memory_space<hbm>>
    %dma_start3A_431 = arith.constant 0 : i32
    %dma_start3A_432 = arith.constant 0 : i32
    %dma_start3A_433 = arith.constant 0 : i32
    %dma_start3A_434 = tpu.memref_slice %arg6[%dma_start3A_419, %dma_start3A_431, %dma_start3A_432, %dma_start3A_433] : memref<4x8x50x64xf32, #tpu.memory_space<vmem>> -> memref<1x8x50x64xf32, #tpu.memory_space<vmem>>
    %dma_start3A_435 = tpu.memref_squeeze %dma_start3A_434 : memref<1x8x50x64xf32, #tpu.memory_space<vmem>> -> memref<8x50x64xf32, #tpu.memory_space<vmem>>
    tpu.enqueue_dma source(%dma_start3A_435 : memref<8x50x64xf32, #tpu.memory_space<vmem>>) target(%dma_start3A_430 : memref<8x50x64xf32, #tpu.memory_space<hbm>>) target_semaphore(%arg11 : memref<!tpu.dma_semaphore, #tpu.memory_space<semaphore_mem>>)
    %dma_start3A_436 = arith.constant 24 : i32
    %dma_start3A_437 = arith.constant 3 : i32
    %dma_start3A_438 = arith.constant 0 : i32
    %dma_start3A_439 = arith.constant 0 : i32
    %dma_start3A_440 = arith.constant 0 : i32
    %dma_start3A_441 = tpu.memref_slice %arg6[%dma_start3A_437, %dma_start3A_438, %dma_start3A_439, %dma_start3A_440] : memref<4x8x50x64xf32, #tpu.memory_space<vmem>> -> memref<1x1x50x64xf32, #tpu.memory_space<vmem>>
    %dma_start3A_442 = tpu.memref_squeeze %dma_start3A_441 : memref<1x1x50x64xf32, #tpu.memory_space<vmem>> -> memref<50x64xf32, #tpu.memory_space<vmem>>
    %dma_start3A_443 = arith.constant 0 : i32
    %dma_start3A_444 = tpu.memref_slice %arg5[%dma_start3A_436, %dma_start3A_443] : memref<512x50xi32, #tpu.memory_space<vmem>> -> memref<1x50xi32, #tpu.memory_space<vmem>>
    %dma_start3A_445 = tpu.memref_squeeze %dma_start3A_444 : memref<1x50xi32, #tpu.memory_space<vmem>> -> memref<50xi32, #tpu.memory_space<vmem>>
    %dma_start3A_446 = arith.constant 0 : i32
    %dma_start3A_447 = arith.constant 0 : i32
    %dma_start3A_448 = tpu.memref_slice %arg3[%dma_start3A_446, %dma_start3A_447] : memref<2000000x64xf32, #tpu.memory_space<hbm>> -> memref<2000000x64xf32, #tpu.memory_space<hbm>>
    tpu.enqueue_indirect_dma source(%dma_start3A_448 : memref<2000000x64xf32, #tpu.memory_space<hbm>>) target(%dma_start3A_442 : memref<50x64xf32, #tpu.memory_space<vmem>>) offsets(%dma_start3A_445 : memref<50xi32, #tpu.memory_space<vmem>>) semaphore(%arg10 : memref<!tpu.dma_semaphore, #tpu.memory_space<semaphore_mem>>)
    %dma_start3A_449 = arith.constant 25 : i32
    %dma_start3A_450 = arith.constant 3 : i32
    %dma_start3A_451 = arith.constant 1 : i32
    %dma_start3A_452 = arith.constant 0 : i32
    %dma_start3A_453 = arith.constant 0 : i32
    %dma_start3A_454 = tpu.memref_slice %arg6[%dma_start3A_450, %dma_start3A_451, %dma_start3A_452, %dma_start3A_453] : memref<4x8x50x64xf32, #tpu.memory_space<vmem>> -> memref<1x1x50x64xf32, #tpu.memory_space<vmem>>
    %dma_start3A_455 = tpu.memref_squeeze %dma_start3A_454 : memref<1x1x50x64xf32, #tpu.memory_space<vmem>> -> memref<50x64xf32, #tpu.memory_space<vmem>>
    %dma_start3A_456 = arith.constant 0 : i32
    %dma_start3A_457 = tpu.memref_slice %arg5[%dma_start3A_449, %dma_start3A_456] : memref<512x50xi32, #tpu.memory_space<vmem>> -> memref<1x50xi32, #tpu.memory_space<vmem>>
    %dma_start3A_458 = tpu.memref_squeeze %dma_start3A_457 : memref<1x50xi32, #tpu.memory_space<vmem>> -> memref<50xi32, #tpu.memory_space<vmem>>
    %dma_start3A_459 = arith.constant 0 : i32
    %dma_start3A_460 = arith.constant 0 : i32
    %dma_start3A_461 = tpu.memref_slice %arg3[%dma_start3A_459, %dma_start3A_460] : memref<2000000x64xf32, #tpu.memory_space<hbm>> -> memref<2000000x64xf32, #tpu.memory_space<hbm>>
    tpu.enqueue_indirect_dma source(%dma_start3A_461 : memref<2000000x64xf32, #tpu.memory_space<hbm>>) target(%dma_start3A_455 : memref<50x64xf32, #tpu.memory_space<vmem>>) offsets(%dma_start3A_458 : memref<50xi32, #tpu.memory_space<vmem>>) semaphore(%arg10 : memref<!tpu.dma_semaphore, #tpu.memory_space<semaphore_mem>>)
    %dma_start3A_462 = arith.constant 26 : i32
    %dma_start3A_463 = arith.constant 3 : i32
    %dma_start3A_464 = arith.constant 2 : i32
    %dma_start3A_465 = arith.constant 0 : i32
    %dma_start3A_466 = arith.constant 0 : i32
    %dma_start3A_467 = tpu.memref_slice %arg6[%dma_start3A_463, %dma_start3A_464, %dma_start3A_465, %dma_start3A_466] : memref<4x8x50x64xf32, #tpu.memory_space<vmem>> -> memref<1x1x50x64xf32, #tpu.memory_space<vmem>>
    %dma_start3A_468 = tpu.memref_squeeze %dma_start3A_467 : memref<1x1x50x64xf32, #tpu.memory_space<vmem>> -> memref<50x64xf32, #tpu.memory_space<vmem>>
    %dma_start3A_469 = arith.constant 0 : i32
    %dma_start3A_470 = tpu.memref_slice %arg5[%dma_start3A_462, %dma_start3A_469] : memref<512x50xi32, #tpu.memory_space<vmem>> -> memref<1x50xi32, #tpu.memory_space<vmem>>
    %dma_start3A_471 = tpu.memref_squeeze %dma_start3A_470 : memref<1x50xi32, #tpu.memory_space<vmem>> -> memref<50xi32, #tpu.memory_space<vmem>>
    %dma_start3A_472 = arith.constant 0 : i32
    %dma_start3A_473 = arith.constant 0 : i32
    %dma_start3A_474 = tpu.memref_slice %arg3[%dma_start3A_472, %dma_start3A_473] : memref<2000000x64xf32, #tpu.memory_space<hbm>> -> memref<2000000x64xf32, #tpu.memory_space<hbm>>
    tpu.enqueue_indirect_dma source(%dma_start3A_474 : memref<2000000x64xf32, #tpu.memory_space<hbm>>) target(%dma_start3A_468 : memref<50x64xf32, #tpu.memory_space<vmem>>) offsets(%dma_start3A_471 : memref<50xi32, #tpu.memory_space<vmem>>) semaphore(%arg10 : memref<!tpu.dma_semaphore, #tpu.memory_space<semaphore_mem>>)
    %dma_start3A_475 = arith.constant 27 : i32
    %dma_start3A_476 = arith.constant 3 : i32
    %dma_start3A_477 = arith.constant 3 : i32
    %dma_start3A_478 = arith.constant 0 : i32
    %dma_start3A_479 = arith.constant 0 : i32
    %dma_start3A_480 = tpu.memref_slice %arg6[%dma_start3A_476, %dma_start3A_477, %dma_start3A_478, %dma_start3A_479] : memref<4x8x50x64xf32, #tpu.memory_space<vmem>> -> memref<1x1x50x64xf32, #tpu.memory_space<vmem>>
    %dma_start3A_481 = tpu.memref_squeeze %dma_start3A_480 : memref<1x1x50x64xf32, #tpu.memory_space<vmem>> -> memref<50x64xf32, #tpu.memory_space<vmem>>
    %dma_start3A_482 = arith.constant 0 : i32
    %dma_start3A_483 = tpu.memref_slice %arg5[%dma_start3A_475, %dma_start3A_482] : memref<512x50xi32, #tpu.memory_space<vmem>> -> memref<1x50xi32, #tpu.memory_space<vmem>>
    %dma_start3A_484 = tpu.memref_squeeze %dma_start3A_483 : memref<1x50xi32, #tpu.memory_space<vmem>> -> memref<50xi32, #tpu.memory_space<vmem>>
    %dma_start3A_485 = arith.constant 0 : i32
    %dma_start3A_486 = arith.constant 0 : i32
    %dma_start3A_487 = tpu.memref_slice %arg3[%dma_start3A_485, %dma_start3A_486] : memref<2000000x64xf32, #tpu.memory_space<hbm>> -> memref<2000000x64xf32, #tpu.memory_space<hbm>>
    tpu.enqueue_indirect_dma source(%dma_start3A_487 : memref<2000000x64xf32, #tpu.memory_space<hbm>>) target(%dma_start3A_481 : memref<50x64xf32, #tpu.memory_space<vmem>>) offsets(%dma_start3A_484 : memref<50xi32, #tpu.memory_space<vmem>>) semaphore(%arg10 : memref<!tpu.dma_semaphore, #tpu.memory_space<semaphore_mem>>)
    %dma_start3A_488 = arith.constant 28 : i32
    %dma_start3A_489 = arith.constant 3 : i32
    %dma_start3A_490 = arith.constant 4 : i32
    %dma_start3A_491 = arith.constant 0 : i32
    %dma_start3A_492 = arith.constant 0 : i32
    %dma_start3A_493 = tpu.memref_slice %arg6[%dma_start3A_489, %dma_start3A_490, %dma_start3A_491, %dma_start3A_492] : memref<4x8x50x64xf32, #tpu.memory_space<vmem>> -> memref<1x1x50x64xf32, #tpu.memory_space<vmem>>
    %dma_start3A_494 = tpu.memref_squeeze %dma_start3A_493 : memref<1x1x50x64xf32, #tpu.memory_space<vmem>> -> memref<50x64xf32, #tpu.memory_space<vmem>>
    %dma_start3A_495 = arith.constant 0 : i32
    %dma_start3A_496 = tpu.memref_slice %arg5[%dma_start3A_488, %dma_start3A_495] : memref<512x50xi32, #tpu.memory_space<vmem>> -> memref<1x50xi32, #tpu.memory_space<vmem>>
    %dma_start3A_497 = tpu.memref_squeeze %dma_start3A_496 : memref<1x50xi32, #tpu.memory_space<vmem>> -> memref<50xi32, #tpu.memory_space<vmem>>
    %dma_start3A_498 = arith.constant 0 : i32
    %dma_start3A_499 = arith.constant 0 : i32
    %dma_start3A_500 = tpu.memref_slice %arg3[%dma_start3A_498, %dma_start3A_499] : memref<2000000x64xf32, #tpu.memory_space<hbm>> -> memref<2000000x64xf32, #tpu.memory_space<hbm>>
    tpu.enqueue_indirect_dma source(%dma_start3A_500 : memref<2000000x64xf32, #tpu.memory_space<hbm>>) target(%dma_start3A_494 : memref<50x64xf32, #tpu.memory_space<vmem>>) offsets(%dma_start3A_497 : memref<50xi32, #tpu.memory_space<vmem>>) semaphore(%arg10 : memref<!tpu.dma_semaphore, #tpu.memory_space<semaphore_mem>>)
    %dma_start3A_501 = arith.constant 29 : i32
    %dma_start3A_502 = arith.constant 3 : i32
    %dma_start3A_503 = arith.constant 5 : i32
    %dma_start3A_504 = arith.constant 0 : i32
    %dma_start3A_505 = arith.constant 0 : i32
    %dma_start3A_506 = tpu.memref_slice %arg6[%dma_start3A_502, %dma_start3A_503, %dma_start3A_504, %dma_start3A_505] : memref<4x8x50x64xf32, #tpu.memory_space<vmem>> -> memref<1x1x50x64xf32, #tpu.memory_space<vmem>>
    %dma_start3A_507 = tpu.memref_squeeze %dma_start3A_506 : memref<1x1x50x64xf32, #tpu.memory_space<vmem>> -> memref<50x64xf32, #tpu.memory_space<vmem>>
    %dma_start3A_508 = arith.constant 0 : i32
    %dma_start3A_509 = tpu.memref_slice %arg5[%dma_start3A_501, %dma_start3A_508] : memref<512x50xi32, #tpu.memory_space<vmem>> -> memref<1x50xi32, #tpu.memory_space<vmem>>
    %dma_start3A_510 = tpu.memref_squeeze %dma_start3A_509 : memref<1x50xi32, #tpu.memory_space<vmem>> -> memref<50xi32, #tpu.memory_space<vmem>>
    %dma_start3A_511 = arith.constant 0 : i32
    %dma_start3A_512 = arith.constant 0 : i32
    %dma_start3A_513 = tpu.memref_slice %arg3[%dma_start3A_511, %dma_start3A_512] : memref<2000000x64xf32, #tpu.memory_space<hbm>> -> memref<2000000x64xf32, #tpu.memory_space<hbm>>
    tpu.enqueue_indirect_dma source(%dma_start3A_513 : memref<2000000x64xf32, #tpu.memory_space<hbm>>) target(%dma_start3A_507 : memref<50x64xf32, #tpu.memory_space<vmem>>) offsets(%dma_start3A_510 : memref<50xi32, #tpu.memory_space<vmem>>) semaphore(%arg10 : memref<!tpu.dma_semaphore, #tpu.memory_space<semaphore_mem>>)
    %dma_start3A_514 = arith.constant 30 : i32
    %dma_start3A_515 = arith.constant 3 : i32
    %dma_start3A_516 = arith.constant 6 : i32
    %dma_start3A_517 = arith.constant 0 : i32
    %dma_start3A_518 = arith.constant 0 : i32
    %dma_start3A_519 = tpu.memref_slice %arg6[%dma_start3A_515, %dma_start3A_516, %dma_start3A_517, %dma_start3A_518] : memref<4x8x50x64xf32, #tpu.memory_space<vmem>> -> memref<1x1x50x64xf32, #tpu.memory_space<vmem>>
    %dma_start3A_520 = tpu.memref_squeeze %dma_start3A_519 : memref<1x1x50x64xf32, #tpu.memory_space<vmem>> -> memref<50x64xf32, #tpu.memory_space<vmem>>
    %dma_start3A_521 = arith.constant 0 : i32
    %dma_start3A_522 = tpu.memref_slice %arg5[%dma_start3A_514, %dma_start3A_521] : memref<512x50xi32, #tpu.memory_space<vmem>> -> memref<1x50xi32, #tpu.memory_space<vmem>>
    %dma_start3A_523 = tpu.memref_squeeze %dma_start3A_522 : memref<1x50xi32, #tpu.memory_space<vmem>> -> memref<50xi32, #tpu.memory_space<vmem>>
    %dma_start3A_524 = arith.constant 0 : i32
    %dma_start3A_525 = arith.constant 0 : i32
    %dma_start3A_526 = tpu.memref_slice %arg3[%dma_start3A_524, %dma_start3A_525] : memref<2000000x64xf32, #tpu.memory_space<hbm>> -> memref<2000000x64xf32, #tpu.memory_space<hbm>>
    tpu.enqueue_indirect_dma source(%dma_start3A_526 : memref<2000000x64xf32, #tpu.memory_space<hbm>>) target(%dma_start3A_520 : memref<50x64xf32, #tpu.memory_space<vmem>>) offsets(%dma_start3A_523 : memref<50xi32, #tpu.memory_space<vmem>>) semaphore(%arg10 : memref<!tpu.dma_semaphore, #tpu.memory_space<semaphore_mem>>)
    %dma_start3A_527 = arith.constant 31 : i32
    %dma_start3A_528 = arith.constant 3 : i32
    %dma_start3A_529 = arith.constant 7 : i32
    %dma_start3A_530 = arith.constant 0 : i32
    %dma_start3A_531 = arith.constant 0 : i32
    %dma_start3A_532 = tpu.memref_slice %arg6[%dma_start3A_528, %dma_start3A_529, %dma_start3A_530, %dma_start3A_531] : memref<4x8x50x64xf32, #tpu.memory_space<vmem>> -> memref<1x1x50x64xf32, #tpu.memory_space<vmem>>
    %dma_start3A_533 = tpu.memref_squeeze %dma_start3A_532 : memref<1x1x50x64xf32, #tpu.memory_space<vmem>> -> memref<50x64xf32, #tpu.memory_space<vmem>>
    %dma_start3A_534 = arith.constant 0 : i32
    %dma_start3A_535 = tpu.memref_slice %arg5[%dma_start3A_527, %dma_start3A_534] : memref<512x50xi32, #tpu.memory_space<vmem>> -> memref<1x50xi32, #tpu.memory_space<vmem>>
    %dma_start3A_536 = tpu.memref_squeeze %dma_start3A_535 : memref<1x50xi32, #tpu.memory_space<vmem>> -> memref<50xi32, #tpu.memory_space<vmem>>
    %dma_start3A_537 = arith.constant 0 : i32
    %dma_start3A_538 = arith.constant 0 : i32
    %dma_start3A_539 = tpu.memref_slice %arg3[%dma_start3A_537, %dma_start3A_538] : memref<2000000x64xf32, #tpu.memory_space<hbm>> -> memref<2000000x64xf32, #tpu.memory_space<hbm>>
    tpu.enqueue_indirect_dma source(%dma_start3A_539 : memref<2000000x64xf32, #tpu.memory_space<hbm>>) target(%dma_start3A_533 : memref<50x64xf32, #tpu.memory_space<vmem>>) offsets(%dma_start3A_536 : memref<50xi32, #tpu.memory_space<vmem>>) semaphore(%arg10 : memref<!tpu.dma_semaphore, #tpu.memory_space<semaphore_mem>>)
    %dma_wait3A_540 = arith.constant 0 : i32
    %dma_wait3A_541 = arith.constant 1 : i32
    %dma_wait3A_542 = arith.constant 0 : i32
    %dma_wait3A_543 = arith.constant 0 : i32
    %dma_wait3A_544 = arith.constant 0 : i32
    %dma_wait3A_545 = tpu.memref_slice %arg6[%dma_wait3A_541, %dma_wait3A_542, %dma_wait3A_543, %dma_wait3A_544] : memref<4x8x50x64xf32, #tpu.memory_space<vmem>> -> memref<1x1x50x64xf32, #tpu.memory_space<vmem>>
    %dma_wait3A_546 = tpu.memref_squeeze %dma_wait3A_545 : memref<1x1x50x64xf32, #tpu.memory_space<vmem>> -> memref<50x64xf32, #tpu.memory_space<vmem>>
    %dma_wait3A_547 = arith.constant 0 : i32
    %dma_wait3A_548 = tpu.memref_slice %arg5[%dma_wait3A_540, %dma_wait3A_547] : memref<512x50xi32, #tpu.memory_space<vmem>> -> memref<1x50xi32, #tpu.memory_space<vmem>>
    %dma_wait3A_549 = tpu.memref_squeeze %dma_wait3A_548 : memref<1x50xi32, #tpu.memory_space<vmem>> -> memref<50xi32, #tpu.memory_space<vmem>>
    %dma_wait3A_550 = arith.constant 0 : i32
    %dma_wait3A_551 = arith.constant 0 : i32
    %dma_wait3A_552 = tpu.memref_slice %arg3[%dma_wait3A_550, %dma_wait3A_551] : memref<2000000x64xf32, #tpu.memory_space<hbm>> -> memref<2000000x64xf32, #tpu.memory_space<hbm>>
    tpu.wait_indirect_dma semaphore(%arg8 : memref<!tpu.dma_semaphore, #tpu.memory_space<semaphore_mem>>) src(%dma_wait3A_552 : memref<2000000x64xf32, #tpu.memory_space<hbm>>) dst(%dma_wait3A_546 : memref<50x64xf32, #tpu.memory_space<vmem>>)
    %dma_wait3A_553 = arith.constant 0 : i32
    %dma_wait3A_554 = arith.constant 1 : i32
    %dma_wait3A_555 = arith.constant 1 : i32
    %dma_wait3A_556 = arith.constant 0 : i32
    %dma_wait3A_557 = arith.constant 0 : i32
    %dma_wait3A_558 = tpu.memref_slice %arg6[%dma_wait3A_554, %dma_wait3A_555, %dma_wait3A_556, %dma_wait3A_557] : memref<4x8x50x64xf32, #tpu.memory_space<vmem>> -> memref<1x1x50x64xf32, #tpu.memory_space<vmem>>
    %dma_wait3A_559 = tpu.memref_squeeze %dma_wait3A_558 : memref<1x1x50x64xf32, #tpu.memory_space<vmem>> -> memref<50x64xf32, #tpu.memory_space<vmem>>
    %dma_wait3A_560 = arith.constant 0 : i32
    %dma_wait3A_561 = tpu.memref_slice %arg5[%dma_wait3A_553, %dma_wait3A_560] : memref<512x50xi32, #tpu.memory_space<vmem>> -> memref<1x50xi32, #tpu.memory_space<vmem>>
    %dma_wait3A_562 = tpu.memref_squeeze %dma_wait3A_561 : memref<1x50xi32, #tpu.memory_space<vmem>> -> memref<50xi32, #tpu.memory_space<vmem>>
    %dma_wait3A_563 = arith.constant 0 : i32
    %dma_wait3A_564 = arith.constant 0 : i32
    %dma_wait3A_565 = tpu.memref_slice %arg3[%dma_wait3A_563, %dma_wait3A_564] : memref<2000000x64xf32, #tpu.memory_space<hbm>> -> memref<2000000x64xf32, #tpu.memory_space<hbm>>
    tpu.wait_indirect_dma semaphore(%arg8 : memref<!tpu.dma_semaphore, #tpu.memory_space<semaphore_mem>>) src(%dma_wait3A_565 : memref<2000000x64xf32, #tpu.memory_space<hbm>>) dst(%dma_wait3A_559 : memref<50x64xf32, #tpu.memory_space<vmem>>)
    %dma_wait3A_566 = arith.constant 0 : i32
    %dma_wait3A_567 = arith.constant 1 : i32
    %dma_wait3A_568 = arith.constant 2 : i32
    %dma_wait3A_569 = arith.constant 0 : i32
    %dma_wait3A_570 = arith.constant 0 : i32
    %dma_wait3A_571 = tpu.memref_slice %arg6[%dma_wait3A_567, %dma_wait3A_568, %dma_wait3A_569, %dma_wait3A_570] : memref<4x8x50x64xf32, #tpu.memory_space<vmem>> -> memref<1x1x50x64xf32, #tpu.memory_space<vmem>>
    %dma_wait3A_572 = tpu.memref_squeeze %dma_wait3A_571 : memref<1x1x50x64xf32, #tpu.memory_space<vmem>> -> memref<50x64xf32, #tpu.memory_space<vmem>>
    %dma_wait3A_573 = arith.constant 0 : i32
    %dma_wait3A_574 = tpu.memref_slice %arg5[%dma_wait3A_566, %dma_wait3A_573] : memref<512x50xi32, #tpu.memory_space<vmem>> -> memref<1x50xi32, #tpu.memory_space<vmem>>
    %dma_wait3A_575 = tpu.memref_squeeze %dma_wait3A_574 : memref<1x50xi32, #tpu.memory_space<vmem>> -> memref<50xi32, #tpu.memory_space<vmem>>
    %dma_wait3A_576 = arith.constant 0 : i32
    %dma_wait3A_577 = arith.constant 0 : i32
    %dma_wait3A_578 = tpu.memref_slice %arg3[%dma_wait3A_576, %dma_wait3A_577] : memref<2000000x64xf32, #tpu.memory_space<hbm>> -> memref<2000000x64xf32, #tpu.memory_space<hbm>>
    tpu.wait_indirect_dma semaphore(%arg8 : memref<!tpu.dma_semaphore, #tpu.memory_space<semaphore_mem>>) src(%dma_wait3A_578 : memref<2000000x64xf32, #tpu.memory_space<hbm>>) dst(%dma_wait3A_572 : memref<50x64xf32, #tpu.memory_space<vmem>>)
    %dma_wait3A_579 = arith.constant 0 : i32
    %dma_wait3A_580 = arith.constant 1 : i32
    %dma_wait3A_581 = arith.constant 3 : i32
    %dma_wait3A_582 = arith.constant 0 : i32
    %dma_wait3A_583 = arith.constant 0 : i32
    %dma_wait3A_584 = tpu.memref_slice %arg6[%dma_wait3A_580, %dma_wait3A_581, %dma_wait3A_582, %dma_wait3A_583] : memref<4x8x50x64xf32, #tpu.memory_space<vmem>> -> memref<1x1x50x64xf32, #tpu.memory_space<vmem>>
    %dma_wait3A_585 = tpu.memref_squeeze %dma_wait3A_584 : memref<1x1x50x64xf32, #tpu.memory_space<vmem>> -> memref<50x64xf32, #tpu.memory_space<vmem>>
    %dma_wait3A_586 = arith.constant 0 : i32
    %dma_wait3A_587 = tpu.memref_slice %arg5[%dma_wait3A_579, %dma_wait3A_586] : memref<512x50xi32, #tpu.memory_space<vmem>> -> memref<1x50xi32, #tpu.memory_space<vmem>>
    %dma_wait3A_588 = tpu.memref_squeeze %dma_wait3A_587 : memref<1x50xi32, #tpu.memory_space<vmem>> -> memref<50xi32, #tpu.memory_space<vmem>>
    %dma_wait3A_589 = arith.constant 0 : i32
    %dma_wait3A_590 = arith.constant 0 : i32
    %dma_wait3A_591 = tpu.memref_slice %arg3[%dma_wait3A_589, %dma_wait3A_590] : memref<2000000x64xf32, #tpu.memory_space<hbm>> -> memref<2000000x64xf32, #tpu.memory_space<hbm>>
    tpu.wait_indirect_dma semaphore(%arg8 : memref<!tpu.dma_semaphore, #tpu.memory_space<semaphore_mem>>) src(%dma_wait3A_591 : memref<2000000x64xf32, #tpu.memory_space<hbm>>) dst(%dma_wait3A_585 : memref<50x64xf32, #tpu.memory_space<vmem>>)
    %dma_wait3A_592 = arith.constant 0 : i32
    %dma_wait3A_593 = arith.constant 1 : i32
    %dma_wait3A_594 = arith.constant 4 : i32
    %dma_wait3A_595 = arith.constant 0 : i32
    %dma_wait3A_596 = arith.constant 0 : i32
    %dma_wait3A_597 = tpu.memref_slice %arg6[%dma_wait3A_593, %dma_wait3A_594, %dma_wait3A_595, %dma_wait3A_596] : memref<4x8x50x64xf32, #tpu.memory_space<vmem>> -> memref<1x1x50x64xf32, #tpu.memory_space<vmem>>
    %dma_wait3A_598 = tpu.memref_squeeze %dma_wait3A_597 : memref<1x1x50x64xf32, #tpu.memory_space<vmem>> -> memref<50x64xf32, #tpu.memory_space<vmem>>
    %dma_wait3A_599 = arith.constant 0 : i32
    %dma_wait3A_600 = tpu.memref_slice %arg5[%dma_wait3A_592, %dma_wait3A_599] : memref<512x50xi32, #tpu.memory_space<vmem>> -> memref<1x50xi32, #tpu.memory_space<vmem>>
    %dma_wait3A_601 = tpu.memref_squeeze %dma_wait3A_600 : memref<1x50xi32, #tpu.memory_space<vmem>> -> memref<50xi32, #tpu.memory_space<vmem>>
    %dma_wait3A_602 = arith.constant 0 : i32
    %dma_wait3A_603 = arith.constant 0 : i32
    %dma_wait3A_604 = tpu.memref_slice %arg3[%dma_wait3A_602, %dma_wait3A_603] : memref<2000000x64xf32, #tpu.memory_space<hbm>> -> memref<2000000x64xf32, #tpu.memory_space<hbm>>
    tpu.wait_indirect_dma semaphore(%arg8 : memref<!tpu.dma_semaphore, #tpu.memory_space<semaphore_mem>>) src(%dma_wait3A_604 : memref<2000000x64xf32, #tpu.memory_space<hbm>>) dst(%dma_wait3A_598 : memref<50x64xf32, #tpu.memory_space<vmem>>)
    %dma_wait3A_605 = arith.constant 0 : i32
    %dma_wait3A_606 = arith.constant 1 : i32
    %dma_wait3A_607 = arith.constant 5 : i32
    %dma_wait3A_608 = arith.constant 0 : i32
    %dma_wait3A_609 = arith.constant 0 : i32
    %dma_wait3A_610 = tpu.memref_slice %arg6[%dma_wait3A_606, %dma_wait3A_607, %dma_wait3A_608, %dma_wait3A_609] : memref<4x8x50x64xf32, #tpu.memory_space<vmem>> -> memref<1x1x50x64xf32, #tpu.memory_space<vmem>>
    %dma_wait3A_611 = tpu.memref_squeeze %dma_wait3A_610 : memref<1x1x50x64xf32, #tpu.memory_space<vmem>> -> memref<50x64xf32, #tpu.memory_space<vmem>>
    %dma_wait3A_612 = arith.constant 0 : i32
    %dma_wait3A_613 = tpu.memref_slice %arg5[%dma_wait3A_605, %dma_wait3A_612] : memref<512x50xi32, #tpu.memory_space<vmem>> -> memref<1x50xi32, #tpu.memory_space<vmem>>
    %dma_wait3A_614 = tpu.memref_squeeze %dma_wait3A_613 : memref<1x50xi32, #tpu.memory_space<vmem>> -> memref<50xi32, #tpu.memory_space<vmem>>
    %dma_wait3A_615 = arith.constant 0 : i32
    %dma_wait3A_616 = arith.constant 0 : i32
    %dma_wait3A_617 = tpu.memref_slice %arg3[%dma_wait3A_615, %dma_wait3A_616] : memref<2000000x64xf32, #tpu.memory_space<hbm>> -> memref<2000000x64xf32, #tpu.memory_space<hbm>>
    tpu.wait_indirect_dma semaphore(%arg8 : memref<!tpu.dma_semaphore, #tpu.memory_space<semaphore_mem>>) src(%dma_wait3A_617 : memref<2000000x64xf32, #tpu.memory_space<hbm>>) dst(%dma_wait3A_611 : memref<50x64xf32, #tpu.memory_space<vmem>>)
    %dma_wait3A_618 = arith.constant 0 : i32
    %dma_wait3A_619 = arith.constant 1 : i32
    %dma_wait3A_620 = arith.constant 6 : i32
    %dma_wait3A_621 = arith.constant 0 : i32
    %dma_wait3A_622 = arith.constant 0 : i32
    %dma_wait3A_623 = tpu.memref_slice %arg6[%dma_wait3A_619, %dma_wait3A_620, %dma_wait3A_621, %dma_wait3A_622] : memref<4x8x50x64xf32, #tpu.memory_space<vmem>> -> memref<1x1x50x64xf32, #tpu.memory_space<vmem>>
    %dma_wait3A_624 = tpu.memref_squeeze %dma_wait3A_623 : memref<1x1x50x64xf32, #tpu.memory_space<vmem>> -> memref<50x64xf32, #tpu.memory_space<vmem>>
    %dma_wait3A_625 = arith.constant 0 : i32
    %dma_wait3A_626 = tpu.memref_slice %arg5[%dma_wait3A_618, %dma_wait3A_625] : memref<512x50xi32, #tpu.memory_space<vmem>> -> memref<1x50xi32, #tpu.memory_space<vmem>>
    %dma_wait3A_627 = tpu.memref_squeeze %dma_wait3A_626 : memref<1x50xi32, #tpu.memory_space<vmem>> -> memref<50xi32, #tpu.memory_space<vmem>>
    %dma_wait3A_628 = arith.constant 0 : i32
    %dma_wait3A_629 = arith.constant 0 : i32
    %dma_wait3A_630 = tpu.memref_slice %arg3[%dma_wait3A_628, %dma_wait3A_629] : memref<2000000x64xf32, #tpu.memory_space<hbm>> -> memref<2000000x64xf32, #tpu.memory_space<hbm>>
    tpu.wait_indirect_dma semaphore(%arg8 : memref<!tpu.dma_semaphore, #tpu.memory_space<semaphore_mem>>) src(%dma_wait3A_630 : memref<2000000x64xf32, #tpu.memory_space<hbm>>) dst(%dma_wait3A_624 : memref<50x64xf32, #tpu.memory_space<vmem>>)
    %dma_wait3A_631 = arith.constant 0 : i32
    %dma_wait3A_632 = arith.constant 1 : i32
    %dma_wait3A_633 = arith.constant 7 : i32
    %dma_wait3A_634 = arith.constant 0 : i32
    %dma_wait3A_635 = arith.constant 0 : i32
    %dma_wait3A_636 = tpu.memref_slice %arg6[%dma_wait3A_632, %dma_wait3A_633, %dma_wait3A_634, %dma_wait3A_635] : memref<4x8x50x64xf32, #tpu.memory_space<vmem>> -> memref<1x1x50x64xf32, #tpu.memory_space<vmem>>
    %dma_wait3A_637 = tpu.memref_squeeze %dma_wait3A_636 : memref<1x1x50x64xf32, #tpu.memory_space<vmem>> -> memref<50x64xf32, #tpu.memory_space<vmem>>
    %dma_wait3A_638 = arith.constant 0 : i32
    %dma_wait3A_639 = tpu.memref_slice %arg5[%dma_wait3A_631, %dma_wait3A_638] : memref<512x50xi32, #tpu.memory_space<vmem>> -> memref<1x50xi32, #tpu.memory_space<vmem>>
    %dma_wait3A_640 = tpu.memref_squeeze %dma_wait3A_639 : memref<1x50xi32, #tpu.memory_space<vmem>> -> memref<50xi32, #tpu.memory_space<vmem>>
    %dma_wait3A_641 = arith.constant 0 : i32
    %dma_wait3A_642 = arith.constant 0 : i32
    %dma_wait3A_643 = tpu.memref_slice %arg3[%dma_wait3A_641, %dma_wait3A_642] : memref<2000000x64xf32, #tpu.memory_space<hbm>> -> memref<2000000x64xf32, #tpu.memory_space<hbm>>
    tpu.wait_indirect_dma semaphore(%arg8 : memref<!tpu.dma_semaphore, #tpu.memory_space<semaphore_mem>>) src(%dma_wait3A_643 : memref<2000000x64xf32, #tpu.memory_space<hbm>>) dst(%dma_wait3A_637 : memref<50x64xf32, #tpu.memory_space<vmem>>)
    %add3A_644 = arith.constant 8 : i32
    %add3A_645 = arith.addi %mul3A_2, %add3A_644 : i32
    %dma_start3A_646 = arith.constant 1 : i32
    %dma_start3A_647 = arith.constant 0 : i32
    %dma_start3A_648 = arith.constant 0 : i32
    %dma_start3A_649 = arith.constant 0 : i32
    %dma_start3A_650 = tpu.memref_slice %arg6[%dma_start3A_646, %dma_start3A_647, %dma_start3A_648, %dma_start3A_649] : memref<4x8x50x64xf32, #tpu.memory_space<vmem>> -> memref<1x8x50x64xf32, #tpu.memory_space<vmem>>
    %dma_start3A_651 = tpu.memref_squeeze %dma_start3A_650 : memref<1x8x50x64xf32, #tpu.memory_space<vmem>> -> memref<8x50x64xf32, #tpu.memory_space<vmem>>
    %dma_start3A_652 = arith.constant 0 : i32
    %dma_start3A_653 = arith.constant 0 : i32
    %dma_start3A_654 = tpu.memref_slice %arg4[%add3A_645, %dma_start3A_652, %dma_start3A_653] : memref<16384x56x128xf32, #tpu.memory_space<hbm>> -> memref<8x50x64xf32, #tpu.memory_space<hbm>>
    %dma_start3A_655 = arith.constant 0 : i32
    %dma_start3A_656 = arith.constant 0 : i32
    %dma_start3A_657 = tpu.memref_slice %arg4[%add3A_645, %dma_start3A_655, %dma_start3A_656] : memref<16384x56x128xf32, #tpu.memory_space<hbm>> -> memref<8x50x64xf32, #tpu.memory_space<hbm>>
    %dma_start3A_658 = arith.constant 0 : i32
    %dma_start3A_659 = arith.constant 0 : i32
    %dma_start3A_660 = arith.constant 0 : i32
    %dma_start3A_661 = tpu.memref_slice %arg6[%dma_start3A_646, %dma_start3A_658, %dma_start3A_659, %dma_start3A_660] : memref<4x8x50x64xf32, #tpu.memory_space<vmem>> -> memref<1x8x50x64xf32, #tpu.memory_space<vmem>>
    %dma_start3A_662 = tpu.memref_squeeze %dma_start3A_661 : memref<1x8x50x64xf32, #tpu.memory_space<vmem>> -> memref<8x50x64xf32, #tpu.memory_space<vmem>>
    tpu.enqueue_dma source(%dma_start3A_662 : memref<8x50x64xf32, #tpu.memory_space<vmem>>) target(%dma_start3A_657 : memref<8x50x64xf32, #tpu.memory_space<hbm>>) target_semaphore(%arg12 : memref<!tpu.dma_semaphore, #tpu.memory_space<semaphore_mem>>)
    %dma_wait3A_663 = arith.constant 0 : i32
    %dma_wait3A_664 = arith.constant 0 : i32
    %dma_wait3A_665 = arith.constant 0 : i32
    %dma_wait3A_666 = arith.constant 0 : i32
    %dma_wait3A_667 = tpu.memref_slice %arg6[%dma_wait3A_663, %dma_wait3A_664, %dma_wait3A_665, %dma_wait3A_666] : memref<4x8x50x64xf32, #tpu.memory_space<vmem>> -> memref<1x8x50x64xf32, #tpu.memory_space<vmem>>
    %dma_wait3A_668 = tpu.memref_squeeze %dma_wait3A_667 : memref<1x8x50x64xf32, #tpu.memory_space<vmem>> -> memref<8x50x64xf32, #tpu.memory_space<vmem>>
    %dma_wait3A_669 = arith.constant 0 : i32
    %dma_wait3A_670 = arith.constant 0 : i32
    %dma_wait3A_671 = tpu.memref_slice %arg4[%mul3A_2, %dma_wait3A_669, %dma_wait3A_670] : memref<16384x56x128xf32, #tpu.memory_space<hbm>> -> memref<8x50x64xf32, #tpu.memory_space<hbm>>
    %dma_wait3A_672 = arith.constant 0 : i32
    %dma_wait3A_673 = arith.constant 0 : i32
    %dma_wait3A_674 = tpu.memref_slice %arg4[%mul3A_2, %dma_wait3A_672, %dma_wait3A_673] : memref<16384x56x128xf32, #tpu.memory_space<hbm>> -> memref<8x50x64xf32, #tpu.memory_space<hbm>>
    %dma_wait3A_675 = arith.constant 0 : i32
    %dma_wait3A_676 = arith.constant 0 : i32
    %dma_wait3A_677 = arith.constant 0 : i32
    %dma_wait3A_678 = tpu.memref_slice %arg6[%dma_wait3A_663, %dma_wait3A_675, %dma_wait3A_676, %dma_wait3A_677] : memref<4x8x50x64xf32, #tpu.memory_space<vmem>> -> memref<1x8x50x64xf32, #tpu.memory_space<vmem>>
    %dma_wait3A_679 = tpu.memref_squeeze %dma_wait3A_678 : memref<1x8x50x64xf32, #tpu.memory_space<vmem>> -> memref<8x50x64xf32, #tpu.memory_space<vmem>>
    tpu.wait_dma2 semaphore(%arg11 : memref<!tpu.dma_semaphore, #tpu.memory_space<semaphore_mem>>) src(%dma_wait3A_679 : memref<8x50x64xf32, #tpu.memory_space<vmem>>) dst(%dma_wait3A_674 : memref<8x50x64xf32, #tpu.memory_space<hbm>>)
    %dma_start3A_680 = arith.constant 32 : i32
    %dma_start3A_681 = arith.constant 0 : i32
    %dma_start3A_682 = arith.constant 0 : i32
    %dma_start3A_683 = arith.constant 0 : i32
    %dma_start3A_684 = arith.constant 0 : i32
    %dma_start3A_685 = tpu.memref_slice %arg6[%dma_start3A_681, %dma_start3A_682, %dma_start3A_683, %dma_start3A_684] : memref<4x8x50x64xf32, #tpu.memory_space<vmem>> -> memref<1x1x50x64xf32, #tpu.memory_space<vmem>>
    %dma_start3A_686 = tpu.memref_squeeze %dma_start3A_685 : memref<1x1x50x64xf32, #tpu.memory_space<vmem>> -> memref<50x64xf32, #tpu.memory_space<vmem>>
    %dma_start3A_687 = arith.constant 0 : i32
    %dma_start3A_688 = tpu.memref_slice %arg5[%dma_start3A_680, %dma_start3A_687] : memref<512x50xi32, #tpu.memory_space<vmem>> -> memref<1x50xi32, #tpu.memory_space<vmem>>
    %dma_start3A_689 = tpu.memref_squeeze %dma_start3A_688 : memref<1x50xi32, #tpu.memory_space<vmem>> -> memref<50xi32, #tpu.memory_space<vmem>>
    %dma_start3A_690 = arith.constant 0 : i32
    %dma_start3A_691 = arith.constant 0 : i32
    %dma_start3A_692 = tpu.memref_slice %arg3[%dma_start3A_690, %dma_start3A_691] : memref<2000000x64xf32, #tpu.memory_space<hbm>> -> memref<2000000x64xf32, #tpu.memory_space<hbm>>
    tpu.enqueue_indirect_dma source(%dma_start3A_692 : memref<2000000x64xf32, #tpu.memory_space<hbm>>) target(%dma_start3A_686 : memref<50x64xf32, #tpu.memory_space<vmem>>) offsets(%dma_start3A_689 : memref<50xi32, #tpu.memory_space<vmem>>) semaphore(%arg7 : memref<!tpu.dma_semaphore, #tpu.memory_space<semaphore_mem>>)
    %dma_start3A_693 = arith.constant 33 : i32
    %dma_start3A_694 = arith.constant 0 : i32
    %dma_start3A_695 = arith.constant 1 : i32
    %dma_start3A_696 = arith.constant 0 : i32
    %dma_start3A_697 = arith.constant 0 : i32
    %dma_start3A_698 = tpu.memref_slice %arg6[%dma_start3A_694, %dma_start3A_695, %dma_start3A_696, %dma_start3A_697] : memref<4x8x50x64xf32, #tpu.memory_space<vmem>> -> memref<1x1x50x64xf32, #tpu.memory_space<vmem>>
    %dma_start3A_699 = tpu.memref_squeeze %dma_start3A_698 : memref<1x1x50x64xf32, #tpu.memory_space<vmem>> -> memref<50x64xf32, #tpu.memory_space<vmem>>
    %dma_start3A_700 = arith.constant 0 : i32
    %dma_start3A_701 = tpu.memref_slice %arg5[%dma_start3A_693, %dma_start3A_700] : memref<512x50xi32, #tpu.memory_space<vmem>> -> memref<1x50xi32, #tpu.memory_space<vmem>>
    %dma_start3A_702 = tpu.memref_squeeze %dma_start3A_701 : memref<1x50xi32, #tpu.memory_space<vmem>> -> memref<50xi32, #tpu.memory_space<vmem>>
    %dma_start3A_703 = arith.constant 0 : i32
    %dma_start3A_704 = arith.constant 0 : i32
    %dma_start3A_705 = tpu.memref_slice %arg3[%dma_start3A_703, %dma_start3A_704] : memref<2000000x64xf32, #tpu.memory_space<hbm>> -> memref<2000000x64xf32, #tpu.memory_space<hbm>>
    tpu.enqueue_indirect_dma source(%dma_start3A_705 : memref<2000000x64xf32, #tpu.memory_space<hbm>>) target(%dma_start3A_699 : memref<50x64xf32, #tpu.memory_space<vmem>>) offsets(%dma_start3A_702 : memref<50xi32, #tpu.memory_space<vmem>>) semaphore(%arg7 : memref<!tpu.dma_semaphore, #tpu.memory_space<semaphore_mem>>)
    %dma_start3A_706 = arith.constant 34 : i32
    %dma_start3A_707 = arith.constant 0 : i32
    %dma_start3A_708 = arith.constant 2 : i32
    %dma_start3A_709 = arith.constant 0 : i32
    %dma_start3A_710 = arith.constant 0 : i32
    %dma_start3A_711 = tpu.memref_slice %arg6[%dma_start3A_707, %dma_start3A_708, %dma_start3A_709, %dma_start3A_710] : memref<4x8x50x64xf32, #tpu.memory_space<vmem>> -> memref<1x1x50x64xf32, #tpu.memory_space<vmem>>
    %dma_start3A_712 = tpu.memref_squeeze %dma_start3A_711 : memref<1x1x50x64xf32, #tpu.memory_space<vmem>> -> memref<50x64xf32, #tpu.memory_space<vmem>>
    %dma_start3A_713 = arith.constant 0 : i32
    %dma_start3A_714 = tpu.memref_slice %arg5[%dma_start3A_706, %dma_start3A_713] : memref<512x50xi32, #tpu.memory_space<vmem>> -> memref<1x50xi32, #tpu.memory_space<vmem>>
    %dma_start3A_715 = tpu.memref_squeeze %dma_start3A_714 : memref<1x50xi32, #tpu.memory_space<vmem>> -> memref<50xi32, #tpu.memory_space<vmem>>
    %dma_start3A_716 = arith.constant 0 : i32
    %dma_start3A_717 = arith.constant 0 : i32
    %dma_start3A_718 = tpu.memref_slice %arg3[%dma_start3A_716, %dma_start3A_717] : memref<2000000x64xf32, #tpu.memory_space<hbm>> -> memref<2000000x64xf32, #tpu.memory_space<hbm>>
    tpu.enqueue_indirect_dma source(%dma_start3A_718 : memref<2000000x64xf32, #tpu.memory_space<hbm>>) target(%dma_start3A_712 : memref<50x64xf32, #tpu.memory_space<vmem>>) offsets(%dma_start3A_715 : memref<50xi32, #tpu.memory_space<vmem>>) semaphore(%arg7 : memref<!tpu.dma_semaphore, #tpu.memory_space<semaphore_mem>>)
    %dma_start3A_719 = arith.constant 35 : i32
    %dma_start3A_720 = arith.constant 0 : i32
    %dma_start3A_721 = arith.constant 3 : i32
    %dma_start3A_722 = arith.constant 0 : i32
    %dma_start3A_723 = arith.constant 0 : i32
    %dma_start3A_724 = tpu.memref_slice %arg6[%dma_start3A_720, %dma_start3A_721, %dma_start3A_722, %dma_start3A_723] : memref<4x8x50x64xf32, #tpu.memory_space<vmem>> -> memref<1x1x50x64xf32, #tpu.memory_space<vmem>>
    %dma_start3A_725 = tpu.memref_squeeze %dma_start3A_724 : memref<1x1x50x64xf32, #tpu.memory_space<vmem>> -> memref<50x64xf32, #tpu.memory_space<vmem>>
    %dma_start3A_726 = arith.constant 0 : i32
    %dma_start3A_727 = tpu.memref_slice %arg5[%dma_start3A_719, %dma_start3A_726] : memref<512x50xi32, #tpu.memory_space<vmem>> -> memref<1x50xi32, #tpu.memory_space<vmem>>
    %dma_start3A_728 = tpu.memref_squeeze %dma_start3A_727 : memref<1x50xi32, #tpu.memory_space<vmem>> -> memref<50xi32, #tpu.memory_space<vmem>>
    %dma_start3A_729 = arith.constant 0 : i32
    %dma_start3A_730 = arith.constant 0 : i32
    %dma_start3A_731 = tpu.memref_slice %arg3[%dma_start3A_729, %dma_start3A_730] : memref<2000000x64xf32, #tpu.memory_space<hbm>> -> memref<2000000x64xf32, #tpu.memory_space<hbm>>
    tpu.enqueue_indirect_dma source(%dma_start3A_731 : memref<2000000x64xf32, #tpu.memory_space<hbm>>) target(%dma_start3A_725 : memref<50x64xf32, #tpu.memory_space<vmem>>) offsets(%dma_start3A_728 : memref<50xi32, #tpu.memory_space<vmem>>) semaphore(%arg7 : memref<!tpu.dma_semaphore, #tpu.memory_space<semaphore_mem>>)
    %dma_start3A_732 = arith.constant 36 : i32
    %dma_start3A_733 = arith.constant 0 : i32
    %dma_start3A_734 = arith.constant 4 : i32
    %dma_start3A_735 = arith.constant 0 : i32
    %dma_start3A_736 = arith.constant 0 : i32
    %dma_start3A_737 = tpu.memref_slice %arg6[%dma_start3A_733, %dma_start3A_734, %dma_start3A_735, %dma_start3A_736] : memref<4x8x50x64xf32, #tpu.memory_space<vmem>> -> memref<1x1x50x64xf32, #tpu.memory_space<vmem>>
    %dma_start3A_738 = tpu.memref_squeeze %dma_start3A_737 : memref<1x1x50x64xf32, #tpu.memory_space<vmem>> -> memref<50x64xf32, #tpu.memory_space<vmem>>
    %dma_start3A_739 = arith.constant 0 : i32
    %dma_start3A_740 = tpu.memref_slice %arg5[%dma_start3A_732, %dma_start3A_739] : memref<512x50xi32, #tpu.memory_space<vmem>> -> memref<1x50xi32, #tpu.memory_space<vmem>>
    %dma_start3A_741 = tpu.memref_squeeze %dma_start3A_740 : memref<1x50xi32, #tpu.memory_space<vmem>> -> memref<50xi32, #tpu.memory_space<vmem>>
    %dma_start3A_742 = arith.constant 0 : i32
    %dma_start3A_743 = arith.constant 0 : i32
    %dma_start3A_744 = tpu.memref_slice %arg3[%dma_start3A_742, %dma_start3A_743] : memref<2000000x64xf32, #tpu.memory_space<hbm>> -> memref<2000000x64xf32, #tpu.memory_space<hbm>>
    tpu.enqueue_indirect_dma source(%dma_start3A_744 : memref<2000000x64xf32, #tpu.memory_space<hbm>>) target(%dma_start3A_738 : memref<50x64xf32, #tpu.memory_space<vmem>>) offsets(%dma_start3A_741 : memref<50xi32, #tpu.memory_space<vmem>>) semaphore(%arg7 : memref<!tpu.dma_semaphore, #tpu.memory_space<semaphore_mem>>)
    %dma_start3A_745 = arith.constant 37 : i32
    %dma_start3A_746 = arith.constant 0 : i32
    %dma_start3A_747 = arith.constant 5 : i32
    %dma_start3A_748 = arith.constant 0 : i32
    %dma_start3A_749 = arith.constant 0 : i32
    %dma_start3A_750 = tpu.memref_slice %arg6[%dma_start3A_746, %dma_start3A_747, %dma_start3A_748, %dma_start3A_749] : memref<4x8x50x64xf32, #tpu.memory_space<vmem>> -> memref<1x1x50x64xf32, #tpu.memory_space<vmem>>
    %dma_start3A_751 = tpu.memref_squeeze %dma_start3A_750 : memref<1x1x50x64xf32, #tpu.memory_space<vmem>> -> memref<50x64xf32, #tpu.memory_space<vmem>>
    %dma_start3A_752 = arith.constant 0 : i32
    %dma_start3A_753 = tpu.memref_slice %arg5[%dma_start3A_745, %dma_start3A_752] : memref<512x50xi32, #tpu.memory_space<vmem>> -> memref<1x50xi32, #tpu.memory_space<vmem>>
    %dma_start3A_754 = tpu.memref_squeeze %dma_start3A_753 : memref<1x50xi32, #tpu.memory_space<vmem>> -> memref<50xi32, #tpu.memory_space<vmem>>
    %dma_start3A_755 = arith.constant 0 : i32
    %dma_start3A_756 = arith.constant 0 : i32
    %dma_start3A_757 = tpu.memref_slice %arg3[%dma_start3A_755, %dma_start3A_756] : memref<2000000x64xf32, #tpu.memory_space<hbm>> -> memref<2000000x64xf32, #tpu.memory_space<hbm>>
    tpu.enqueue_indirect_dma source(%dma_start3A_757 : memref<2000000x64xf32, #tpu.memory_space<hbm>>) target(%dma_start3A_751 : memref<50x64xf32, #tpu.memory_space<vmem>>) offsets(%dma_start3A_754 : memref<50xi32, #tpu.memory_space<vmem>>) semaphore(%arg7 : memref<!tpu.dma_semaphore, #tpu.memory_space<semaphore_mem>>)
    %dma_start3A_758 = arith.constant 38 : i32
    %dma_start3A_759 = arith.constant 0 : i32
    %dma_start3A_760 = arith.constant 6 : i32
    %dma_start3A_761 = arith.constant 0 : i32
    %dma_start3A_762 = arith.constant 0 : i32
    %dma_start3A_763 = tpu.memref_slice %arg6[%dma_start3A_759, %dma_start3A_760, %dma_start3A_761, %dma_start3A_762] : memref<4x8x50x64xf32, #tpu.memory_space<vmem>> -> memref<1x1x50x64xf32, #tpu.memory_space<vmem>>
    %dma_start3A_764 = tpu.memref_squeeze %dma_start3A_763 : memref<1x1x50x64xf32, #tpu.memory_space<vmem>> -> memref<50x64xf32, #tpu.memory_space<vmem>>
    %dma_start3A_765 = arith.constant 0 : i32
    %dma_start3A_766 = tpu.memref_slice %arg5[%dma_start3A_758, %dma_start3A_765] : memref<512x50xi32, #tpu.memory_space<vmem>> -> memref<1x50xi32, #tpu.memory_space<vmem>>
    %dma_start3A_767 = tpu.memref_squeeze %dma_start3A_766 : memref<1x50xi32, #tpu.memory_space<vmem>> -> memref<50xi32, #tpu.memory_space<vmem>>
    %dma_start3A_768 = arith.constant 0 : i32
    %dma_start3A_769 = arith.constant 0 : i32
    %dma_start3A_770 = tpu.memref_slice %arg3[%dma_start3A_768, %dma_start3A_769] : memref<2000000x64xf32, #tpu.memory_space<hbm>> -> memref<2000000x64xf32, #tpu.memory_space<hbm>>
    tpu.enqueue_indirect_dma source(%dma_start3A_770 : memref<2000000x64xf32, #tpu.memory_space<hbm>>) target(%dma_start3A_764 : memref<50x64xf32, #tpu.memory_space<vmem>>) offsets(%dma_start3A_767 : memref<50xi32, #tpu.memory_space<vmem>>) semaphore(%arg7 : memref<!tpu.dma_semaphore, #tpu.memory_space<semaphore_mem>>)
    %dma_start3A_771 = arith.constant 39 : i32
    %dma_start3A_772 = arith.constant 0 : i32
    %dma_start3A_773 = arith.constant 7 : i32
    %dma_start3A_774 = arith.constant 0 : i32
    %dma_start3A_775 = arith.constant 0 : i32
    %dma_start3A_776 = tpu.memref_slice %arg6[%dma_start3A_772, %dma_start3A_773, %dma_start3A_774, %dma_start3A_775] : memref<4x8x50x64xf32, #tpu.memory_space<vmem>> -> memref<1x1x50x64xf32, #tpu.memory_space<vmem>>
    %dma_start3A_777 = tpu.memref_squeeze %dma_start3A_776 : memref<1x1x50x64xf32, #tpu.memory_space<vmem>> -> memref<50x64xf32, #tpu.memory_space<vmem>>
    %dma_start3A_778 = arith.constant 0 : i32
    %dma_start3A_779 = tpu.memref_slice %arg5[%dma_start3A_771, %dma_start3A_778] : memref<512x50xi32, #tpu.memory_space<vmem>> -> memref<1x50xi32, #tpu.memory_space<vmem>>
    %dma_start3A_780 = tpu.memref_squeeze %dma_start3A_779 : memref<1x50xi32, #tpu.memory_space<vmem>> -> memref<50xi32, #tpu.memory_space<vmem>>
    %dma_start3A_781 = arith.constant 0 : i32
    %dma_start3A_782 = arith.constant 0 : i32
    %dma_start3A_783 = tpu.memref_slice %arg3[%dma_start3A_781, %dma_start3A_782] : memref<2000000x64xf32, #tpu.memory_space<hbm>> -> memref<2000000x64xf32, #tpu.memory_space<hbm>>
    tpu.enqueue_indirect_dma source(%dma_start3A_783 : memref<2000000x64xf32, #tpu.memory_space<hbm>>) target(%dma_start3A_777 : memref<50x64xf32, #tpu.memory_space<vmem>>) offsets(%dma_start3A_780 : memref<50xi32, #tpu.memory_space<vmem>>) semaphore(%arg7 : memref<!tpu.dma_semaphore, #tpu.memory_space<semaphore_mem>>)
    %dma_wait3A_784 = arith.constant 0 : i32
    %dma_wait3A_785 = arith.constant 2 : i32
    %dma_wait3A_786 = arith.constant 0 : i32
    %dma_wait3A_787 = arith.constant 0 : i32
    %dma_wait3A_788 = arith.constant 0 : i32
    %dma_wait3A_789 = tpu.memref_slice %arg6[%dma_wait3A_785, %dma_wait3A_786, %dma_wait3A_787, %dma_wait3A_788] : memref<4x8x50x64xf32, #tpu.memory_space<vmem>> -> memref<1x1x50x64xf32, #tpu.memory_space<vmem>>
    %dma_wait3A_790 = tpu.memref_squeeze %dma_wait3A_789 : memref<1x1x50x64xf32, #tpu.memory_space<vmem>> -> memref<50x64xf32, #tpu.memory_space<vmem>>
    %dma_wait3A_791 = arith.constant 0 : i32
    %dma_wait3A_792 = tpu.memref_slice %arg5[%dma_wait3A_784, %dma_wait3A_791] : memref<512x50xi32, #tpu.memory_space<vmem>> -> memref<1x50xi32, #tpu.memory_space<vmem>>
    %dma_wait3A_793 = tpu.memref_squeeze %dma_wait3A_792 : memref<1x50xi32, #tpu.memory_space<vmem>> -> memref<50xi32, #tpu.memory_space<vmem>>
    %dma_wait3A_794 = arith.constant 0 : i32
    %dma_wait3A_795 = arith.constant 0 : i32
    %dma_wait3A_796 = tpu.memref_slice %arg3[%dma_wait3A_794, %dma_wait3A_795] : memref<2000000x64xf32, #tpu.memory_space<hbm>> -> memref<2000000x64xf32, #tpu.memory_space<hbm>>
    tpu.wait_indirect_dma semaphore(%arg9 : memref<!tpu.dma_semaphore, #tpu.memory_space<semaphore_mem>>) src(%dma_wait3A_796 : memref<2000000x64xf32, #tpu.memory_space<hbm>>) dst(%dma_wait3A_790 : memref<50x64xf32, #tpu.memory_space<vmem>>)
    %dma_wait3A_797 = arith.constant 0 : i32
    %dma_wait3A_798 = arith.constant 2 : i32
    %dma_wait3A_799 = arith.constant 1 : i32
    %dma_wait3A_800 = arith.constant 0 : i32
    %dma_wait3A_801 = arith.constant 0 : i32
    %dma_wait3A_802 = tpu.memref_slice %arg6[%dma_wait3A_798, %dma_wait3A_799, %dma_wait3A_800, %dma_wait3A_801] : memref<4x8x50x64xf32, #tpu.memory_space<vmem>> -> memref<1x1x50x64xf32, #tpu.memory_space<vmem>>
    %dma_wait3A_803 = tpu.memref_squeeze %dma_wait3A_802 : memref<1x1x50x64xf32, #tpu.memory_space<vmem>> -> memref<50x64xf32, #tpu.memory_space<vmem>>
    %dma_wait3A_804 = arith.constant 0 : i32
    %dma_wait3A_805 = tpu.memref_slice %arg5[%dma_wait3A_797, %dma_wait3A_804] : memref<512x50xi32, #tpu.memory_space<vmem>> -> memref<1x50xi32, #tpu.memory_space<vmem>>
    %dma_wait3A_806 = tpu.memref_squeeze %dma_wait3A_805 : memref<1x50xi32, #tpu.memory_space<vmem>> -> memref<50xi32, #tpu.memory_space<vmem>>
    %dma_wait3A_807 = arith.constant 0 : i32
    %dma_wait3A_808 = arith.constant 0 : i32
    %dma_wait3A_809 = tpu.memref_slice %arg3[%dma_wait3A_807, %dma_wait3A_808] : memref<2000000x64xf32, #tpu.memory_space<hbm>> -> memref<2000000x64xf32, #tpu.memory_space<hbm>>
    tpu.wait_indirect_dma semaphore(%arg9 : memref<!tpu.dma_semaphore, #tpu.memory_space<semaphore_mem>>) src(%dma_wait3A_809 : memref<2000000x64xf32, #tpu.memory_space<hbm>>) dst(%dma_wait3A_803 : memref<50x64xf32, #tpu.memory_space<vmem>>)
    %dma_wait3A_810 = arith.constant 0 : i32
    %dma_wait3A_811 = arith.constant 2 : i32
    %dma_wait3A_812 = arith.constant 2 : i32
    %dma_wait3A_813 = arith.constant 0 : i32
    %dma_wait3A_814 = arith.constant 0 : i32
    %dma_wait3A_815 = tpu.memref_slice %arg6[%dma_wait3A_811, %dma_wait3A_812, %dma_wait3A_813, %dma_wait3A_814] : memref<4x8x50x64xf32, #tpu.memory_space<vmem>> -> memref<1x1x50x64xf32, #tpu.memory_space<vmem>>
    %dma_wait3A_816 = tpu.memref_squeeze %dma_wait3A_815 : memref<1x1x50x64xf32, #tpu.memory_space<vmem>> -> memref<50x64xf32, #tpu.memory_space<vmem>>
    %dma_wait3A_817 = arith.constant 0 : i32
    %dma_wait3A_818 = tpu.memref_slice %arg5[%dma_wait3A_810, %dma_wait3A_817] : memref<512x50xi32, #tpu.memory_space<vmem>> -> memref<1x50xi32, #tpu.memory_space<vmem>>
    %dma_wait3A_819 = tpu.memref_squeeze %dma_wait3A_818 : memref<1x50xi32, #tpu.memory_space<vmem>> -> memref<50xi32, #tpu.memory_space<vmem>>
    %dma_wait3A_820 = arith.constant 0 : i32
    %dma_wait3A_821 = arith.constant 0 : i32
    %dma_wait3A_822 = tpu.memref_slice %arg3[%dma_wait3A_820, %dma_wait3A_821] : memref<2000000x64xf32, #tpu.memory_space<hbm>> -> memref<2000000x64xf32, #tpu.memory_space<hbm>>
    tpu.wait_indirect_dma semaphore(%arg9 : memref<!tpu.dma_semaphore, #tpu.memory_space<semaphore_mem>>) src(%dma_wait3A_822 : memref<2000000x64xf32, #tpu.memory_space<hbm>>) dst(%dma_wait3A_816 : memref<50x64xf32, #tpu.memory_space<vmem>>)
    %dma_wait3A_823 = arith.constant 0 : i32
    %dma_wait3A_824 = arith.constant 2 : i32
    %dma_wait3A_825 = arith.constant 3 : i32
    %dma_wait3A_826 = arith.constant 0 : i32
    %dma_wait3A_827 = arith.constant 0 : i32
    %dma_wait3A_828 = tpu.memref_slice %arg6[%dma_wait3A_824, %dma_wait3A_825, %dma_wait3A_826, %dma_wait3A_827] : memref<4x8x50x64xf32, #tpu.memory_space<vmem>> -> memref<1x1x50x64xf32, #tpu.memory_space<vmem>>
    %dma_wait3A_829 = tpu.memref_squeeze %dma_wait3A_828 : memref<1x1x50x64xf32, #tpu.memory_space<vmem>> -> memref<50x64xf32, #tpu.memory_space<vmem>>
    %dma_wait3A_830 = arith.constant 0 : i32
    %dma_wait3A_831 = tpu.memref_slice %arg5[%dma_wait3A_823, %dma_wait3A_830] : memref<512x50xi32, #tpu.memory_space<vmem>> -> memref<1x50xi32, #tpu.memory_space<vmem>>
    %dma_wait3A_832 = tpu.memref_squeeze %dma_wait3A_831 : memref<1x50xi32, #tpu.memory_space<vmem>> -> memref<50xi32, #tpu.memory_space<vmem>>
    %dma_wait3A_833 = arith.constant 0 : i32
    %dma_wait3A_834 = arith.constant 0 : i32
    %dma_wait3A_835 = tpu.memref_slice %arg3[%dma_wait3A_833, %dma_wait3A_834] : memref<2000000x64xf32, #tpu.memory_space<hbm>> -> memref<2000000x64xf32, #tpu.memory_space<hbm>>
    tpu.wait_indirect_dma semaphore(%arg9 : memref<!tpu.dma_semaphore, #tpu.memory_space<semaphore_mem>>) src(%dma_wait3A_835 : memref<2000000x64xf32, #tpu.memory_space<hbm>>) dst(%dma_wait3A_829 : memref<50x64xf32, #tpu.memory_space<vmem>>)
    %dma_wait3A_836 = arith.constant 0 : i32
    %dma_wait3A_837 = arith.constant 2 : i32
    %dma_wait3A_838 = arith.constant 4 : i32
    %dma_wait3A_839 = arith.constant 0 : i32
    %dma_wait3A_840 = arith.constant 0 : i32
    %dma_wait3A_841 = tpu.memref_slice %arg6[%dma_wait3A_837, %dma_wait3A_838, %dma_wait3A_839, %dma_wait3A_840] : memref<4x8x50x64xf32, #tpu.memory_space<vmem>> -> memref<1x1x50x64xf32, #tpu.memory_space<vmem>>
    %dma_wait3A_842 = tpu.memref_squeeze %dma_wait3A_841 : memref<1x1x50x64xf32, #tpu.memory_space<vmem>> -> memref<50x64xf32, #tpu.memory_space<vmem>>
    %dma_wait3A_843 = arith.constant 0 : i32
    %dma_wait3A_844 = tpu.memref_slice %arg5[%dma_wait3A_836, %dma_wait3A_843] : memref<512x50xi32, #tpu.memory_space<vmem>> -> memref<1x50xi32, #tpu.memory_space<vmem>>
    %dma_wait3A_845 = tpu.memref_squeeze %dma_wait3A_844 : memref<1x50xi32, #tpu.memory_space<vmem>> -> memref<50xi32, #tpu.memory_space<vmem>>
    %dma_wait3A_846 = arith.constant 0 : i32
    %dma_wait3A_847 = arith.constant 0 : i32
    %dma_wait3A_848 = tpu.memref_slice %arg3[%dma_wait3A_846, %dma_wait3A_847] : memref<2000000x64xf32, #tpu.memory_space<hbm>> -> memref<2000000x64xf32, #tpu.memory_space<hbm>>
    tpu.wait_indirect_dma semaphore(%arg9 : memref<!tpu.dma_semaphore, #tpu.memory_space<semaphore_mem>>) src(%dma_wait3A_848 : memref<2000000x64xf32, #tpu.memory_space<hbm>>) dst(%dma_wait3A_842 : memref<50x64xf32, #tpu.memory_space<vmem>>)
    %dma_wait3A_849 = arith.constant 0 : i32
    %dma_wait3A_850 = arith.constant 2 : i32
    %dma_wait3A_851 = arith.constant 5 : i32
    %dma_wait3A_852 = arith.constant 0 : i32
    %dma_wait3A_853 = arith.constant 0 : i32
    %dma_wait3A_854 = tpu.memref_slice %arg6[%dma_wait3A_850, %dma_wait3A_851, %dma_wait3A_852, %dma_wait3A_853] : memref<4x8x50x64xf32, #tpu.memory_space<vmem>> -> memref<1x1x50x64xf32, #tpu.memory_space<vmem>>
    %dma_wait3A_855 = tpu.memref_squeeze %dma_wait3A_854 : memref<1x1x50x64xf32, #tpu.memory_space<vmem>> -> memref<50x64xf32, #tpu.memory_space<vmem>>
    %dma_wait3A_856 = arith.constant 0 : i32
    %dma_wait3A_857 = tpu.memref_slice %arg5[%dma_wait3A_849, %dma_wait3A_856] : memref<512x50xi32, #tpu.memory_space<vmem>> -> memref<1x50xi32, #tpu.memory_space<vmem>>
    %dma_wait3A_858 = tpu.memref_squeeze %dma_wait3A_857 : memref<1x50xi32, #tpu.memory_space<vmem>> -> memref<50xi32, #tpu.memory_space<vmem>>
    %dma_wait3A_859 = arith.constant 0 : i32
    %dma_wait3A_860 = arith.constant 0 : i32
    %dma_wait3A_861 = tpu.memref_slice %arg3[%dma_wait3A_859, %dma_wait3A_860] : memref<2000000x64xf32, #tpu.memory_space<hbm>> -> memref<2000000x64xf32, #tpu.memory_space<hbm>>
    tpu.wait_indirect_dma semaphore(%arg9 : memref<!tpu.dma_semaphore, #tpu.memory_space<semaphore_mem>>) src(%dma_wait3A_861 : memref<2000000x64xf32, #tpu.memory_space<hbm>>) dst(%dma_wait3A_855 : memref<50x64xf32, #tpu.memory_space<vmem>>)
    %dma_wait3A_862 = arith.constant 0 : i32
    %dma_wait3A_863 = arith.constant 2 : i32
    %dma_wait3A_864 = arith.constant 6 : i32
    %dma_wait3A_865 = arith.constant 0 : i32
    %dma_wait3A_866 = arith.constant 0 : i32
    %dma_wait3A_867 = tpu.memref_slice %arg6[%dma_wait3A_863, %dma_wait3A_864, %dma_wait3A_865, %dma_wait3A_866] : memref<4x8x50x64xf32, #tpu.memory_space<vmem>> -> memref<1x1x50x64xf32, #tpu.memory_space<vmem>>
    %dma_wait3A_868 = tpu.memref_squeeze %dma_wait3A_867 : memref<1x1x50x64xf32, #tpu.memory_space<vmem>> -> memref<50x64xf32, #tpu.memory_space<vmem>>
    %dma_wait3A_869 = arith.constant 0 : i32
    %dma_wait3A_870 = tpu.memref_slice %arg5[%dma_wait3A_862, %dma_wait3A_869] : memref<512x50xi32, #tpu.memory_space<vmem>> -> memref<1x50xi32, #tpu.memory_space<vmem>>
    %dma_wait3A_871 = tpu.memref_squeeze %dma_wait3A_870 : memref<1x50xi32, #tpu.memory_space<vmem>> -> memref<50xi32, #tpu.memory_space<vmem>>
    %dma_wait3A_872 = arith.constant 0 : i32
    %dma_wait3A_873 = arith.constant 0 : i32
    %dma_wait3A_874 = tpu.memref_slice %arg3[%dma_wait3A_872, %dma_wait3A_873] : memref<2000000x64xf32, #tpu.memory_space<hbm>> -> memref<2000000x64xf32, #tpu.memory_space<hbm>>
    tpu.wait_indirect_dma semaphore(%arg9 : memref<!tpu.dma_semaphore, #tpu.memory_space<semaphore_mem>>) src(%dma_wait3A_874 : memref<2000000x64xf32, #tpu.memory_space<hbm>>) dst(%dma_wait3A_868 : memref<50x64xf32, #tpu.memory_space<vmem>>)
    %dma_wait3A_875 = arith.constant 0 : i32
    %dma_wait3A_876 = arith.constant 2 : i32
    %dma_wait3A_877 = arith.constant 7 : i32
    %dma_wait3A_878 = arith.constant 0 : i32
    %dma_wait3A_879 = arith.constant 0 : i32
    %dma_wait3A_880 = tpu.memref_slice %arg6[%dma_wait3A_876, %dma_wait3A_877, %dma_wait3A_878, %dma_wait3A_879] : memref<4x8x50x64xf32, #tpu.memory_space<vmem>> -> memref<1x1x50x64xf32, #tpu.memory_space<vmem>>
    %dma_wait3A_881 = tpu.memref_squeeze %dma_wait3A_880 : memref<1x1x50x64xf32, #tpu.memory_space<vmem>> -> memref<50x64xf32, #tpu.memory_space<vmem>>
    %dma_wait3A_882 = arith.constant 0 : i32
    %dma_wait3A_883 = tpu.memref_slice %arg5[%dma_wait3A_875, %dma_wait3A_882] : memref<512x50xi32, #tpu.memory_space<vmem>> -> memref<1x50xi32, #tpu.memory_space<vmem>>
    %dma_wait3A_884 = tpu.memref_squeeze %dma_wait3A_883 : memref<1x50xi32, #tpu.memory_space<vmem>> -> memref<50xi32, #tpu.memory_space<vmem>>
    %dma_wait3A_885 = arith.constant 0 : i32
    %dma_wait3A_886 = arith.constant 0 : i32
    %dma_wait3A_887 = tpu.memref_slice %arg3[%dma_wait3A_885, %dma_wait3A_886] : memref<2000000x64xf32, #tpu.memory_space<hbm>> -> memref<2000000x64xf32, #tpu.memory_space<hbm>>
    tpu.wait_indirect_dma semaphore(%arg9 : memref<!tpu.dma_semaphore, #tpu.memory_space<semaphore_mem>>) src(%dma_wait3A_887 : memref<2000000x64xf32, #tpu.memory_space<hbm>>) dst(%dma_wait3A_881 : memref<50x64xf32, #tpu.memory_space<vmem>>)
    %add3A_888 = arith.constant 16 : i32
    %add3A_889 = arith.addi %mul3A_2, %add3A_888 : i32
    %dma_start3A_890 = arith.constant 2 : i32
    %dma_start3A_891 = arith.constant 0 : i32
    %dma_start3A_892 = arith.constant 0 : i32
    %dma_start3A_893 = arith.constant 0 : i32
    %dma_start3A_894 = tpu.memref_slice %arg6[%dma_start3A_890, %dma_start3A_891, %dma_start3A_892, %dma_start3A_893] : memref<4x8x50x64xf32, #tpu.memory_space<vmem>> -> memref<1x8x50x64xf32, #tpu.memory_space<vmem>>
    %dma_start3A_895 = tpu.memref_squeeze %dma_start3A_894 : memref<1x8x50x64xf32, #tpu.memory_space<vmem>> -> memref<8x50x64xf32, #tpu.memory_space<vmem>>
    %dma_start3A_896 = arith.constant 0 : i32
    %dma_start3A_897 = arith.constant 0 : i32
    %dma_start3A_898 = tpu.memref_slice %arg4[%add3A_889, %dma_start3A_896, %dma_start3A_897] : memref<16384x56x128xf32, #tpu.memory_space<hbm>> -> memref<8x50x64xf32, #tpu.memory_space<hbm>>
    %dma_start3A_899 = arith.constant 0 : i32
    %dma_start3A_900 = arith.constant 0 : i32
    %dma_start3A_901 = tpu.memref_slice %arg4[%add3A_889, %dma_start3A_899, %dma_start3A_900] : memref<16384x56x128xf32, #tpu.memory_space<hbm>> -> memref<8x50x64xf32, #tpu.memory_space<hbm>>
    %dma_start3A_902 = arith.constant 0 : i32
    %dma_start3A_903 = arith.constant 0 : i32
    %dma_start3A_904 = arith.constant 0 : i32
    %dma_start3A_905 = tpu.memref_slice %arg6[%dma_start3A_890, %dma_start3A_902, %dma_start3A_903, %dma_start3A_904] : memref<4x8x50x64xf32, #tpu.memory_space<vmem>> -> memref<1x8x50x64xf32, #tpu.memory_space<vmem>>
    %dma_start3A_906 = tpu.memref_squeeze %dma_start3A_905 : memref<1x8x50x64xf32, #tpu.memory_space<vmem>> -> memref<8x50x64xf32, #tpu.memory_space<vmem>>
    tpu.enqueue_dma source(%dma_start3A_906 : memref<8x50x64xf32, #tpu.memory_space<vmem>>) target(%dma_start3A_901 : memref<8x50x64xf32, #tpu.memory_space<hbm>>) target_semaphore(%arg13 : memref<!tpu.dma_semaphore, #tpu.memory_space<semaphore_mem>>)
    %dma_wait3A_907 = arith.constant 1 : i32
    %dma_wait3A_908 = arith.constant 0 : i32
    %dma_wait3A_909 = arith.constant 0 : i32
    %dma_wait3A_910 = arith.constant 0 : i32
    %dma_wait3A_911 = tpu.memref_slice %arg6[%dma_wait3A_907, %dma_wait3A_908, %dma_wait3A_909, %dma_wait3A_910] : memref<4x8x50x64xf32, #tpu.memory_space<vmem>> -> memref<1x8x50x64xf32, #tpu.memory_space<vmem>>
    %dma_wait3A_912 = tpu.memref_squeeze %dma_wait3A_911 : memref<1x8x50x64xf32, #tpu.memory_space<vmem>> -> memref<8x50x64xf32, #tpu.memory_space<vmem>>
    %dma_wait3A_913 = arith.constant 0 : i32
    %dma_wait3A_914 = arith.constant 0 : i32
    %dma_wait3A_915 = tpu.memref_slice %arg4[%mul3A_2, %dma_wait3A_913, %dma_wait3A_914] : memref<16384x56x128xf32, #tpu.memory_space<hbm>> -> memref<8x50x64xf32, #tpu.memory_space<hbm>>
    %dma_wait3A_916 = arith.constant 0 : i32
    %dma_wait3A_917 = arith.constant 0 : i32
    %dma_wait3A_918 = tpu.memref_slice %arg4[%mul3A_2, %dma_wait3A_916, %dma_wait3A_917] : memref<16384x56x128xf32, #tpu.memory_space<hbm>> -> memref<8x50x64xf32, #tpu.memory_space<hbm>>
    %dma_wait3A_919 = arith.constant 0 : i32
    %dma_wait3A_920 = arith.constant 0 : i32
    %dma_wait3A_921 = arith.constant 0 : i32
    %dma_wait3A_922 = tpu.memref_slice %arg6[%dma_wait3A_907, %dma_wait3A_919, %dma_wait3A_920, %dma_wait3A_921] : memref<4x8x50x64xf32, #tpu.memory_space<vmem>> -> memref<1x8x50x64xf32, #tpu.memory_space<vmem>>
    %dma_wait3A_923 = tpu.memref_squeeze %dma_wait3A_922 : memref<1x8x50x64xf32, #tpu.memory_space<vmem>> -> memref<8x50x64xf32, #tpu.memory_space<vmem>>
    tpu.wait_dma2 semaphore(%arg12 : memref<!tpu.dma_semaphore, #tpu.memory_space<semaphore_mem>>) src(%dma_wait3A_923 : memref<8x50x64xf32, #tpu.memory_space<vmem>>) dst(%dma_wait3A_918 : memref<8x50x64xf32, #tpu.memory_space<hbm>>)
    %dma_start3A_924 = arith.constant 40 : i32
    %dma_start3A_925 = arith.constant 1 : i32
    %dma_start3A_926 = arith.constant 0 : i32
    %dma_start3A_927 = arith.constant 0 : i32
    %dma_start3A_928 = arith.constant 0 : i32
    %dma_start3A_929 = tpu.memref_slice %arg6[%dma_start3A_925, %dma_start3A_926, %dma_start3A_927, %dma_start3A_928] : memref<4x8x50x64xf32, #tpu.memory_space<vmem>> -> memref<1x1x50x64xf32, #tpu.memory_space<vmem>>
    %dma_start3A_930 = tpu.memref_squeeze %dma_start3A_929 : memref<1x1x50x64xf32, #tpu.memory_space<vmem>> -> memref<50x64xf32, #tpu.memory_space<vmem>>
    %dma_start3A_931 = arith.constant 0 : i32
    %dma_start3A_932 = tpu.memref_slice %arg5[%dma_start3A_924, %dma_start3A_931] : memref<512x50xi32, #tpu.memory_space<vmem>> -> memref<1x50xi32, #tpu.memory_space<vmem>>
    %dma_start3A_933 = tpu.memref_squeeze %dma_start3A_932 : memref<1x50xi32, #tpu.memory_space<vmem>> -> memref<50xi32, #tpu.memory_space<vmem>>
    %dma_start3A_934 = arith.constant 0 : i32
    %dma_start3A_935 = arith.constant 0 : i32
    %dma_start3A_936 = tpu.memref_slice %arg3[%dma_start3A_934, %dma_start3A_935] : memref<2000000x64xf32, #tpu.memory_space<hbm>> -> memref<2000000x64xf32, #tpu.memory_space<hbm>>
    tpu.enqueue_indirect_dma source(%dma_start3A_936 : memref<2000000x64xf32, #tpu.memory_space<hbm>>) target(%dma_start3A_930 : memref<50x64xf32, #tpu.memory_space<vmem>>) offsets(%dma_start3A_933 : memref<50xi32, #tpu.memory_space<vmem>>) semaphore(%arg8 : memref<!tpu.dma_semaphore, #tpu.memory_space<semaphore_mem>>)
    %dma_start3A_937 = arith.constant 41 : i32
    %dma_start3A_938 = arith.constant 1 : i32
    %dma_start3A_939 = arith.constant 1 : i32
    %dma_start3A_940 = arith.constant 0 : i32
    %dma_start3A_941 = arith.constant 0 : i32
    %dma_start3A_942 = tpu.memref_slice %arg6[%dma_start3A_938, %dma_start3A_939, %dma_start3A_940, %dma_start3A_941] : memref<4x8x50x64xf32, #tpu.memory_space<vmem>> -> memref<1x1x50x64xf32, #tpu.memory_space<vmem>>
    %dma_start3A_943 = tpu.memref_squeeze %dma_start3A_942 : memref<1x1x50x64xf32, #tpu.memory_space<vmem>> -> memref<50x64xf32, #tpu.memory_space<vmem>>
    %dma_start3A_944 = arith.constant 0 : i32
    %dma_start3A_945 = tpu.memref_slice %arg5[%dma_start3A_937, %dma_start3A_944] : memref<512x50xi32, #tpu.memory_space<vmem>> -> memref<1x50xi32, #tpu.memory_space<vmem>>
    %dma_start3A_946 = tpu.memref_squeeze %dma_start3A_945 : memref<1x50xi32, #tpu.memory_space<vmem>> -> memref<50xi32, #tpu.memory_space<vmem>>
    %dma_start3A_947 = arith.constant 0 : i32
    %dma_start3A_948 = arith.constant 0 : i32
    %dma_start3A_949 = tpu.memref_slice %arg3[%dma_start3A_947, %dma_start3A_948] : memref<2000000x64xf32, #tpu.memory_space<hbm>> -> memref<2000000x64xf32, #tpu.memory_space<hbm>>
    tpu.enqueue_indirect_dma source(%dma_start3A_949 : memref<2000000x64xf32, #tpu.memory_space<hbm>>) target(%dma_start3A_943 : memref<50x64xf32, #tpu.memory_space<vmem>>) offsets(%dma_start3A_946 : memref<50xi32, #tpu.memory_space<vmem>>) semaphore(%arg8 : memref<!tpu.dma_semaphore, #tpu.memory_space<semaphore_mem>>)
    %dma_start3A_950 = arith.constant 42 : i32
    %dma_start3A_951 = arith.constant 1 : i32
    %dma_start3A_952 = arith.constant 2 : i32
    %dma_start3A_953 = arith.constant 0 : i32
    %dma_start3A_954 = arith.constant 0 : i32
    %dma_start3A_955 = tpu.memref_slice %arg6[%dma_start3A_951, %dma_start3A_952, %dma_start3A_953, %dma_start3A_954] : memref<4x8x50x64xf32, #tpu.memory_space<vmem>> -> memref<1x1x50x64xf32, #tpu.memory_space<vmem>>
    %dma_start3A_956 = tpu.memref_squeeze %dma_start3A_955 : memref<1x1x50x64xf32, #tpu.memory_space<vmem>> -> memref<50x64xf32, #tpu.memory_space<vmem>>
    %dma_start3A_957 = arith.constant 0 : i32
    %dma_start3A_958 = tpu.memref_slice %arg5[%dma_start3A_950, %dma_start3A_957] : memref<512x50xi32, #tpu.memory_space<vmem>> -> memref<1x50xi32, #tpu.memory_space<vmem>>
    %dma_start3A_959 = tpu.memref_squeeze %dma_start3A_958 : memref<1x50xi32, #tpu.memory_space<vmem>> -> memref<50xi32, #tpu.memory_space<vmem>>
    %dma_start3A_960 = arith.constant 0 : i32
    %dma_start3A_961 = arith.constant 0 : i32
    %dma_start3A_962 = tpu.memref_slice %arg3[%dma_start3A_960, %dma_start3A_961] : memref<2000000x64xf32, #tpu.memory_space<hbm>> -> memref<2000000x64xf32, #tpu.memory_space<hbm>>
    tpu.enqueue_indirect_dma source(%dma_start3A_962 : memref<2000000x64xf32, #tpu.memory_space<hbm>>) target(%dma_start3A_956 : memref<50x64xf32, #tpu.memory_space<vmem>>) offsets(%dma_start3A_959 : memref<50xi32, #tpu.memory_space<vmem>>) semaphore(%arg8 : memref<!tpu.dma_semaphore, #tpu.memory_space<semaphore_mem>>)
    %dma_start3A_963 = arith.constant 43 : i32
    %dma_start3A_964 = arith.constant 1 : i32
    %dma_start3A_965 = arith.constant 3 : i32
    %dma_start3A_966 = arith.constant 0 : i32
    %dma_start3A_967 = arith.constant 0 : i32
    %dma_start3A_968 = tpu.memref_slice %arg6[%dma_start3A_964, %dma_start3A_965, %dma_start3A_966, %dma_start3A_967] : memref<4x8x50x64xf32, #tpu.memory_space<vmem>> -> memref<1x1x50x64xf32, #tpu.memory_space<vmem>>
    %dma_start3A_969 = tpu.memref_squeeze %dma_start3A_968 : memref<1x1x50x64xf32, #tpu.memory_space<vmem>> -> memref<50x64xf32, #tpu.memory_space<vmem>>
    %dma_start3A_970 = arith.constant 0 : i32
    %dma_start3A_971 = tpu.memref_slice %arg5[%dma_start3A_963, %dma_start3A_970] : memref<512x50xi32, #tpu.memory_space<vmem>> -> memref<1x50xi32, #tpu.memory_space<vmem>>
    %dma_start3A_972 = tpu.memref_squeeze %dma_start3A_971 : memref<1x50xi32, #tpu.memory_space<vmem>> -> memref<50xi32, #tpu.memory_space<vmem>>
    %dma_start3A_973 = arith.constant 0 : i32
    %dma_start3A_974 = arith.constant 0 : i32
    %dma_start3A_975 = tpu.memref_slice %arg3[%dma_start3A_973, %dma_start3A_974] : memref<2000000x64xf32, #tpu.memory_space<hbm>> -> memref<2000000x64xf32, #tpu.memory_space<hbm>>
    tpu.enqueue_indirect_dma source(%dma_start3A_975 : memref<2000000x64xf32, #tpu.memory_space<hbm>>) target(%dma_start3A_969 : memref<50x64xf32, #tpu.memory_space<vmem>>) offsets(%dma_start3A_972 : memref<50xi32, #tpu.memory_space<vmem>>) semaphore(%arg8 : memref<!tpu.dma_semaphore, #tpu.memory_space<semaphore_mem>>)
    %dma_start3A_976 = arith.constant 44 : i32
    %dma_start3A_977 = arith.constant 1 : i32
    %dma_start3A_978 = arith.constant 4 : i32
    %dma_start3A_979 = arith.constant 0 : i32
    %dma_start3A_980 = arith.constant 0 : i32
    %dma_start3A_981 = tpu.memref_slice %arg6[%dma_start3A_977, %dma_start3A_978, %dma_start3A_979, %dma_start3A_980] : memref<4x8x50x64xf32, #tpu.memory_space<vmem>> -> memref<1x1x50x64xf32, #tpu.memory_space<vmem>>
    %dma_start3A_982 = tpu.memref_squeeze %dma_start3A_981 : memref<1x1x50x64xf32, #tpu.memory_space<vmem>> -> memref<50x64xf32, #tpu.memory_space<vmem>>
    %dma_start3A_983 = arith.constant 0 : i32
    %dma_start3A_984 = tpu.memref_slice %arg5[%dma_start3A_976, %dma_start3A_983] : memref<512x50xi32, #tpu.memory_space<vmem>> -> memref<1x50xi32, #tpu.memory_space<vmem>>
    %dma_start3A_985 = tpu.memref_squeeze %dma_start3A_984 : memref<1x50xi32, #tpu.memory_space<vmem>> -> memref<50xi32, #tpu.memory_space<vmem>>
    %dma_start3A_986 = arith.constant 0 : i32
    %dma_start3A_987 = arith.constant 0 : i32
    %dma_start3A_988 = tpu.memref_slice %arg3[%dma_start3A_986, %dma_start3A_987] : memref<2000000x64xf32, #tpu.memory_space<hbm>> -> memref<2000000x64xf32, #tpu.memory_space<hbm>>
    tpu.enqueue_indirect_dma source(%dma_start3A_988 : memref<2000000x64xf32, #tpu.memory_space<hbm>>) target(%dma_start3A_982 : memref<50x64xf32, #tpu.memory_space<vmem>>) offsets(%dma_start3A_985 : memref<50xi32, #tpu.memory_space<vmem>>) semaphore(%arg8 : memref<!tpu.dma_semaphore, #tpu.memory_space<semaphore_mem>>)
    %dma_start3A_989 = arith.constant 45 : i32
    %dma_start3A_990 = arith.constant 1 : i32
    %dma_start3A_991 = arith.constant 5 : i32
    %dma_start3A_992 = arith.constant 0 : i32
    %dma_start3A_993 = arith.constant 0 : i32
    %dma_start3A_994 = tpu.memref_slice %arg6[%dma_start3A_990, %dma_start3A_991, %dma_start3A_992, %dma_start3A_993] : memref<4x8x50x64xf32, #tpu.memory_space<vmem>> -> memref<1x1x50x64xf32, #tpu.memory_space<vmem>>
    %dma_start3A_995 = tpu.memref_squeeze %dma_start3A_994 : memref<1x1x50x64xf32, #tpu.memory_space<vmem>> -> memref<50x64xf32, #tpu.memory_space<vmem>>
    %dma_start3A_996 = arith.constant 0 : i32
    %dma_start3A_997 = tpu.memref_slice %arg5[%dma_start3A_989, %dma_start3A_996] : memref<512x50xi32, #tpu.memory_space<vmem>> -> memref<1x50xi32, #tpu.memory_space<vmem>>
    %dma_start3A_998 = tpu.memref_squeeze %dma_start3A_997 : memref<1x50xi32, #tpu.memory_space<vmem>> -> memref<50xi32, #tpu.memory_space<vmem>>
    %dma_start3A_999 = arith.constant 0 : i32
    %dma_start3A_1000 = arith.constant 0 : i32
    %dma_start3A_1001 = tpu.memref_slice %arg3[%dma_start3A_999, %dma_start3A_1000] : memref<2000000x64xf32, #tpu.memory_space<hbm>> -> memref<2000000x64xf32, #tpu.memory_space<hbm>>
    tpu.enqueue_indirect_dma source(%dma_start3A_1001 : memref<2000000x64xf32, #tpu.memory_space<hbm>>) target(%dma_start3A_995 : memref<50x64xf32, #tpu.memory_space<vmem>>) offsets(%dma_start3A_998 : memref<50xi32, #tpu.memory_space<vmem>>) semaphore(%arg8 : memref<!tpu.dma_semaphore, #tpu.memory_space<semaphore_mem>>)
    %dma_start3A_1002 = arith.constant 46 : i32
    %dma_start3A_1003 = arith.constant 1 : i32
    %dma_start3A_1004 = arith.constant 6 : i32
    %dma_start3A_1005 = arith.constant 0 : i32
    %dma_start3A_1006 = arith.constant 0 : i32
    %dma_start3A_1007 = tpu.memref_slice %arg6[%dma_start3A_1003, %dma_start3A_1004, %dma_start3A_1005, %dma_start3A_1006] : memref<4x8x50x64xf32, #tpu.memory_space<vmem>> -> memref<1x1x50x64xf32, #tpu.memory_space<vmem>>
    %dma_start3A_1008 = tpu.memref_squeeze %dma_start3A_1007 : memref<1x1x50x64xf32, #tpu.memory_space<vmem>> -> memref<50x64xf32, #tpu.memory_space<vmem>>
    %dma_start3A_1009 = arith.constant 0 : i32
    %dma_start3A_1010 = tpu.memref_slice %arg5[%dma_start3A_1002, %dma_start3A_1009] : memref<512x50xi32, #tpu.memory_space<vmem>> -> memref<1x50xi32, #tpu.memory_space<vmem>>
    %dma_start3A_1011 = tpu.memref_squeeze %dma_start3A_1010 : memref<1x50xi32, #tpu.memory_space<vmem>> -> memref<50xi32, #tpu.memory_space<vmem>>
    %dma_start3A_1012 = arith.constant 0 : i32
    %dma_start3A_1013 = arith.constant 0 : i32
    %dma_start3A_1014 = tpu.memref_slice %arg3[%dma_start3A_1012, %dma_start3A_1013] : memref<2000000x64xf32, #tpu.memory_space<hbm>> -> memref<2000000x64xf32, #tpu.memory_space<hbm>>
    tpu.enqueue_indirect_dma source(%dma_start3A_1014 : memref<2000000x64xf32, #tpu.memory_space<hbm>>) target(%dma_start3A_1008 : memref<50x64xf32, #tpu.memory_space<vmem>>) offsets(%dma_start3A_1011 : memref<50xi32, #tpu.memory_space<vmem>>) semaphore(%arg8 : memref<!tpu.dma_semaphore, #tpu.memory_space<semaphore_mem>>)
    %dma_start3A_1015 = arith.constant 47 : i32
    %dma_start3A_1016 = arith.constant 1 : i32
    %dma_start3A_1017 = arith.constant 7 : i32
    %dma_start3A_1018 = arith.constant 0 : i32
    %dma_start3A_1019 = arith.constant 0 : i32
    %dma_start3A_1020 = tpu.memref_slice %arg6[%dma_start3A_1016, %dma_start3A_1017, %dma_start3A_1018, %dma_start3A_1019] : memref<4x8x50x64xf32, #tpu.memory_space<vmem>> -> memref<1x1x50x64xf32, #tpu.memory_space<vmem>>
    %dma_start3A_1021 = tpu.memref_squeeze %dma_start3A_1020 : memref<1x1x50x64xf32, #tpu.memory_space<vmem>> -> memref<50x64xf32, #tpu.memory_space<vmem>>
    %dma_start3A_1022 = arith.constant 0 : i32
    %dma_start3A_1023 = tpu.memref_slice %arg5[%dma_start3A_1015, %dma_start3A_1022] : memref<512x50xi32, #tpu.memory_space<vmem>> -> memref<1x50xi32, #tpu.memory_space<vmem>>
    %dma_start3A_1024 = tpu.memref_squeeze %dma_start3A_1023 : memref<1x50xi32, #tpu.memory_space<vmem>> -> memref<50xi32, #tpu.memory_space<vmem>>
    %dma_start3A_1025 = arith.constant 0 : i32
    %dma_start3A_1026 = arith.constant 0 : i32
    %dma_start3A_1027 = tpu.memref_slice %arg3[%dma_start3A_1025, %dma_start3A_1026] : memref<2000000x64xf32, #tpu.memory_space<hbm>> -> memref<2000000x64xf32, #tpu.memory_space<hbm>>
    tpu.enqueue_indirect_dma source(%dma_start3A_1027 : memref<2000000x64xf32, #tpu.memory_space<hbm>>) target(%dma_start3A_1021 : memref<50x64xf32, #tpu.memory_space<vmem>>) offsets(%dma_start3A_1024 : memref<50xi32, #tpu.memory_space<vmem>>) semaphore(%arg8 : memref<!tpu.dma_semaphore, #tpu.memory_space<semaphore_mem>>)
    %dma_wait3A_1028 = arith.constant 0 : i32
    %dma_wait3A_1029 = arith.constant 3 : i32
    %dma_wait3A_1030 = arith.constant 0 : i32
    %dma_wait3A_1031 = arith.constant 0 : i32
    %dma_wait3A_1032 = arith.constant 0 : i32
    %dma_wait3A_1033 = tpu.memref_slice %arg6[%dma_wait3A_1029, %dma_wait3A_1030, %dma_wait3A_1031, %dma_wait3A_1032] : memref<4x8x50x64xf32, #tpu.memory_space<vmem>> -> memref<1x1x50x64xf32, #tpu.memory_space<vmem>>
    %dma_wait3A_1034 = tpu.memref_squeeze %dma_wait3A_1033 : memref<1x1x50x64xf32, #tpu.memory_space<vmem>> -> memref<50x64xf32, #tpu.memory_space<vmem>>
    %dma_wait3A_1035 = arith.constant 0 : i32
    %dma_wait3A_1036 = tpu.memref_slice %arg5[%dma_wait3A_1028, %dma_wait3A_1035] : memref<512x50xi32, #tpu.memory_space<vmem>> -> memref<1x50xi32, #tpu.memory_space<vmem>>
    %dma_wait3A_1037 = tpu.memref_squeeze %dma_wait3A_1036 : memref<1x50xi32, #tpu.memory_space<vmem>> -> memref<50xi32, #tpu.memory_space<vmem>>
    %dma_wait3A_1038 = arith.constant 0 : i32
    %dma_wait3A_1039 = arith.constant 0 : i32
    %dma_wait3A_1040 = tpu.memref_slice %arg3[%dma_wait3A_1038, %dma_wait3A_1039] : memref<2000000x64xf32, #tpu.memory_space<hbm>> -> memref<2000000x64xf32, #tpu.memory_space<hbm>>
    tpu.wait_indirect_dma semaphore(%arg10 : memref<!tpu.dma_semaphore, #tpu.memory_space<semaphore_mem>>) src(%dma_wait3A_1040 : memref<2000000x64xf32, #tpu.memory_space<hbm>>) dst(%dma_wait3A_1034 : memref<50x64xf32, #tpu.memory_space<vmem>>)
    %dma_wait3A_1041 = arith.constant 0 : i32
    %dma_wait3A_1042 = arith.constant 3 : i32
    %dma_wait3A_1043 = arith.constant 1 : i32
    %dma_wait3A_1044 = arith.constant 0 : i32
    %dma_wait3A_1045 = arith.constant 0 : i32
    %dma_wait3A_1046 = tpu.memref_slice %arg6[%dma_wait3A_1042, %dma_wait3A_1043, %dma_wait3A_1044, %dma_wait3A_1045] : memref<4x8x50x64xf32, #tpu.memory_space<vmem>> -> memref<1x1x50x64xf32, #tpu.memory_space<vmem>>
    %dma_wait3A_1047 = tpu.memref_squeeze %dma_wait3A_1046 : memref<1x1x50x64xf32, #tpu.memory_space<vmem>> -> memref<50x64xf32, #tpu.memory_space<vmem>>
    %dma_wait3A_1048 = arith.constant 0 : i32
    %dma_wait3A_1049 = tpu.memref_slice %arg5[%dma_wait3A_1041, %dma_wait3A_1048] : memref<512x50xi32, #tpu.memory_space<vmem>> -> memref<1x50xi32, #tpu.memory_space<vmem>>
    %dma_wait3A_1050 = tpu.memref_squeeze %dma_wait3A_1049 : memref<1x50xi32, #tpu.memory_space<vmem>> -> memref<50xi32, #tpu.memory_space<vmem>>
    %dma_wait3A_1051 = arith.constant 0 : i32
    %dma_wait3A_1052 = arith.constant 0 : i32
    %dma_wait3A_1053 = tpu.memref_slice %arg3[%dma_wait3A_1051, %dma_wait3A_1052] : memref<2000000x64xf32, #tpu.memory_space<hbm>> -> memref<2000000x64xf32, #tpu.memory_space<hbm>>
    tpu.wait_indirect_dma semaphore(%arg10 : memref<!tpu.dma_semaphore, #tpu.memory_space<semaphore_mem>>) src(%dma_wait3A_1053 : memref<2000000x64xf32, #tpu.memory_space<hbm>>) dst(%dma_wait3A_1047 : memref<50x64xf32, #tpu.memory_space<vmem>>)
    %dma_wait3A_1054 = arith.constant 0 : i32
    %dma_wait3A_1055 = arith.constant 3 : i32
    %dma_wait3A_1056 = arith.constant 2 : i32
    %dma_wait3A_1057 = arith.constant 0 : i32
    %dma_wait3A_1058 = arith.constant 0 : i32
    %dma_wait3A_1059 = tpu.memref_slice %arg6[%dma_wait3A_1055, %dma_wait3A_1056, %dma_wait3A_1057, %dma_wait3A_1058] : memref<4x8x50x64xf32, #tpu.memory_space<vmem>> -> memref<1x1x50x64xf32, #tpu.memory_space<vmem>>
    %dma_wait3A_1060 = tpu.memref_squeeze %dma_wait3A_1059 : memref<1x1x50x64xf32, #tpu.memory_space<vmem>> -> memref<50x64xf32, #tpu.memory_space<vmem>>
    %dma_wait3A_1061 = arith.constant 0 : i32
    %dma_wait3A_1062 = tpu.memref_slice %arg5[%dma_wait3A_1054, %dma_wait3A_1061] : memref<512x50xi32, #tpu.memory_space<vmem>> -> memref<1x50xi32, #tpu.memory_space<vmem>>
    %dma_wait3A_1063 = tpu.memref_squeeze %dma_wait3A_1062 : memref<1x50xi32, #tpu.memory_space<vmem>> -> memref<50xi32, #tpu.memory_space<vmem>>
    %dma_wait3A_1064 = arith.constant 0 : i32
    %dma_wait3A_1065 = arith.constant 0 : i32
    %dma_wait3A_1066 = tpu.memref_slice %arg3[%dma_wait3A_1064, %dma_wait3A_1065] : memref<2000000x64xf32, #tpu.memory_space<hbm>> -> memref<2000000x64xf32, #tpu.memory_space<hbm>>
    tpu.wait_indirect_dma semaphore(%arg10 : memref<!tpu.dma_semaphore, #tpu.memory_space<semaphore_mem>>) src(%dma_wait3A_1066 : memref<2000000x64xf32, #tpu.memory_space<hbm>>) dst(%dma_wait3A_1060 : memref<50x64xf32, #tpu.memory_space<vmem>>)
    %dma_wait3A_1067 = arith.constant 0 : i32
    %dma_wait3A_1068 = arith.constant 3 : i32
    %dma_wait3A_1069 = arith.constant 3 : i32
    %dma_wait3A_1070 = arith.constant 0 : i32
    %dma_wait3A_1071 = arith.constant 0 : i32
    %dma_wait3A_1072 = tpu.memref_slice %arg6[%dma_wait3A_1068, %dma_wait3A_1069, %dma_wait3A_1070, %dma_wait3A_1071] : memref<4x8x50x64xf32, #tpu.memory_space<vmem>> -> memref<1x1x50x64xf32, #tpu.memory_space<vmem>>
    %dma_wait3A_1073 = tpu.memref_squeeze %dma_wait3A_1072 : memref<1x1x50x64xf32, #tpu.memory_space<vmem>> -> memref<50x64xf32, #tpu.memory_space<vmem>>
    %dma_wait3A_1074 = arith.constant 0 : i32
    %dma_wait3A_1075 = tpu.memref_slice %arg5[%dma_wait3A_1067, %dma_wait3A_1074] : memref<512x50xi32, #tpu.memory_space<vmem>> -> memref<1x50xi32, #tpu.memory_space<vmem>>
    %dma_wait3A_1076 = tpu.memref_squeeze %dma_wait3A_1075 : memref<1x50xi32, #tpu.memory_space<vmem>> -> memref<50xi32, #tpu.memory_space<vmem>>
    %dma_wait3A_1077 = arith.constant 0 : i32
    %dma_wait3A_1078 = arith.constant 0 : i32
    %dma_wait3A_1079 = tpu.memref_slice %arg3[%dma_wait3A_1077, %dma_wait3A_1078] : memref<2000000x64xf32, #tpu.memory_space<hbm>> -> memref<2000000x64xf32, #tpu.memory_space<hbm>>
    tpu.wait_indirect_dma semaphore(%arg10 : memref<!tpu.dma_semaphore, #tpu.memory_space<semaphore_mem>>) src(%dma_wait3A_1079 : memref<2000000x64xf32, #tpu.memory_space<hbm>>) dst(%dma_wait3A_1073 : memref<50x64xf32, #tpu.memory_space<vmem>>)
    %dma_wait3A_1080 = arith.constant 0 : i32
    %dma_wait3A_1081 = arith.constant 3 : i32
    %dma_wait3A_1082 = arith.constant 4 : i32
    %dma_wait3A_1083 = arith.constant 0 : i32
    %dma_wait3A_1084 = arith.constant 0 : i32
    %dma_wait3A_1085 = tpu.memref_slice %arg6[%dma_wait3A_1081, %dma_wait3A_1082, %dma_wait3A_1083, %dma_wait3A_1084] : memref<4x8x50x64xf32, #tpu.memory_space<vmem>> -> memref<1x1x50x64xf32, #tpu.memory_space<vmem>>
    %dma_wait3A_1086 = tpu.memref_squeeze %dma_wait3A_1085 : memref<1x1x50x64xf32, #tpu.memory_space<vmem>> -> memref<50x64xf32, #tpu.memory_space<vmem>>
    %dma_wait3A_1087 = arith.constant 0 : i32
    %dma_wait3A_1088 = tpu.memref_slice %arg5[%dma_wait3A_1080, %dma_wait3A_1087] : memref<512x50xi32, #tpu.memory_space<vmem>> -> memref<1x50xi32, #tpu.memory_space<vmem>>
    %dma_wait3A_1089 = tpu.memref_squeeze %dma_wait3A_1088 : memref<1x50xi32, #tpu.memory_space<vmem>> -> memref<50xi32, #tpu.memory_space<vmem>>
    %dma_wait3A_1090 = arith.constant 0 : i32
    %dma_wait3A_1091 = arith.constant 0 : i32
    %dma_wait3A_1092 = tpu.memref_slice %arg3[%dma_wait3A_1090, %dma_wait3A_1091] : memref<2000000x64xf32, #tpu.memory_space<hbm>> -> memref<2000000x64xf32, #tpu.memory_space<hbm>>
    tpu.wait_indirect_dma semaphore(%arg10 : memref<!tpu.dma_semaphore, #tpu.memory_space<semaphore_mem>>) src(%dma_wait3A_1092 : memref<2000000x64xf32, #tpu.memory_space<hbm>>) dst(%dma_wait3A_1086 : memref<50x64xf32, #tpu.memory_space<vmem>>)
    %dma_wait3A_1093 = arith.constant 0 : i32
    %dma_wait3A_1094 = arith.constant 3 : i32
    %dma_wait3A_1095 = arith.constant 5 : i32
    %dma_wait3A_1096 = arith.constant 0 : i32
    %dma_wait3A_1097 = arith.constant 0 : i32
    %dma_wait3A_1098 = tpu.memref_slice %arg6[%dma_wait3A_1094, %dma_wait3A_1095, %dma_wait3A_1096, %dma_wait3A_1097] : memref<4x8x50x64xf32, #tpu.memory_space<vmem>> -> memref<1x1x50x64xf32, #tpu.memory_space<vmem>>
    %dma_wait3A_1099 = tpu.memref_squeeze %dma_wait3A_1098 : memref<1x1x50x64xf32, #tpu.memory_space<vmem>> -> memref<50x64xf32, #tpu.memory_space<vmem>>
    %dma_wait3A_1100 = arith.constant 0 : i32
    %dma_wait3A_1101 = tpu.memref_slice %arg5[%dma_wait3A_1093, %dma_wait3A_1100] : memref<512x50xi32, #tpu.memory_space<vmem>> -> memref<1x50xi32, #tpu.memory_space<vmem>>
    %dma_wait3A_1102 = tpu.memref_squeeze %dma_wait3A_1101 : memref<1x50xi32, #tpu.memory_space<vmem>> -> memref<50xi32, #tpu.memory_space<vmem>>
    %dma_wait3A_1103 = arith.constant 0 : i32
    %dma_wait3A_1104 = arith.constant 0 : i32
    %dma_wait3A_1105 = tpu.memref_slice %arg3[%dma_wait3A_1103, %dma_wait3A_1104] : memref<2000000x64xf32, #tpu.memory_space<hbm>> -> memref<2000000x64xf32, #tpu.memory_space<hbm>>
    tpu.wait_indirect_dma semaphore(%arg10 : memref<!tpu.dma_semaphore, #tpu.memory_space<semaphore_mem>>) src(%dma_wait3A_1105 : memref<2000000x64xf32, #tpu.memory_space<hbm>>) dst(%dma_wait3A_1099 : memref<50x64xf32, #tpu.memory_space<vmem>>)
    %dma_wait3A_1106 = arith.constant 0 : i32
    %dma_wait3A_1107 = arith.constant 3 : i32
    %dma_wait3A_1108 = arith.constant 6 : i32
    %dma_wait3A_1109 = arith.constant 0 : i32
    %dma_wait3A_1110 = arith.constant 0 : i32
    %dma_wait3A_1111 = tpu.memref_slice %arg6[%dma_wait3A_1107, %dma_wait3A_1108, %dma_wait3A_1109, %dma_wait3A_1110] : memref<4x8x50x64xf32, #tpu.memory_space<vmem>> -> memref<1x1x50x64xf32, #tpu.memory_space<vmem>>
    %dma_wait3A_1112 = tpu.memref_squeeze %dma_wait3A_1111 : memref<1x1x50x64xf32, #tpu.memory_space<vmem>> -> memref<50x64xf32, #tpu.memory_space<vmem>>
    %dma_wait3A_1113 = arith.constant 0 : i32
    %dma_wait3A_1114 = tpu.memref_slice %arg5[%dma_wait3A_1106, %dma_wait3A_1113] : memref<512x50xi32, #tpu.memory_space<vmem>> -> memref<1x50xi32, #tpu.memory_space<vmem>>
    %dma_wait3A_1115 = tpu.memref_squeeze %dma_wait3A_1114 : memref<1x50xi32, #tpu.memory_space<vmem>> -> memref<50xi32, #tpu.memory_space<vmem>>
    %dma_wait3A_1116 = arith.constant 0 : i32
    %dma_wait3A_1117 = arith.constant 0 : i32
    %dma_wait3A_1118 = tpu.memref_slice %arg3[%dma_wait3A_1116, %dma_wait3A_1117] : memref<2000000x64xf32, #tpu.memory_space<hbm>> -> memref<2000000x64xf32, #tpu.memory_space<hbm>>
    tpu.wait_indirect_dma semaphore(%arg10 : memref<!tpu.dma_semaphore, #tpu.memory_space<semaphore_mem>>) src(%dma_wait3A_1118 : memref<2000000x64xf32, #tpu.memory_space<hbm>>) dst(%dma_wait3A_1112 : memref<50x64xf32, #tpu.memory_space<vmem>>)
    %dma_wait3A_1119 = arith.constant 0 : i32
    %dma_wait3A_1120 = arith.constant 3 : i32
    %dma_wait3A_1121 = arith.constant 7 : i32
    %dma_wait3A_1122 = arith.constant 0 : i32
    %dma_wait3A_1123 = arith.constant 0 : i32
    %dma_wait3A_1124 = tpu.memref_slice %arg6[%dma_wait3A_1120, %dma_wait3A_1121, %dma_wait3A_1122, %dma_wait3A_1123] : memref<4x8x50x64xf32, #tpu.memory_space<vmem>> -> memref<1x1x50x64xf32, #tpu.memory_space<vmem>>
    %dma_wait3A_1125 = tpu.memref_squeeze %dma_wait3A_1124 : memref<1x1x50x64xf32, #tpu.memory_space<vmem>> -> memref<50x64xf32, #tpu.memory_space<vmem>>
    %dma_wait3A_1126 = arith.constant 0 : i32
    %dma_wait3A_1127 = tpu.memref_slice %arg5[%dma_wait3A_1119, %dma_wait3A_1126] : memref<512x50xi32, #tpu.memory_space<vmem>> -> memref<1x50xi32, #tpu.memory_space<vmem>>
    %dma_wait3A_1128 = tpu.memref_squeeze %dma_wait3A_1127 : memref<1x50xi32, #tpu.memory_space<vmem>> -> memref<50xi32, #tpu.memory_space<vmem>>
    %dma_wait3A_1129 = arith.constant 0 : i32
    %dma_wait3A_1130 = arith.constant 0 : i32
    %dma_wait3A_1131 = tpu.memref_slice %arg3[%dma_wait3A_1129, %dma_wait3A_1130] : memref<2000000x64xf32, #tpu.memory_space<hbm>> -> memref<2000000x64xf32, #tpu.memory_space<hbm>>
    tpu.wait_indirect_dma semaphore(%arg10 : memref<!tpu.dma_semaphore, #tpu.memory_space<semaphore_mem>>) src(%dma_wait3A_1131 : memref<2000000x64xf32, #tpu.memory_space<hbm>>) dst(%dma_wait3A_1125 : memref<50x64xf32, #tpu.memory_space<vmem>>)
    %add3A_1132 = arith.constant 24 : i32
    %add3A_1133 = arith.addi %mul3A_2, %add3A_1132 : i32
    %dma_start3A_1134 = arith.constant 3 : i32
    %dma_start3A_1135 = arith.constant 0 : i32
    %dma_start3A_1136 = arith.constant 0 : i32
    %dma_start3A_1137 = arith.constant 0 : i32
    %dma_start3A_1138 = tpu.memref_slice %arg6[%dma_start3A_1134, %dma_start3A_1135, %dma_start3A_1136, %dma_start3A_1137] : memref<4x8x50x64xf32, #tpu.memory_space<vmem>> -> memref<1x8x50x64xf32, #tpu.memory_space<vmem>>
    %dma_start3A_1139 = tpu.memref_squeeze %dma_start3A_1138 : memref<1x8x50x64xf32, #tpu.memory_space<vmem>> -> memref<8x50x64xf32, #tpu.memory_space<vmem>>
    %dma_start3A_1140 = arith.constant 0 : i32
    %dma_start3A_1141 = arith.constant 0 : i32
    %dma_start3A_1142 = tpu.memref_slice %arg4[%add3A_1133, %dma_start3A_1140, %dma_start3A_1141] : memref<16384x56x128xf32, #tpu.memory_space<hbm>> -> memref<8x50x64xf32, #tpu.memory_space<hbm>>
    %dma_start3A_1143 = arith.constant 0 : i32
    %dma_start3A_1144 = arith.constant 0 : i32
    %dma_start3A_1145 = tpu.memref_slice %arg4[%add3A_1133, %dma_start3A_1143, %dma_start3A_1144] : memref<16384x56x128xf32, #tpu.memory_space<hbm>> -> memref<8x50x64xf32, #tpu.memory_space<hbm>>
    %dma_start3A_1146 = arith.constant 0 : i32
    %dma_start3A_1147 = arith.constant 0 : i32
    %dma_start3A_1148 = arith.constant 0 : i32
    %dma_start3A_1149 = tpu.memref_slice %arg6[%dma_start3A_1134, %dma_start3A_1146, %dma_start3A_1147, %dma_start3A_1148] : memref<4x8x50x64xf32, #tpu.memory_space<vmem>> -> memref<1x8x50x64xf32, #tpu.memory_space<vmem>>
    %dma_start3A_1150 = tpu.memref_squeeze %dma_start3A_1149 : memref<1x8x50x64xf32, #tpu.memory_space<vmem>> -> memref<8x50x64xf32, #tpu.memory_space<vmem>>
    tpu.enqueue_dma source(%dma_start3A_1150 : memref<8x50x64xf32, #tpu.memory_space<vmem>>) target(%dma_start3A_1145 : memref<8x50x64xf32, #tpu.memory_space<hbm>>) target_semaphore(%arg14 : memref<!tpu.dma_semaphore, #tpu.memory_space<semaphore_mem>>)
    %dma_wait3A_1151 = arith.constant 2 : i32
    %dma_wait3A_1152 = arith.constant 0 : i32
    %dma_wait3A_1153 = arith.constant 0 : i32
    %dma_wait3A_1154 = arith.constant 0 : i32
    %dma_wait3A_1155 = tpu.memref_slice %arg6[%dma_wait3A_1151, %dma_wait3A_1152, %dma_wait3A_1153, %dma_wait3A_1154] : memref<4x8x50x64xf32, #tpu.memory_space<vmem>> -> memref<1x8x50x64xf32, #tpu.memory_space<vmem>>
    %dma_wait3A_1156 = tpu.memref_squeeze %dma_wait3A_1155 : memref<1x8x50x64xf32, #tpu.memory_space<vmem>> -> memref<8x50x64xf32, #tpu.memory_space<vmem>>
    %dma_wait3A_1157 = arith.constant 0 : i32
    %dma_wait3A_1158 = arith.constant 0 : i32
    %dma_wait3A_1159 = tpu.memref_slice %arg4[%mul3A_2, %dma_wait3A_1157, %dma_wait3A_1158] : memref<16384x56x128xf32, #tpu.memory_space<hbm>> -> memref<8x50x64xf32, #tpu.memory_space<hbm>>
    %dma_wait3A_1160 = arith.constant 0 : i32
    %dma_wait3A_1161 = arith.constant 0 : i32
    %dma_wait3A_1162 = tpu.memref_slice %arg4[%mul3A_2, %dma_wait3A_1160, %dma_wait3A_1161] : memref<16384x56x128xf32, #tpu.memory_space<hbm>> -> memref<8x50x64xf32, #tpu.memory_space<hbm>>
    %dma_wait3A_1163 = arith.constant 0 : i32
    %dma_wait3A_1164 = arith.constant 0 : i32
    %dma_wait3A_1165 = arith.constant 0 : i32
    %dma_wait3A_1166 = tpu.memref_slice %arg6[%dma_wait3A_1151, %dma_wait3A_1163, %dma_wait3A_1164, %dma_wait3A_1165] : memref<4x8x50x64xf32, #tpu.memory_space<vmem>> -> memref<1x8x50x64xf32, #tpu.memory_space<vmem>>
    %dma_wait3A_1167 = tpu.memref_squeeze %dma_wait3A_1166 : memref<1x8x50x64xf32, #tpu.memory_space<vmem>> -> memref<8x50x64xf32, #tpu.memory_space<vmem>>
    tpu.wait_dma2 semaphore(%arg13 : memref<!tpu.dma_semaphore, #tpu.memory_space<semaphore_mem>>) src(%dma_wait3A_1167 : memref<8x50x64xf32, #tpu.memory_space<vmem>>) dst(%dma_wait3A_1162 : memref<8x50x64xf32, #tpu.memory_space<hbm>>)
    %dma_start3A_1168 = arith.constant 48 : i32
    %dma_start3A_1169 = arith.constant 2 : i32
    %dma_start3A_1170 = arith.constant 0 : i32
    %dma_start3A_1171 = arith.constant 0 : i32
    %dma_start3A_1172 = arith.constant 0 : i32
    %dma_start3A_1173 = tpu.memref_slice %arg6[%dma_start3A_1169, %dma_start3A_1170, %dma_start3A_1171, %dma_start3A_1172] : memref<4x8x50x64xf32, #tpu.memory_space<vmem>> -> memref<1x1x50x64xf32, #tpu.memory_space<vmem>>
    %dma_start3A_1174 = tpu.memref_squeeze %dma_start3A_1173 : memref<1x1x50x64xf32, #tpu.memory_space<vmem>> -> memref<50x64xf32, #tpu.memory_space<vmem>>
    %dma_start3A_1175 = arith.constant 0 : i32
    %dma_start3A_1176 = tpu.memref_slice %arg5[%dma_start3A_1168, %dma_start3A_1175] : memref<512x50xi32, #tpu.memory_space<vmem>> -> memref<1x50xi32, #tpu.memory_space<vmem>>
    %dma_start3A_1177 = tpu.memref_squeeze %dma_start3A_1176 : memref<1x50xi32, #tpu.memory_space<vmem>> -> memref<50xi32, #tpu.memory_space<vmem>>
    %dma_start3A_1178 = arith.constant 0 : i32
    %dma_start3A_1179 = arith.constant 0 : i32
    %dma_start3A_1180 = tpu.memref_slice %arg3[%dma_start3A_1178, %dma_start3A_1179] : memref<2000000x64xf32, #tpu.memory_space<hbm>> -> memref<2000000x64xf32, #tpu.memory_space<hbm>>
    tpu.enqueue_indirect_dma source(%dma_start3A_1180 : memref<2000000x64xf32, #tpu.memory_space<hbm>>) target(%dma_start3A_1174 : memref<50x64xf32, #tpu.memory_space<vmem>>) offsets(%dma_start3A_1177 : memref<50xi32, #tpu.memory_space<vmem>>) semaphore(%arg9 : memref<!tpu.dma_semaphore, #tpu.memory_space<semaphore_mem>>)
    %dma_start3A_1181 = arith.constant 49 : i32
    %dma_start3A_1182 = arith.constant 2 : i32
    %dma_start3A_1183 = arith.constant 1 : i32
    %dma_start3A_1184 = arith.constant 0 : i32
    %dma_start3A_1185 = arith.constant 0 : i32
    %dma_start3A_1186 = tpu.memref_slice %arg6[%dma_start3A_1182, %dma_start3A_1183, %dma_start3A_1184, %dma_start3A_1185] : memref<4x8x50x64xf32, #tpu.memory_space<vmem>> -> memref<1x1x50x64xf32, #tpu.memory_space<vmem>>
    %dma_start3A_1187 = tpu.memref_squeeze %dma_start3A_1186 : memref<1x1x50x64xf32, #tpu.memory_space<vmem>> -> memref<50x64xf32, #tpu.memory_space<vmem>>
    %dma_start3A_1188 = arith.constant 0 : i32
    %dma_start3A_1189 = tpu.memref_slice %arg5[%dma_start3A_1181, %dma_start3A_1188] : memref<512x50xi32, #tpu.memory_space<vmem>> -> memref<1x50xi32, #tpu.memory_space<vmem>>
    %dma_start3A_1190 = tpu.memref_squeeze %dma_start3A_1189 : memref<1x50xi32, #tpu.memory_space<vmem>> -> memref<50xi32, #tpu.memory_space<vmem>>
    %dma_start3A_1191 = arith.constant 0 : i32
    %dma_start3A_1192 = arith.constant 0 : i32
    %dma_start3A_1193 = tpu.memref_slice %arg3[%dma_start3A_1191, %dma_start3A_1192] : memref<2000000x64xf32, #tpu.memory_space<hbm>> -> memref<2000000x64xf32, #tpu.memory_space<hbm>>
    tpu.enqueue_indirect_dma source(%dma_start3A_1193 : memref<2000000x64xf32, #tpu.memory_space<hbm>>) target(%dma_start3A_1187 : memref<50x64xf32, #tpu.memory_space<vmem>>) offsets(%dma_start3A_1190 : memref<50xi32, #tpu.memory_space<vmem>>) semaphore(%arg9 : memref<!tpu.dma_semaphore, #tpu.memory_space<semaphore_mem>>)
    %dma_start3A_1194 = arith.constant 50 : i32
    %dma_start3A_1195 = arith.constant 2 : i32
    %dma_start3A_1196 = arith.constant 2 : i32
    %dma_start3A_1197 = arith.constant 0 : i32
    %dma_start3A_1198 = arith.constant 0 : i32
    %dma_start3A_1199 = tpu.memref_slice %arg6[%dma_start3A_1195, %dma_start3A_1196, %dma_start3A_1197, %dma_start3A_1198] : memref<4x8x50x64xf32, #tpu.memory_space<vmem>> -> memref<1x1x50x64xf32, #tpu.memory_space<vmem>>
    %dma_start3A_1200 = tpu.memref_squeeze %dma_start3A_1199 : memref<1x1x50x64xf32, #tpu.memory_space<vmem>> -> memref<50x64xf32, #tpu.memory_space<vmem>>
    %dma_start3A_1201 = arith.constant 0 : i32
    %dma_start3A_1202 = tpu.memref_slice %arg5[%dma_start3A_1194, %dma_start3A_1201] : memref<512x50xi32, #tpu.memory_space<vmem>> -> memref<1x50xi32, #tpu.memory_space<vmem>>
    %dma_start3A_1203 = tpu.memref_squeeze %dma_start3A_1202 : memref<1x50xi32, #tpu.memory_space<vmem>> -> memref<50xi32, #tpu.memory_space<vmem>>
    %dma_start3A_1204 = arith.constant 0 : i32
    %dma_start3A_1205 = arith.constant 0 : i32
    %dma_start3A_1206 = tpu.memref_slice %arg3[%dma_start3A_1204, %dma_start3A_1205] : memref<2000000x64xf32, #tpu.memory_space<hbm>> -> memref<2000000x64xf32, #tpu.memory_space<hbm>>
    tpu.enqueue_indirect_dma source(%dma_start3A_1206 : memref<2000000x64xf32, #tpu.memory_space<hbm>>) target(%dma_start3A_1200 : memref<50x64xf32, #tpu.memory_space<vmem>>) offsets(%dma_start3A_1203 : memref<50xi32, #tpu.memory_space<vmem>>) semaphore(%arg9 : memref<!tpu.dma_semaphore, #tpu.memory_space<semaphore_mem>>)
    %dma_start3A_1207 = arith.constant 51 : i32
    %dma_start3A_1208 = arith.constant 2 : i32
    %dma_start3A_1209 = arith.constant 3 : i32
    %dma_start3A_1210 = arith.constant 0 : i32
    %dma_start3A_1211 = arith.constant 0 : i32
    %dma_start3A_1212 = tpu.memref_slice %arg6[%dma_start3A_1208, %dma_start3A_1209, %dma_start3A_1210, %dma_start3A_1211] : memref<4x8x50x64xf32, #tpu.memory_space<vmem>> -> memref<1x1x50x64xf32, #tpu.memory_space<vmem>>
    %dma_start3A_1213 = tpu.memref_squeeze %dma_start3A_1212 : memref<1x1x50x64xf32, #tpu.memory_space<vmem>> -> memref<50x64xf32, #tpu.memory_space<vmem>>
    %dma_start3A_1214 = arith.constant 0 : i32
    %dma_start3A_1215 = tpu.memref_slice %arg5[%dma_start3A_1207, %dma_start3A_1214] : memref<512x50xi32, #tpu.memory_space<vmem>> -> memref<1x50xi32, #tpu.memory_space<vmem>>
    %dma_start3A_1216 = tpu.memref_squeeze %dma_start3A_1215 : memref<1x50xi32, #tpu.memory_space<vmem>> -> memref<50xi32, #tpu.memory_space<vmem>>
    %dma_start3A_1217 = arith.constant 0 : i32
    %dma_start3A_1218 = arith.constant 0 : i32
    %dma_start3A_1219 = tpu.memref_slice %arg3[%dma_start3A_1217, %dma_start3A_1218] : memref<2000000x64xf32, #tpu.memory_space<hbm>> -> memref<2000000x64xf32, #tpu.memory_space<hbm>>
    tpu.enqueue_indirect_dma source(%dma_start3A_1219 : memref<2000000x64xf32, #tpu.memory_space<hbm>>) target(%dma_start3A_1213 : memref<50x64xf32, #tpu.memory_space<vmem>>) offsets(%dma_start3A_1216 : memref<50xi32, #tpu.memory_space<vmem>>) semaphore(%arg9 : memref<!tpu.dma_semaphore, #tpu.memory_space<semaphore_mem>>)
    %dma_start3A_1220 = arith.constant 52 : i32
    %dma_start3A_1221 = arith.constant 2 : i32
    %dma_start3A_1222 = arith.constant 4 : i32
    %dma_start3A_1223 = arith.constant 0 : i32
    %dma_start3A_1224 = arith.constant 0 : i32
    %dma_start3A_1225 = tpu.memref_slice %arg6[%dma_start3A_1221, %dma_start3A_1222, %dma_start3A_1223, %dma_start3A_1224] : memref<4x8x50x64xf32, #tpu.memory_space<vmem>> -> memref<1x1x50x64xf32, #tpu.memory_space<vmem>>
    %dma_start3A_1226 = tpu.memref_squeeze %dma_start3A_1225 : memref<1x1x50x64xf32, #tpu.memory_space<vmem>> -> memref<50x64xf32, #tpu.memory_space<vmem>>
    %dma_start3A_1227 = arith.constant 0 : i32
    %dma_start3A_1228 = tpu.memref_slice %arg5[%dma_start3A_1220, %dma_start3A_1227] : memref<512x50xi32, #tpu.memory_space<vmem>> -> memref<1x50xi32, #tpu.memory_space<vmem>>
    %dma_start3A_1229 = tpu.memref_squeeze %dma_start3A_1228 : memref<1x50xi32, #tpu.memory_space<vmem>> -> memref<50xi32, #tpu.memory_space<vmem>>
    %dma_start3A_1230 = arith.constant 0 : i32
    %dma_start3A_1231 = arith.constant 0 : i32
    %dma_start3A_1232 = tpu.memref_slice %arg3[%dma_start3A_1230, %dma_start3A_1231] : memref<2000000x64xf32, #tpu.memory_space<hbm>> -> memref<2000000x64xf32, #tpu.memory_space<hbm>>
    tpu.enqueue_indirect_dma source(%dma_start3A_1232 : memref<2000000x64xf32, #tpu.memory_space<hbm>>) target(%dma_start3A_1226 : memref<50x64xf32, #tpu.memory_space<vmem>>) offsets(%dma_start3A_1229 : memref<50xi32, #tpu.memory_space<vmem>>) semaphore(%arg9 : memref<!tpu.dma_semaphore, #tpu.memory_space<semaphore_mem>>)
    %dma_start3A_1233 = arith.constant 53 : i32
    %dma_start3A_1234 = arith.constant 2 : i32
    %dma_start3A_1235 = arith.constant 5 : i32
    %dma_start3A_1236 = arith.constant 0 : i32
    %dma_start3A_1237 = arith.constant 0 : i32
    %dma_start3A_1238 = tpu.memref_slice %arg6[%dma_start3A_1234, %dma_start3A_1235, %dma_start3A_1236, %dma_start3A_1237] : memref<4x8x50x64xf32, #tpu.memory_space<vmem>> -> memref<1x1x50x64xf32, #tpu.memory_space<vmem>>
    %dma_start3A_1239 = tpu.memref_squeeze %dma_start3A_1238 : memref<1x1x50x64xf32, #tpu.memory_space<vmem>> -> memref<50x64xf32, #tpu.memory_space<vmem>>
    %dma_start3A_1240 = arith.constant 0 : i32
    %dma_start3A_1241 = tpu.memref_slice %arg5[%dma_start3A_1233, %dma_start3A_1240] : memref<512x50xi32, #tpu.memory_space<vmem>> -> memref<1x50xi32, #tpu.memory_space<vmem>>
    %dma_start3A_1242 = tpu.memref_squeeze %dma_start3A_1241 : memref<1x50xi32, #tpu.memory_space<vmem>> -> memref<50xi32, #tpu.memory_space<vmem>>
    %dma_start3A_1243 = arith.constant 0 : i32
    %dma_start3A_1244 = arith.constant 0 : i32
    %dma_start3A_1245 = tpu.memref_slice %arg3[%dma_start3A_1243, %dma_start3A_1244] : memref<2000000x64xf32, #tpu.memory_space<hbm>> -> memref<2000000x64xf32, #tpu.memory_space<hbm>>
    tpu.enqueue_indirect_dma source(%dma_start3A_1245 : memref<2000000x64xf32, #tpu.memory_space<hbm>>) target(%dma_start3A_1239 : memref<50x64xf32, #tpu.memory_space<vmem>>) offsets(%dma_start3A_1242 : memref<50xi32, #tpu.memory_space<vmem>>) semaphore(%arg9 : memref<!tpu.dma_semaphore, #tpu.memory_space<semaphore_mem>>)
    %dma_start3A_1246 = arith.constant 54 : i32
    %dma_start3A_1247 = arith.constant 2 : i32
    %dma_start3A_1248 = arith.constant 6 : i32
    %dma_start3A_1249 = arith.constant 0 : i32
    %dma_start3A_1250 = arith.constant 0 : i32
    %dma_start3A_1251 = tpu.memref_slice %arg6[%dma_start3A_1247, %dma_start3A_1248, %dma_start3A_1249, %dma_start3A_1250] : memref<4x8x50x64xf32, #tpu.memory_space<vmem>> -> memref<1x1x50x64xf32, #tpu.memory_space<vmem>>
    %dma_start3A_1252 = tpu.memref_squeeze %dma_start3A_1251 : memref<1x1x50x64xf32, #tpu.memory_space<vmem>> -> memref<50x64xf32, #tpu.memory_space<vmem>>
    %dma_start3A_1253 = arith.constant 0 : i32
    %dma_start3A_1254 = tpu.memref_slice %arg5[%dma_start3A_1246, %dma_start3A_1253] : memref<512x50xi32, #tpu.memory_space<vmem>> -> memref<1x50xi32, #tpu.memory_space<vmem>>
    %dma_start3A_1255 = tpu.memref_squeeze %dma_start3A_1254 : memref<1x50xi32, #tpu.memory_space<vmem>> -> memref<50xi32, #tpu.memory_space<vmem>>
    %dma_start3A_1256 = arith.constant 0 : i32
    %dma_start3A_1257 = arith.constant 0 : i32
    %dma_start3A_1258 = tpu.memref_slice %arg3[%dma_start3A_1256, %dma_start3A_1257] : memref<2000000x64xf32, #tpu.memory_space<hbm>> -> memref<2000000x64xf32, #tpu.memory_space<hbm>>
    tpu.enqueue_indirect_dma source(%dma_start3A_1258 : memref<2000000x64xf32, #tpu.memory_space<hbm>>) target(%dma_start3A_1252 : memref<50x64xf32, #tpu.memory_space<vmem>>) offsets(%dma_start3A_1255 : memref<50xi32, #tpu.memory_space<vmem>>) semaphore(%arg9 : memref<!tpu.dma_semaphore, #tpu.memory_space<semaphore_mem>>)
    %dma_start3A_1259 = arith.constant 55 : i32
    %dma_start3A_1260 = arith.constant 2 : i32
    %dma_start3A_1261 = arith.constant 7 : i32
    %dma_start3A_1262 = arith.constant 0 : i32
    %dma_start3A_1263 = arith.constant 0 : i32
    %dma_start3A_1264 = tpu.memref_slice %arg6[%dma_start3A_1260, %dma_start3A_1261, %dma_start3A_1262, %dma_start3A_1263] : memref<4x8x50x64xf32, #tpu.memory_space<vmem>> -> memref<1x1x50x64xf32, #tpu.memory_space<vmem>>
    %dma_start3A_1265 = tpu.memref_squeeze %dma_start3A_1264 : memref<1x1x50x64xf32, #tpu.memory_space<vmem>> -> memref<50x64xf32, #tpu.memory_space<vmem>>
    %dma_start3A_1266 = arith.constant 0 : i32
    %dma_start3A_1267 = tpu.memref_slice %arg5[%dma_start3A_1259, %dma_start3A_1266] : memref<512x50xi32, #tpu.memory_space<vmem>> -> memref<1x50xi32, #tpu.memory_space<vmem>>
    %dma_start3A_1268 = tpu.memref_squeeze %dma_start3A_1267 : memref<1x50xi32, #tpu.memory_space<vmem>> -> memref<50xi32, #tpu.memory_space<vmem>>
    %dma_start3A_1269 = arith.constant 0 : i32
    %dma_start3A_1270 = arith.constant 0 : i32
    %dma_start3A_1271 = tpu.memref_slice %arg3[%dma_start3A_1269, %dma_start3A_1270] : memref<2000000x64xf32, #tpu.memory_space<hbm>> -> memref<2000000x64xf32, #tpu.memory_space<hbm>>
    tpu.enqueue_indirect_dma source(%dma_start3A_1271 : memref<2000000x64xf32, #tpu.memory_space<hbm>>) target(%dma_start3A_1265 : memref<50x64xf32, #tpu.memory_space<vmem>>) offsets(%dma_start3A_1268 : memref<50xi32, #tpu.memory_space<vmem>>) semaphore(%arg9 : memref<!tpu.dma_semaphore, #tpu.memory_space<semaphore_mem>>)
    %scan3A = arith.constant 0 : i32
    %scan3A_1272 = arith.constant 14 : i32
    %scan3A_1273 = arith.addi %scan3A, %scan3A_1272 : i32
    %scan3A_1274 = arith.constant 1 : i32
    scf.for %scan3A_1957 = %scan3A to %scan3A_1273 step %scan3A_1274  : i32 {
      %mul3A_1958 = arith.constant 1 : i32
      %mul3A_1959 = arith.muli %scan3A_1957, %mul3A_1958 : i32
      %add3A_1960 = arith.constant 1 : i32
      %add3A_1961 = arith.addi %add3A_1960, %mul3A_1959 : i32
      %mul3A_1962 = arith.constant 4 : i32
      %mul3A_1963 = arith.muli %add3A_1961, %mul3A_1962 : i32
      %add3A_1964 = arith.constant 0 : i32
      %add3A_1965 = arith.addi %mul3A_1963, %add3A_1964 : i32
      %dma_wait3A_1966 = arith.constant 0 : i32
      %dma_wait3A_1967 = arith.constant 0 : i32
      %dma_wait3A_1968 = arith.constant 0 : i32
      %dma_wait3A_1969 = arith.constant 0 : i32
      %dma_wait3A_1970 = arith.constant 0 : i32
      %dma_wait3A_1971 = tpu.memref_slice %arg6[%dma_wait3A_1967, %dma_wait3A_1968, %dma_wait3A_1969, %dma_wait3A_1970] : memref<4x8x50x64xf32, #tpu.memory_space<vmem>> -> memref<1x1x50x64xf32, #tpu.memory_space<vmem>>
      %dma_wait3A_1972 = tpu.memref_squeeze %dma_wait3A_1971 : memref<1x1x50x64xf32, #tpu.memory_space<vmem>> -> memref<50x64xf32, #tpu.memory_space<vmem>>
      %dma_wait3A_1973 = arith.constant 0 : i32
      %dma_wait3A_1974 = tpu.memref_slice %arg5[%dma_wait3A_1966, %dma_wait3A_1973] : memref<512x50xi32, #tpu.memory_space<vmem>> -> memref<1x50xi32, #tpu.memory_space<vmem>>
      %dma_wait3A_1975 = tpu.memref_squeeze %dma_wait3A_1974 : memref<1x50xi32, #tpu.memory_space<vmem>> -> memref<50xi32, #tpu.memory_space<vmem>>
      %dma_wait3A_1976 = arith.constant 0 : i32
      %dma_wait3A_1977 = arith.constant 0 : i32
      %dma_wait3A_1978 = tpu.memref_slice %arg3[%dma_wait3A_1976, %dma_wait3A_1977] : memref<2000000x64xf32, #tpu.memory_space<hbm>> -> memref<2000000x64xf32, #tpu.memory_space<hbm>>
      tpu.wait_indirect_dma semaphore(%arg7 : memref<!tpu.dma_semaphore, #tpu.memory_space<semaphore_mem>>) src(%dma_wait3A_1978 : memref<2000000x64xf32, #tpu.memory_space<hbm>>) dst(%dma_wait3A_1972 : memref<50x64xf32, #tpu.memory_space<vmem>>)
      %dma_wait3A_1979 = arith.constant 0 : i32
      %dma_wait3A_1980 = arith.constant 0 : i32
      %dma_wait3A_1981 = arith.constant 1 : i32
      %dma_wait3A_1982 = arith.constant 0 : i32
      %dma_wait3A_1983 = arith.constant 0 : i32
      %dma_wait3A_1984 = tpu.memref_slice %arg6[%dma_wait3A_1980, %dma_wait3A_1981, %dma_wait3A_1982, %dma_wait3A_1983] : memref<4x8x50x64xf32, #tpu.memory_space<vmem>> -> memref<1x1x50x64xf32, #tpu.memory_space<vmem>>
      %dma_wait3A_1985 = tpu.memref_squeeze %dma_wait3A_1984 : memref<1x1x50x64xf32, #tpu.memory_space<vmem>> -> memref<50x64xf32, #tpu.memory_space<vmem>>
      %dma_wait3A_1986 = arith.constant 0 : i32
      %dma_wait3A_1987 = tpu.memref_slice %arg5[%dma_wait3A_1979, %dma_wait3A_1986] : memref<512x50xi32, #tpu.memory_space<vmem>> -> memref<1x50xi32, #tpu.memory_space<vmem>>
      %dma_wait3A_1988 = tpu.memref_squeeze %dma_wait3A_1987 : memref<1x50xi32, #tpu.memory_space<vmem>> -> memref<50xi32, #tpu.memory_space<vmem>>
      %dma_wait3A_1989 = arith.constant 0 : i32
      %dma_wait3A_1990 = arith.constant 0 : i32
      %dma_wait3A_1991 = tpu.memref_slice %arg3[%dma_wait3A_1989, %dma_wait3A_1990] : memref<2000000x64xf32, #tpu.memory_space<hbm>> -> memref<2000000x64xf32, #tpu.memory_space<hbm>>
      tpu.wait_indirect_dma semaphore(%arg7 : memref<!tpu.dma_semaphore, #tpu.memory_space<semaphore_mem>>) src(%dma_wait3A_1991 : memref<2000000x64xf32, #tpu.memory_space<hbm>>) dst(%dma_wait3A_1985 : memref<50x64xf32, #tpu.memory_space<vmem>>)
      %dma_wait3A_1992 = arith.constant 0 : i32
      %dma_wait3A_1993 = arith.constant 0 : i32
      %dma_wait3A_1994 = arith.constant 2 : i32
      %dma_wait3A_1995 = arith.constant 0 : i32
      %dma_wait3A_1996 = arith.constant 0 : i32
      %dma_wait3A_1997 = tpu.memref_slice %arg6[%dma_wait3A_1993, %dma_wait3A_1994, %dma_wait3A_1995, %dma_wait3A_1996] : memref<4x8x50x64xf32, #tpu.memory_space<vmem>> -> memref<1x1x50x64xf32, #tpu.memory_space<vmem>>
      %dma_wait3A_1998 = tpu.memref_squeeze %dma_wait3A_1997 : memref<1x1x50x64xf32, #tpu.memory_space<vmem>> -> memref<50x64xf32, #tpu.memory_space<vmem>>
      %dma_wait3A_1999 = arith.constant 0 : i32
      %dma_wait3A_2000 = tpu.memref_slice %arg5[%dma_wait3A_1992, %dma_wait3A_1999] : memref<512x50xi32, #tpu.memory_space<vmem>> -> memref<1x50xi32, #tpu.memory_space<vmem>>
      %dma_wait3A_2001 = tpu.memref_squeeze %dma_wait3A_2000 : memref<1x50xi32, #tpu.memory_space<vmem>> -> memref<50xi32, #tpu.memory_space<vmem>>
      %dma_wait3A_2002 = arith.constant 0 : i32
      %dma_wait3A_2003 = arith.constant 0 : i32
      %dma_wait3A_2004 = tpu.memref_slice %arg3[%dma_wait3A_2002, %dma_wait3A_2003] : memref<2000000x64xf32, #tpu.memory_space<hbm>> -> memref<2000000x64xf32, #tpu.memory_space<hbm>>
      tpu.wait_indirect_dma semaphore(%arg7 : memref<!tpu.dma_semaphore, #tpu.memory_space<semaphore_mem>>) src(%dma_wait3A_2004 : memref<2000000x64xf32, #tpu.memory_space<hbm>>) dst(%dma_wait3A_1998 : memref<50x64xf32, #tpu.memory_space<vmem>>)
      %dma_wait3A_2005 = arith.constant 0 : i32
      %dma_wait3A_2006 = arith.constant 0 : i32
      %dma_wait3A_2007 = arith.constant 3 : i32
      %dma_wait3A_2008 = arith.constant 0 : i32
      %dma_wait3A_2009 = arith.constant 0 : i32
      %dma_wait3A_2010 = tpu.memref_slice %arg6[%dma_wait3A_2006, %dma_wait3A_2007, %dma_wait3A_2008, %dma_wait3A_2009] : memref<4x8x50x64xf32, #tpu.memory_space<vmem>> -> memref<1x1x50x64xf32, #tpu.memory_space<vmem>>
      %dma_wait3A_2011 = tpu.memref_squeeze %dma_wait3A_2010 : memref<1x1x50x64xf32, #tpu.memory_space<vmem>> -> memref<50x64xf32, #tpu.memory_space<vmem>>
      %dma_wait3A_2012 = arith.constant 0 : i32
      %dma_wait3A_2013 = tpu.memref_slice %arg5[%dma_wait3A_2005, %dma_wait3A_2012] : memref<512x50xi32, #tpu.memory_space<vmem>> -> memref<1x50xi32, #tpu.memory_space<vmem>>
      %dma_wait3A_2014 = tpu.memref_squeeze %dma_wait3A_2013 : memref<1x50xi32, #tpu.memory_space<vmem>> -> memref<50xi32, #tpu.memory_space<vmem>>
      %dma_wait3A_2015 = arith.constant 0 : i32
      %dma_wait3A_2016 = arith.constant 0 : i32
      %dma_wait3A_2017 = tpu.memref_slice %arg3[%dma_wait3A_2015, %dma_wait3A_2016] : memref<2000000x64xf32, #tpu.memory_space<hbm>> -> memref<2000000x64xf32, #tpu.memory_space<hbm>>
      tpu.wait_indirect_dma semaphore(%arg7 : memref<!tpu.dma_semaphore, #tpu.memory_space<semaphore_mem>>) src(%dma_wait3A_2017 : memref<2000000x64xf32, #tpu.memory_space<hbm>>) dst(%dma_wait3A_2011 : memref<50x64xf32, #tpu.memory_space<vmem>>)
      %dma_wait3A_2018 = arith.constant 0 : i32
      %dma_wait3A_2019 = arith.constant 0 : i32
      %dma_wait3A_2020 = arith.constant 4 : i32
      %dma_wait3A_2021 = arith.constant 0 : i32
      %dma_wait3A_2022 = arith.constant 0 : i32
      %dma_wait3A_2023 = tpu.memref_slice %arg6[%dma_wait3A_2019, %dma_wait3A_2020, %dma_wait3A_2021, %dma_wait3A_2022] : memref<4x8x50x64xf32, #tpu.memory_space<vmem>> -> memref<1x1x50x64xf32, #tpu.memory_space<vmem>>
      %dma_wait3A_2024 = tpu.memref_squeeze %dma_wait3A_2023 : memref<1x1x50x64xf32, #tpu.memory_space<vmem>> -> memref<50x64xf32, #tpu.memory_space<vmem>>
      %dma_wait3A_2025 = arith.constant 0 : i32
      %dma_wait3A_2026 = tpu.memref_slice %arg5[%dma_wait3A_2018, %dma_wait3A_2025] : memref<512x50xi32, #tpu.memory_space<vmem>> -> memref<1x50xi32, #tpu.memory_space<vmem>>
      %dma_wait3A_2027 = tpu.memref_squeeze %dma_wait3A_2026 : memref<1x50xi32, #tpu.memory_space<vmem>> -> memref<50xi32, #tpu.memory_space<vmem>>
      %dma_wait3A_2028 = arith.constant 0 : i32
      %dma_wait3A_2029 = arith.constant 0 : i32
      %dma_wait3A_2030 = tpu.memref_slice %arg3[%dma_wait3A_2028, %dma_wait3A_2029] : memref<2000000x64xf32, #tpu.memory_space<hbm>> -> memref<2000000x64xf32, #tpu.memory_space<hbm>>
      tpu.wait_indirect_dma semaphore(%arg7 : memref<!tpu.dma_semaphore, #tpu.memory_space<semaphore_mem>>) src(%dma_wait3A_2030 : memref<2000000x64xf32, #tpu.memory_space<hbm>>) dst(%dma_wait3A_2024 : memref<50x64xf32, #tpu.memory_space<vmem>>)
      %dma_wait3A_2031 = arith.constant 0 : i32
      %dma_wait3A_2032 = arith.constant 0 : i32
      %dma_wait3A_2033 = arith.constant 5 : i32
      %dma_wait3A_2034 = arith.constant 0 : i32
      %dma_wait3A_2035 = arith.constant 0 : i32
      %dma_wait3A_2036 = tpu.memref_slice %arg6[%dma_wait3A_2032, %dma_wait3A_2033, %dma_wait3A_2034, %dma_wait3A_2035] : memref<4x8x50x64xf32, #tpu.memory_space<vmem>> -> memref<1x1x50x64xf32, #tpu.memory_space<vmem>>
      %dma_wait3A_2037 = tpu.memref_squeeze %dma_wait3A_2036 : memref<1x1x50x64xf32, #tpu.memory_space<vmem>> -> memref<50x64xf32, #tpu.memory_space<vmem>>
      %dma_wait3A_2038 = arith.constant 0 : i32
      %dma_wait3A_2039 = tpu.memref_slice %arg5[%dma_wait3A_2031, %dma_wait3A_2038] : memref<512x50xi32, #tpu.memory_space<vmem>> -> memref<1x50xi32, #tpu.memory_space<vmem>>
      %dma_wait3A_2040 = tpu.memref_squeeze %dma_wait3A_2039 : memref<1x50xi32, #tpu.memory_space<vmem>> -> memref<50xi32, #tpu.memory_space<vmem>>
      %dma_wait3A_2041 = arith.constant 0 : i32
      %dma_wait3A_2042 = arith.constant 0 : i32
      %dma_wait3A_2043 = tpu.memref_slice %arg3[%dma_wait3A_2041, %dma_wait3A_2042] : memref<2000000x64xf32, #tpu.memory_space<hbm>> -> memref<2000000x64xf32, #tpu.memory_space<hbm>>
      tpu.wait_indirect_dma semaphore(%arg7 : memref<!tpu.dma_semaphore, #tpu.memory_space<semaphore_mem>>) src(%dma_wait3A_2043 : memref<2000000x64xf32, #tpu.memory_space<hbm>>) dst(%dma_wait3A_2037 : memref<50x64xf32, #tpu.memory_space<vmem>>)
      %dma_wait3A_2044 = arith.constant 0 : i32
      %dma_wait3A_2045 = arith.constant 0 : i32
      %dma_wait3A_2046 = arith.constant 6 : i32
      %dma_wait3A_2047 = arith.constant 0 : i32
      %dma_wait3A_2048 = arith.constant 0 : i32
      %dma_wait3A_2049 = tpu.memref_slice %arg6[%dma_wait3A_2045, %dma_wait3A_2046, %dma_wait3A_2047, %dma_wait3A_2048] : memref<4x8x50x64xf32, #tpu.memory_space<vmem>> -> memref<1x1x50x64xf32, #tpu.memory_space<vmem>>
      %dma_wait3A_2050 = tpu.memref_squeeze %dma_wait3A_2049 : memref<1x1x50x64xf32, #tpu.memory_space<vmem>> -> memref<50x64xf32, #tpu.memory_space<vmem>>
      %dma_wait3A_2051 = arith.constant 0 : i32
      %dma_wait3A_2052 = tpu.memref_slice %arg5[%dma_wait3A_2044, %dma_wait3A_2051] : memref<512x50xi32, #tpu.memory_space<vmem>> -> memref<1x50xi32, #tpu.memory_space<vmem>>
      %dma_wait3A_2053 = tpu.memref_squeeze %dma_wait3A_2052 : memref<1x50xi32, #tpu.memory_space<vmem>> -> memref<50xi32, #tpu.memory_space<vmem>>
      %dma_wait3A_2054 = arith.constant 0 : i32
      %dma_wait3A_2055 = arith.constant 0 : i32
      %dma_wait3A_2056 = tpu.memref_slice %arg3[%dma_wait3A_2054, %dma_wait3A_2055] : memref<2000000x64xf32, #tpu.memory_space<hbm>> -> memref<2000000x64xf32, #tpu.memory_space<hbm>>
      tpu.wait_indirect_dma semaphore(%arg7 : memref<!tpu.dma_semaphore, #tpu.memory_space<semaphore_mem>>) src(%dma_wait3A_2056 : memref<2000000x64xf32, #tpu.memory_space<hbm>>) dst(%dma_wait3A_2050 : memref<50x64xf32, #tpu.memory_space<vmem>>)
      %dma_wait3A_2057 = arith.constant 0 : i32
      %dma_wait3A_2058 = arith.constant 0 : i32
      %dma_wait3A_2059 = arith.constant 7 : i32
      %dma_wait3A_2060 = arith.constant 0 : i32
      %dma_wait3A_2061 = arith.constant 0 : i32
      %dma_wait3A_2062 = tpu.memref_slice %arg6[%dma_wait3A_2058, %dma_wait3A_2059, %dma_wait3A_2060, %dma_wait3A_2061] : memref<4x8x50x64xf32, #tpu.memory_space<vmem>> -> memref<1x1x50x64xf32, #tpu.memory_space<vmem>>
      %dma_wait3A_2063 = tpu.memref_squeeze %dma_wait3A_2062 : memref<1x1x50x64xf32, #tpu.memory_space<vmem>> -> memref<50x64xf32, #tpu.memory_space<vmem>>
      %dma_wait3A_2064 = arith.constant 0 : i32
      %dma_wait3A_2065 = tpu.memref_slice %arg5[%dma_wait3A_2057, %dma_wait3A_2064] : memref<512x50xi32, #tpu.memory_space<vmem>> -> memref<1x50xi32, #tpu.memory_space<vmem>>
      %dma_wait3A_2066 = tpu.memref_squeeze %dma_wait3A_2065 : memref<1x50xi32, #tpu.memory_space<vmem>> -> memref<50xi32, #tpu.memory_space<vmem>>
      %dma_wait3A_2067 = arith.constant 0 : i32
      %dma_wait3A_2068 = arith.constant 0 : i32
      %dma_wait3A_2069 = tpu.memref_slice %arg3[%dma_wait3A_2067, %dma_wait3A_2068] : memref<2000000x64xf32, #tpu.memory_space<hbm>> -> memref<2000000x64xf32, #tpu.memory_space<hbm>>
      tpu.wait_indirect_dma semaphore(%arg7 : memref<!tpu.dma_semaphore, #tpu.memory_space<semaphore_mem>>) src(%dma_wait3A_2069 : memref<2000000x64xf32, #tpu.memory_space<hbm>>) dst(%dma_wait3A_2063 : memref<50x64xf32, #tpu.memory_space<vmem>>)
      %mul3A_2070 = arith.constant 8 : i32
      %mul3A_2071 = arith.muli %add3A_1965, %mul3A_2070 : i32
      %add3A_2072 = arith.addi %mul3A_2, %mul3A_2071 : i32
      %dma_start3A_2073 = arith.constant 0 : i32
      %dma_start3A_2074 = arith.constant 0 : i32
      %dma_start3A_2075 = arith.constant 0 : i32
      %dma_start3A_2076 = arith.constant 0 : i32
      %dma_start3A_2077 = tpu.memref_slice %arg6[%dma_start3A_2073, %dma_start3A_2074, %dma_start3A_2075, %dma_start3A_2076] : memref<4x8x50x64xf32, #tpu.memory_space<vmem>> -> memref<1x8x50x64xf32, #tpu.memory_space<vmem>>
      %dma_start3A_2078 = tpu.memref_squeeze %dma_start3A_2077 : memref<1x8x50x64xf32, #tpu.memory_space<vmem>> -> memref<8x50x64xf32, #tpu.memory_space<vmem>>
      %dma_start3A_2079 = arith.constant 0 : i32
      %dma_start3A_2080 = arith.constant 0 : i32
      %dma_start3A_2081 = tpu.memref_slice %arg4[%add3A_2072, %dma_start3A_2079, %dma_start3A_2080] : memref<16384x56x128xf32, #tpu.memory_space<hbm>> -> memref<8x50x64xf32, #tpu.memory_space<hbm>>
      %dma_start3A_2082 = arith.constant 0 : i32
      %dma_start3A_2083 = arith.constant 0 : i32
      %dma_start3A_2084 = tpu.memref_slice %arg4[%add3A_2072, %dma_start3A_2082, %dma_start3A_2083] : memref<16384x56x128xf32, #tpu.memory_space<hbm>> -> memref<8x50x64xf32, #tpu.memory_space<hbm>>
      %dma_start3A_2085 = arith.constant 0 : i32
      %dma_start3A_2086 = arith.constant 0 : i32
      %dma_start3A_2087 = arith.constant 0 : i32
      %dma_start3A_2088 = tpu.memref_slice %arg6[%dma_start3A_2073, %dma_start3A_2085, %dma_start3A_2086, %dma_start3A_2087] : memref<4x8x50x64xf32, #tpu.memory_space<vmem>> -> memref<1x8x50x64xf32, #tpu.memory_space<vmem>>
      %dma_start3A_2089 = tpu.memref_squeeze %dma_start3A_2088 : memref<1x8x50x64xf32, #tpu.memory_space<vmem>> -> memref<8x50x64xf32, #tpu.memory_space<vmem>>
      tpu.enqueue_dma source(%dma_start3A_2089 : memref<8x50x64xf32, #tpu.memory_space<vmem>>) target(%dma_start3A_2084 : memref<8x50x64xf32, #tpu.memory_space<hbm>>) target_semaphore(%arg11 : memref<!tpu.dma_semaphore, #tpu.memory_space<semaphore_mem>>)
      %dma_wait3A_2090 = arith.constant 3 : i32
      %dma_wait3A_2091 = arith.constant 0 : i32
      %dma_wait3A_2092 = arith.constant 0 : i32
      %dma_wait3A_2093 = arith.constant 0 : i32
      %dma_wait3A_2094 = tpu.memref_slice %arg6[%dma_wait3A_2090, %dma_wait3A_2091, %dma_wait3A_2092, %dma_wait3A_2093] : memref<4x8x50x64xf32, #tpu.memory_space<vmem>> -> memref<1x8x50x64xf32, #tpu.memory_space<vmem>>
      %dma_wait3A_2095 = tpu.memref_squeeze %dma_wait3A_2094 : memref<1x8x50x64xf32, #tpu.memory_space<vmem>> -> memref<8x50x64xf32, #tpu.memory_space<vmem>>
      %dma_wait3A_2096 = arith.constant 0 : i32
      %dma_wait3A_2097 = arith.constant 0 : i32
      %dma_wait3A_2098 = tpu.memref_slice %arg4[%mul3A_2, %dma_wait3A_2096, %dma_wait3A_2097] : memref<16384x56x128xf32, #tpu.memory_space<hbm>> -> memref<8x50x64xf32, #tpu.memory_space<hbm>>
      %dma_wait3A_2099 = arith.constant 0 : i32
      %dma_wait3A_2100 = arith.constant 0 : i32
      %dma_wait3A_2101 = tpu.memref_slice %arg4[%mul3A_2, %dma_wait3A_2099, %dma_wait3A_2100] : memref<16384x56x128xf32, #tpu.memory_space<hbm>> -> memref<8x50x64xf32, #tpu.memory_space<hbm>>
      %dma_wait3A_2102 = arith.constant 0 : i32
      %dma_wait3A_2103 = arith.constant 0 : i32
      %dma_wait3A_2104 = arith.constant 0 : i32
      %dma_wait3A_2105 = tpu.memref_slice %arg6[%dma_wait3A_2090, %dma_wait3A_2102, %dma_wait3A_2103, %dma_wait3A_2104] : memref<4x8x50x64xf32, #tpu.memory_space<vmem>> -> memref<1x8x50x64xf32, #tpu.memory_space<vmem>>
      %dma_wait3A_2106 = tpu.memref_squeeze %dma_wait3A_2105 : memref<1x8x50x64xf32, #tpu.memory_space<vmem>> -> memref<8x50x64xf32, #tpu.memory_space<vmem>>
      tpu.wait_dma2 semaphore(%arg14 : memref<!tpu.dma_semaphore, #tpu.memory_space<semaphore_mem>>) src(%dma_wait3A_2106 : memref<8x50x64xf32, #tpu.memory_space<vmem>>) dst(%dma_wait3A_2101 : memref<8x50x64xf32, #tpu.memory_space<hbm>>)
      %add3A_2107 = arith.constant 4 : i32
      %add3A_2108 = arith.addi %add3A_1965, %add3A_2107 : i32
      %sub3A = arith.constant 1 : i32
      %sub3A_2109 = arith.subi %add3A_2108, %sub3A : i32
      %mul3A_2110 = arith.constant 8 : i32
      %mul3A_2111 = arith.muli %sub3A_2109, %mul3A_2110 : i32
      %add3A_2112 = arith.constant 0 : i32
      %add3A_2113 = arith.addi %mul3A_2111, %add3A_2112 : i32
      %dma_start3A_2114 = arith.constant 3 : i32
      %dma_start3A_2115 = arith.constant 0 : i32
      %dma_start3A_2116 = arith.constant 0 : i32
      %dma_start3A_2117 = arith.constant 0 : i32
      %dma_start3A_2118 = tpu.memref_slice %arg6[%dma_start3A_2114, %dma_start3A_2115, %dma_start3A_2116, %dma_start3A_2117] : memref<4x8x50x64xf32, #tpu.memory_space<vmem>> -> memref<1x1x50x64xf32, #tpu.memory_space<vmem>>
      %dma_start3A_2119 = tpu.memref_squeeze %dma_start3A_2118 : memref<1x1x50x64xf32, #tpu.memory_space<vmem>> -> memref<50x64xf32, #tpu.memory_space<vmem>>
      %dma_start3A_2120 = arith.constant 0 : i32
      %dma_start3A_2121 = tpu.memref_slice %arg5[%add3A_2113, %dma_start3A_2120] : memref<512x50xi32, #tpu.memory_space<vmem>> -> memref<1x50xi32, #tpu.memory_space<vmem>>
      %dma_start3A_2122 = tpu.memref_squeeze %dma_start3A_2121 : memref<1x50xi32, #tpu.memory_space<vmem>> -> memref<50xi32, #tpu.memory_space<vmem>>
      %dma_start3A_2123 = arith.constant 0 : i32
      %dma_start3A_2124 = arith.constant 0 : i32
      %dma_start3A_2125 = tpu.memref_slice %arg3[%dma_start3A_2123, %dma_start3A_2124] : memref<2000000x64xf32, #tpu.memory_space<hbm>> -> memref<2000000x64xf32, #tpu.memory_space<hbm>>
      tpu.enqueue_indirect_dma source(%dma_start3A_2125 : memref<2000000x64xf32, #tpu.memory_space<hbm>>) target(%dma_start3A_2119 : memref<50x64xf32, #tpu.memory_space<vmem>>) offsets(%dma_start3A_2122 : memref<50xi32, #tpu.memory_space<vmem>>) semaphore(%arg10 : memref<!tpu.dma_semaphore, #tpu.memory_space<semaphore_mem>>)
      %mul3A_2126 = arith.constant 8 : i32
      %mul3A_2127 = arith.muli %sub3A_2109, %mul3A_2126 : i32
      %add3A_2128 = arith.constant 1 : i32
      %add3A_2129 = arith.addi %mul3A_2127, %add3A_2128 : i32
      %dma_start3A_2130 = arith.constant 3 : i32
      %dma_start3A_2131 = arith.constant 1 : i32
      %dma_start3A_2132 = arith.constant 0 : i32
      %dma_start3A_2133 = arith.constant 0 : i32
      %dma_start3A_2134 = tpu.memref_slice %arg6[%dma_start3A_2130, %dma_start3A_2131, %dma_start3A_2132, %dma_start3A_2133] : memref<4x8x50x64xf32, #tpu.memory_space<vmem>> -> memref<1x1x50x64xf32, #tpu.memory_space<vmem>>
      %dma_start3A_2135 = tpu.memref_squeeze %dma_start3A_2134 : memref<1x1x50x64xf32, #tpu.memory_space<vmem>> -> memref<50x64xf32, #tpu.memory_space<vmem>>
      %dma_start3A_2136 = arith.constant 0 : i32
      %dma_start3A_2137 = tpu.memref_slice %arg5[%add3A_2129, %dma_start3A_2136] : memref<512x50xi32, #tpu.memory_space<vmem>> -> memref<1x50xi32, #tpu.memory_space<vmem>>
      %dma_start3A_2138 = tpu.memref_squeeze %dma_start3A_2137 : memref<1x50xi32, #tpu.memory_space<vmem>> -> memref<50xi32, #tpu.memory_space<vmem>>
      %dma_start3A_2139 = arith.constant 0 : i32
      %dma_start3A_2140 = arith.constant 0 : i32
      %dma_start3A_2141 = tpu.memref_slice %arg3[%dma_start3A_2139, %dma_start3A_2140] : memref<2000000x64xf32, #tpu.memory_space<hbm>> -> memref<2000000x64xf32, #tpu.memory_space<hbm>>
      tpu.enqueue_indirect_dma source(%dma_start3A_2141 : memref<2000000x64xf32, #tpu.memory_space<hbm>>) target(%dma_start3A_2135 : memref<50x64xf32, #tpu.memory_space<vmem>>) offsets(%dma_start3A_2138 : memref<50xi32, #tpu.memory_space<vmem>>) semaphore(%arg10 : memref<!tpu.dma_semaphore, #tpu.memory_space<semaphore_mem>>)
      %mul3A_2142 = arith.constant 8 : i32
      %mul3A_2143 = arith.muli %sub3A_2109, %mul3A_2142 : i32
      %add3A_2144 = arith.constant 2 : i32
      %add3A_2145 = arith.addi %mul3A_2143, %add3A_2144 : i32
      %dma_start3A_2146 = arith.constant 3 : i32
      %dma_start3A_2147 = arith.constant 2 : i32
      %dma_start3A_2148 = arith.constant 0 : i32
      %dma_start3A_2149 = arith.constant 0 : i32
      %dma_start3A_2150 = tpu.memref_slice %arg6[%dma_start3A_2146, %dma_start3A_2147, %dma_start3A_2148, %dma_start3A_2149] : memref<4x8x50x64xf32, #tpu.memory_space<vmem>> -> memref<1x1x50x64xf32, #tpu.memory_space<vmem>>
      %dma_start3A_2151 = tpu.memref_squeeze %dma_start3A_2150 : memref<1x1x50x64xf32, #tpu.memory_space<vmem>> -> memref<50x64xf32, #tpu.memory_space<vmem>>
      %dma_start3A_2152 = arith.constant 0 : i32
      %dma_start3A_2153 = tpu.memref_slice %arg5[%add3A_2145, %dma_start3A_2152] : memref<512x50xi32, #tpu.memory_space<vmem>> -> memref<1x50xi32, #tpu.memory_space<vmem>>
      %dma_start3A_2154 = tpu.memref_squeeze %dma_start3A_2153 : memref<1x50xi32, #tpu.memory_space<vmem>> -> memref<50xi32, #tpu.memory_space<vmem>>
      %dma_start3A_2155 = arith.constant 0 : i32
      %dma_start3A_2156 = arith.constant 0 : i32
      %dma_start3A_2157 = tpu.memref_slice %arg3[%dma_start3A_2155, %dma_start3A_2156] : memref<2000000x64xf32, #tpu.memory_space<hbm>> -> memref<2000000x64xf32, #tpu.memory_space<hbm>>
      tpu.enqueue_indirect_dma source(%dma_start3A_2157 : memref<2000000x64xf32, #tpu.memory_space<hbm>>) target(%dma_start3A_2151 : memref<50x64xf32, #tpu.memory_space<vmem>>) offsets(%dma_start3A_2154 : memref<50xi32, #tpu.memory_space<vmem>>) semaphore(%arg10 : memref<!tpu.dma_semaphore, #tpu.memory_space<semaphore_mem>>)
      %mul3A_2158 = arith.constant 8 : i32
      %mul3A_2159 = arith.muli %sub3A_2109, %mul3A_2158 : i32
      %add3A_2160 = arith.constant 3 : i32
      %add3A_2161 = arith.addi %mul3A_2159, %add3A_2160 : i32
      %dma_start3A_2162 = arith.constant 3 : i32
      %dma_start3A_2163 = arith.constant 3 : i32
      %dma_start3A_2164 = arith.constant 0 : i32
      %dma_start3A_2165 = arith.constant 0 : i32
      %dma_start3A_2166 = tpu.memref_slice %arg6[%dma_start3A_2162, %dma_start3A_2163, %dma_start3A_2164, %dma_start3A_2165] : memref<4x8x50x64xf32, #tpu.memory_space<vmem>> -> memref<1x1x50x64xf32, #tpu.memory_space<vmem>>
      %dma_start3A_2167 = tpu.memref_squeeze %dma_start3A_2166 : memref<1x1x50x64xf32, #tpu.memory_space<vmem>> -> memref<50x64xf32, #tpu.memory_space<vmem>>
      %dma_start3A_2168 = arith.constant 0 : i32
      %dma_start3A_2169 = tpu.memref_slice %arg5[%add3A_2161, %dma_start3A_2168] : memref<512x50xi32, #tpu.memory_space<vmem>> -> memref<1x50xi32, #tpu.memory_space<vmem>>
      %dma_start3A_2170 = tpu.memref_squeeze %dma_start3A_2169 : memref<1x50xi32, #tpu.memory_space<vmem>> -> memref<50xi32, #tpu.memory_space<vmem>>
      %dma_start3A_2171 = arith.constant 0 : i32
      %dma_start3A_2172 = arith.constant 0 : i32
      %dma_start3A_2173 = tpu.memref_slice %arg3[%dma_start3A_2171, %dma_start3A_2172] : memref<2000000x64xf32, #tpu.memory_space<hbm>> -> memref<2000000x64xf32, #tpu.memory_space<hbm>>
      tpu.enqueue_indirect_dma source(%dma_start3A_2173 : memref<2000000x64xf32, #tpu.memory_space<hbm>>) target(%dma_start3A_2167 : memref<50x64xf32, #tpu.memory_space<vmem>>) offsets(%dma_start3A_2170 : memref<50xi32, #tpu.memory_space<vmem>>) semaphore(%arg10 : memref<!tpu.dma_semaphore, #tpu.memory_space<semaphore_mem>>)
      %mul3A_2174 = arith.constant 8 : i32
      %mul3A_2175 = arith.muli %sub3A_2109, %mul3A_2174 : i32
      %add3A_2176 = arith.constant 4 : i32
      %add3A_2177 = arith.addi %mul3A_2175, %add3A_2176 : i32
      %dma_start3A_2178 = arith.constant 3 : i32
      %dma_start3A_2179 = arith.constant 4 : i32
      %dma_start3A_2180 = arith.constant 0 : i32
      %dma_start3A_2181 = arith.constant 0 : i32
      %dma_start3A_2182 = tpu.memref_slice %arg6[%dma_start3A_2178, %dma_start3A_2179, %dma_start3A_2180, %dma_start3A_2181] : memref<4x8x50x64xf32, #tpu.memory_space<vmem>> -> memref<1x1x50x64xf32, #tpu.memory_space<vmem>>
      %dma_start3A_2183 = tpu.memref_squeeze %dma_start3A_2182 : memref<1x1x50x64xf32, #tpu.memory_space<vmem>> -> memref<50x64xf32, #tpu.memory_space<vmem>>
      %dma_start3A_2184 = arith.constant 0 : i32
      %dma_start3A_2185 = tpu.memref_slice %arg5[%add3A_2177, %dma_start3A_2184] : memref<512x50xi32, #tpu.memory_space<vmem>> -> memref<1x50xi32, #tpu.memory_space<vmem>>
      %dma_start3A_2186 = tpu.memref_squeeze %dma_start3A_2185 : memref<1x50xi32, #tpu.memory_space<vmem>> -> memref<50xi32, #tpu.memory_space<vmem>>
      %dma_start3A_2187 = arith.constant 0 : i32
      %dma_start3A_2188 = arith.constant 0 : i32
      %dma_start3A_2189 = tpu.memref_slice %arg3[%dma_start3A_2187, %dma_start3A_2188] : memref<2000000x64xf32, #tpu.memory_space<hbm>> -> memref<2000000x64xf32, #tpu.memory_space<hbm>>
      tpu.enqueue_indirect_dma source(%dma_start3A_2189 : memref<2000000x64xf32, #tpu.memory_space<hbm>>) target(%dma_start3A_2183 : memref<50x64xf32, #tpu.memory_space<vmem>>) offsets(%dma_start3A_2186 : memref<50xi32, #tpu.memory_space<vmem>>) semaphore(%arg10 : memref<!tpu.dma_semaphore, #tpu.memory_space<semaphore_mem>>)
      %mul3A_2190 = arith.constant 8 : i32
      %mul3A_2191 = arith.muli %sub3A_2109, %mul3A_2190 : i32
      %add3A_2192 = arith.constant 5 : i32
      %add3A_2193 = arith.addi %mul3A_2191, %add3A_2192 : i32
      %dma_start3A_2194 = arith.constant 3 : i32
      %dma_start3A_2195 = arith.constant 5 : i32
      %dma_start3A_2196 = arith.constant 0 : i32
      %dma_start3A_2197 = arith.constant 0 : i32
      %dma_start3A_2198 = tpu.memref_slice %arg6[%dma_start3A_2194, %dma_start3A_2195, %dma_start3A_2196, %dma_start3A_2197] : memref<4x8x50x64xf32, #tpu.memory_space<vmem>> -> memref<1x1x50x64xf32, #tpu.memory_space<vmem>>
      %dma_start3A_2199 = tpu.memref_squeeze %dma_start3A_2198 : memref<1x1x50x64xf32, #tpu.memory_space<vmem>> -> memref<50x64xf32, #tpu.memory_space<vmem>>
      %dma_start3A_2200 = arith.constant 0 : i32
      %dma_start3A_2201 = tpu.memref_slice %arg5[%add3A_2193, %dma_start3A_2200] : memref<512x50xi32, #tpu.memory_space<vmem>> -> memref<1x50xi32, #tpu.memory_space<vmem>>
      %dma_start3A_2202 = tpu.memref_squeeze %dma_start3A_2201 : memref<1x50xi32, #tpu.memory_space<vmem>> -> memref<50xi32, #tpu.memory_space<vmem>>
      %dma_start3A_2203 = arith.constant 0 : i32
      %dma_start3A_2204 = arith.constant 0 : i32
      %dma_start3A_2205 = tpu.memref_slice %arg3[%dma_start3A_2203, %dma_start3A_2204] : memref<2000000x64xf32, #tpu.memory_space<hbm>> -> memref<2000000x64xf32, #tpu.memory_space<hbm>>
      tpu.enqueue_indirect_dma source(%dma_start3A_2205 : memref<2000000x64xf32, #tpu.memory_space<hbm>>) target(%dma_start3A_2199 : memref<50x64xf32, #tpu.memory_space<vmem>>) offsets(%dma_start3A_2202 : memref<50xi32, #tpu.memory_space<vmem>>) semaphore(%arg10 : memref<!tpu.dma_semaphore, #tpu.memory_space<semaphore_mem>>)
      %mul3A_2206 = arith.constant 8 : i32
      %mul3A_2207 = arith.muli %sub3A_2109, %mul3A_2206 : i32
      %add3A_2208 = arith.constant 6 : i32
      %add3A_2209 = arith.addi %mul3A_2207, %add3A_2208 : i32
      %dma_start3A_2210 = arith.constant 3 : i32
      %dma_start3A_2211 = arith.constant 6 : i32
      %dma_start3A_2212 = arith.constant 0 : i32
      %dma_start3A_2213 = arith.constant 0 : i32
      %dma_start3A_2214 = tpu.memref_slice %arg6[%dma_start3A_2210, %dma_start3A_2211, %dma_start3A_2212, %dma_start3A_2213] : memref<4x8x50x64xf32, #tpu.memory_space<vmem>> -> memref<1x1x50x64xf32, #tpu.memory_space<vmem>>
      %dma_start3A_2215 = tpu.memref_squeeze %dma_start3A_2214 : memref<1x1x50x64xf32, #tpu.memory_space<vmem>> -> memref<50x64xf32, #tpu.memory_space<vmem>>
      %dma_start3A_2216 = arith.constant 0 : i32
      %dma_start3A_2217 = tpu.memref_slice %arg5[%add3A_2209, %dma_start3A_2216] : memref<512x50xi32, #tpu.memory_space<vmem>> -> memref<1x50xi32, #tpu.memory_space<vmem>>
      %dma_start3A_2218 = tpu.memref_squeeze %dma_start3A_2217 : memref<1x50xi32, #tpu.memory_space<vmem>> -> memref<50xi32, #tpu.memory_space<vmem>>
      %dma_start3A_2219 = arith.constant 0 : i32
      %dma_start3A_2220 = arith.constant 0 : i32
      %dma_start3A_2221 = tpu.memref_slice %arg3[%dma_start3A_2219, %dma_start3A_2220] : memref<2000000x64xf32, #tpu.memory_space<hbm>> -> memref<2000000x64xf32, #tpu.memory_space<hbm>>
      tpu.enqueue_indirect_dma source(%dma_start3A_2221 : memref<2000000x64xf32, #tpu.memory_space<hbm>>) target(%dma_start3A_2215 : memref<50x64xf32, #tpu.memory_space<vmem>>) offsets(%dma_start3A_2218 : memref<50xi32, #tpu.memory_space<vmem>>) semaphore(%arg10 : memref<!tpu.dma_semaphore, #tpu.memory_space<semaphore_mem>>)
      %mul3A_2222 = arith.constant 8 : i32
      %mul3A_2223 = arith.muli %sub3A_2109, %mul3A_2222 : i32
      %add3A_2224 = arith.constant 7 : i32
      %add3A_2225 = arith.addi %mul3A_2223, %add3A_2224 : i32
      %dma_start3A_2226 = arith.constant 3 : i32
      %dma_start3A_2227 = arith.constant 7 : i32
      %dma_start3A_2228 = arith.constant 0 : i32
      %dma_start3A_2229 = arith.constant 0 : i32
      %dma_start3A_2230 = tpu.memref_slice %arg6[%dma_start3A_2226, %dma_start3A_2227, %dma_start3A_2228, %dma_start3A_2229] : memref<4x8x50x64xf32, #tpu.memory_space<vmem>> -> memref<1x1x50x64xf32, #tpu.memory_space<vmem>>
      %dma_start3A_2231 = tpu.memref_squeeze %dma_start3A_2230 : memref<1x1x50x64xf32, #tpu.memory_space<vmem>> -> memref<50x64xf32, #tpu.memory_space<vmem>>
      %dma_start3A_2232 = arith.constant 0 : i32
      %dma_start3A_2233 = tpu.memref_slice %arg5[%add3A_2225, %dma_start3A_2232] : memref<512x50xi32, #tpu.memory_space<vmem>> -> memref<1x50xi32, #tpu.memory_space<vmem>>
      %dma_start3A_2234 = tpu.memref_squeeze %dma_start3A_2233 : memref<1x50xi32, #tpu.memory_space<vmem>> -> memref<50xi32, #tpu.memory_space<vmem>>
      %dma_start3A_2235 = arith.constant 0 : i32
      %dma_start3A_2236 = arith.constant 0 : i32
      %dma_start3A_2237 = tpu.memref_slice %arg3[%dma_start3A_2235, %dma_start3A_2236] : memref<2000000x64xf32, #tpu.memory_space<hbm>> -> memref<2000000x64xf32, #tpu.memory_space<hbm>>
      tpu.enqueue_indirect_dma source(%dma_start3A_2237 : memref<2000000x64xf32, #tpu.memory_space<hbm>>) target(%dma_start3A_2231 : memref<50x64xf32, #tpu.memory_space<vmem>>) offsets(%dma_start3A_2234 : memref<50xi32, #tpu.memory_space<vmem>>) semaphore(%arg10 : memref<!tpu.dma_semaphore, #tpu.memory_space<semaphore_mem>>)
      %add3A_2238 = arith.constant 1 : i32
      %add3A_2239 = arith.addi %mul3A_1963, %add3A_2238 : i32
      %dma_wait3A_2240 = arith.constant 0 : i32
      %dma_wait3A_2241 = arith.constant 1 : i32
      %dma_wait3A_2242 = arith.constant 0 : i32
      %dma_wait3A_2243 = arith.constant 0 : i32
      %dma_wait3A_2244 = arith.constant 0 : i32
      %dma_wait3A_2245 = tpu.memref_slice %arg6[%dma_wait3A_2241, %dma_wait3A_2242, %dma_wait3A_2243, %dma_wait3A_2244] : memref<4x8x50x64xf32, #tpu.memory_space<vmem>> -> memref<1x1x50x64xf32, #tpu.memory_space<vmem>>
      %dma_wait3A_2246 = tpu.memref_squeeze %dma_wait3A_2245 : memref<1x1x50x64xf32, #tpu.memory_space<vmem>> -> memref<50x64xf32, #tpu.memory_space<vmem>>
      %dma_wait3A_2247 = arith.constant 0 : i32
      %dma_wait3A_2248 = tpu.memref_slice %arg5[%dma_wait3A_2240, %dma_wait3A_2247] : memref<512x50xi32, #tpu.memory_space<vmem>> -> memref<1x50xi32, #tpu.memory_space<vmem>>
      %dma_wait3A_2249 = tpu.memref_squeeze %dma_wait3A_2248 : memref<1x50xi32, #tpu.memory_space<vmem>> -> memref<50xi32, #tpu.memory_space<vmem>>
      %dma_wait3A_2250 = arith.constant 0 : i32
      %dma_wait3A_2251 = arith.constant 0 : i32
      %dma_wait3A_2252 = tpu.memref_slice %arg3[%dma_wait3A_2250, %dma_wait3A_2251] : memref<2000000x64xf32, #tpu.memory_space<hbm>> -> memref<2000000x64xf32, #tpu.memory_space<hbm>>
      tpu.wait_indirect_dma semaphore(%arg8 : memref<!tpu.dma_semaphore, #tpu.memory_space<semaphore_mem>>) src(%dma_wait3A_2252 : memref<2000000x64xf32, #tpu.memory_space<hbm>>) dst(%dma_wait3A_2246 : memref<50x64xf32, #tpu.memory_space<vmem>>)
      %dma_wait3A_2253 = arith.constant 0 : i32
      %dma_wait3A_2254 = arith.constant 1 : i32
      %dma_wait3A_2255 = arith.constant 1 : i32
      %dma_wait3A_2256 = arith.constant 0 : i32
      %dma_wait3A_2257 = arith.constant 0 : i32
      %dma_wait3A_2258 = tpu.memref_slice %arg6[%dma_wait3A_2254, %dma_wait3A_2255, %dma_wait3A_2256, %dma_wait3A_2257] : memref<4x8x50x64xf32, #tpu.memory_space<vmem>> -> memref<1x1x50x64xf32, #tpu.memory_space<vmem>>
      %dma_wait3A_2259 = tpu.memref_squeeze %dma_wait3A_2258 : memref<1x1x50x64xf32, #tpu.memory_space<vmem>> -> memref<50x64xf32, #tpu.memory_space<vmem>>
      %dma_wait3A_2260 = arith.constant 0 : i32
      %dma_wait3A_2261 = tpu.memref_slice %arg5[%dma_wait3A_2253, %dma_wait3A_2260] : memref<512x50xi32, #tpu.memory_space<vmem>> -> memref<1x50xi32, #tpu.memory_space<vmem>>
      %dma_wait3A_2262 = tpu.memref_squeeze %dma_wait3A_2261 : memref<1x50xi32, #tpu.memory_space<vmem>> -> memref<50xi32, #tpu.memory_space<vmem>>
      %dma_wait3A_2263 = arith.constant 0 : i32
      %dma_wait3A_2264 = arith.constant 0 : i32
      %dma_wait3A_2265 = tpu.memref_slice %arg3[%dma_wait3A_2263, %dma_wait3A_2264] : memref<2000000x64xf32, #tpu.memory_space<hbm>> -> memref<2000000x64xf32, #tpu.memory_space<hbm>>
      tpu.wait_indirect_dma semaphore(%arg8 : memref<!tpu.dma_semaphore, #tpu.memory_space<semaphore_mem>>) src(%dma_wait3A_2265 : memref<2000000x64xf32, #tpu.memory_space<hbm>>) dst(%dma_wait3A_2259 : memref<50x64xf32, #tpu.memory_space<vmem>>)
      %dma_wait3A_2266 = arith.constant 0 : i32
      %dma_wait3A_2267 = arith.constant 1 : i32
      %dma_wait3A_2268 = arith.constant 2 : i32
      %dma_wait3A_2269 = arith.constant 0 : i32
      %dma_wait3A_2270 = arith.constant 0 : i32
      %dma_wait3A_2271 = tpu.memref_slice %arg6[%dma_wait3A_2267, %dma_wait3A_2268, %dma_wait3A_2269, %dma_wait3A_2270] : memref<4x8x50x64xf32, #tpu.memory_space<vmem>> -> memref<1x1x50x64xf32, #tpu.memory_space<vmem>>
      %dma_wait3A_2272 = tpu.memref_squeeze %dma_wait3A_2271 : memref<1x1x50x64xf32, #tpu.memory_space<vmem>> -> memref<50x64xf32, #tpu.memory_space<vmem>>
      %dma_wait3A_2273 = arith.constant 0 : i32
      %dma_wait3A_2274 = tpu.memref_slice %arg5[%dma_wait3A_2266, %dma_wait3A_2273] : memref<512x50xi32, #tpu.memory_space<vmem>> -> memref<1x50xi32, #tpu.memory_space<vmem>>
      %dma_wait3A_2275 = tpu.memref_squeeze %dma_wait3A_2274 : memref<1x50xi32, #tpu.memory_space<vmem>> -> memref<50xi32, #tpu.memory_space<vmem>>
      %dma_wait3A_2276 = arith.constant 0 : i32
      %dma_wait3A_2277 = arith.constant 0 : i32
      %dma_wait3A_2278 = tpu.memref_slice %arg3[%dma_wait3A_2276, %dma_wait3A_2277] : memref<2000000x64xf32, #tpu.memory_space<hbm>> -> memref<2000000x64xf32, #tpu.memory_space<hbm>>
      tpu.wait_indirect_dma semaphore(%arg8 : memref<!tpu.dma_semaphore, #tpu.memory_space<semaphore_mem>>) src(%dma_wait3A_2278 : memref<2000000x64xf32, #tpu.memory_space<hbm>>) dst(%dma_wait3A_2272 : memref<50x64xf32, #tpu.memory_space<vmem>>)
      %dma_wait3A_2279 = arith.constant 0 : i32
      %dma_wait3A_2280 = arith.constant 1 : i32
      %dma_wait3A_2281 = arith.constant 3 : i32
      %dma_wait3A_2282 = arith.constant 0 : i32
      %dma_wait3A_2283 = arith.constant 0 : i32
      %dma_wait3A_2284 = tpu.memref_slice %arg6[%dma_wait3A_2280, %dma_wait3A_2281, %dma_wait3A_2282, %dma_wait3A_2283] : memref<4x8x50x64xf32, #tpu.memory_space<vmem>> -> memref<1x1x50x64xf32, #tpu.memory_space<vmem>>
      %dma_wait3A_2285 = tpu.memref_squeeze %dma_wait3A_2284 : memref<1x1x50x64xf32, #tpu.memory_space<vmem>> -> memref<50x64xf32, #tpu.memory_space<vmem>>
      %dma_wait3A_2286 = arith.constant 0 : i32
      %dma_wait3A_2287 = tpu.memref_slice %arg5[%dma_wait3A_2279, %dma_wait3A_2286] : memref<512x50xi32, #tpu.memory_space<vmem>> -> memref<1x50xi32, #tpu.memory_space<vmem>>
      %dma_wait3A_2288 = tpu.memref_squeeze %dma_wait3A_2287 : memref<1x50xi32, #tpu.memory_space<vmem>> -> memref<50xi32, #tpu.memory_space<vmem>>
      %dma_wait3A_2289 = arith.constant 0 : i32
      %dma_wait3A_2290 = arith.constant 0 : i32
      %dma_wait3A_2291 = tpu.memref_slice %arg3[%dma_wait3A_2289, %dma_wait3A_2290] : memref<2000000x64xf32, #tpu.memory_space<hbm>> -> memref<2000000x64xf32, #tpu.memory_space<hbm>>
      tpu.wait_indirect_dma semaphore(%arg8 : memref<!tpu.dma_semaphore, #tpu.memory_space<semaphore_mem>>) src(%dma_wait3A_2291 : memref<2000000x64xf32, #tpu.memory_space<hbm>>) dst(%dma_wait3A_2285 : memref<50x64xf32, #tpu.memory_space<vmem>>)
      %dma_wait3A_2292 = arith.constant 0 : i32
      %dma_wait3A_2293 = arith.constant 1 : i32
      %dma_wait3A_2294 = arith.constant 4 : i32
      %dma_wait3A_2295 = arith.constant 0 : i32
      %dma_wait3A_2296 = arith.constant 0 : i32
      %dma_wait3A_2297 = tpu.memref_slice %arg6[%dma_wait3A_2293, %dma_wait3A_2294, %dma_wait3A_2295, %dma_wait3A_2296] : memref<4x8x50x64xf32, #tpu.memory_space<vmem>> -> memref<1x1x50x64xf32, #tpu.memory_space<vmem>>
      %dma_wait3A_2298 = tpu.memref_squeeze %dma_wait3A_2297 : memref<1x1x50x64xf32, #tpu.memory_space<vmem>> -> memref<50x64xf32, #tpu.memory_space<vmem>>
      %dma_wait3A_2299 = arith.constant 0 : i32
      %dma_wait3A_2300 = tpu.memref_slice %arg5[%dma_wait3A_2292, %dma_wait3A_2299] : memref<512x50xi32, #tpu.memory_space<vmem>> -> memref<1x50xi32, #tpu.memory_space<vmem>>
      %dma_wait3A_2301 = tpu.memref_squeeze %dma_wait3A_2300 : memref<1x50xi32, #tpu.memory_space<vmem>> -> memref<50xi32, #tpu.memory_space<vmem>>
      %dma_wait3A_2302 = arith.constant 0 : i32
      %dma_wait3A_2303 = arith.constant 0 : i32
      %dma_wait3A_2304 = tpu.memref_slice %arg3[%dma_wait3A_2302, %dma_wait3A_2303] : memref<2000000x64xf32, #tpu.memory_space<hbm>> -> memref<2000000x64xf32, #tpu.memory_space<hbm>>
      tpu.wait_indirect_dma semaphore(%arg8 : memref<!tpu.dma_semaphore, #tpu.memory_space<semaphore_mem>>) src(%dma_wait3A_2304 : memref<2000000x64xf32, #tpu.memory_space<hbm>>) dst(%dma_wait3A_2298 : memref<50x64xf32, #tpu.memory_space<vmem>>)
      %dma_wait3A_2305 = arith.constant 0 : i32
      %dma_wait3A_2306 = arith.constant 1 : i32
      %dma_wait3A_2307 = arith.constant 5 : i32
      %dma_wait3A_2308 = arith.constant 0 : i32
      %dma_wait3A_2309 = arith.constant 0 : i32
      %dma_wait3A_2310 = tpu.memref_slice %arg6[%dma_wait3A_2306, %dma_wait3A_2307, %dma_wait3A_2308, %dma_wait3A_2309] : memref<4x8x50x64xf32, #tpu.memory_space<vmem>> -> memref<1x1x50x64xf32, #tpu.memory_space<vmem>>
      %dma_wait3A_2311 = tpu.memref_squeeze %dma_wait3A_2310 : memref<1x1x50x64xf32, #tpu.memory_space<vmem>> -> memref<50x64xf32, #tpu.memory_space<vmem>>
      %dma_wait3A_2312 = arith.constant 0 : i32
      %dma_wait3A_2313 = tpu.memref_slice %arg5[%dma_wait3A_2305, %dma_wait3A_2312] : memref<512x50xi32, #tpu.memory_space<vmem>> -> memref<1x50xi32, #tpu.memory_space<vmem>>
      %dma_wait3A_2314 = tpu.memref_squeeze %dma_wait3A_2313 : memref<1x50xi32, #tpu.memory_space<vmem>> -> memref<50xi32, #tpu.memory_space<vmem>>
      %dma_wait3A_2315 = arith.constant 0 : i32
      %dma_wait3A_2316 = arith.constant 0 : i32
      %dma_wait3A_2317 = tpu.memref_slice %arg3[%dma_wait3A_2315, %dma_wait3A_2316] : memref<2000000x64xf32, #tpu.memory_space<hbm>> -> memref<2000000x64xf32, #tpu.memory_space<hbm>>
      tpu.wait_indirect_dma semaphore(%arg8 : memref<!tpu.dma_semaphore, #tpu.memory_space<semaphore_mem>>) src(%dma_wait3A_2317 : memref<2000000x64xf32, #tpu.memory_space<hbm>>) dst(%dma_wait3A_2311 : memref<50x64xf32, #tpu.memory_space<vmem>>)
      %dma_wait3A_2318 = arith.constant 0 : i32
      %dma_wait3A_2319 = arith.constant 1 : i32
      %dma_wait3A_2320 = arith.constant 6 : i32
      %dma_wait3A_2321 = arith.constant 0 : i32
      %dma_wait3A_2322 = arith.constant 0 : i32
      %dma_wait3A_2323 = tpu.memref_slice %arg6[%dma_wait3A_2319, %dma_wait3A_2320, %dma_wait3A_2321, %dma_wait3A_2322] : memref<4x8x50x64xf32, #tpu.memory_space<vmem>> -> memref<1x1x50x64xf32, #tpu.memory_space<vmem>>
      %dma_wait3A_2324 = tpu.memref_squeeze %dma_wait3A_2323 : memref<1x1x50x64xf32, #tpu.memory_space<vmem>> -> memref<50x64xf32, #tpu.memory_space<vmem>>
      %dma_wait3A_2325 = arith.constant 0 : i32
      %dma_wait3A_2326 = tpu.memref_slice %arg5[%dma_wait3A_2318, %dma_wait3A_2325] : memref<512x50xi32, #tpu.memory_space<vmem>> -> memref<1x50xi32, #tpu.memory_space<vmem>>
      %dma_wait3A_2327 = tpu.memref_squeeze %dma_wait3A_2326 : memref<1x50xi32, #tpu.memory_space<vmem>> -> memref<50xi32, #tpu.memory_space<vmem>>
      %dma_wait3A_2328 = arith.constant 0 : i32
      %dma_wait3A_2329 = arith.constant 0 : i32
      %dma_wait3A_2330 = tpu.memref_slice %arg3[%dma_wait3A_2328, %dma_wait3A_2329] : memref<2000000x64xf32, #tpu.memory_space<hbm>> -> memref<2000000x64xf32, #tpu.memory_space<hbm>>
      tpu.wait_indirect_dma semaphore(%arg8 : memref<!tpu.dma_semaphore, #tpu.memory_space<semaphore_mem>>) src(%dma_wait3A_2330 : memref<2000000x64xf32, #tpu.memory_space<hbm>>) dst(%dma_wait3A_2324 : memref<50x64xf32, #tpu.memory_space<vmem>>)
      %dma_wait3A_2331 = arith.constant 0 : i32
      %dma_wait3A_2332 = arith.constant 1 : i32
      %dma_wait3A_2333 = arith.constant 7 : i32
      %dma_wait3A_2334 = arith.constant 0 : i32
      %dma_wait3A_2335 = arith.constant 0 : i32
      %dma_wait3A_2336 = tpu.memref_slice %arg6[%dma_wait3A_2332, %dma_wait3A_2333, %dma_wait3A_2334, %dma_wait3A_2335] : memref<4x8x50x64xf32, #tpu.memory_space<vmem>> -> memref<1x1x50x64xf32, #tpu.memory_space<vmem>>
      %dma_wait3A_2337 = tpu.memref_squeeze %dma_wait3A_2336 : memref<1x1x50x64xf32, #tpu.memory_space<vmem>> -> memref<50x64xf32, #tpu.memory_space<vmem>>
      %dma_wait3A_2338 = arith.constant 0 : i32
      %dma_wait3A_2339 = tpu.memref_slice %arg5[%dma_wait3A_2331, %dma_wait3A_2338] : memref<512x50xi32, #tpu.memory_space<vmem>> -> memref<1x50xi32, #tpu.memory_space<vmem>>
      %dma_wait3A_2340 = tpu.memref_squeeze %dma_wait3A_2339 : memref<1x50xi32, #tpu.memory_space<vmem>> -> memref<50xi32, #tpu.memory_space<vmem>>
      %dma_wait3A_2341 = arith.constant 0 : i32
      %dma_wait3A_2342 = arith.constant 0 : i32
      %dma_wait3A_2343 = tpu.memref_slice %arg3[%dma_wait3A_2341, %dma_wait3A_2342] : memref<2000000x64xf32, #tpu.memory_space<hbm>> -> memref<2000000x64xf32, #tpu.memory_space<hbm>>
      tpu.wait_indirect_dma semaphore(%arg8 : memref<!tpu.dma_semaphore, #tpu.memory_space<semaphore_mem>>) src(%dma_wait3A_2343 : memref<2000000x64xf32, #tpu.memory_space<hbm>>) dst(%dma_wait3A_2337 : memref<50x64xf32, #tpu.memory_space<vmem>>)
      %mul3A_2344 = arith.constant 8 : i32
      %mul3A_2345 = arith.muli %add3A_2239, %mul3A_2344 : i32
      %add3A_2346 = arith.addi %mul3A_2, %mul3A_2345 : i32
      %dma_start3A_2347 = arith.constant 1 : i32
      %dma_start3A_2348 = arith.constant 0 : i32
      %dma_start3A_2349 = arith.constant 0 : i32
      %dma_start3A_2350 = arith.constant 0 : i32
      %dma_start3A_2351 = tpu.memref_slice %arg6[%dma_start3A_2347, %dma_start3A_2348, %dma_start3A_2349, %dma_start3A_2350] : memref<4x8x50x64xf32, #tpu.memory_space<vmem>> -> memref<1x8x50x64xf32, #tpu.memory_space<vmem>>
      %dma_start3A_2352 = tpu.memref_squeeze %dma_start3A_2351 : memref<1x8x50x64xf32, #tpu.memory_space<vmem>> -> memref<8x50x64xf32, #tpu.memory_space<vmem>>
      %dma_start3A_2353 = arith.constant 0 : i32
      %dma_start3A_2354 = arith.constant 0 : i32
      %dma_start3A_2355 = tpu.memref_slice %arg4[%add3A_2346, %dma_start3A_2353, %dma_start3A_2354] : memref<16384x56x128xf32, #tpu.memory_space<hbm>> -> memref<8x50x64xf32, #tpu.memory_space<hbm>>
      %dma_start3A_2356 = arith.constant 0 : i32
      %dma_start3A_2357 = arith.constant 0 : i32
      %dma_start3A_2358 = tpu.memref_slice %arg4[%add3A_2346, %dma_start3A_2356, %dma_start3A_2357] : memref<16384x56x128xf32, #tpu.memory_space<hbm>> -> memref<8x50x64xf32, #tpu.memory_space<hbm>>
      %dma_start3A_2359 = arith.constant 0 : i32
      %dma_start3A_2360 = arith.constant 0 : i32
      %dma_start3A_2361 = arith.constant 0 : i32
      %dma_start3A_2362 = tpu.memref_slice %arg6[%dma_start3A_2347, %dma_start3A_2359, %dma_start3A_2360, %dma_start3A_2361] : memref<4x8x50x64xf32, #tpu.memory_space<vmem>> -> memref<1x8x50x64xf32, #tpu.memory_space<vmem>>
      %dma_start3A_2363 = tpu.memref_squeeze %dma_start3A_2362 : memref<1x8x50x64xf32, #tpu.memory_space<vmem>> -> memref<8x50x64xf32, #tpu.memory_space<vmem>>
      tpu.enqueue_dma source(%dma_start3A_2363 : memref<8x50x64xf32, #tpu.memory_space<vmem>>) target(%dma_start3A_2358 : memref<8x50x64xf32, #tpu.memory_space<hbm>>) target_semaphore(%arg12 : memref<!tpu.dma_semaphore, #tpu.memory_space<semaphore_mem>>)
      %dma_wait3A_2364 = arith.constant 0 : i32
      %dma_wait3A_2365 = arith.constant 0 : i32
      %dma_wait3A_2366 = arith.constant 0 : i32
      %dma_wait3A_2367 = arith.constant 0 : i32
      %dma_wait3A_2368 = tpu.memref_slice %arg6[%dma_wait3A_2364, %dma_wait3A_2365, %dma_wait3A_2366, %dma_wait3A_2367] : memref<4x8x50x64xf32, #tpu.memory_space<vmem>> -> memref<1x8x50x64xf32, #tpu.memory_space<vmem>>
      %dma_wait3A_2369 = tpu.memref_squeeze %dma_wait3A_2368 : memref<1x8x50x64xf32, #tpu.memory_space<vmem>> -> memref<8x50x64xf32, #tpu.memory_space<vmem>>
      %dma_wait3A_2370 = arith.constant 0 : i32
      %dma_wait3A_2371 = arith.constant 0 : i32
      %dma_wait3A_2372 = tpu.memref_slice %arg4[%mul3A_2, %dma_wait3A_2370, %dma_wait3A_2371] : memref<16384x56x128xf32, #tpu.memory_space<hbm>> -> memref<8x50x64xf32, #tpu.memory_space<hbm>>
      %dma_wait3A_2373 = arith.constant 0 : i32
      %dma_wait3A_2374 = arith.constant 0 : i32
      %dma_wait3A_2375 = tpu.memref_slice %arg4[%mul3A_2, %dma_wait3A_2373, %dma_wait3A_2374] : memref<16384x56x128xf32, #tpu.memory_space<hbm>> -> memref<8x50x64xf32, #tpu.memory_space<hbm>>
      %dma_wait3A_2376 = arith.constant 0 : i32
      %dma_wait3A_2377 = arith.constant 0 : i32
      %dma_wait3A_2378 = arith.constant 0 : i32
      %dma_wait3A_2379 = tpu.memref_slice %arg6[%dma_wait3A_2364, %dma_wait3A_2376, %dma_wait3A_2377, %dma_wait3A_2378] : memref<4x8x50x64xf32, #tpu.memory_space<vmem>> -> memref<1x8x50x64xf32, #tpu.memory_space<vmem>>
      %dma_wait3A_2380 = tpu.memref_squeeze %dma_wait3A_2379 : memref<1x8x50x64xf32, #tpu.memory_space<vmem>> -> memref<8x50x64xf32, #tpu.memory_space<vmem>>
      tpu.wait_dma2 semaphore(%arg11 : memref<!tpu.dma_semaphore, #tpu.memory_space<semaphore_mem>>) src(%dma_wait3A_2380 : memref<8x50x64xf32, #tpu.memory_space<vmem>>) dst(%dma_wait3A_2375 : memref<8x50x64xf32, #tpu.memory_space<hbm>>)
      %add3A_2381 = arith.constant 4 : i32
      %add3A_2382 = arith.addi %add3A_2239, %add3A_2381 : i32
      %sub3A_2383 = arith.constant 1 : i32
      %sub3A_2384 = arith.subi %add3A_2382, %sub3A_2383 : i32
      %mul3A_2385 = arith.constant 8 : i32
      %mul3A_2386 = arith.muli %sub3A_2384, %mul3A_2385 : i32
      %add3A_2387 = arith.constant 0 : i32
      %add3A_2388 = arith.addi %mul3A_2386, %add3A_2387 : i32
      %dma_start3A_2389 = arith.constant 0 : i32
      %dma_start3A_2390 = arith.constant 0 : i32
      %dma_start3A_2391 = arith.constant 0 : i32
      %dma_start3A_2392 = arith.constant 0 : i32
      %dma_start3A_2393 = tpu.memref_slice %arg6[%dma_start3A_2389, %dma_start3A_2390, %dma_start3A_2391, %dma_start3A_2392] : memref<4x8x50x64xf32, #tpu.memory_space<vmem>> -> memref<1x1x50x64xf32, #tpu.memory_space<vmem>>
      %dma_start3A_2394 = tpu.memref_squeeze %dma_start3A_2393 : memref<1x1x50x64xf32, #tpu.memory_space<vmem>> -> memref<50x64xf32, #tpu.memory_space<vmem>>
      %dma_start3A_2395 = arith.constant 0 : i32
      %dma_start3A_2396 = tpu.memref_slice %arg5[%add3A_2388, %dma_start3A_2395] : memref<512x50xi32, #tpu.memory_space<vmem>> -> memref<1x50xi32, #tpu.memory_space<vmem>>
      %dma_start3A_2397 = tpu.memref_squeeze %dma_start3A_2396 : memref<1x50xi32, #tpu.memory_space<vmem>> -> memref<50xi32, #tpu.memory_space<vmem>>
      %dma_start3A_2398 = arith.constant 0 : i32
      %dma_start3A_2399 = arith.constant 0 : i32
      %dma_start3A_2400 = tpu.memref_slice %arg3[%dma_start3A_2398, %dma_start3A_2399] : memref<2000000x64xf32, #tpu.memory_space<hbm>> -> memref<2000000x64xf32, #tpu.memory_space<hbm>>
      tpu.enqueue_indirect_dma source(%dma_start3A_2400 : memref<2000000x64xf32, #tpu.memory_space<hbm>>) target(%dma_start3A_2394 : memref<50x64xf32, #tpu.memory_space<vmem>>) offsets(%dma_start3A_2397 : memref<50xi32, #tpu.memory_space<vmem>>) semaphore(%arg7 : memref<!tpu.dma_semaphore, #tpu.memory_space<semaphore_mem>>)
      %mul3A_2401 = arith.constant 8 : i32
      %mul3A_2402 = arith.muli %sub3A_2384, %mul3A_2401 : i32
      %add3A_2403 = arith.constant 1 : i32
      %add3A_2404 = arith.addi %mul3A_2402, %add3A_2403 : i32
      %dma_start3A_2405 = arith.constant 0 : i32
      %dma_start3A_2406 = arith.constant 1 : i32
      %dma_start3A_2407 = arith.constant 0 : i32
      %dma_start3A_2408 = arith.constant 0 : i32
      %dma_start3A_2409 = tpu.memref_slice %arg6[%dma_start3A_2405, %dma_start3A_2406, %dma_start3A_2407, %dma_start3A_2408] : memref<4x8x50x64xf32, #tpu.memory_space<vmem>> -> memref<1x1x50x64xf32, #tpu.memory_space<vmem>>
      %dma_start3A_2410 = tpu.memref_squeeze %dma_start3A_2409 : memref<1x1x50x64xf32, #tpu.memory_space<vmem>> -> memref<50x64xf32, #tpu.memory_space<vmem>>
      %dma_start3A_2411 = arith.constant 0 : i32
      %dma_start3A_2412 = tpu.memref_slice %arg5[%add3A_2404, %dma_start3A_2411] : memref<512x50xi32, #tpu.memory_space<vmem>> -> memref<1x50xi32, #tpu.memory_space<vmem>>
      %dma_start3A_2413 = tpu.memref_squeeze %dma_start3A_2412 : memref<1x50xi32, #tpu.memory_space<vmem>> -> memref<50xi32, #tpu.memory_space<vmem>>
      %dma_start3A_2414 = arith.constant 0 : i32
      %dma_start3A_2415 = arith.constant 0 : i32
      %dma_start3A_2416 = tpu.memref_slice %arg3[%dma_start3A_2414, %dma_start3A_2415] : memref<2000000x64xf32, #tpu.memory_space<hbm>> -> memref<2000000x64xf32, #tpu.memory_space<hbm>>
      tpu.enqueue_indirect_dma source(%dma_start3A_2416 : memref<2000000x64xf32, #tpu.memory_space<hbm>>) target(%dma_start3A_2410 : memref<50x64xf32, #tpu.memory_space<vmem>>) offsets(%dma_start3A_2413 : memref<50xi32, #tpu.memory_space<vmem>>) semaphore(%arg7 : memref<!tpu.dma_semaphore, #tpu.memory_space<semaphore_mem>>)
      %mul3A_2417 = arith.constant 8 : i32
      %mul3A_2418 = arith.muli %sub3A_2384, %mul3A_2417 : i32
      %add3A_2419 = arith.constant 2 : i32
      %add3A_2420 = arith.addi %mul3A_2418, %add3A_2419 : i32
      %dma_start3A_2421 = arith.constant 0 : i32
      %dma_start3A_2422 = arith.constant 2 : i32
      %dma_start3A_2423 = arith.constant 0 : i32
      %dma_start3A_2424 = arith.constant 0 : i32
      %dma_start3A_2425 = tpu.memref_slice %arg6[%dma_start3A_2421, %dma_start3A_2422, %dma_start3A_2423, %dma_start3A_2424] : memref<4x8x50x64xf32, #tpu.memory_space<vmem>> -> memref<1x1x50x64xf32, #tpu.memory_space<vmem>>
      %dma_start3A_2426 = tpu.memref_squeeze %dma_start3A_2425 : memref<1x1x50x64xf32, #tpu.memory_space<vmem>> -> memref<50x64xf32, #tpu.memory_space<vmem>>
      %dma_start3A_2427 = arith.constant 0 : i32
      %dma_start3A_2428 = tpu.memref_slice %arg5[%add3A_2420, %dma_start3A_2427] : memref<512x50xi32, #tpu.memory_space<vmem>> -> memref<1x50xi32, #tpu.memory_space<vmem>>
      %dma_start3A_2429 = tpu.memref_squeeze %dma_start3A_2428 : memref<1x50xi32, #tpu.memory_space<vmem>> -> memref<50xi32, #tpu.memory_space<vmem>>
      %dma_start3A_2430 = arith.constant 0 : i32
      %dma_start3A_2431 = arith.constant 0 : i32
      %dma_start3A_2432 = tpu.memref_slice %arg3[%dma_start3A_2430, %dma_start3A_2431] : memref<2000000x64xf32, #tpu.memory_space<hbm>> -> memref<2000000x64xf32, #tpu.memory_space<hbm>>
      tpu.enqueue_indirect_dma source(%dma_start3A_2432 : memref<2000000x64xf32, #tpu.memory_space<hbm>>) target(%dma_start3A_2426 : memref<50x64xf32, #tpu.memory_space<vmem>>) offsets(%dma_start3A_2429 : memref<50xi32, #tpu.memory_space<vmem>>) semaphore(%arg7 : memref<!tpu.dma_semaphore, #tpu.memory_space<semaphore_mem>>)
      %mul3A_2433 = arith.constant 8 : i32
      %mul3A_2434 = arith.muli %sub3A_2384, %mul3A_2433 : i32
      %add3A_2435 = arith.constant 3 : i32
      %add3A_2436 = arith.addi %mul3A_2434, %add3A_2435 : i32
      %dma_start3A_2437 = arith.constant 0 : i32
      %dma_start3A_2438 = arith.constant 3 : i32
      %dma_start3A_2439 = arith.constant 0 : i32
      %dma_start3A_2440 = arith.constant 0 : i32
      %dma_start3A_2441 = tpu.memref_slice %arg6[%dma_start3A_2437, %dma_start3A_2438, %dma_start3A_2439, %dma_start3A_2440] : memref<4x8x50x64xf32, #tpu.memory_space<vmem>> -> memref<1x1x50x64xf32, #tpu.memory_space<vmem>>
      %dma_start3A_2442 = tpu.memref_squeeze %dma_start3A_2441 : memref<1x1x50x64xf32, #tpu.memory_space<vmem>> -> memref<50x64xf32, #tpu.memory_space<vmem>>
      %dma_start3A_2443 = arith.constant 0 : i32
      %dma_start3A_2444 = tpu.memref_slice %arg5[%add3A_2436, %dma_start3A_2443] : memref<512x50xi32, #tpu.memory_space<vmem>> -> memref<1x50xi32, #tpu.memory_space<vmem>>
      %dma_start3A_2445 = tpu.memref_squeeze %dma_start3A_2444 : memref<1x50xi32, #tpu.memory_space<vmem>> -> memref<50xi32, #tpu.memory_space<vmem>>
      %dma_start3A_2446 = arith.constant 0 : i32
      %dma_start3A_2447 = arith.constant 0 : i32
      %dma_start3A_2448 = tpu.memref_slice %arg3[%dma_start3A_2446, %dma_start3A_2447] : memref<2000000x64xf32, #tpu.memory_space<hbm>> -> memref<2000000x64xf32, #tpu.memory_space<hbm>>
      tpu.enqueue_indirect_dma source(%dma_start3A_2448 : memref<2000000x64xf32, #tpu.memory_space<hbm>>) target(%dma_start3A_2442 : memref<50x64xf32, #tpu.memory_space<vmem>>) offsets(%dma_start3A_2445 : memref<50xi32, #tpu.memory_space<vmem>>) semaphore(%arg7 : memref<!tpu.dma_semaphore, #tpu.memory_space<semaphore_mem>>)
      %mul3A_2449 = arith.constant 8 : i32
      %mul3A_2450 = arith.muli %sub3A_2384, %mul3A_2449 : i32
      %add3A_2451 = arith.constant 4 : i32
      %add3A_2452 = arith.addi %mul3A_2450, %add3A_2451 : i32
      %dma_start3A_2453 = arith.constant 0 : i32
      %dma_start3A_2454 = arith.constant 4 : i32
      %dma_start3A_2455 = arith.constant 0 : i32
      %dma_start3A_2456 = arith.constant 0 : i32
      %dma_start3A_2457 = tpu.memref_slice %arg6[%dma_start3A_2453, %dma_start3A_2454, %dma_start3A_2455, %dma_start3A_2456] : memref<4x8x50x64xf32, #tpu.memory_space<vmem>> -> memref<1x1x50x64xf32, #tpu.memory_space<vmem>>
      %dma_start3A_2458 = tpu.memref_squeeze %dma_start3A_2457 : memref<1x1x50x64xf32, #tpu.memory_space<vmem>> -> memref<50x64xf32, #tpu.memory_space<vmem>>
      %dma_start3A_2459 = arith.constant 0 : i32
      %dma_start3A_2460 = tpu.memref_slice %arg5[%add3A_2452, %dma_start3A_2459] : memref<512x50xi32, #tpu.memory_space<vmem>> -> memref<1x50xi32, #tpu.memory_space<vmem>>
      %dma_start3A_2461 = tpu.memref_squeeze %dma_start3A_2460 : memref<1x50xi32, #tpu.memory_space<vmem>> -> memref<50xi32, #tpu.memory_space<vmem>>
      %dma_start3A_2462 = arith.constant 0 : i32
      %dma_start3A_2463 = arith.constant 0 : i32
      %dma_start3A_2464 = tpu.memref_slice %arg3[%dma_start3A_2462, %dma_start3A_2463] : memref<2000000x64xf32, #tpu.memory_space<hbm>> -> memref<2000000x64xf32, #tpu.memory_space<hbm>>
      tpu.enqueue_indirect_dma source(%dma_start3A_2464 : memref<2000000x64xf32, #tpu.memory_space<hbm>>) target(%dma_start3A_2458 : memref<50x64xf32, #tpu.memory_space<vmem>>) offsets(%dma_start3A_2461 : memref<50xi32, #tpu.memory_space<vmem>>) semaphore(%arg7 : memref<!tpu.dma_semaphore, #tpu.memory_space<semaphore_mem>>)
      %mul3A_2465 = arith.constant 8 : i32
      %mul3A_2466 = arith.muli %sub3A_2384, %mul3A_2465 : i32
      %add3A_2467 = arith.constant 5 : i32
      %add3A_2468 = arith.addi %mul3A_2466, %add3A_2467 : i32
      %dma_start3A_2469 = arith.constant 0 : i32
      %dma_start3A_2470 = arith.constant 5 : i32
      %dma_start3A_2471 = arith.constant 0 : i32
      %dma_start3A_2472 = arith.constant 0 : i32
      %dma_start3A_2473 = tpu.memref_slice %arg6[%dma_start3A_2469, %dma_start3A_2470, %dma_start3A_2471, %dma_start3A_2472] : memref<4x8x50x64xf32, #tpu.memory_space<vmem>> -> memref<1x1x50x64xf32, #tpu.memory_space<vmem>>
      %dma_start3A_2474 = tpu.memref_squeeze %dma_start3A_2473 : memref<1x1x50x64xf32, #tpu.memory_space<vmem>> -> memref<50x64xf32, #tpu.memory_space<vmem>>
      %dma_start3A_2475 = arith.constant 0 : i32
      %dma_start3A_2476 = tpu.memref_slice %arg5[%add3A_2468, %dma_start3A_2475] : memref<512x50xi32, #tpu.memory_space<vmem>> -> memref<1x50xi32, #tpu.memory_space<vmem>>
      %dma_start3A_2477 = tpu.memref_squeeze %dma_start3A_2476 : memref<1x50xi32, #tpu.memory_space<vmem>> -> memref<50xi32, #tpu.memory_space<vmem>>
      %dma_start3A_2478 = arith.constant 0 : i32
      %dma_start3A_2479 = arith.constant 0 : i32
      %dma_start3A_2480 = tpu.memref_slice %arg3[%dma_start3A_2478, %dma_start3A_2479] : memref<2000000x64xf32, #tpu.memory_space<hbm>> -> memref<2000000x64xf32, #tpu.memory_space<hbm>>
      tpu.enqueue_indirect_dma source(%dma_start3A_2480 : memref<2000000x64xf32, #tpu.memory_space<hbm>>) target(%dma_start3A_2474 : memref<50x64xf32, #tpu.memory_space<vmem>>) offsets(%dma_start3A_2477 : memref<50xi32, #tpu.memory_space<vmem>>) semaphore(%arg7 : memref<!tpu.dma_semaphore, #tpu.memory_space<semaphore_mem>>)
      %mul3A_2481 = arith.constant 8 : i32
      %mul3A_2482 = arith.muli %sub3A_2384, %mul3A_2481 : i32
      %add3A_2483 = arith.constant 6 : i32
      %add3A_2484 = arith.addi %mul3A_2482, %add3A_2483 : i32
      %dma_start3A_2485 = arith.constant 0 : i32
      %dma_start3A_2486 = arith.constant 6 : i32
      %dma_start3A_2487 = arith.constant 0 : i32
      %dma_start3A_2488 = arith.constant 0 : i32
      %dma_start3A_2489 = tpu.memref_slice %arg6[%dma_start3A_2485, %dma_start3A_2486, %dma_start3A_2487, %dma_start3A_2488] : memref<4x8x50x64xf32, #tpu.memory_space<vmem>> -> memref<1x1x50x64xf32, #tpu.memory_space<vmem>>
      %dma_start3A_2490 = tpu.memref_squeeze %dma_start3A_2489 : memref<1x1x50x64xf32, #tpu.memory_space<vmem>> -> memref<50x64xf32, #tpu.memory_space<vmem>>
      %dma_start3A_2491 = arith.constant 0 : i32
      %dma_start3A_2492 = tpu.memref_slice %arg5[%add3A_2484, %dma_start3A_2491] : memref<512x50xi32, #tpu.memory_space<vmem>> -> memref<1x50xi32, #tpu.memory_space<vmem>>
      %dma_start3A_2493 = tpu.memref_squeeze %dma_start3A_2492 : memref<1x50xi32, #tpu.memory_space<vmem>> -> memref<50xi32, #tpu.memory_space<vmem>>
      %dma_start3A_2494 = arith.constant 0 : i32
      %dma_start3A_2495 = arith.constant 0 : i32
      %dma_start3A_2496 = tpu.memref_slice %arg3[%dma_start3A_2494, %dma_start3A_2495] : memref<2000000x64xf32, #tpu.memory_space<hbm>> -> memref<2000000x64xf32, #tpu.memory_space<hbm>>
      tpu.enqueue_indirect_dma source(%dma_start3A_2496 : memref<2000000x64xf32, #tpu.memory_space<hbm>>) target(%dma_start3A_2490 : memref<50x64xf32, #tpu.memory_space<vmem>>) offsets(%dma_start3A_2493 : memref<50xi32, #tpu.memory_space<vmem>>) semaphore(%arg7 : memref<!tpu.dma_semaphore, #tpu.memory_space<semaphore_mem>>)
      %mul3A_2497 = arith.constant 8 : i32
      %mul3A_2498 = arith.muli %sub3A_2384, %mul3A_2497 : i32
      %add3A_2499 = arith.constant 7 : i32
      %add3A_2500 = arith.addi %mul3A_2498, %add3A_2499 : i32
      %dma_start3A_2501 = arith.constant 0 : i32
      %dma_start3A_2502 = arith.constant 7 : i32
      %dma_start3A_2503 = arith.constant 0 : i32
      %dma_start3A_2504 = arith.constant 0 : i32
      %dma_start3A_2505 = tpu.memref_slice %arg6[%dma_start3A_2501, %dma_start3A_2502, %dma_start3A_2503, %dma_start3A_2504] : memref<4x8x50x64xf32, #tpu.memory_space<vmem>> -> memref<1x1x50x64xf32, #tpu.memory_space<vmem>>
      %dma_start3A_2506 = tpu.memref_squeeze %dma_start3A_2505 : memref<1x1x50x64xf32, #tpu.memory_space<vmem>> -> memref<50x64xf32, #tpu.memory_space<vmem>>
      %dma_start3A_2507 = arith.constant 0 : i32
      %dma_start3A_2508 = tpu.memref_slice %arg5[%add3A_2500, %dma_start3A_2507] : memref<512x50xi32, #tpu.memory_space<vmem>> -> memref<1x50xi32, #tpu.memory_space<vmem>>
      %dma_start3A_2509 = tpu.memref_squeeze %dma_start3A_2508 : memref<1x50xi32, #tpu.memory_space<vmem>> -> memref<50xi32, #tpu.memory_space<vmem>>
      %dma_start3A_2510 = arith.constant 0 : i32
      %dma_start3A_2511 = arith.constant 0 : i32
      %dma_start3A_2512 = tpu.memref_slice %arg3[%dma_start3A_2510, %dma_start3A_2511] : memref<2000000x64xf32, #tpu.memory_space<hbm>> -> memref<2000000x64xf32, #tpu.memory_space<hbm>>
      tpu.enqueue_indirect_dma source(%dma_start3A_2512 : memref<2000000x64xf32, #tpu.memory_space<hbm>>) target(%dma_start3A_2506 : memref<50x64xf32, #tpu.memory_space<vmem>>) offsets(%dma_start3A_2509 : memref<50xi32, #tpu.memory_space<vmem>>) semaphore(%arg7 : memref<!tpu.dma_semaphore, #tpu.memory_space<semaphore_mem>>)
      %add3A_2513 = arith.constant 2 : i32
      %add3A_2514 = arith.addi %mul3A_1963, %add3A_2513 : i32
      %dma_wait3A_2515 = arith.constant 0 : i32
      %dma_wait3A_2516 = arith.constant 2 : i32
      %dma_wait3A_2517 = arith.constant 0 : i32
      %dma_wait3A_2518 = arith.constant 0 : i32
      %dma_wait3A_2519 = arith.constant 0 : i32
      %dma_wait3A_2520 = tpu.memref_slice %arg6[%dma_wait3A_2516, %dma_wait3A_2517, %dma_wait3A_2518, %dma_wait3A_2519] : memref<4x8x50x64xf32, #tpu.memory_space<vmem>> -> memref<1x1x50x64xf32, #tpu.memory_space<vmem>>
      %dma_wait3A_2521 = tpu.memref_squeeze %dma_wait3A_2520 : memref<1x1x50x64xf32, #tpu.memory_space<vmem>> -> memref<50x64xf32, #tpu.memory_space<vmem>>
      %dma_wait3A_2522 = arith.constant 0 : i32
      %dma_wait3A_2523 = tpu.memref_slice %arg5[%dma_wait3A_2515, %dma_wait3A_2522] : memref<512x50xi32, #tpu.memory_space<vmem>> -> memref<1x50xi32, #tpu.memory_space<vmem>>
      %dma_wait3A_2524 = tpu.memref_squeeze %dma_wait3A_2523 : memref<1x50xi32, #tpu.memory_space<vmem>> -> memref<50xi32, #tpu.memory_space<vmem>>
      %dma_wait3A_2525 = arith.constant 0 : i32
      %dma_wait3A_2526 = arith.constant 0 : i32
      %dma_wait3A_2527 = tpu.memref_slice %arg3[%dma_wait3A_2525, %dma_wait3A_2526] : memref<2000000x64xf32, #tpu.memory_space<hbm>> -> memref<2000000x64xf32, #tpu.memory_space<hbm>>
      tpu.wait_indirect_dma semaphore(%arg9 : memref<!tpu.dma_semaphore, #tpu.memory_space<semaphore_mem>>) src(%dma_wait3A_2527 : memref<2000000x64xf32, #tpu.memory_space<hbm>>) dst(%dma_wait3A_2521 : memref<50x64xf32, #tpu.memory_space<vmem>>)
      %dma_wait3A_2528 = arith.constant 0 : i32
      %dma_wait3A_2529 = arith.constant 2 : i32
      %dma_wait3A_2530 = arith.constant 1 : i32
      %dma_wait3A_2531 = arith.constant 0 : i32
      %dma_wait3A_2532 = arith.constant 0 : i32
      %dma_wait3A_2533 = tpu.memref_slice %arg6[%dma_wait3A_2529, %dma_wait3A_2530, %dma_wait3A_2531, %dma_wait3A_2532] : memref<4x8x50x64xf32, #tpu.memory_space<vmem>> -> memref<1x1x50x64xf32, #tpu.memory_space<vmem>>
      %dma_wait3A_2534 = tpu.memref_squeeze %dma_wait3A_2533 : memref<1x1x50x64xf32, #tpu.memory_space<vmem>> -> memref<50x64xf32, #tpu.memory_space<vmem>>
      %dma_wait3A_2535 = arith.constant 0 : i32
      %dma_wait3A_2536 = tpu.memref_slice %arg5[%dma_wait3A_2528, %dma_wait3A_2535] : memref<512x50xi32, #tpu.memory_space<vmem>> -> memref<1x50xi32, #tpu.memory_space<vmem>>
      %dma_wait3A_2537 = tpu.memref_squeeze %dma_wait3A_2536 : memref<1x50xi32, #tpu.memory_space<vmem>> -> memref<50xi32, #tpu.memory_space<vmem>>
      %dma_wait3A_2538 = arith.constant 0 : i32
      %dma_wait3A_2539 = arith.constant 0 : i32
      %dma_wait3A_2540 = tpu.memref_slice %arg3[%dma_wait3A_2538, %dma_wait3A_2539] : memref<2000000x64xf32, #tpu.memory_space<hbm>> -> memref<2000000x64xf32, #tpu.memory_space<hbm>>
      tpu.wait_indirect_dma semaphore(%arg9 : memref<!tpu.dma_semaphore, #tpu.memory_space<semaphore_mem>>) src(%dma_wait3A_2540 : memref<2000000x64xf32, #tpu.memory_space<hbm>>) dst(%dma_wait3A_2534 : memref<50x64xf32, #tpu.memory_space<vmem>>)
      %dma_wait3A_2541 = arith.constant 0 : i32
      %dma_wait3A_2542 = arith.constant 2 : i32
      %dma_wait3A_2543 = arith.constant 2 : i32
      %dma_wait3A_2544 = arith.constant 0 : i32
      %dma_wait3A_2545 = arith.constant 0 : i32
      %dma_wait3A_2546 = tpu.memref_slice %arg6[%dma_wait3A_2542, %dma_wait3A_2543, %dma_wait3A_2544, %dma_wait3A_2545] : memref<4x8x50x64xf32, #tpu.memory_space<vmem>> -> memref<1x1x50x64xf32, #tpu.memory_space<vmem>>
      %dma_wait3A_2547 = tpu.memref_squeeze %dma_wait3A_2546 : memref<1x1x50x64xf32, #tpu.memory_space<vmem>> -> memref<50x64xf32, #tpu.memory_space<vmem>>
      %dma_wait3A_2548 = arith.constant 0 : i32
      %dma_wait3A_2549 = tpu.memref_slice %arg5[%dma_wait3A_2541, %dma_wait3A_2548] : memref<512x50xi32, #tpu.memory_space<vmem>> -> memref<1x50xi32, #tpu.memory_space<vmem>>
      %dma_wait3A_2550 = tpu.memref_squeeze %dma_wait3A_2549 : memref<1x50xi32, #tpu.memory_space<vmem>> -> memref<50xi32, #tpu.memory_space<vmem>>
      %dma_wait3A_2551 = arith.constant 0 : i32
      %dma_wait3A_2552 = arith.constant 0 : i32
      %dma_wait3A_2553 = tpu.memref_slice %arg3[%dma_wait3A_2551, %dma_wait3A_2552] : memref<2000000x64xf32, #tpu.memory_space<hbm>> -> memref<2000000x64xf32, #tpu.memory_space<hbm>>
      tpu.wait_indirect_dma semaphore(%arg9 : memref<!tpu.dma_semaphore, #tpu.memory_space<semaphore_mem>>) src(%dma_wait3A_2553 : memref<2000000x64xf32, #tpu.memory_space<hbm>>) dst(%dma_wait3A_2547 : memref<50x64xf32, #tpu.memory_space<vmem>>)
      %dma_wait3A_2554 = arith.constant 0 : i32
      %dma_wait3A_2555 = arith.constant 2 : i32
      %dma_wait3A_2556 = arith.constant 3 : i32
      %dma_wait3A_2557 = arith.constant 0 : i32
      %dma_wait3A_2558 = arith.constant 0 : i32
      %dma_wait3A_2559 = tpu.memref_slice %arg6[%dma_wait3A_2555, %dma_wait3A_2556, %dma_wait3A_2557, %dma_wait3A_2558] : memref<4x8x50x64xf32, #tpu.memory_space<vmem>> -> memref<1x1x50x64xf32, #tpu.memory_space<vmem>>
      %dma_wait3A_2560 = tpu.memref_squeeze %dma_wait3A_2559 : memref<1x1x50x64xf32, #tpu.memory_space<vmem>> -> memref<50x64xf32, #tpu.memory_space<vmem>>
      %dma_wait3A_2561 = arith.constant 0 : i32
      %dma_wait3A_2562 = tpu.memref_slice %arg5[%dma_wait3A_2554, %dma_wait3A_2561] : memref<512x50xi32, #tpu.memory_space<vmem>> -> memref<1x50xi32, #tpu.memory_space<vmem>>
      %dma_wait3A_2563 = tpu.memref_squeeze %dma_wait3A_2562 : memref<1x50xi32, #tpu.memory_space<vmem>> -> memref<50xi32, #tpu.memory_space<vmem>>
      %dma_wait3A_2564 = arith.constant 0 : i32
      %dma_wait3A_2565 = arith.constant 0 : i32
      %dma_wait3A_2566 = tpu.memref_slice %arg3[%dma_wait3A_2564, %dma_wait3A_2565] : memref<2000000x64xf32, #tpu.memory_space<hbm>> -> memref<2000000x64xf32, #tpu.memory_space<hbm>>
      tpu.wait_indirect_dma semaphore(%arg9 : memref<!tpu.dma_semaphore, #tpu.memory_space<semaphore_mem>>) src(%dma_wait3A_2566 : memref<2000000x64xf32, #tpu.memory_space<hbm>>) dst(%dma_wait3A_2560 : memref<50x64xf32, #tpu.memory_space<vmem>>)
      %dma_wait3A_2567 = arith.constant 0 : i32
      %dma_wait3A_2568 = arith.constant 2 : i32
      %dma_wait3A_2569 = arith.constant 4 : i32
      %dma_wait3A_2570 = arith.constant 0 : i32
      %dma_wait3A_2571 = arith.constant 0 : i32
      %dma_wait3A_2572 = tpu.memref_slice %arg6[%dma_wait3A_2568, %dma_wait3A_2569, %dma_wait3A_2570, %dma_wait3A_2571] : memref<4x8x50x64xf32, #tpu.memory_space<vmem>> -> memref<1x1x50x64xf32, #tpu.memory_space<vmem>>
      %dma_wait3A_2573 = tpu.memref_squeeze %dma_wait3A_2572 : memref<1x1x50x64xf32, #tpu.memory_space<vmem>> -> memref<50x64xf32, #tpu.memory_space<vmem>>
      %dma_wait3A_2574 = arith.constant 0 : i32
      %dma_wait3A_2575 = tpu.memref_slice %arg5[%dma_wait3A_2567, %dma_wait3A_2574] : memref<512x50xi32, #tpu.memory_space<vmem>> -> memref<1x50xi32, #tpu.memory_space<vmem>>
      %dma_wait3A_2576 = tpu.memref_squeeze %dma_wait3A_2575 : memref<1x50xi32, #tpu.memory_space<vmem>> -> memref<50xi32, #tpu.memory_space<vmem>>
      %dma_wait3A_2577 = arith.constant 0 : i32
      %dma_wait3A_2578 = arith.constant 0 : i32
      %dma_wait3A_2579 = tpu.memref_slice %arg3[%dma_wait3A_2577, %dma_wait3A_2578] : memref<2000000x64xf32, #tpu.memory_space<hbm>> -> memref<2000000x64xf32, #tpu.memory_space<hbm>>
      tpu.wait_indirect_dma semaphore(%arg9 : memref<!tpu.dma_semaphore, #tpu.memory_space<semaphore_mem>>) src(%dma_wait3A_2579 : memref<2000000x64xf32, #tpu.memory_space<hbm>>) dst(%dma_wait3A_2573 : memref<50x64xf32, #tpu.memory_space<vmem>>)
      %dma_wait3A_2580 = arith.constant 0 : i32
      %dma_wait3A_2581 = arith.constant 2 : i32
      %dma_wait3A_2582 = arith.constant 5 : i32
      %dma_wait3A_2583 = arith.constant 0 : i32
      %dma_wait3A_2584 = arith.constant 0 : i32
      %dma_wait3A_2585 = tpu.memref_slice %arg6[%dma_wait3A_2581, %dma_wait3A_2582, %dma_wait3A_2583, %dma_wait3A_2584] : memref<4x8x50x64xf32, #tpu.memory_space<vmem>> -> memref<1x1x50x64xf32, #tpu.memory_space<vmem>>
      %dma_wait3A_2586 = tpu.memref_squeeze %dma_wait3A_2585 : memref<1x1x50x64xf32, #tpu.memory_space<vmem>> -> memref<50x64xf32, #tpu.memory_space<vmem>>
      %dma_wait3A_2587 = arith.constant 0 : i32
      %dma_wait3A_2588 = tpu.memref_slice %arg5[%dma_wait3A_2580, %dma_wait3A_2587] : memref<512x50xi32, #tpu.memory_space<vmem>> -> memref<1x50xi32, #tpu.memory_space<vmem>>
      %dma_wait3A_2589 = tpu.memref_squeeze %dma_wait3A_2588 : memref<1x50xi32, #tpu.memory_space<vmem>> -> memref<50xi32, #tpu.memory_space<vmem>>
      %dma_wait3A_2590 = arith.constant 0 : i32
      %dma_wait3A_2591 = arith.constant 0 : i32
      %dma_wait3A_2592 = tpu.memref_slice %arg3[%dma_wait3A_2590, %dma_wait3A_2591] : memref<2000000x64xf32, #tpu.memory_space<hbm>> -> memref<2000000x64xf32, #tpu.memory_space<hbm>>
      tpu.wait_indirect_dma semaphore(%arg9 : memref<!tpu.dma_semaphore, #tpu.memory_space<semaphore_mem>>) src(%dma_wait3A_2592 : memref<2000000x64xf32, #tpu.memory_space<hbm>>) dst(%dma_wait3A_2586 : memref<50x64xf32, #tpu.memory_space<vmem>>)
      %dma_wait3A_2593 = arith.constant 0 : i32
      %dma_wait3A_2594 = arith.constant 2 : i32
      %dma_wait3A_2595 = arith.constant 6 : i32
      %dma_wait3A_2596 = arith.constant 0 : i32
      %dma_wait3A_2597 = arith.constant 0 : i32
      %dma_wait3A_2598 = tpu.memref_slice %arg6[%dma_wait3A_2594, %dma_wait3A_2595, %dma_wait3A_2596, %dma_wait3A_2597] : memref<4x8x50x64xf32, #tpu.memory_space<vmem>> -> memref<1x1x50x64xf32, #tpu.memory_space<vmem>>
      %dma_wait3A_2599 = tpu.memref_squeeze %dma_wait3A_2598 : memref<1x1x50x64xf32, #tpu.memory_space<vmem>> -> memref<50x64xf32, #tpu.memory_space<vmem>>
      %dma_wait3A_2600 = arith.constant 0 : i32
      %dma_wait3A_2601 = tpu.memref_slice %arg5[%dma_wait3A_2593, %dma_wait3A_2600] : memref<512x50xi32, #tpu.memory_space<vmem>> -> memref<1x50xi32, #tpu.memory_space<vmem>>
      %dma_wait3A_2602 = tpu.memref_squeeze %dma_wait3A_2601 : memref<1x50xi32, #tpu.memory_space<vmem>> -> memref<50xi32, #tpu.memory_space<vmem>>
      %dma_wait3A_2603 = arith.constant 0 : i32
      %dma_wait3A_2604 = arith.constant 0 : i32
      %dma_wait3A_2605 = tpu.memref_slice %arg3[%dma_wait3A_2603, %dma_wait3A_2604] : memref<2000000x64xf32, #tpu.memory_space<hbm>> -> memref<2000000x64xf32, #tpu.memory_space<hbm>>
      tpu.wait_indirect_dma semaphore(%arg9 : memref<!tpu.dma_semaphore, #tpu.memory_space<semaphore_mem>>) src(%dma_wait3A_2605 : memref<2000000x64xf32, #tpu.memory_space<hbm>>) dst(%dma_wait3A_2599 : memref<50x64xf32, #tpu.memory_space<vmem>>)
      %dma_wait3A_2606 = arith.constant 0 : i32
      %dma_wait3A_2607 = arith.constant 2 : i32
      %dma_wait3A_2608 = arith.constant 7 : i32
      %dma_wait3A_2609 = arith.constant 0 : i32
      %dma_wait3A_2610 = arith.constant 0 : i32
      %dma_wait3A_2611 = tpu.memref_slice %arg6[%dma_wait3A_2607, %dma_wait3A_2608, %dma_wait3A_2609, %dma_wait3A_2610] : memref<4x8x50x64xf32, #tpu.memory_space<vmem>> -> memref<1x1x50x64xf32, #tpu.memory_space<vmem>>
      %dma_wait3A_2612 = tpu.memref_squeeze %dma_wait3A_2611 : memref<1x1x50x64xf32, #tpu.memory_space<vmem>> -> memref<50x64xf32, #tpu.memory_space<vmem>>
      %dma_wait3A_2613 = arith.constant 0 : i32
      %dma_wait3A_2614 = tpu.memref_slice %arg5[%dma_wait3A_2606, %dma_wait3A_2613] : memref<512x50xi32, #tpu.memory_space<vmem>> -> memref<1x50xi32, #tpu.memory_space<vmem>>
      %dma_wait3A_2615 = tpu.memref_squeeze %dma_wait3A_2614 : memref<1x50xi32, #tpu.memory_space<vmem>> -> memref<50xi32, #tpu.memory_space<vmem>>
      %dma_wait3A_2616 = arith.constant 0 : i32
      %dma_wait3A_2617 = arith.constant 0 : i32
      %dma_wait3A_2618 = tpu.memref_slice %arg3[%dma_wait3A_2616, %dma_wait3A_2617] : memref<2000000x64xf32, #tpu.memory_space<hbm>> -> memref<2000000x64xf32, #tpu.memory_space<hbm>>
      tpu.wait_indirect_dma semaphore(%arg9 : memref<!tpu.dma_semaphore, #tpu.memory_space<semaphore_mem>>) src(%dma_wait3A_2618 : memref<2000000x64xf32, #tpu.memory_space<hbm>>) dst(%dma_wait3A_2612 : memref<50x64xf32, #tpu.memory_space<vmem>>)
      %mul3A_2619 = arith.constant 8 : i32
      %mul3A_2620 = arith.muli %add3A_2514, %mul3A_2619 : i32
      %add3A_2621 = arith.addi %mul3A_2, %mul3A_2620 : i32
      %dma_start3A_2622 = arith.constant 2 : i32
      %dma_start3A_2623 = arith.constant 0 : i32
      %dma_start3A_2624 = arith.constant 0 : i32
      %dma_start3A_2625 = arith.constant 0 : i32
      %dma_start3A_2626 = tpu.memref_slice %arg6[%dma_start3A_2622, %dma_start3A_2623, %dma_start3A_2624, %dma_start3A_2625] : memref<4x8x50x64xf32, #tpu.memory_space<vmem>> -> memref<1x8x50x64xf32, #tpu.memory_space<vmem>>
      %dma_start3A_2627 = tpu.memref_squeeze %dma_start3A_2626 : memref<1x8x50x64xf32, #tpu.memory_space<vmem>> -> memref<8x50x64xf32, #tpu.memory_space<vmem>>
      %dma_start3A_2628 = arith.constant 0 : i32
      %dma_start3A_2629 = arith.constant 0 : i32
      %dma_start3A_2630 = tpu.memref_slice %arg4[%add3A_2621, %dma_start3A_2628, %dma_start3A_2629] : memref<16384x56x128xf32, #tpu.memory_space<hbm>> -> memref<8x50x64xf32, #tpu.memory_space<hbm>>
      %dma_start3A_2631 = arith.constant 0 : i32
      %dma_start3A_2632 = arith.constant 0 : i32
      %dma_start3A_2633 = tpu.memref_slice %arg4[%add3A_2621, %dma_start3A_2631, %dma_start3A_2632] : memref<16384x56x128xf32, #tpu.memory_space<hbm>> -> memref<8x50x64xf32, #tpu.memory_space<hbm>>
      %dma_start3A_2634 = arith.constant 0 : i32
      %dma_start3A_2635 = arith.constant 0 : i32
      %dma_start3A_2636 = arith.constant 0 : i32
      %dma_start3A_2637 = tpu.memref_slice %arg6[%dma_start3A_2622, %dma_start3A_2634, %dma_start3A_2635, %dma_start3A_2636] : memref<4x8x50x64xf32, #tpu.memory_space<vmem>> -> memref<1x8x50x64xf32, #tpu.memory_space<vmem>>
      %dma_start3A_2638 = tpu.memref_squeeze %dma_start3A_2637 : memref<1x8x50x64xf32, #tpu.memory_space<vmem>> -> memref<8x50x64xf32, #tpu.memory_space<vmem>>
      tpu.enqueue_dma source(%dma_start3A_2638 : memref<8x50x64xf32, #tpu.memory_space<vmem>>) target(%dma_start3A_2633 : memref<8x50x64xf32, #tpu.memory_space<hbm>>) target_semaphore(%arg13 : memref<!tpu.dma_semaphore, #tpu.memory_space<semaphore_mem>>)
      %dma_wait3A_2639 = arith.constant 1 : i32
      %dma_wait3A_2640 = arith.constant 0 : i32
      %dma_wait3A_2641 = arith.constant 0 : i32
      %dma_wait3A_2642 = arith.constant 0 : i32
      %dma_wait3A_2643 = tpu.memref_slice %arg6[%dma_wait3A_2639, %dma_wait3A_2640, %dma_wait3A_2641, %dma_wait3A_2642] : memref<4x8x50x64xf32, #tpu.memory_space<vmem>> -> memref<1x8x50x64xf32, #tpu.memory_space<vmem>>
      %dma_wait3A_2644 = tpu.memref_squeeze %dma_wait3A_2643 : memref<1x8x50x64xf32, #tpu.memory_space<vmem>> -> memref<8x50x64xf32, #tpu.memory_space<vmem>>
      %dma_wait3A_2645 = arith.constant 0 : i32
      %dma_wait3A_2646 = arith.constant 0 : i32
      %dma_wait3A_2647 = tpu.memref_slice %arg4[%mul3A_2, %dma_wait3A_2645, %dma_wait3A_2646] : memref<16384x56x128xf32, #tpu.memory_space<hbm>> -> memref<8x50x64xf32, #tpu.memory_space<hbm>>
      %dma_wait3A_2648 = arith.constant 0 : i32
      %dma_wait3A_2649 = arith.constant 0 : i32
      %dma_wait3A_2650 = tpu.memref_slice %arg4[%mul3A_2, %dma_wait3A_2648, %dma_wait3A_2649] : memref<16384x56x128xf32, #tpu.memory_space<hbm>> -> memref<8x50x64xf32, #tpu.memory_space<hbm>>
      %dma_wait3A_2651 = arith.constant 0 : i32
      %dma_wait3A_2652 = arith.constant 0 : i32
      %dma_wait3A_2653 = arith.constant 0 : i32
      %dma_wait3A_2654 = tpu.memref_slice %arg6[%dma_wait3A_2639, %dma_wait3A_2651, %dma_wait3A_2652, %dma_wait3A_2653] : memref<4x8x50x64xf32, #tpu.memory_space<vmem>> -> memref<1x8x50x64xf32, #tpu.memory_space<vmem>>
      %dma_wait3A_2655 = tpu.memref_squeeze %dma_wait3A_2654 : memref<1x8x50x64xf32, #tpu.memory_space<vmem>> -> memref<8x50x64xf32, #tpu.memory_space<vmem>>
      tpu.wait_dma2 semaphore(%arg12 : memref<!tpu.dma_semaphore, #tpu.memory_space<semaphore_mem>>) src(%dma_wait3A_2655 : memref<8x50x64xf32, #tpu.memory_space<vmem>>) dst(%dma_wait3A_2650 : memref<8x50x64xf32, #tpu.memory_space<hbm>>)
      %add3A_2656 = arith.constant 4 : i32
      %add3A_2657 = arith.addi %add3A_2514, %add3A_2656 : i32
      %sub3A_2658 = arith.constant 1 : i32
      %sub3A_2659 = arith.subi %add3A_2657, %sub3A_2658 : i32
      %mul3A_2660 = arith.constant 8 : i32
      %mul3A_2661 = arith.muli %sub3A_2659, %mul3A_2660 : i32
      %add3A_2662 = arith.constant 0 : i32
      %add3A_2663 = arith.addi %mul3A_2661, %add3A_2662 : i32
      %dma_start3A_2664 = arith.constant 1 : i32
      %dma_start3A_2665 = arith.constant 0 : i32
      %dma_start3A_2666 = arith.constant 0 : i32
      %dma_start3A_2667 = arith.constant 0 : i32
      %dma_start3A_2668 = tpu.memref_slice %arg6[%dma_start3A_2664, %dma_start3A_2665, %dma_start3A_2666, %dma_start3A_2667] : memref<4x8x50x64xf32, #tpu.memory_space<vmem>> -> memref<1x1x50x64xf32, #tpu.memory_space<vmem>>
      %dma_start3A_2669 = tpu.memref_squeeze %dma_start3A_2668 : memref<1x1x50x64xf32, #tpu.memory_space<vmem>> -> memref<50x64xf32, #tpu.memory_space<vmem>>
      %dma_start3A_2670 = arith.constant 0 : i32
      %dma_start3A_2671 = tpu.memref_slice %arg5[%add3A_2663, %dma_start3A_2670] : memref<512x50xi32, #tpu.memory_space<vmem>> -> memref<1x50xi32, #tpu.memory_space<vmem>>
      %dma_start3A_2672 = tpu.memref_squeeze %dma_start3A_2671 : memref<1x50xi32, #tpu.memory_space<vmem>> -> memref<50xi32, #tpu.memory_space<vmem>>
      %dma_start3A_2673 = arith.constant 0 : i32
      %dma_start3A_2674 = arith.constant 0 : i32
      %dma_start3A_2675 = tpu.memref_slice %arg3[%dma_start3A_2673, %dma_start3A_2674] : memref<2000000x64xf32, #tpu.memory_space<hbm>> -> memref<2000000x64xf32, #tpu.memory_space<hbm>>
      tpu.enqueue_indirect_dma source(%dma_start3A_2675 : memref<2000000x64xf32, #tpu.memory_space<hbm>>) target(%dma_start3A_2669 : memref<50x64xf32, #tpu.memory_space<vmem>>) offsets(%dma_start3A_2672 : memref<50xi32, #tpu.memory_space<vmem>>) semaphore(%arg8 : memref<!tpu.dma_semaphore, #tpu.memory_space<semaphore_mem>>)
      %mul3A_2676 = arith.constant 8 : i32
      %mul3A_2677 = arith.muli %sub3A_2659, %mul3A_2676 : i32
      %add3A_2678 = arith.constant 1 : i32
      %add3A_2679 = arith.addi %mul3A_2677, %add3A_2678 : i32
      %dma_start3A_2680 = arith.constant 1 : i32
      %dma_start3A_2681 = arith.constant 1 : i32
      %dma_start3A_2682 = arith.constant 0 : i32
      %dma_start3A_2683 = arith.constant 0 : i32
      %dma_start3A_2684 = tpu.memref_slice %arg6[%dma_start3A_2680, %dma_start3A_2681, %dma_start3A_2682, %dma_start3A_2683] : memref<4x8x50x64xf32, #tpu.memory_space<vmem>> -> memref<1x1x50x64xf32, #tpu.memory_space<vmem>>
      %dma_start3A_2685 = tpu.memref_squeeze %dma_start3A_2684 : memref<1x1x50x64xf32, #tpu.memory_space<vmem>> -> memref<50x64xf32, #tpu.memory_space<vmem>>
      %dma_start3A_2686 = arith.constant 0 : i32
      %dma_start3A_2687 = tpu.memref_slice %arg5[%add3A_2679, %dma_start3A_2686] : memref<512x50xi32, #tpu.memory_space<vmem>> -> memref<1x50xi32, #tpu.memory_space<vmem>>
      %dma_start3A_2688 = tpu.memref_squeeze %dma_start3A_2687 : memref<1x50xi32, #tpu.memory_space<vmem>> -> memref<50xi32, #tpu.memory_space<vmem>>
      %dma_start3A_2689 = arith.constant 0 : i32
      %dma_start3A_2690 = arith.constant 0 : i32
      %dma_start3A_2691 = tpu.memref_slice %arg3[%dma_start3A_2689, %dma_start3A_2690] : memref<2000000x64xf32, #tpu.memory_space<hbm>> -> memref<2000000x64xf32, #tpu.memory_space<hbm>>
      tpu.enqueue_indirect_dma source(%dma_start3A_2691 : memref<2000000x64xf32, #tpu.memory_space<hbm>>) target(%dma_start3A_2685 : memref<50x64xf32, #tpu.memory_space<vmem>>) offsets(%dma_start3A_2688 : memref<50xi32, #tpu.memory_space<vmem>>) semaphore(%arg8 : memref<!tpu.dma_semaphore, #tpu.memory_space<semaphore_mem>>)
      %mul3A_2692 = arith.constant 8 : i32
      %mul3A_2693 = arith.muli %sub3A_2659, %mul3A_2692 : i32
      %add3A_2694 = arith.constant 2 : i32
      %add3A_2695 = arith.addi %mul3A_2693, %add3A_2694 : i32
      %dma_start3A_2696 = arith.constant 1 : i32
      %dma_start3A_2697 = arith.constant 2 : i32
      %dma_start3A_2698 = arith.constant 0 : i32
      %dma_start3A_2699 = arith.constant 0 : i32
      %dma_start3A_2700 = tpu.memref_slice %arg6[%dma_start3A_2696, %dma_start3A_2697, %dma_start3A_2698, %dma_start3A_2699] : memref<4x8x50x64xf32, #tpu.memory_space<vmem>> -> memref<1x1x50x64xf32, #tpu.memory_space<vmem>>
      %dma_start3A_2701 = tpu.memref_squeeze %dma_start3A_2700 : memref<1x1x50x64xf32, #tpu.memory_space<vmem>> -> memref<50x64xf32, #tpu.memory_space<vmem>>
      %dma_start3A_2702 = arith.constant 0 : i32
      %dma_start3A_2703 = tpu.memref_slice %arg5[%add3A_2695, %dma_start3A_2702] : memref<512x50xi32, #tpu.memory_space<vmem>> -> memref<1x50xi32, #tpu.memory_space<vmem>>
      %dma_start3A_2704 = tpu.memref_squeeze %dma_start3A_2703 : memref<1x50xi32, #tpu.memory_space<vmem>> -> memref<50xi32, #tpu.memory_space<vmem>>
      %dma_start3A_2705 = arith.constant 0 : i32
      %dma_start3A_2706 = arith.constant 0 : i32
      %dma_start3A_2707 = tpu.memref_slice %arg3[%dma_start3A_2705, %dma_start3A_2706] : memref<2000000x64xf32, #tpu.memory_space<hbm>> -> memref<2000000x64xf32, #tpu.memory_space<hbm>>
      tpu.enqueue_indirect_dma source(%dma_start3A_2707 : memref<2000000x64xf32, #tpu.memory_space<hbm>>) target(%dma_start3A_2701 : memref<50x64xf32, #tpu.memory_space<vmem>>) offsets(%dma_start3A_2704 : memref<50xi32, #tpu.memory_space<vmem>>) semaphore(%arg8 : memref<!tpu.dma_semaphore, #tpu.memory_space<semaphore_mem>>)
      %mul3A_2708 = arith.constant 8 : i32
      %mul3A_2709 = arith.muli %sub3A_2659, %mul3A_2708 : i32
      %add3A_2710 = arith.constant 3 : i32
      %add3A_2711 = arith.addi %mul3A_2709, %add3A_2710 : i32
      %dma_start3A_2712 = arith.constant 1 : i32
      %dma_start3A_2713 = arith.constant 3 : i32
      %dma_start3A_2714 = arith.constant 0 : i32
      %dma_start3A_2715 = arith.constant 0 : i32
      %dma_start3A_2716 = tpu.memref_slice %arg6[%dma_start3A_2712, %dma_start3A_2713, %dma_start3A_2714, %dma_start3A_2715] : memref<4x8x50x64xf32, #tpu.memory_space<vmem>> -> memref<1x1x50x64xf32, #tpu.memory_space<vmem>>
      %dma_start3A_2717 = tpu.memref_squeeze %dma_start3A_2716 : memref<1x1x50x64xf32, #tpu.memory_space<vmem>> -> memref<50x64xf32, #tpu.memory_space<vmem>>
      %dma_start3A_2718 = arith.constant 0 : i32
      %dma_start3A_2719 = tpu.memref_slice %arg5[%add3A_2711, %dma_start3A_2718] : memref<512x50xi32, #tpu.memory_space<vmem>> -> memref<1x50xi32, #tpu.memory_space<vmem>>
      %dma_start3A_2720 = tpu.memref_squeeze %dma_start3A_2719 : memref<1x50xi32, #tpu.memory_space<vmem>> -> memref<50xi32, #tpu.memory_space<vmem>>
      %dma_start3A_2721 = arith.constant 0 : i32
      %dma_start3A_2722 = arith.constant 0 : i32
      %dma_start3A_2723 = tpu.memref_slice %arg3[%dma_start3A_2721, %dma_start3A_2722] : memref<2000000x64xf32, #tpu.memory_space<hbm>> -> memref<2000000x64xf32, #tpu.memory_space<hbm>>
      tpu.enqueue_indirect_dma source(%dma_start3A_2723 : memref<2000000x64xf32, #tpu.memory_space<hbm>>) target(%dma_start3A_2717 : memref<50x64xf32, #tpu.memory_space<vmem>>) offsets(%dma_start3A_2720 : memref<50xi32, #tpu.memory_space<vmem>>) semaphore(%arg8 : memref<!tpu.dma_semaphore, #tpu.memory_space<semaphore_mem>>)
      %mul3A_2724 = arith.constant 8 : i32
      %mul3A_2725 = arith.muli %sub3A_2659, %mul3A_2724 : i32
      %add3A_2726 = arith.constant 4 : i32
      %add3A_2727 = arith.addi %mul3A_2725, %add3A_2726 : i32
      %dma_start3A_2728 = arith.constant 1 : i32
      %dma_start3A_2729 = arith.constant 4 : i32
      %dma_start3A_2730 = arith.constant 0 : i32
      %dma_start3A_2731 = arith.constant 0 : i32
      %dma_start3A_2732 = tpu.memref_slice %arg6[%dma_start3A_2728, %dma_start3A_2729, %dma_start3A_2730, %dma_start3A_2731] : memref<4x8x50x64xf32, #tpu.memory_space<vmem>> -> memref<1x1x50x64xf32, #tpu.memory_space<vmem>>
      %dma_start3A_2733 = tpu.memref_squeeze %dma_start3A_2732 : memref<1x1x50x64xf32, #tpu.memory_space<vmem>> -> memref<50x64xf32, #tpu.memory_space<vmem>>
      %dma_start3A_2734 = arith.constant 0 : i32
      %dma_start3A_2735 = tpu.memref_slice %arg5[%add3A_2727, %dma_start3A_2734] : memref<512x50xi32, #tpu.memory_space<vmem>> -> memref<1x50xi32, #tpu.memory_space<vmem>>
      %dma_start3A_2736 = tpu.memref_squeeze %dma_start3A_2735 : memref<1x50xi32, #tpu.memory_space<vmem>> -> memref<50xi32, #tpu.memory_space<vmem>>
      %dma_start3A_2737 = arith.constant 0 : i32
      %dma_start3A_2738 = arith.constant 0 : i32
      %dma_start3A_2739 = tpu.memref_slice %arg3[%dma_start3A_2737, %dma_start3A_2738] : memref<2000000x64xf32, #tpu.memory_space<hbm>> -> memref<2000000x64xf32, #tpu.memory_space<hbm>>
      tpu.enqueue_indirect_dma source(%dma_start3A_2739 : memref<2000000x64xf32, #tpu.memory_space<hbm>>) target(%dma_start3A_2733 : memref<50x64xf32, #tpu.memory_space<vmem>>) offsets(%dma_start3A_2736 : memref<50xi32, #tpu.memory_space<vmem>>) semaphore(%arg8 : memref<!tpu.dma_semaphore, #tpu.memory_space<semaphore_mem>>)
      %mul3A_2740 = arith.constant 8 : i32
      %mul3A_2741 = arith.muli %sub3A_2659, %mul3A_2740 : i32
      %add3A_2742 = arith.constant 5 : i32
      %add3A_2743 = arith.addi %mul3A_2741, %add3A_2742 : i32
      %dma_start3A_2744 = arith.constant 1 : i32
      %dma_start3A_2745 = arith.constant 5 : i32
      %dma_start3A_2746 = arith.constant 0 : i32
      %dma_start3A_2747 = arith.constant 0 : i32
      %dma_start3A_2748 = tpu.memref_slice %arg6[%dma_start3A_2744, %dma_start3A_2745, %dma_start3A_2746, %dma_start3A_2747] : memref<4x8x50x64xf32, #tpu.memory_space<vmem>> -> memref<1x1x50x64xf32, #tpu.memory_space<vmem>>
      %dma_start3A_2749 = tpu.memref_squeeze %dma_start3A_2748 : memref<1x1x50x64xf32, #tpu.memory_space<vmem>> -> memref<50x64xf32, #tpu.memory_space<vmem>>
      %dma_start3A_2750 = arith.constant 0 : i32
      %dma_start3A_2751 = tpu.memref_slice %arg5[%add3A_2743, %dma_start3A_2750] : memref<512x50xi32, #tpu.memory_space<vmem>> -> memref<1x50xi32, #tpu.memory_space<vmem>>
      %dma_start3A_2752 = tpu.memref_squeeze %dma_start3A_2751 : memref<1x50xi32, #tpu.memory_space<vmem>> -> memref<50xi32, #tpu.memory_space<vmem>>
      %dma_start3A_2753 = arith.constant 0 : i32
      %dma_start3A_2754 = arith.constant 0 : i32
      %dma_start3A_2755 = tpu.memref_slice %arg3[%dma_start3A_2753, %dma_start3A_2754] : memref<2000000x64xf32, #tpu.memory_space<hbm>> -> memref<2000000x64xf32, #tpu.memory_space<hbm>>
      tpu.enqueue_indirect_dma source(%dma_start3A_2755 : memref<2000000x64xf32, #tpu.memory_space<hbm>>) target(%dma_start3A_2749 : memref<50x64xf32, #tpu.memory_space<vmem>>) offsets(%dma_start3A_2752 : memref<50xi32, #tpu.memory_space<vmem>>) semaphore(%arg8 : memref<!tpu.dma_semaphore, #tpu.memory_space<semaphore_mem>>)
      %mul3A_2756 = arith.constant 8 : i32
      %mul3A_2757 = arith.muli %sub3A_2659, %mul3A_2756 : i32
      %add3A_2758 = arith.constant 6 : i32
      %add3A_2759 = arith.addi %mul3A_2757, %add3A_2758 : i32
      %dma_start3A_2760 = arith.constant 1 : i32
      %dma_start3A_2761 = arith.constant 6 : i32
      %dma_start3A_2762 = arith.constant 0 : i32
      %dma_start3A_2763 = arith.constant 0 : i32
      %dma_start3A_2764 = tpu.memref_slice %arg6[%dma_start3A_2760, %dma_start3A_2761, %dma_start3A_2762, %dma_start3A_2763] : memref<4x8x50x64xf32, #tpu.memory_space<vmem>> -> memref<1x1x50x64xf32, #tpu.memory_space<vmem>>
      %dma_start3A_2765 = tpu.memref_squeeze %dma_start3A_2764 : memref<1x1x50x64xf32, #tpu.memory_space<vmem>> -> memref<50x64xf32, #tpu.memory_space<vmem>>
      %dma_start3A_2766 = arith.constant 0 : i32
      %dma_start3A_2767 = tpu.memref_slice %arg5[%add3A_2759, %dma_start3A_2766] : memref<512x50xi32, #tpu.memory_space<vmem>> -> memref<1x50xi32, #tpu.memory_space<vmem>>
      %dma_start3A_2768 = tpu.memref_squeeze %dma_start3A_2767 : memref<1x50xi32, #tpu.memory_space<vmem>> -> memref<50xi32, #tpu.memory_space<vmem>>
      %dma_start3A_2769 = arith.constant 0 : i32
      %dma_start3A_2770 = arith.constant 0 : i32
      %dma_start3A_2771 = tpu.memref_slice %arg3[%dma_start3A_2769, %dma_start3A_2770] : memref<2000000x64xf32, #tpu.memory_space<hbm>> -> memref<2000000x64xf32, #tpu.memory_space<hbm>>
      tpu.enqueue_indirect_dma source(%dma_start3A_2771 : memref<2000000x64xf32, #tpu.memory_space<hbm>>) target(%dma_start3A_2765 : memref<50x64xf32, #tpu.memory_space<vmem>>) offsets(%dma_start3A_2768 : memref<50xi32, #tpu.memory_space<vmem>>) semaphore(%arg8 : memref<!tpu.dma_semaphore, #tpu.memory_space<semaphore_mem>>)
      %mul3A_2772 = arith.constant 8 : i32
      %mul3A_2773 = arith.muli %sub3A_2659, %mul3A_2772 : i32
      %add3A_2774 = arith.constant 7 : i32
      %add3A_2775 = arith.addi %mul3A_2773, %add3A_2774 : i32
      %dma_start3A_2776 = arith.constant 1 : i32
      %dma_start3A_2777 = arith.constant 7 : i32
      %dma_start3A_2778 = arith.constant 0 : i32
      %dma_start3A_2779 = arith.constant 0 : i32
      %dma_start3A_2780 = tpu.memref_slice %arg6[%dma_start3A_2776, %dma_start3A_2777, %dma_start3A_2778, %dma_start3A_2779] : memref<4x8x50x64xf32, #tpu.memory_space<vmem>> -> memref<1x1x50x64xf32, #tpu.memory_space<vmem>>
      %dma_start3A_2781 = tpu.memref_squeeze %dma_start3A_2780 : memref<1x1x50x64xf32, #tpu.memory_space<vmem>> -> memref<50x64xf32, #tpu.memory_space<vmem>>
      %dma_start3A_2782 = arith.constant 0 : i32
      %dma_start3A_2783 = tpu.memref_slice %arg5[%add3A_2775, %dma_start3A_2782] : memref<512x50xi32, #tpu.memory_space<vmem>> -> memref<1x50xi32, #tpu.memory_space<vmem>>
      %dma_start3A_2784 = tpu.memref_squeeze %dma_start3A_2783 : memref<1x50xi32, #tpu.memory_space<vmem>> -> memref<50xi32, #tpu.memory_space<vmem>>
      %dma_start3A_2785 = arith.constant 0 : i32
      %dma_start3A_2786 = arith.constant 0 : i32
      %dma_start3A_2787 = tpu.memref_slice %arg3[%dma_start3A_2785, %dma_start3A_2786] : memref<2000000x64xf32, #tpu.memory_space<hbm>> -> memref<2000000x64xf32, #tpu.memory_space<hbm>>
      tpu.enqueue_indirect_dma source(%dma_start3A_2787 : memref<2000000x64xf32, #tpu.memory_space<hbm>>) target(%dma_start3A_2781 : memref<50x64xf32, #tpu.memory_space<vmem>>) offsets(%dma_start3A_2784 : memref<50xi32, #tpu.memory_space<vmem>>) semaphore(%arg8 : memref<!tpu.dma_semaphore, #tpu.memory_space<semaphore_mem>>)
      %add3A_2788 = arith.constant 3 : i32
      %add3A_2789 = arith.addi %mul3A_1963, %add3A_2788 : i32
      %dma_wait3A_2790 = arith.constant 0 : i32
      %dma_wait3A_2791 = arith.constant 3 : i32
      %dma_wait3A_2792 = arith.constant 0 : i32
      %dma_wait3A_2793 = arith.constant 0 : i32
      %dma_wait3A_2794 = arith.constant 0 : i32
      %dma_wait3A_2795 = tpu.memref_slice %arg6[%dma_wait3A_2791, %dma_wait3A_2792, %dma_wait3A_2793, %dma_wait3A_2794] : memref<4x8x50x64xf32, #tpu.memory_space<vmem>> -> memref<1x1x50x64xf32, #tpu.memory_space<vmem>>
      %dma_wait3A_2796 = tpu.memref_squeeze %dma_wait3A_2795 : memref<1x1x50x64xf32, #tpu.memory_space<vmem>> -> memref<50x64xf32, #tpu.memory_space<vmem>>
      %dma_wait3A_2797 = arith.constant 0 : i32
      %dma_wait3A_2798 = tpu.memref_slice %arg5[%dma_wait3A_2790, %dma_wait3A_2797] : memref<512x50xi32, #tpu.memory_space<vmem>> -> memref<1x50xi32, #tpu.memory_space<vmem>>
      %dma_wait3A_2799 = tpu.memref_squeeze %dma_wait3A_2798 : memref<1x50xi32, #tpu.memory_space<vmem>> -> memref<50xi32, #tpu.memory_space<vmem>>
      %dma_wait3A_2800 = arith.constant 0 : i32
      %dma_wait3A_2801 = arith.constant 0 : i32
      %dma_wait3A_2802 = tpu.memref_slice %arg3[%dma_wait3A_2800, %dma_wait3A_2801] : memref<2000000x64xf32, #tpu.memory_space<hbm>> -> memref<2000000x64xf32, #tpu.memory_space<hbm>>
      tpu.wait_indirect_dma semaphore(%arg10 : memref<!tpu.dma_semaphore, #tpu.memory_space<semaphore_mem>>) src(%dma_wait3A_2802 : memref<2000000x64xf32, #tpu.memory_space<hbm>>) dst(%dma_wait3A_2796 : memref<50x64xf32, #tpu.memory_space<vmem>>)
      %dma_wait3A_2803 = arith.constant 0 : i32
      %dma_wait3A_2804 = arith.constant 3 : i32
      %dma_wait3A_2805 = arith.constant 1 : i32
      %dma_wait3A_2806 = arith.constant 0 : i32
      %dma_wait3A_2807 = arith.constant 0 : i32
      %dma_wait3A_2808 = tpu.memref_slice %arg6[%dma_wait3A_2804, %dma_wait3A_2805, %dma_wait3A_2806, %dma_wait3A_2807] : memref<4x8x50x64xf32, #tpu.memory_space<vmem>> -> memref<1x1x50x64xf32, #tpu.memory_space<vmem>>
      %dma_wait3A_2809 = tpu.memref_squeeze %dma_wait3A_2808 : memref<1x1x50x64xf32, #tpu.memory_space<vmem>> -> memref<50x64xf32, #tpu.memory_space<vmem>>
      %dma_wait3A_2810 = arith.constant 0 : i32
      %dma_wait3A_2811 = tpu.memref_slice %arg5[%dma_wait3A_2803, %dma_wait3A_2810] : memref<512x50xi32, #tpu.memory_space<vmem>> -> memref<1x50xi32, #tpu.memory_space<vmem>>
      %dma_wait3A_2812 = tpu.memref_squeeze %dma_wait3A_2811 : memref<1x50xi32, #tpu.memory_space<vmem>> -> memref<50xi32, #tpu.memory_space<vmem>>
      %dma_wait3A_2813 = arith.constant 0 : i32
      %dma_wait3A_2814 = arith.constant 0 : i32
      %dma_wait3A_2815 = tpu.memref_slice %arg3[%dma_wait3A_2813, %dma_wait3A_2814] : memref<2000000x64xf32, #tpu.memory_space<hbm>> -> memref<2000000x64xf32, #tpu.memory_space<hbm>>
      tpu.wait_indirect_dma semaphore(%arg10 : memref<!tpu.dma_semaphore, #tpu.memory_space<semaphore_mem>>) src(%dma_wait3A_2815 : memref<2000000x64xf32, #tpu.memory_space<hbm>>) dst(%dma_wait3A_2809 : memref<50x64xf32, #tpu.memory_space<vmem>>)
      %dma_wait3A_2816 = arith.constant 0 : i32
      %dma_wait3A_2817 = arith.constant 3 : i32
      %dma_wait3A_2818 = arith.constant 2 : i32
      %dma_wait3A_2819 = arith.constant 0 : i32
      %dma_wait3A_2820 = arith.constant 0 : i32
      %dma_wait3A_2821 = tpu.memref_slice %arg6[%dma_wait3A_2817, %dma_wait3A_2818, %dma_wait3A_2819, %dma_wait3A_2820] : memref<4x8x50x64xf32, #tpu.memory_space<vmem>> -> memref<1x1x50x64xf32, #tpu.memory_space<vmem>>
      %dma_wait3A_2822 = tpu.memref_squeeze %dma_wait3A_2821 : memref<1x1x50x64xf32, #tpu.memory_space<vmem>> -> memref<50x64xf32, #tpu.memory_space<vmem>>
      %dma_wait3A_2823 = arith.constant 0 : i32
      %dma_wait3A_2824 = tpu.memref_slice %arg5[%dma_wait3A_2816, %dma_wait3A_2823] : memref<512x50xi32, #tpu.memory_space<vmem>> -> memref<1x50xi32, #tpu.memory_space<vmem>>
      %dma_wait3A_2825 = tpu.memref_squeeze %dma_wait3A_2824 : memref<1x50xi32, #tpu.memory_space<vmem>> -> memref<50xi32, #tpu.memory_space<vmem>>
      %dma_wait3A_2826 = arith.constant 0 : i32
      %dma_wait3A_2827 = arith.constant 0 : i32
      %dma_wait3A_2828 = tpu.memref_slice %arg3[%dma_wait3A_2826, %dma_wait3A_2827] : memref<2000000x64xf32, #tpu.memory_space<hbm>> -> memref<2000000x64xf32, #tpu.memory_space<hbm>>
      tpu.wait_indirect_dma semaphore(%arg10 : memref<!tpu.dma_semaphore, #tpu.memory_space<semaphore_mem>>) src(%dma_wait3A_2828 : memref<2000000x64xf32, #tpu.memory_space<hbm>>) dst(%dma_wait3A_2822 : memref<50x64xf32, #tpu.memory_space<vmem>>)
      %dma_wait3A_2829 = arith.constant 0 : i32
      %dma_wait3A_2830 = arith.constant 3 : i32
      %dma_wait3A_2831 = arith.constant 3 : i32
      %dma_wait3A_2832 = arith.constant 0 : i32
      %dma_wait3A_2833 = arith.constant 0 : i32
      %dma_wait3A_2834 = tpu.memref_slice %arg6[%dma_wait3A_2830, %dma_wait3A_2831, %dma_wait3A_2832, %dma_wait3A_2833] : memref<4x8x50x64xf32, #tpu.memory_space<vmem>> -> memref<1x1x50x64xf32, #tpu.memory_space<vmem>>
      %dma_wait3A_2835 = tpu.memref_squeeze %dma_wait3A_2834 : memref<1x1x50x64xf32, #tpu.memory_space<vmem>> -> memref<50x64xf32, #tpu.memory_space<vmem>>
      %dma_wait3A_2836 = arith.constant 0 : i32
      %dma_wait3A_2837 = tpu.memref_slice %arg5[%dma_wait3A_2829, %dma_wait3A_2836] : memref<512x50xi32, #tpu.memory_space<vmem>> -> memref<1x50xi32, #tpu.memory_space<vmem>>
      %dma_wait3A_2838 = tpu.memref_squeeze %dma_wait3A_2837 : memref<1x50xi32, #tpu.memory_space<vmem>> -> memref<50xi32, #tpu.memory_space<vmem>>
      %dma_wait3A_2839 = arith.constant 0 : i32
      %dma_wait3A_2840 = arith.constant 0 : i32
      %dma_wait3A_2841 = tpu.memref_slice %arg3[%dma_wait3A_2839, %dma_wait3A_2840] : memref<2000000x64xf32, #tpu.memory_space<hbm>> -> memref<2000000x64xf32, #tpu.memory_space<hbm>>
      tpu.wait_indirect_dma semaphore(%arg10 : memref<!tpu.dma_semaphore, #tpu.memory_space<semaphore_mem>>) src(%dma_wait3A_2841 : memref<2000000x64xf32, #tpu.memory_space<hbm>>) dst(%dma_wait3A_2835 : memref<50x64xf32, #tpu.memory_space<vmem>>)
      %dma_wait3A_2842 = arith.constant 0 : i32
      %dma_wait3A_2843 = arith.constant 3 : i32
      %dma_wait3A_2844 = arith.constant 4 : i32
      %dma_wait3A_2845 = arith.constant 0 : i32
      %dma_wait3A_2846 = arith.constant 0 : i32
      %dma_wait3A_2847 = tpu.memref_slice %arg6[%dma_wait3A_2843, %dma_wait3A_2844, %dma_wait3A_2845, %dma_wait3A_2846] : memref<4x8x50x64xf32, #tpu.memory_space<vmem>> -> memref<1x1x50x64xf32, #tpu.memory_space<vmem>>
      %dma_wait3A_2848 = tpu.memref_squeeze %dma_wait3A_2847 : memref<1x1x50x64xf32, #tpu.memory_space<vmem>> -> memref<50x64xf32, #tpu.memory_space<vmem>>
      %dma_wait3A_2849 = arith.constant 0 : i32
      %dma_wait3A_2850 = tpu.memref_slice %arg5[%dma_wait3A_2842, %dma_wait3A_2849] : memref<512x50xi32, #tpu.memory_space<vmem>> -> memref<1x50xi32, #tpu.memory_space<vmem>>
      %dma_wait3A_2851 = tpu.memref_squeeze %dma_wait3A_2850 : memref<1x50xi32, #tpu.memory_space<vmem>> -> memref<50xi32, #tpu.memory_space<vmem>>
      %dma_wait3A_2852 = arith.constant 0 : i32
      %dma_wait3A_2853 = arith.constant 0 : i32
      %dma_wait3A_2854 = tpu.memref_slice %arg3[%dma_wait3A_2852, %dma_wait3A_2853] : memref<2000000x64xf32, #tpu.memory_space<hbm>> -> memref<2000000x64xf32, #tpu.memory_space<hbm>>
      tpu.wait_indirect_dma semaphore(%arg10 : memref<!tpu.dma_semaphore, #tpu.memory_space<semaphore_mem>>) src(%dma_wait3A_2854 : memref<2000000x64xf32, #tpu.memory_space<hbm>>) dst(%dma_wait3A_2848 : memref<50x64xf32, #tpu.memory_space<vmem>>)
      %dma_wait3A_2855 = arith.constant 0 : i32
      %dma_wait3A_2856 = arith.constant 3 : i32
      %dma_wait3A_2857 = arith.constant 5 : i32
      %dma_wait3A_2858 = arith.constant 0 : i32
      %dma_wait3A_2859 = arith.constant 0 : i32
      %dma_wait3A_2860 = tpu.memref_slice %arg6[%dma_wait3A_2856, %dma_wait3A_2857, %dma_wait3A_2858, %dma_wait3A_2859] : memref<4x8x50x64xf32, #tpu.memory_space<vmem>> -> memref<1x1x50x64xf32, #tpu.memory_space<vmem>>
      %dma_wait3A_2861 = tpu.memref_squeeze %dma_wait3A_2860 : memref<1x1x50x64xf32, #tpu.memory_space<vmem>> -> memref<50x64xf32, #tpu.memory_space<vmem>>
      %dma_wait3A_2862 = arith.constant 0 : i32
      %dma_wait3A_2863 = tpu.memref_slice %arg5[%dma_wait3A_2855, %dma_wait3A_2862] : memref<512x50xi32, #tpu.memory_space<vmem>> -> memref<1x50xi32, #tpu.memory_space<vmem>>
      %dma_wait3A_2864 = tpu.memref_squeeze %dma_wait3A_2863 : memref<1x50xi32, #tpu.memory_space<vmem>> -> memref<50xi32, #tpu.memory_space<vmem>>
      %dma_wait3A_2865 = arith.constant 0 : i32
      %dma_wait3A_2866 = arith.constant 0 : i32
      %dma_wait3A_2867 = tpu.memref_slice %arg3[%dma_wait3A_2865, %dma_wait3A_2866] : memref<2000000x64xf32, #tpu.memory_space<hbm>> -> memref<2000000x64xf32, #tpu.memory_space<hbm>>
      tpu.wait_indirect_dma semaphore(%arg10 : memref<!tpu.dma_semaphore, #tpu.memory_space<semaphore_mem>>) src(%dma_wait3A_2867 : memref<2000000x64xf32, #tpu.memory_space<hbm>>) dst(%dma_wait3A_2861 : memref<50x64xf32, #tpu.memory_space<vmem>>)
      %dma_wait3A_2868 = arith.constant 0 : i32
      %dma_wait3A_2869 = arith.constant 3 : i32
      %dma_wait3A_2870 = arith.constant 6 : i32
      %dma_wait3A_2871 = arith.constant 0 : i32
      %dma_wait3A_2872 = arith.constant 0 : i32
      %dma_wait3A_2873 = tpu.memref_slice %arg6[%dma_wait3A_2869, %dma_wait3A_2870, %dma_wait3A_2871, %dma_wait3A_2872] : memref<4x8x50x64xf32, #tpu.memory_space<vmem>> -> memref<1x1x50x64xf32, #tpu.memory_space<vmem>>
      %dma_wait3A_2874 = tpu.memref_squeeze %dma_wait3A_2873 : memref<1x1x50x64xf32, #tpu.memory_space<vmem>> -> memref<50x64xf32, #tpu.memory_space<vmem>>
      %dma_wait3A_2875 = arith.constant 0 : i32
      %dma_wait3A_2876 = tpu.memref_slice %arg5[%dma_wait3A_2868, %dma_wait3A_2875] : memref<512x50xi32, #tpu.memory_space<vmem>> -> memref<1x50xi32, #tpu.memory_space<vmem>>
      %dma_wait3A_2877 = tpu.memref_squeeze %dma_wait3A_2876 : memref<1x50xi32, #tpu.memory_space<vmem>> -> memref<50xi32, #tpu.memory_space<vmem>>
      %dma_wait3A_2878 = arith.constant 0 : i32
      %dma_wait3A_2879 = arith.constant 0 : i32
      %dma_wait3A_2880 = tpu.memref_slice %arg3[%dma_wait3A_2878, %dma_wait3A_2879] : memref<2000000x64xf32, #tpu.memory_space<hbm>> -> memref<2000000x64xf32, #tpu.memory_space<hbm>>
      tpu.wait_indirect_dma semaphore(%arg10 : memref<!tpu.dma_semaphore, #tpu.memory_space<semaphore_mem>>) src(%dma_wait3A_2880 : memref<2000000x64xf32, #tpu.memory_space<hbm>>) dst(%dma_wait3A_2874 : memref<50x64xf32, #tpu.memory_space<vmem>>)
      %dma_wait3A_2881 = arith.constant 0 : i32
      %dma_wait3A_2882 = arith.constant 3 : i32
      %dma_wait3A_2883 = arith.constant 7 : i32
      %dma_wait3A_2884 = arith.constant 0 : i32
      %dma_wait3A_2885 = arith.constant 0 : i32
      %dma_wait3A_2886 = tpu.memref_slice %arg6[%dma_wait3A_2882, %dma_wait3A_2883, %dma_wait3A_2884, %dma_wait3A_2885] : memref<4x8x50x64xf32, #tpu.memory_space<vmem>> -> memref<1x1x50x64xf32, #tpu.memory_space<vmem>>
      %dma_wait3A_2887 = tpu.memref_squeeze %dma_wait3A_2886 : memref<1x1x50x64xf32, #tpu.memory_space<vmem>> -> memref<50x64xf32, #tpu.memory_space<vmem>>
      %dma_wait3A_2888 = arith.constant 0 : i32
      %dma_wait3A_2889 = tpu.memref_slice %arg5[%dma_wait3A_2881, %dma_wait3A_2888] : memref<512x50xi32, #tpu.memory_space<vmem>> -> memref<1x50xi32, #tpu.memory_space<vmem>>
      %dma_wait3A_2890 = tpu.memref_squeeze %dma_wait3A_2889 : memref<1x50xi32, #tpu.memory_space<vmem>> -> memref<50xi32, #tpu.memory_space<vmem>>
      %dma_wait3A_2891 = arith.constant 0 : i32
      %dma_wait3A_2892 = arith.constant 0 : i32
      %dma_wait3A_2893 = tpu.memref_slice %arg3[%dma_wait3A_2891, %dma_wait3A_2892] : memref<2000000x64xf32, #tpu.memory_space<hbm>> -> memref<2000000x64xf32, #tpu.memory_space<hbm>>
      tpu.wait_indirect_dma semaphore(%arg10 : memref<!tpu.dma_semaphore, #tpu.memory_space<semaphore_mem>>) src(%dma_wait3A_2893 : memref<2000000x64xf32, #tpu.memory_space<hbm>>) dst(%dma_wait3A_2887 : memref<50x64xf32, #tpu.memory_space<vmem>>)
      %mul3A_2894 = arith.constant 8 : i32
      %mul3A_2895 = arith.muli %add3A_2789, %mul3A_2894 : i32
      %add3A_2896 = arith.addi %mul3A_2, %mul3A_2895 : i32
      %dma_start3A_2897 = arith.constant 3 : i32
      %dma_start3A_2898 = arith.constant 0 : i32
      %dma_start3A_2899 = arith.constant 0 : i32
      %dma_start3A_2900 = arith.constant 0 : i32
      %dma_start3A_2901 = tpu.memref_slice %arg6[%dma_start3A_2897, %dma_start3A_2898, %dma_start3A_2899, %dma_start3A_2900] : memref<4x8x50x64xf32, #tpu.memory_space<vmem>> -> memref<1x8x50x64xf32, #tpu.memory_space<vmem>>
      %dma_start3A_2902 = tpu.memref_squeeze %dma_start3A_2901 : memref<1x8x50x64xf32, #tpu.memory_space<vmem>> -> memref<8x50x64xf32, #tpu.memory_space<vmem>>
      %dma_start3A_2903 = arith.constant 0 : i32
      %dma_start3A_2904 = arith.constant 0 : i32
      %dma_start3A_2905 = tpu.memref_slice %arg4[%add3A_2896, %dma_start3A_2903, %dma_start3A_2904] : memref<16384x56x128xf32, #tpu.memory_space<hbm>> -> memref<8x50x64xf32, #tpu.memory_space<hbm>>
      %dma_start3A_2906 = arith.constant 0 : i32
      %dma_start3A_2907 = arith.constant 0 : i32
      %dma_start3A_2908 = tpu.memref_slice %arg4[%add3A_2896, %dma_start3A_2906, %dma_start3A_2907] : memref<16384x56x128xf32, #tpu.memory_space<hbm>> -> memref<8x50x64xf32, #tpu.memory_space<hbm>>
      %dma_start3A_2909 = arith.constant 0 : i32
      %dma_start3A_2910 = arith.constant 0 : i32
      %dma_start3A_2911 = arith.constant 0 : i32
      %dma_start3A_2912 = tpu.memref_slice %arg6[%dma_start3A_2897, %dma_start3A_2909, %dma_start3A_2910, %dma_start3A_2911] : memref<4x8x50x64xf32, #tpu.memory_space<vmem>> -> memref<1x8x50x64xf32, #tpu.memory_space<vmem>>
      %dma_start3A_2913 = tpu.memref_squeeze %dma_start3A_2912 : memref<1x8x50x64xf32, #tpu.memory_space<vmem>> -> memref<8x50x64xf32, #tpu.memory_space<vmem>>
      tpu.enqueue_dma source(%dma_start3A_2913 : memref<8x50x64xf32, #tpu.memory_space<vmem>>) target(%dma_start3A_2908 : memref<8x50x64xf32, #tpu.memory_space<hbm>>) target_semaphore(%arg14 : memref<!tpu.dma_semaphore, #tpu.memory_space<semaphore_mem>>)
      %dma_wait3A_2914 = arith.constant 2 : i32
      %dma_wait3A_2915 = arith.constant 0 : i32
      %dma_wait3A_2916 = arith.constant 0 : i32
      %dma_wait3A_2917 = arith.constant 0 : i32
      %dma_wait3A_2918 = tpu.memref_slice %arg6[%dma_wait3A_2914, %dma_wait3A_2915, %dma_wait3A_2916, %dma_wait3A_2917] : memref<4x8x50x64xf32, #tpu.memory_space<vmem>> -> memref<1x8x50x64xf32, #tpu.memory_space<vmem>>
      %dma_wait3A_2919 = tpu.memref_squeeze %dma_wait3A_2918 : memref<1x8x50x64xf32, #tpu.memory_space<vmem>> -> memref<8x50x64xf32, #tpu.memory_space<vmem>>
      %dma_wait3A_2920 = arith.constant 0 : i32
      %dma_wait3A_2921 = arith.constant 0 : i32
      %dma_wait3A_2922 = tpu.memref_slice %arg4[%mul3A_2, %dma_wait3A_2920, %dma_wait3A_2921] : memref<16384x56x128xf32, #tpu.memory_space<hbm>> -> memref<8x50x64xf32, #tpu.memory_space<hbm>>
      %dma_wait3A_2923 = arith.constant 0 : i32
      %dma_wait3A_2924 = arith.constant 0 : i32
      %dma_wait3A_2925 = tpu.memref_slice %arg4[%mul3A_2, %dma_wait3A_2923, %dma_wait3A_2924] : memref<16384x56x128xf32, #tpu.memory_space<hbm>> -> memref<8x50x64xf32, #tpu.memory_space<hbm>>
      %dma_wait3A_2926 = arith.constant 0 : i32
      %dma_wait3A_2927 = arith.constant 0 : i32
      %dma_wait3A_2928 = arith.constant 0 : i32
      %dma_wait3A_2929 = tpu.memref_slice %arg6[%dma_wait3A_2914, %dma_wait3A_2926, %dma_wait3A_2927, %dma_wait3A_2928] : memref<4x8x50x64xf32, #tpu.memory_space<vmem>> -> memref<1x8x50x64xf32, #tpu.memory_space<vmem>>
      %dma_wait3A_2930 = tpu.memref_squeeze %dma_wait3A_2929 : memref<1x8x50x64xf32, #tpu.memory_space<vmem>> -> memref<8x50x64xf32, #tpu.memory_space<vmem>>
      tpu.wait_dma2 semaphore(%arg13 : memref<!tpu.dma_semaphore, #tpu.memory_space<semaphore_mem>>) src(%dma_wait3A_2930 : memref<8x50x64xf32, #tpu.memory_space<vmem>>) dst(%dma_wait3A_2925 : memref<8x50x64xf32, #tpu.memory_space<hbm>>)
      %add3A_2931 = arith.constant 4 : i32
      %add3A_2932 = arith.addi %add3A_2789, %add3A_2931 : i32
      %sub3A_2933 = arith.constant 1 : i32
      %sub3A_2934 = arith.subi %add3A_2932, %sub3A_2933 : i32
      %mul3A_2935 = arith.constant 8 : i32
      %mul3A_2936 = arith.muli %sub3A_2934, %mul3A_2935 : i32
      %add3A_2937 = arith.constant 0 : i32
      %add3A_2938 = arith.addi %mul3A_2936, %add3A_2937 : i32
      %dma_start3A_2939 = arith.constant 2 : i32
      %dma_start3A_2940 = arith.constant 0 : i32
      %dma_start3A_2941 = arith.constant 0 : i32
      %dma_start3A_2942 = arith.constant 0 : i32
      %dma_start3A_2943 = tpu.memref_slice %arg6[%dma_start3A_2939, %dma_start3A_2940, %dma_start3A_2941, %dma_start3A_2942] : memref<4x8x50x64xf32, #tpu.memory_space<vmem>> -> memref<1x1x50x64xf32, #tpu.memory_space<vmem>>
      %dma_start3A_2944 = tpu.memref_squeeze %dma_start3A_2943 : memref<1x1x50x64xf32, #tpu.memory_space<vmem>> -> memref<50x64xf32, #tpu.memory_space<vmem>>
      %dma_start3A_2945 = arith.constant 0 : i32
      %dma_start3A_2946 = tpu.memref_slice %arg5[%add3A_2938, %dma_start3A_2945] : memref<512x50xi32, #tpu.memory_space<vmem>> -> memref<1x50xi32, #tpu.memory_space<vmem>>
      %dma_start3A_2947 = tpu.memref_squeeze %dma_start3A_2946 : memref<1x50xi32, #tpu.memory_space<vmem>> -> memref<50xi32, #tpu.memory_space<vmem>>
      %dma_start3A_2948 = arith.constant 0 : i32
      %dma_start3A_2949 = arith.constant 0 : i32
      %dma_start3A_2950 = tpu.memref_slice %arg3[%dma_start3A_2948, %dma_start3A_2949] : memref<2000000x64xf32, #tpu.memory_space<hbm>> -> memref<2000000x64xf32, #tpu.memory_space<hbm>>
      tpu.enqueue_indirect_dma source(%dma_start3A_2950 : memref<2000000x64xf32, #tpu.memory_space<hbm>>) target(%dma_start3A_2944 : memref<50x64xf32, #tpu.memory_space<vmem>>) offsets(%dma_start3A_2947 : memref<50xi32, #tpu.memory_space<vmem>>) semaphore(%arg9 : memref<!tpu.dma_semaphore, #tpu.memory_space<semaphore_mem>>)
      %mul3A_2951 = arith.constant 8 : i32
      %mul3A_2952 = arith.muli %sub3A_2934, %mul3A_2951 : i32
      %add3A_2953 = arith.constant 1 : i32
      %add3A_2954 = arith.addi %mul3A_2952, %add3A_2953 : i32
      %dma_start3A_2955 = arith.constant 2 : i32
      %dma_start3A_2956 = arith.constant 1 : i32
      %dma_start3A_2957 = arith.constant 0 : i32
      %dma_start3A_2958 = arith.constant 0 : i32
      %dma_start3A_2959 = tpu.memref_slice %arg6[%dma_start3A_2955, %dma_start3A_2956, %dma_start3A_2957, %dma_start3A_2958] : memref<4x8x50x64xf32, #tpu.memory_space<vmem>> -> memref<1x1x50x64xf32, #tpu.memory_space<vmem>>
      %dma_start3A_2960 = tpu.memref_squeeze %dma_start3A_2959 : memref<1x1x50x64xf32, #tpu.memory_space<vmem>> -> memref<50x64xf32, #tpu.memory_space<vmem>>
      %dma_start3A_2961 = arith.constant 0 : i32
      %dma_start3A_2962 = tpu.memref_slice %arg5[%add3A_2954, %dma_start3A_2961] : memref<512x50xi32, #tpu.memory_space<vmem>> -> memref<1x50xi32, #tpu.memory_space<vmem>>
      %dma_start3A_2963 = tpu.memref_squeeze %dma_start3A_2962 : memref<1x50xi32, #tpu.memory_space<vmem>> -> memref<50xi32, #tpu.memory_space<vmem>>
      %dma_start3A_2964 = arith.constant 0 : i32
      %dma_start3A_2965 = arith.constant 0 : i32
      %dma_start3A_2966 = tpu.memref_slice %arg3[%dma_start3A_2964, %dma_start3A_2965] : memref<2000000x64xf32, #tpu.memory_space<hbm>> -> memref<2000000x64xf32, #tpu.memory_space<hbm>>
      tpu.enqueue_indirect_dma source(%dma_start3A_2966 : memref<2000000x64xf32, #tpu.memory_space<hbm>>) target(%dma_start3A_2960 : memref<50x64xf32, #tpu.memory_space<vmem>>) offsets(%dma_start3A_2963 : memref<50xi32, #tpu.memory_space<vmem>>) semaphore(%arg9 : memref<!tpu.dma_semaphore, #tpu.memory_space<semaphore_mem>>)
      %mul3A_2967 = arith.constant 8 : i32
      %mul3A_2968 = arith.muli %sub3A_2934, %mul3A_2967 : i32
      %add3A_2969 = arith.constant 2 : i32
      %add3A_2970 = arith.addi %mul3A_2968, %add3A_2969 : i32
      %dma_start3A_2971 = arith.constant 2 : i32
      %dma_start3A_2972 = arith.constant 2 : i32
      %dma_start3A_2973 = arith.constant 0 : i32
      %dma_start3A_2974 = arith.constant 0 : i32
      %dma_start3A_2975 = tpu.memref_slice %arg6[%dma_start3A_2971, %dma_start3A_2972, %dma_start3A_2973, %dma_start3A_2974] : memref<4x8x50x64xf32, #tpu.memory_space<vmem>> -> memref<1x1x50x64xf32, #tpu.memory_space<vmem>>
      %dma_start3A_2976 = tpu.memref_squeeze %dma_start3A_2975 : memref<1x1x50x64xf32, #tpu.memory_space<vmem>> -> memref<50x64xf32, #tpu.memory_space<vmem>>
      %dma_start3A_2977 = arith.constant 0 : i32
      %dma_start3A_2978 = tpu.memref_slice %arg5[%add3A_2970, %dma_start3A_2977] : memref<512x50xi32, #tpu.memory_space<vmem>> -> memref<1x50xi32, #tpu.memory_space<vmem>>
      %dma_start3A_2979 = tpu.memref_squeeze %dma_start3A_2978 : memref<1x50xi32, #tpu.memory_space<vmem>> -> memref<50xi32, #tpu.memory_space<vmem>>
      %dma_start3A_2980 = arith.constant 0 : i32
      %dma_start3A_2981 = arith.constant 0 : i32
      %dma_start3A_2982 = tpu.memref_slice %arg3[%dma_start3A_2980, %dma_start3A_2981] : memref<2000000x64xf32, #tpu.memory_space<hbm>> -> memref<2000000x64xf32, #tpu.memory_space<hbm>>
      tpu.enqueue_indirect_dma source(%dma_start3A_2982 : memref<2000000x64xf32, #tpu.memory_space<hbm>>) target(%dma_start3A_2976 : memref<50x64xf32, #tpu.memory_space<vmem>>) offsets(%dma_start3A_2979 : memref<50xi32, #tpu.memory_space<vmem>>) semaphore(%arg9 : memref<!tpu.dma_semaphore, #tpu.memory_space<semaphore_mem>>)
      %mul3A_2983 = arith.constant 8 : i32
      %mul3A_2984 = arith.muli %sub3A_2934, %mul3A_2983 : i32
      %add3A_2985 = arith.constant 3 : i32
      %add3A_2986 = arith.addi %mul3A_2984, %add3A_2985 : i32
      %dma_start3A_2987 = arith.constant 2 : i32
      %dma_start3A_2988 = arith.constant 3 : i32
      %dma_start3A_2989 = arith.constant 0 : i32
      %dma_start3A_2990 = arith.constant 0 : i32
      %dma_start3A_2991 = tpu.memref_slice %arg6[%dma_start3A_2987, %dma_start3A_2988, %dma_start3A_2989, %dma_start3A_2990] : memref<4x8x50x64xf32, #tpu.memory_space<vmem>> -> memref<1x1x50x64xf32, #tpu.memory_space<vmem>>
      %dma_start3A_2992 = tpu.memref_squeeze %dma_start3A_2991 : memref<1x1x50x64xf32, #tpu.memory_space<vmem>> -> memref<50x64xf32, #tpu.memory_space<vmem>>
      %dma_start3A_2993 = arith.constant 0 : i32
      %dma_start3A_2994 = tpu.memref_slice %arg5[%add3A_2986, %dma_start3A_2993] : memref<512x50xi32, #tpu.memory_space<vmem>> -> memref<1x50xi32, #tpu.memory_space<vmem>>
      %dma_start3A_2995 = tpu.memref_squeeze %dma_start3A_2994 : memref<1x50xi32, #tpu.memory_space<vmem>> -> memref<50xi32, #tpu.memory_space<vmem>>
      %dma_start3A_2996 = arith.constant 0 : i32
      %dma_start3A_2997 = arith.constant 0 : i32
      %dma_start3A_2998 = tpu.memref_slice %arg3[%dma_start3A_2996, %dma_start3A_2997] : memref<2000000x64xf32, #tpu.memory_space<hbm>> -> memref<2000000x64xf32, #tpu.memory_space<hbm>>
      tpu.enqueue_indirect_dma source(%dma_start3A_2998 : memref<2000000x64xf32, #tpu.memory_space<hbm>>) target(%dma_start3A_2992 : memref<50x64xf32, #tpu.memory_space<vmem>>) offsets(%dma_start3A_2995 : memref<50xi32, #tpu.memory_space<vmem>>) semaphore(%arg9 : memref<!tpu.dma_semaphore, #tpu.memory_space<semaphore_mem>>)
      %mul3A_2999 = arith.constant 8 : i32
      %mul3A_3000 = arith.muli %sub3A_2934, %mul3A_2999 : i32
      %add3A_3001 = arith.constant 4 : i32
      %add3A_3002 = arith.addi %mul3A_3000, %add3A_3001 : i32
      %dma_start3A_3003 = arith.constant 2 : i32
      %dma_start3A_3004 = arith.constant 4 : i32
      %dma_start3A_3005 = arith.constant 0 : i32
      %dma_start3A_3006 = arith.constant 0 : i32
      %dma_start3A_3007 = tpu.memref_slice %arg6[%dma_start3A_3003, %dma_start3A_3004, %dma_start3A_3005, %dma_start3A_3006] : memref<4x8x50x64xf32, #tpu.memory_space<vmem>> -> memref<1x1x50x64xf32, #tpu.memory_space<vmem>>
      %dma_start3A_3008 = tpu.memref_squeeze %dma_start3A_3007 : memref<1x1x50x64xf32, #tpu.memory_space<vmem>> -> memref<50x64xf32, #tpu.memory_space<vmem>>
      %dma_start3A_3009 = arith.constant 0 : i32
      %dma_start3A_3010 = tpu.memref_slice %arg5[%add3A_3002, %dma_start3A_3009] : memref<512x50xi32, #tpu.memory_space<vmem>> -> memref<1x50xi32, #tpu.memory_space<vmem>>
      %dma_start3A_3011 = tpu.memref_squeeze %dma_start3A_3010 : memref<1x50xi32, #tpu.memory_space<vmem>> -> memref<50xi32, #tpu.memory_space<vmem>>
      %dma_start3A_3012 = arith.constant 0 : i32
      %dma_start3A_3013 = arith.constant 0 : i32
      %dma_start3A_3014 = tpu.memref_slice %arg3[%dma_start3A_3012, %dma_start3A_3013] : memref<2000000x64xf32, #tpu.memory_space<hbm>> -> memref<2000000x64xf32, #tpu.memory_space<hbm>>
      tpu.enqueue_indirect_dma source(%dma_start3A_3014 : memref<2000000x64xf32, #tpu.memory_space<hbm>>) target(%dma_start3A_3008 : memref<50x64xf32, #tpu.memory_space<vmem>>) offsets(%dma_start3A_3011 : memref<50xi32, #tpu.memory_space<vmem>>) semaphore(%arg9 : memref<!tpu.dma_semaphore, #tpu.memory_space<semaphore_mem>>)
      %mul3A_3015 = arith.constant 8 : i32
      %mul3A_3016 = arith.muli %sub3A_2934, %mul3A_3015 : i32
      %add3A_3017 = arith.constant 5 : i32
      %add3A_3018 = arith.addi %mul3A_3016, %add3A_3017 : i32
      %dma_start3A_3019 = arith.constant 2 : i32
      %dma_start3A_3020 = arith.constant 5 : i32
      %dma_start3A_3021 = arith.constant 0 : i32
      %dma_start3A_3022 = arith.constant 0 : i32
      %dma_start3A_3023 = tpu.memref_slice %arg6[%dma_start3A_3019, %dma_start3A_3020, %dma_start3A_3021, %dma_start3A_3022] : memref<4x8x50x64xf32, #tpu.memory_space<vmem>> -> memref<1x1x50x64xf32, #tpu.memory_space<vmem>>
      %dma_start3A_3024 = tpu.memref_squeeze %dma_start3A_3023 : memref<1x1x50x64xf32, #tpu.memory_space<vmem>> -> memref<50x64xf32, #tpu.memory_space<vmem>>
      %dma_start3A_3025 = arith.constant 0 : i32
      %dma_start3A_3026 = tpu.memref_slice %arg5[%add3A_3018, %dma_start3A_3025] : memref<512x50xi32, #tpu.memory_space<vmem>> -> memref<1x50xi32, #tpu.memory_space<vmem>>
      %dma_start3A_3027 = tpu.memref_squeeze %dma_start3A_3026 : memref<1x50xi32, #tpu.memory_space<vmem>> -> memref<50xi32, #tpu.memory_space<vmem>>
      %dma_start3A_3028 = arith.constant 0 : i32
      %dma_start3A_3029 = arith.constant 0 : i32
      %dma_start3A_3030 = tpu.memref_slice %arg3[%dma_start3A_3028, %dma_start3A_3029] : memref<2000000x64xf32, #tpu.memory_space<hbm>> -> memref<2000000x64xf32, #tpu.memory_space<hbm>>
      tpu.enqueue_indirect_dma source(%dma_start3A_3030 : memref<2000000x64xf32, #tpu.memory_space<hbm>>) target(%dma_start3A_3024 : memref<50x64xf32, #tpu.memory_space<vmem>>) offsets(%dma_start3A_3027 : memref<50xi32, #tpu.memory_space<vmem>>) semaphore(%arg9 : memref<!tpu.dma_semaphore, #tpu.memory_space<semaphore_mem>>)
      %mul3A_3031 = arith.constant 8 : i32
      %mul3A_3032 = arith.muli %sub3A_2934, %mul3A_3031 : i32
      %add3A_3033 = arith.constant 6 : i32
      %add3A_3034 = arith.addi %mul3A_3032, %add3A_3033 : i32
      %dma_start3A_3035 = arith.constant 2 : i32
      %dma_start3A_3036 = arith.constant 6 : i32
      %dma_start3A_3037 = arith.constant 0 : i32
      %dma_start3A_3038 = arith.constant 0 : i32
      %dma_start3A_3039 = tpu.memref_slice %arg6[%dma_start3A_3035, %dma_start3A_3036, %dma_start3A_3037, %dma_start3A_3038] : memref<4x8x50x64xf32, #tpu.memory_space<vmem>> -> memref<1x1x50x64xf32, #tpu.memory_space<vmem>>
      %dma_start3A_3040 = tpu.memref_squeeze %dma_start3A_3039 : memref<1x1x50x64xf32, #tpu.memory_space<vmem>> -> memref<50x64xf32, #tpu.memory_space<vmem>>
      %dma_start3A_3041 = arith.constant 0 : i32
      %dma_start3A_3042 = tpu.memref_slice %arg5[%add3A_3034, %dma_start3A_3041] : memref<512x50xi32, #tpu.memory_space<vmem>> -> memref<1x50xi32, #tpu.memory_space<vmem>>
      %dma_start3A_3043 = tpu.memref_squeeze %dma_start3A_3042 : memref<1x50xi32, #tpu.memory_space<vmem>> -> memref<50xi32, #tpu.memory_space<vmem>>
      %dma_start3A_3044 = arith.constant 0 : i32
      %dma_start3A_3045 = arith.constant 0 : i32
      %dma_start3A_3046 = tpu.memref_slice %arg3[%dma_start3A_3044, %dma_start3A_3045] : memref<2000000x64xf32, #tpu.memory_space<hbm>> -> memref<2000000x64xf32, #tpu.memory_space<hbm>>
      tpu.enqueue_indirect_dma source(%dma_start3A_3046 : memref<2000000x64xf32, #tpu.memory_space<hbm>>) target(%dma_start3A_3040 : memref<50x64xf32, #tpu.memory_space<vmem>>) offsets(%dma_start3A_3043 : memref<50xi32, #tpu.memory_space<vmem>>) semaphore(%arg9 : memref<!tpu.dma_semaphore, #tpu.memory_space<semaphore_mem>>)
      %mul3A_3047 = arith.constant 8 : i32
      %mul3A_3048 = arith.muli %sub3A_2934, %mul3A_3047 : i32
      %add3A_3049 = arith.constant 7 : i32
      %add3A_3050 = arith.addi %mul3A_3048, %add3A_3049 : i32
      %dma_start3A_3051 = arith.constant 2 : i32
      %dma_start3A_3052 = arith.constant 7 : i32
      %dma_start3A_3053 = arith.constant 0 : i32
      %dma_start3A_3054 = arith.constant 0 : i32
      %dma_start3A_3055 = tpu.memref_slice %arg6[%dma_start3A_3051, %dma_start3A_3052, %dma_start3A_3053, %dma_start3A_3054] : memref<4x8x50x64xf32, #tpu.memory_space<vmem>> -> memref<1x1x50x64xf32, #tpu.memory_space<vmem>>
      %dma_start3A_3056 = tpu.memref_squeeze %dma_start3A_3055 : memref<1x1x50x64xf32, #tpu.memory_space<vmem>> -> memref<50x64xf32, #tpu.memory_space<vmem>>
      %dma_start3A_3057 = arith.constant 0 : i32
      %dma_start3A_3058 = tpu.memref_slice %arg5[%add3A_3050, %dma_start3A_3057] : memref<512x50xi32, #tpu.memory_space<vmem>> -> memref<1x50xi32, #tpu.memory_space<vmem>>
      %dma_start3A_3059 = tpu.memref_squeeze %dma_start3A_3058 : memref<1x50xi32, #tpu.memory_space<vmem>> -> memref<50xi32, #tpu.memory_space<vmem>>
      %dma_start3A_3060 = arith.constant 0 : i32
      %dma_start3A_3061 = arith.constant 0 : i32
      %dma_start3A_3062 = tpu.memref_slice %arg3[%dma_start3A_3060, %dma_start3A_3061] : memref<2000000x64xf32, #tpu.memory_space<hbm>> -> memref<2000000x64xf32, #tpu.memory_space<hbm>>
      tpu.enqueue_indirect_dma source(%dma_start3A_3062 : memref<2000000x64xf32, #tpu.memory_space<hbm>>) target(%dma_start3A_3056 : memref<50x64xf32, #tpu.memory_space<vmem>>) offsets(%dma_start3A_3059 : memref<50xi32, #tpu.memory_space<vmem>>) semaphore(%arg9 : memref<!tpu.dma_semaphore, #tpu.memory_space<semaphore_mem>>)
    }
    %scan3A_1275 = arith.constant 14 : i32
    %dma_wait3A_1276 = arith.constant 0 : i32
    %dma_wait3A_1277 = arith.constant 0 : i32
    %dma_wait3A_1278 = arith.constant 0 : i32
    %dma_wait3A_1279 = arith.constant 0 : i32
    %dma_wait3A_1280 = arith.constant 0 : i32
    %dma_wait3A_1281 = tpu.memref_slice %arg6[%dma_wait3A_1277, %dma_wait3A_1278, %dma_wait3A_1279, %dma_wait3A_1280] : memref<4x8x50x64xf32, #tpu.memory_space<vmem>> -> memref<1x1x50x64xf32, #tpu.memory_space<vmem>>
    %dma_wait3A_1282 = tpu.memref_squeeze %dma_wait3A_1281 : memref<1x1x50x64xf32, #tpu.memory_space<vmem>> -> memref<50x64xf32, #tpu.memory_space<vmem>>
    %dma_wait3A_1283 = arith.constant 0 : i32
    %dma_wait3A_1284 = tpu.memref_slice %arg5[%dma_wait3A_1276, %dma_wait3A_1283] : memref<512x50xi32, #tpu.memory_space<vmem>> -> memref<1x50xi32, #tpu.memory_space<vmem>>
    %dma_wait3A_1285 = tpu.memref_squeeze %dma_wait3A_1284 : memref<1x50xi32, #tpu.memory_space<vmem>> -> memref<50xi32, #tpu.memory_space<vmem>>
    %dma_wait3A_1286 = arith.constant 0 : i32
    %dma_wait3A_1287 = arith.constant 0 : i32
    %dma_wait3A_1288 = tpu.memref_slice %arg3[%dma_wait3A_1286, %dma_wait3A_1287] : memref<2000000x64xf32, #tpu.memory_space<hbm>> -> memref<2000000x64xf32, #tpu.memory_space<hbm>>
    tpu.wait_indirect_dma semaphore(%arg7 : memref<!tpu.dma_semaphore, #tpu.memory_space<semaphore_mem>>) src(%dma_wait3A_1288 : memref<2000000x64xf32, #tpu.memory_space<hbm>>) dst(%dma_wait3A_1282 : memref<50x64xf32, #tpu.memory_space<vmem>>)
    %dma_wait3A_1289 = arith.constant 0 : i32
    %dma_wait3A_1290 = arith.constant 0 : i32
    %dma_wait3A_1291 = arith.constant 1 : i32
    %dma_wait3A_1292 = arith.constant 0 : i32
    %dma_wait3A_1293 = arith.constant 0 : i32
    %dma_wait3A_1294 = tpu.memref_slice %arg6[%dma_wait3A_1290, %dma_wait3A_1291, %dma_wait3A_1292, %dma_wait3A_1293] : memref<4x8x50x64xf32, #tpu.memory_space<vmem>> -> memref<1x1x50x64xf32, #tpu.memory_space<vmem>>
    %dma_wait3A_1295 = tpu.memref_squeeze %dma_wait3A_1294 : memref<1x1x50x64xf32, #tpu.memory_space<vmem>> -> memref<50x64xf32, #tpu.memory_space<vmem>>
    %dma_wait3A_1296 = arith.constant 0 : i32
    %dma_wait3A_1297 = tpu.memref_slice %arg5[%dma_wait3A_1289, %dma_wait3A_1296] : memref<512x50xi32, #tpu.memory_space<vmem>> -> memref<1x50xi32, #tpu.memory_space<vmem>>
    %dma_wait3A_1298 = tpu.memref_squeeze %dma_wait3A_1297 : memref<1x50xi32, #tpu.memory_space<vmem>> -> memref<50xi32, #tpu.memory_space<vmem>>
    %dma_wait3A_1299 = arith.constant 0 : i32
    %dma_wait3A_1300 = arith.constant 0 : i32
    %dma_wait3A_1301 = tpu.memref_slice %arg3[%dma_wait3A_1299, %dma_wait3A_1300] : memref<2000000x64xf32, #tpu.memory_space<hbm>> -> memref<2000000x64xf32, #tpu.memory_space<hbm>>
    tpu.wait_indirect_dma semaphore(%arg7 : memref<!tpu.dma_semaphore, #tpu.memory_space<semaphore_mem>>) src(%dma_wait3A_1301 : memref<2000000x64xf32, #tpu.memory_space<hbm>>) dst(%dma_wait3A_1295 : memref<50x64xf32, #tpu.memory_space<vmem>>)
    %dma_wait3A_1302 = arith.constant 0 : i32
    %dma_wait3A_1303 = arith.constant 0 : i32
    %dma_wait3A_1304 = arith.constant 2 : i32
    %dma_wait3A_1305 = arith.constant 0 : i32
    %dma_wait3A_1306 = arith.constant 0 : i32
    %dma_wait3A_1307 = tpu.memref_slice %arg6[%dma_wait3A_1303, %dma_wait3A_1304, %dma_wait3A_1305, %dma_wait3A_1306] : memref<4x8x50x64xf32, #tpu.memory_space<vmem>> -> memref<1x1x50x64xf32, #tpu.memory_space<vmem>>
    %dma_wait3A_1308 = tpu.memref_squeeze %dma_wait3A_1307 : memref<1x1x50x64xf32, #tpu.memory_space<vmem>> -> memref<50x64xf32, #tpu.memory_space<vmem>>
    %dma_wait3A_1309 = arith.constant 0 : i32
    %dma_wait3A_1310 = tpu.memref_slice %arg5[%dma_wait3A_1302, %dma_wait3A_1309] : memref<512x50xi32, #tpu.memory_space<vmem>> -> memref<1x50xi32, #tpu.memory_space<vmem>>
    %dma_wait3A_1311 = tpu.memref_squeeze %dma_wait3A_1310 : memref<1x50xi32, #tpu.memory_space<vmem>> -> memref<50xi32, #tpu.memory_space<vmem>>
    %dma_wait3A_1312 = arith.constant 0 : i32
    %dma_wait3A_1313 = arith.constant 0 : i32
    %dma_wait3A_1314 = tpu.memref_slice %arg3[%dma_wait3A_1312, %dma_wait3A_1313] : memref<2000000x64xf32, #tpu.memory_space<hbm>> -> memref<2000000x64xf32, #tpu.memory_space<hbm>>
    tpu.wait_indirect_dma semaphore(%arg7 : memref<!tpu.dma_semaphore, #tpu.memory_space<semaphore_mem>>) src(%dma_wait3A_1314 : memref<2000000x64xf32, #tpu.memory_space<hbm>>) dst(%dma_wait3A_1308 : memref<50x64xf32, #tpu.memory_space<vmem>>)
    %dma_wait3A_1315 = arith.constant 0 : i32
    %dma_wait3A_1316 = arith.constant 0 : i32
    %dma_wait3A_1317 = arith.constant 3 : i32
    %dma_wait3A_1318 = arith.constant 0 : i32
    %dma_wait3A_1319 = arith.constant 0 : i32
    %dma_wait3A_1320 = tpu.memref_slice %arg6[%dma_wait3A_1316, %dma_wait3A_1317, %dma_wait3A_1318, %dma_wait3A_1319] : memref<4x8x50x64xf32, #tpu.memory_space<vmem>> -> memref<1x1x50x64xf32, #tpu.memory_space<vmem>>
    %dma_wait3A_1321 = tpu.memref_squeeze %dma_wait3A_1320 : memref<1x1x50x64xf32, #tpu.memory_space<vmem>> -> memref<50x64xf32, #tpu.memory_space<vmem>>
    %dma_wait3A_1322 = arith.constant 0 : i32
    %dma_wait3A_1323 = tpu.memref_slice %arg5[%dma_wait3A_1315, %dma_wait3A_1322] : memref<512x50xi32, #tpu.memory_space<vmem>> -> memref<1x50xi32, #tpu.memory_space<vmem>>
    %dma_wait3A_1324 = tpu.memref_squeeze %dma_wait3A_1323 : memref<1x50xi32, #tpu.memory_space<vmem>> -> memref<50xi32, #tpu.memory_space<vmem>>
    %dma_wait3A_1325 = arith.constant 0 : i32
    %dma_wait3A_1326 = arith.constant 0 : i32
    %dma_wait3A_1327 = tpu.memref_slice %arg3[%dma_wait3A_1325, %dma_wait3A_1326] : memref<2000000x64xf32, #tpu.memory_space<hbm>> -> memref<2000000x64xf32, #tpu.memory_space<hbm>>
    tpu.wait_indirect_dma semaphore(%arg7 : memref<!tpu.dma_semaphore, #tpu.memory_space<semaphore_mem>>) src(%dma_wait3A_1327 : memref<2000000x64xf32, #tpu.memory_space<hbm>>) dst(%dma_wait3A_1321 : memref<50x64xf32, #tpu.memory_space<vmem>>)
    %dma_wait3A_1328 = arith.constant 0 : i32
    %dma_wait3A_1329 = arith.constant 0 : i32
    %dma_wait3A_1330 = arith.constant 4 : i32
    %dma_wait3A_1331 = arith.constant 0 : i32
    %dma_wait3A_1332 = arith.constant 0 : i32
    %dma_wait3A_1333 = tpu.memref_slice %arg6[%dma_wait3A_1329, %dma_wait3A_1330, %dma_wait3A_1331, %dma_wait3A_1332] : memref<4x8x50x64xf32, #tpu.memory_space<vmem>> -> memref<1x1x50x64xf32, #tpu.memory_space<vmem>>
    %dma_wait3A_1334 = tpu.memref_squeeze %dma_wait3A_1333 : memref<1x1x50x64xf32, #tpu.memory_space<vmem>> -> memref<50x64xf32, #tpu.memory_space<vmem>>
    %dma_wait3A_1335 = arith.constant 0 : i32
    %dma_wait3A_1336 = tpu.memref_slice %arg5[%dma_wait3A_1328, %dma_wait3A_1335] : memref<512x50xi32, #tpu.memory_space<vmem>> -> memref<1x50xi32, #tpu.memory_space<vmem>>
    %dma_wait3A_1337 = tpu.memref_squeeze %dma_wait3A_1336 : memref<1x50xi32, #tpu.memory_space<vmem>> -> memref<50xi32, #tpu.memory_space<vmem>>
    %dma_wait3A_1338 = arith.constant 0 : i32
    %dma_wait3A_1339 = arith.constant 0 : i32
    %dma_wait3A_1340 = tpu.memref_slice %arg3[%dma_wait3A_1338, %dma_wait3A_1339] : memref<2000000x64xf32, #tpu.memory_space<hbm>> -> memref<2000000x64xf32, #tpu.memory_space<hbm>>
    tpu.wait_indirect_dma semaphore(%arg7 : memref<!tpu.dma_semaphore, #tpu.memory_space<semaphore_mem>>) src(%dma_wait3A_1340 : memref<2000000x64xf32, #tpu.memory_space<hbm>>) dst(%dma_wait3A_1334 : memref<50x64xf32, #tpu.memory_space<vmem>>)
    %dma_wait3A_1341 = arith.constant 0 : i32
    %dma_wait3A_1342 = arith.constant 0 : i32
    %dma_wait3A_1343 = arith.constant 5 : i32
    %dma_wait3A_1344 = arith.constant 0 : i32
    %dma_wait3A_1345 = arith.constant 0 : i32
    %dma_wait3A_1346 = tpu.memref_slice %arg6[%dma_wait3A_1342, %dma_wait3A_1343, %dma_wait3A_1344, %dma_wait3A_1345] : memref<4x8x50x64xf32, #tpu.memory_space<vmem>> -> memref<1x1x50x64xf32, #tpu.memory_space<vmem>>
    %dma_wait3A_1347 = tpu.memref_squeeze %dma_wait3A_1346 : memref<1x1x50x64xf32, #tpu.memory_space<vmem>> -> memref<50x64xf32, #tpu.memory_space<vmem>>
    %dma_wait3A_1348 = arith.constant 0 : i32
    %dma_wait3A_1349 = tpu.memref_slice %arg5[%dma_wait3A_1341, %dma_wait3A_1348] : memref<512x50xi32, #tpu.memory_space<vmem>> -> memref<1x50xi32, #tpu.memory_space<vmem>>
    %dma_wait3A_1350 = tpu.memref_squeeze %dma_wait3A_1349 : memref<1x50xi32, #tpu.memory_space<vmem>> -> memref<50xi32, #tpu.memory_space<vmem>>
    %dma_wait3A_1351 = arith.constant 0 : i32
    %dma_wait3A_1352 = arith.constant 0 : i32
    %dma_wait3A_1353 = tpu.memref_slice %arg3[%dma_wait3A_1351, %dma_wait3A_1352] : memref<2000000x64xf32, #tpu.memory_space<hbm>> -> memref<2000000x64xf32, #tpu.memory_space<hbm>>
    tpu.wait_indirect_dma semaphore(%arg7 : memref<!tpu.dma_semaphore, #tpu.memory_space<semaphore_mem>>) src(%dma_wait3A_1353 : memref<2000000x64xf32, #tpu.memory_space<hbm>>) dst(%dma_wait3A_1347 : memref<50x64xf32, #tpu.memory_space<vmem>>)
    %dma_wait3A_1354 = arith.constant 0 : i32
    %dma_wait3A_1355 = arith.constant 0 : i32
    %dma_wait3A_1356 = arith.constant 6 : i32
    %dma_wait3A_1357 = arith.constant 0 : i32
    %dma_wait3A_1358 = arith.constant 0 : i32
    %dma_wait3A_1359 = tpu.memref_slice %arg6[%dma_wait3A_1355, %dma_wait3A_1356, %dma_wait3A_1357, %dma_wait3A_1358] : memref<4x8x50x64xf32, #tpu.memory_space<vmem>> -> memref<1x1x50x64xf32, #tpu.memory_space<vmem>>
    %dma_wait3A_1360 = tpu.memref_squeeze %dma_wait3A_1359 : memref<1x1x50x64xf32, #tpu.memory_space<vmem>> -> memref<50x64xf32, #tpu.memory_space<vmem>>
    %dma_wait3A_1361 = arith.constant 0 : i32
    %dma_wait3A_1362 = tpu.memref_slice %arg5[%dma_wait3A_1354, %dma_wait3A_1361] : memref<512x50xi32, #tpu.memory_space<vmem>> -> memref<1x50xi32, #tpu.memory_space<vmem>>
    %dma_wait3A_1363 = tpu.memref_squeeze %dma_wait3A_1362 : memref<1x50xi32, #tpu.memory_space<vmem>> -> memref<50xi32, #tpu.memory_space<vmem>>
    %dma_wait3A_1364 = arith.constant 0 : i32
    %dma_wait3A_1365 = arith.constant 0 : i32
    %dma_wait3A_1366 = tpu.memref_slice %arg3[%dma_wait3A_1364, %dma_wait3A_1365] : memref<2000000x64xf32, #tpu.memory_space<hbm>> -> memref<2000000x64xf32, #tpu.memory_space<hbm>>
    tpu.wait_indirect_dma semaphore(%arg7 : memref<!tpu.dma_semaphore, #tpu.memory_space<semaphore_mem>>) src(%dma_wait3A_1366 : memref<2000000x64xf32, #tpu.memory_space<hbm>>) dst(%dma_wait3A_1360 : memref<50x64xf32, #tpu.memory_space<vmem>>)
    %dma_wait3A_1367 = arith.constant 0 : i32
    %dma_wait3A_1368 = arith.constant 0 : i32
    %dma_wait3A_1369 = arith.constant 7 : i32
    %dma_wait3A_1370 = arith.constant 0 : i32
    %dma_wait3A_1371 = arith.constant 0 : i32
    %dma_wait3A_1372 = tpu.memref_slice %arg6[%dma_wait3A_1368, %dma_wait3A_1369, %dma_wait3A_1370, %dma_wait3A_1371] : memref<4x8x50x64xf32, #tpu.memory_space<vmem>> -> memref<1x1x50x64xf32, #tpu.memory_space<vmem>>
    %dma_wait3A_1373 = tpu.memref_squeeze %dma_wait3A_1372 : memref<1x1x50x64xf32, #tpu.memory_space<vmem>> -> memref<50x64xf32, #tpu.memory_space<vmem>>
    %dma_wait3A_1374 = arith.constant 0 : i32
    %dma_wait3A_1375 = tpu.memref_slice %arg5[%dma_wait3A_1367, %dma_wait3A_1374] : memref<512x50xi32, #tpu.memory_space<vmem>> -> memref<1x50xi32, #tpu.memory_space<vmem>>
    %dma_wait3A_1376 = tpu.memref_squeeze %dma_wait3A_1375 : memref<1x50xi32, #tpu.memory_space<vmem>> -> memref<50xi32, #tpu.memory_space<vmem>>
    %dma_wait3A_1377 = arith.constant 0 : i32
    %dma_wait3A_1378 = arith.constant 0 : i32
    %dma_wait3A_1379 = tpu.memref_slice %arg3[%dma_wait3A_1377, %dma_wait3A_1378] : memref<2000000x64xf32, #tpu.memory_space<hbm>> -> memref<2000000x64xf32, #tpu.memory_space<hbm>>
    tpu.wait_indirect_dma semaphore(%arg7 : memref<!tpu.dma_semaphore, #tpu.memory_space<semaphore_mem>>) src(%dma_wait3A_1379 : memref<2000000x64xf32, #tpu.memory_space<hbm>>) dst(%dma_wait3A_1373 : memref<50x64xf32, #tpu.memory_space<vmem>>)
    %add3A_1380 = arith.constant 480 : i32
    %add3A_1381 = arith.addi %mul3A_2, %add3A_1380 : i32
    %dma_start3A_1382 = arith.constant 0 : i32
    %dma_start3A_1383 = arith.constant 0 : i32
    %dma_start3A_1384 = arith.constant 0 : i32
    %dma_start3A_1385 = arith.constant 0 : i32
    %dma_start3A_1386 = tpu.memref_slice %arg6[%dma_start3A_1382, %dma_start3A_1383, %dma_start3A_1384, %dma_start3A_1385] : memref<4x8x50x64xf32, #tpu.memory_space<vmem>> -> memref<1x8x50x64xf32, #tpu.memory_space<vmem>>
    %dma_start3A_1387 = tpu.memref_squeeze %dma_start3A_1386 : memref<1x8x50x64xf32, #tpu.memory_space<vmem>> -> memref<8x50x64xf32, #tpu.memory_space<vmem>>
    %dma_start3A_1388 = arith.constant 0 : i32
    %dma_start3A_1389 = arith.constant 0 : i32
    %dma_start3A_1390 = tpu.memref_slice %arg4[%add3A_1381, %dma_start3A_1388, %dma_start3A_1389] : memref<16384x56x128xf32, #tpu.memory_space<hbm>> -> memref<8x50x64xf32, #tpu.memory_space<hbm>>
    %dma_start3A_1391 = arith.constant 0 : i32
    %dma_start3A_1392 = arith.constant 0 : i32
    %dma_start3A_1393 = tpu.memref_slice %arg4[%add3A_1381, %dma_start3A_1391, %dma_start3A_1392] : memref<16384x56x128xf32, #tpu.memory_space<hbm>> -> memref<8x50x64xf32, #tpu.memory_space<hbm>>
    %dma_start3A_1394 = arith.constant 0 : i32
    %dma_start3A_1395 = arith.constant 0 : i32
    %dma_start3A_1396 = arith.constant 0 : i32
    %dma_start3A_1397 = tpu.memref_slice %arg6[%dma_start3A_1382, %dma_start3A_1394, %dma_start3A_1395, %dma_start3A_1396] : memref<4x8x50x64xf32, #tpu.memory_space<vmem>> -> memref<1x8x50x64xf32, #tpu.memory_space<vmem>>
    %dma_start3A_1398 = tpu.memref_squeeze %dma_start3A_1397 : memref<1x8x50x64xf32, #tpu.memory_space<vmem>> -> memref<8x50x64xf32, #tpu.memory_space<vmem>>
    tpu.enqueue_dma source(%dma_start3A_1398 : memref<8x50x64xf32, #tpu.memory_space<vmem>>) target(%dma_start3A_1393 : memref<8x50x64xf32, #tpu.memory_space<hbm>>) target_semaphore(%arg11 : memref<!tpu.dma_semaphore, #tpu.memory_space<semaphore_mem>>)
    %dma_wait3A_1399 = arith.constant 3 : i32
    %dma_wait3A_1400 = arith.constant 0 : i32
    %dma_wait3A_1401 = arith.constant 0 : i32
    %dma_wait3A_1402 = arith.constant 0 : i32
    %dma_wait3A_1403 = tpu.memref_slice %arg6[%dma_wait3A_1399, %dma_wait3A_1400, %dma_wait3A_1401, %dma_wait3A_1402] : memref<4x8x50x64xf32, #tpu.memory_space<vmem>> -> memref<1x8x50x64xf32, #tpu.memory_space<vmem>>
    %dma_wait3A_1404 = tpu.memref_squeeze %dma_wait3A_1403 : memref<1x8x50x64xf32, #tpu.memory_space<vmem>> -> memref<8x50x64xf32, #tpu.memory_space<vmem>>
    %dma_wait3A_1405 = arith.constant 0 : i32
    %dma_wait3A_1406 = arith.constant 0 : i32
    %dma_wait3A_1407 = tpu.memref_slice %arg4[%mul3A_2, %dma_wait3A_1405, %dma_wait3A_1406] : memref<16384x56x128xf32, #tpu.memory_space<hbm>> -> memref<8x50x64xf32, #tpu.memory_space<hbm>>
    %dma_wait3A_1408 = arith.constant 0 : i32
    %dma_wait3A_1409 = arith.constant 0 : i32
    %dma_wait3A_1410 = tpu.memref_slice %arg4[%mul3A_2, %dma_wait3A_1408, %dma_wait3A_1409] : memref<16384x56x128xf32, #tpu.memory_space<hbm>> -> memref<8x50x64xf32, #tpu.memory_space<hbm>>
    %dma_wait3A_1411 = arith.constant 0 : i32
    %dma_wait3A_1412 = arith.constant 0 : i32
    %dma_wait3A_1413 = arith.constant 0 : i32
    %dma_wait3A_1414 = tpu.memref_slice %arg6[%dma_wait3A_1399, %dma_wait3A_1411, %dma_wait3A_1412, %dma_wait3A_1413] : memref<4x8x50x64xf32, #tpu.memory_space<vmem>> -> memref<1x8x50x64xf32, #tpu.memory_space<vmem>>
    %dma_wait3A_1415 = tpu.memref_squeeze %dma_wait3A_1414 : memref<1x8x50x64xf32, #tpu.memory_space<vmem>> -> memref<8x50x64xf32, #tpu.memory_space<vmem>>
    tpu.wait_dma2 semaphore(%arg14 : memref<!tpu.dma_semaphore, #tpu.memory_space<semaphore_mem>>) src(%dma_wait3A_1415 : memref<8x50x64xf32, #tpu.memory_space<vmem>>) dst(%dma_wait3A_1410 : memref<8x50x64xf32, #tpu.memory_space<hbm>>)
    %dma_start3A_1416 = arith.constant 504 : i32
    %dma_start3A_1417 = arith.constant 3 : i32
    %dma_start3A_1418 = arith.constant 0 : i32
    %dma_start3A_1419 = arith.constant 0 : i32
    %dma_start3A_1420 = arith.constant 0 : i32
    %dma_start3A_1421 = tpu.memref_slice %arg6[%dma_start3A_1417, %dma_start3A_1418, %dma_start3A_1419, %dma_start3A_1420] : memref<4x8x50x64xf32, #tpu.memory_space<vmem>> -> memref<1x1x50x64xf32, #tpu.memory_space<vmem>>
    %dma_start3A_1422 = tpu.memref_squeeze %dma_start3A_1421 : memref<1x1x50x64xf32, #tpu.memory_space<vmem>> -> memref<50x64xf32, #tpu.memory_space<vmem>>
    %dma_start3A_1423 = arith.constant 0 : i32
    %dma_start3A_1424 = tpu.memref_slice %arg5[%dma_start3A_1416, %dma_start3A_1423] : memref<512x50xi32, #tpu.memory_space<vmem>> -> memref<1x50xi32, #tpu.memory_space<vmem>>
    %dma_start3A_1425 = tpu.memref_squeeze %dma_start3A_1424 : memref<1x50xi32, #tpu.memory_space<vmem>> -> memref<50xi32, #tpu.memory_space<vmem>>
    %dma_start3A_1426 = arith.constant 0 : i32
    %dma_start3A_1427 = arith.constant 0 : i32
    %dma_start3A_1428 = tpu.memref_slice %arg3[%dma_start3A_1426, %dma_start3A_1427] : memref<2000000x64xf32, #tpu.memory_space<hbm>> -> memref<2000000x64xf32, #tpu.memory_space<hbm>>
    tpu.enqueue_indirect_dma source(%dma_start3A_1428 : memref<2000000x64xf32, #tpu.memory_space<hbm>>) target(%dma_start3A_1422 : memref<50x64xf32, #tpu.memory_space<vmem>>) offsets(%dma_start3A_1425 : memref<50xi32, #tpu.memory_space<vmem>>) semaphore(%arg10 : memref<!tpu.dma_semaphore, #tpu.memory_space<semaphore_mem>>)
    %dma_start3A_1429 = arith.constant 505 : i32
    %dma_start3A_1430 = arith.constant 3 : i32
    %dma_start3A_1431 = arith.constant 1 : i32
    %dma_start3A_1432 = arith.constant 0 : i32
    %dma_start3A_1433 = arith.constant 0 : i32
    %dma_start3A_1434 = tpu.memref_slice %arg6[%dma_start3A_1430, %dma_start3A_1431, %dma_start3A_1432, %dma_start3A_1433] : memref<4x8x50x64xf32, #tpu.memory_space<vmem>> -> memref<1x1x50x64xf32, #tpu.memory_space<vmem>>
    %dma_start3A_1435 = tpu.memref_squeeze %dma_start3A_1434 : memref<1x1x50x64xf32, #tpu.memory_space<vmem>> -> memref<50x64xf32, #tpu.memory_space<vmem>>
    %dma_start3A_1436 = arith.constant 0 : i32
    %dma_start3A_1437 = tpu.memref_slice %arg5[%dma_start3A_1429, %dma_start3A_1436] : memref<512x50xi32, #tpu.memory_space<vmem>> -> memref<1x50xi32, #tpu.memory_space<vmem>>
    %dma_start3A_1438 = tpu.memref_squeeze %dma_start3A_1437 : memref<1x50xi32, #tpu.memory_space<vmem>> -> memref<50xi32, #tpu.memory_space<vmem>>
    %dma_start3A_1439 = arith.constant 0 : i32
    %dma_start3A_1440 = arith.constant 0 : i32
    %dma_start3A_1441 = tpu.memref_slice %arg3[%dma_start3A_1439, %dma_start3A_1440] : memref<2000000x64xf32, #tpu.memory_space<hbm>> -> memref<2000000x64xf32, #tpu.memory_space<hbm>>
    tpu.enqueue_indirect_dma source(%dma_start3A_1441 : memref<2000000x64xf32, #tpu.memory_space<hbm>>) target(%dma_start3A_1435 : memref<50x64xf32, #tpu.memory_space<vmem>>) offsets(%dma_start3A_1438 : memref<50xi32, #tpu.memory_space<vmem>>) semaphore(%arg10 : memref<!tpu.dma_semaphore, #tpu.memory_space<semaphore_mem>>)
    %dma_start3A_1442 = arith.constant 506 : i32
    %dma_start3A_1443 = arith.constant 3 : i32
    %dma_start3A_1444 = arith.constant 2 : i32
    %dma_start3A_1445 = arith.constant 0 : i32
    %dma_start3A_1446 = arith.constant 0 : i32
    %dma_start3A_1447 = tpu.memref_slice %arg6[%dma_start3A_1443, %dma_start3A_1444, %dma_start3A_1445, %dma_start3A_1446] : memref<4x8x50x64xf32, #tpu.memory_space<vmem>> -> memref<1x1x50x64xf32, #tpu.memory_space<vmem>>
    %dma_start3A_1448 = tpu.memref_squeeze %dma_start3A_1447 : memref<1x1x50x64xf32, #tpu.memory_space<vmem>> -> memref<50x64xf32, #tpu.memory_space<vmem>>
    %dma_start3A_1449 = arith.constant 0 : i32
    %dma_start3A_1450 = tpu.memref_slice %arg5[%dma_start3A_1442, %dma_start3A_1449] : memref<512x50xi32, #tpu.memory_space<vmem>> -> memref<1x50xi32, #tpu.memory_space<vmem>>
    %dma_start3A_1451 = tpu.memref_squeeze %dma_start3A_1450 : memref<1x50xi32, #tpu.memory_space<vmem>> -> memref<50xi32, #tpu.memory_space<vmem>>
    %dma_start3A_1452 = arith.constant 0 : i32
    %dma_start3A_1453 = arith.constant 0 : i32
    %dma_start3A_1454 = tpu.memref_slice %arg3[%dma_start3A_1452, %dma_start3A_1453] : memref<2000000x64xf32, #tpu.memory_space<hbm>> -> memref<2000000x64xf32, #tpu.memory_space<hbm>>
    tpu.enqueue_indirect_dma source(%dma_start3A_1454 : memref<2000000x64xf32, #tpu.memory_space<hbm>>) target(%dma_start3A_1448 : memref<50x64xf32, #tpu.memory_space<vmem>>) offsets(%dma_start3A_1451 : memref<50xi32, #tpu.memory_space<vmem>>) semaphore(%arg10 : memref<!tpu.dma_semaphore, #tpu.memory_space<semaphore_mem>>)
    %dma_start3A_1455 = arith.constant 507 : i32
    %dma_start3A_1456 = arith.constant 3 : i32
    %dma_start3A_1457 = arith.constant 3 : i32
    %dma_start3A_1458 = arith.constant 0 : i32
    %dma_start3A_1459 = arith.constant 0 : i32
    %dma_start3A_1460 = tpu.memref_slice %arg6[%dma_start3A_1456, %dma_start3A_1457, %dma_start3A_1458, %dma_start3A_1459] : memref<4x8x50x64xf32, #tpu.memory_space<vmem>> -> memref<1x1x50x64xf32, #tpu.memory_space<vmem>>
    %dma_start3A_1461 = tpu.memref_squeeze %dma_start3A_1460 : memref<1x1x50x64xf32, #tpu.memory_space<vmem>> -> memref<50x64xf32, #tpu.memory_space<vmem>>
    %dma_start3A_1462 = arith.constant 0 : i32
    %dma_start3A_1463 = tpu.memref_slice %arg5[%dma_start3A_1455, %dma_start3A_1462] : memref<512x50xi32, #tpu.memory_space<vmem>> -> memref<1x50xi32, #tpu.memory_space<vmem>>
    %dma_start3A_1464 = tpu.memref_squeeze %dma_start3A_1463 : memref<1x50xi32, #tpu.memory_space<vmem>> -> memref<50xi32, #tpu.memory_space<vmem>>
    %dma_start3A_1465 = arith.constant 0 : i32
    %dma_start3A_1466 = arith.constant 0 : i32
    %dma_start3A_1467 = tpu.memref_slice %arg3[%dma_start3A_1465, %dma_start3A_1466] : memref<2000000x64xf32, #tpu.memory_space<hbm>> -> memref<2000000x64xf32, #tpu.memory_space<hbm>>
    tpu.enqueue_indirect_dma source(%dma_start3A_1467 : memref<2000000x64xf32, #tpu.memory_space<hbm>>) target(%dma_start3A_1461 : memref<50x64xf32, #tpu.memory_space<vmem>>) offsets(%dma_start3A_1464 : memref<50xi32, #tpu.memory_space<vmem>>) semaphore(%arg10 : memref<!tpu.dma_semaphore, #tpu.memory_space<semaphore_mem>>)
    %dma_start3A_1468 = arith.constant 508 : i32
    %dma_start3A_1469 = arith.constant 3 : i32
    %dma_start3A_1470 = arith.constant 4 : i32
    %dma_start3A_1471 = arith.constant 0 : i32
    %dma_start3A_1472 = arith.constant 0 : i32
    %dma_start3A_1473 = tpu.memref_slice %arg6[%dma_start3A_1469, %dma_start3A_1470, %dma_start3A_1471, %dma_start3A_1472] : memref<4x8x50x64xf32, #tpu.memory_space<vmem>> -> memref<1x1x50x64xf32, #tpu.memory_space<vmem>>
    %dma_start3A_1474 = tpu.memref_squeeze %dma_start3A_1473 : memref<1x1x50x64xf32, #tpu.memory_space<vmem>> -> memref<50x64xf32, #tpu.memory_space<vmem>>
    %dma_start3A_1475 = arith.constant 0 : i32
    %dma_start3A_1476 = tpu.memref_slice %arg5[%dma_start3A_1468, %dma_start3A_1475] : memref<512x50xi32, #tpu.memory_space<vmem>> -> memref<1x50xi32, #tpu.memory_space<vmem>>
    %dma_start3A_1477 = tpu.memref_squeeze %dma_start3A_1476 : memref<1x50xi32, #tpu.memory_space<vmem>> -> memref<50xi32, #tpu.memory_space<vmem>>
    %dma_start3A_1478 = arith.constant 0 : i32
    %dma_start3A_1479 = arith.constant 0 : i32
    %dma_start3A_1480 = tpu.memref_slice %arg3[%dma_start3A_1478, %dma_start3A_1479] : memref<2000000x64xf32, #tpu.memory_space<hbm>> -> memref<2000000x64xf32, #tpu.memory_space<hbm>>
    tpu.enqueue_indirect_dma source(%dma_start3A_1480 : memref<2000000x64xf32, #tpu.memory_space<hbm>>) target(%dma_start3A_1474 : memref<50x64xf32, #tpu.memory_space<vmem>>) offsets(%dma_start3A_1477 : memref<50xi32, #tpu.memory_space<vmem>>) semaphore(%arg10 : memref<!tpu.dma_semaphore, #tpu.memory_space<semaphore_mem>>)
    %dma_start3A_1481 = arith.constant 509 : i32
    %dma_start3A_1482 = arith.constant 3 : i32
    %dma_start3A_1483 = arith.constant 5 : i32
    %dma_start3A_1484 = arith.constant 0 : i32
    %dma_start3A_1485 = arith.constant 0 : i32
    %dma_start3A_1486 = tpu.memref_slice %arg6[%dma_start3A_1482, %dma_start3A_1483, %dma_start3A_1484, %dma_start3A_1485] : memref<4x8x50x64xf32, #tpu.memory_space<vmem>> -> memref<1x1x50x64xf32, #tpu.memory_space<vmem>>
    %dma_start3A_1487 = tpu.memref_squeeze %dma_start3A_1486 : memref<1x1x50x64xf32, #tpu.memory_space<vmem>> -> memref<50x64xf32, #tpu.memory_space<vmem>>
    %dma_start3A_1488 = arith.constant 0 : i32
    %dma_start3A_1489 = tpu.memref_slice %arg5[%dma_start3A_1481, %dma_start3A_1488] : memref<512x50xi32, #tpu.memory_space<vmem>> -> memref<1x50xi32, #tpu.memory_space<vmem>>
    %dma_start3A_1490 = tpu.memref_squeeze %dma_start3A_1489 : memref<1x50xi32, #tpu.memory_space<vmem>> -> memref<50xi32, #tpu.memory_space<vmem>>
    %dma_start3A_1491 = arith.constant 0 : i32
    %dma_start3A_1492 = arith.constant 0 : i32
    %dma_start3A_1493 = tpu.memref_slice %arg3[%dma_start3A_1491, %dma_start3A_1492] : memref<2000000x64xf32, #tpu.memory_space<hbm>> -> memref<2000000x64xf32, #tpu.memory_space<hbm>>
    tpu.enqueue_indirect_dma source(%dma_start3A_1493 : memref<2000000x64xf32, #tpu.memory_space<hbm>>) target(%dma_start3A_1487 : memref<50x64xf32, #tpu.memory_space<vmem>>) offsets(%dma_start3A_1490 : memref<50xi32, #tpu.memory_space<vmem>>) semaphore(%arg10 : memref<!tpu.dma_semaphore, #tpu.memory_space<semaphore_mem>>)
    %dma_start3A_1494 = arith.constant 510 : i32
    %dma_start3A_1495 = arith.constant 3 : i32
    %dma_start3A_1496 = arith.constant 6 : i32
    %dma_start3A_1497 = arith.constant 0 : i32
    %dma_start3A_1498 = arith.constant 0 : i32
    %dma_start3A_1499 = tpu.memref_slice %arg6[%dma_start3A_1495, %dma_start3A_1496, %dma_start3A_1497, %dma_start3A_1498] : memref<4x8x50x64xf32, #tpu.memory_space<vmem>> -> memref<1x1x50x64xf32, #tpu.memory_space<vmem>>
    %dma_start3A_1500 = tpu.memref_squeeze %dma_start3A_1499 : memref<1x1x50x64xf32, #tpu.memory_space<vmem>> -> memref<50x64xf32, #tpu.memory_space<vmem>>
    %dma_start3A_1501 = arith.constant 0 : i32
    %dma_start3A_1502 = tpu.memref_slice %arg5[%dma_start3A_1494, %dma_start3A_1501] : memref<512x50xi32, #tpu.memory_space<vmem>> -> memref<1x50xi32, #tpu.memory_space<vmem>>
    %dma_start3A_1503 = tpu.memref_squeeze %dma_start3A_1502 : memref<1x50xi32, #tpu.memory_space<vmem>> -> memref<50xi32, #tpu.memory_space<vmem>>
    %dma_start3A_1504 = arith.constant 0 : i32
    %dma_start3A_1505 = arith.constant 0 : i32
    %dma_start3A_1506 = tpu.memref_slice %arg3[%dma_start3A_1504, %dma_start3A_1505] : memref<2000000x64xf32, #tpu.memory_space<hbm>> -> memref<2000000x64xf32, #tpu.memory_space<hbm>>
    tpu.enqueue_indirect_dma source(%dma_start3A_1506 : memref<2000000x64xf32, #tpu.memory_space<hbm>>) target(%dma_start3A_1500 : memref<50x64xf32, #tpu.memory_space<vmem>>) offsets(%dma_start3A_1503 : memref<50xi32, #tpu.memory_space<vmem>>) semaphore(%arg10 : memref<!tpu.dma_semaphore, #tpu.memory_space<semaphore_mem>>)
    %dma_start3A_1507 = arith.constant 511 : i32
    %dma_start3A_1508 = arith.constant 3 : i32
    %dma_start3A_1509 = arith.constant 7 : i32
    %dma_start3A_1510 = arith.constant 0 : i32
    %dma_start3A_1511 = arith.constant 0 : i32
    %dma_start3A_1512 = tpu.memref_slice %arg6[%dma_start3A_1508, %dma_start3A_1509, %dma_start3A_1510, %dma_start3A_1511] : memref<4x8x50x64xf32, #tpu.memory_space<vmem>> -> memref<1x1x50x64xf32, #tpu.memory_space<vmem>>
    %dma_start3A_1513 = tpu.memref_squeeze %dma_start3A_1512 : memref<1x1x50x64xf32, #tpu.memory_space<vmem>> -> memref<50x64xf32, #tpu.memory_space<vmem>>
    %dma_start3A_1514 = arith.constant 0 : i32
    %dma_start3A_1515 = tpu.memref_slice %arg5[%dma_start3A_1507, %dma_start3A_1514] : memref<512x50xi32, #tpu.memory_space<vmem>> -> memref<1x50xi32, #tpu.memory_space<vmem>>
    %dma_start3A_1516 = tpu.memref_squeeze %dma_start3A_1515 : memref<1x50xi32, #tpu.memory_space<vmem>> -> memref<50xi32, #tpu.memory_space<vmem>>
    %dma_start3A_1517 = arith.constant 0 : i32
    %dma_start3A_1518 = arith.constant 0 : i32
    %dma_start3A_1519 = tpu.memref_slice %arg3[%dma_start3A_1517, %dma_start3A_1518] : memref<2000000x64xf32, #tpu.memory_space<hbm>> -> memref<2000000x64xf32, #tpu.memory_space<hbm>>
    tpu.enqueue_indirect_dma source(%dma_start3A_1519 : memref<2000000x64xf32, #tpu.memory_space<hbm>>) target(%dma_start3A_1513 : memref<50x64xf32, #tpu.memory_space<vmem>>) offsets(%dma_start3A_1516 : memref<50xi32, #tpu.memory_space<vmem>>) semaphore(%arg10 : memref<!tpu.dma_semaphore, #tpu.memory_space<semaphore_mem>>)
    %dma_wait3A_1520 = arith.constant 0 : i32
    %dma_wait3A_1521 = arith.constant 1 : i32
    %dma_wait3A_1522 = arith.constant 0 : i32
    %dma_wait3A_1523 = arith.constant 0 : i32
    %dma_wait3A_1524 = arith.constant 0 : i32
    %dma_wait3A_1525 = tpu.memref_slice %arg6[%dma_wait3A_1521, %dma_wait3A_1522, %dma_wait3A_1523, %dma_wait3A_1524] : memref<4x8x50x64xf32, #tpu.memory_space<vmem>> -> memref<1x1x50x64xf32, #tpu.memory_space<vmem>>
    %dma_wait3A_1526 = tpu.memref_squeeze %dma_wait3A_1525 : memref<1x1x50x64xf32, #tpu.memory_space<vmem>> -> memref<50x64xf32, #tpu.memory_space<vmem>>
    %dma_wait3A_1527 = arith.constant 0 : i32
    %dma_wait3A_1528 = tpu.memref_slice %arg5[%dma_wait3A_1520, %dma_wait3A_1527] : memref<512x50xi32, #tpu.memory_space<vmem>> -> memref<1x50xi32, #tpu.memory_space<vmem>>
    %dma_wait3A_1529 = tpu.memref_squeeze %dma_wait3A_1528 : memref<1x50xi32, #tpu.memory_space<vmem>> -> memref<50xi32, #tpu.memory_space<vmem>>
    %dma_wait3A_1530 = arith.constant 0 : i32
    %dma_wait3A_1531 = arith.constant 0 : i32
    %dma_wait3A_1532 = tpu.memref_slice %arg3[%dma_wait3A_1530, %dma_wait3A_1531] : memref<2000000x64xf32, #tpu.memory_space<hbm>> -> memref<2000000x64xf32, #tpu.memory_space<hbm>>
    tpu.wait_indirect_dma semaphore(%arg8 : memref<!tpu.dma_semaphore, #tpu.memory_space<semaphore_mem>>) src(%dma_wait3A_1532 : memref<2000000x64xf32, #tpu.memory_space<hbm>>) dst(%dma_wait3A_1526 : memref<50x64xf32, #tpu.memory_space<vmem>>)
    %dma_wait3A_1533 = arith.constant 0 : i32
    %dma_wait3A_1534 = arith.constant 1 : i32
    %dma_wait3A_1535 = arith.constant 1 : i32
    %dma_wait3A_1536 = arith.constant 0 : i32
    %dma_wait3A_1537 = arith.constant 0 : i32
    %dma_wait3A_1538 = tpu.memref_slice %arg6[%dma_wait3A_1534, %dma_wait3A_1535, %dma_wait3A_1536, %dma_wait3A_1537] : memref<4x8x50x64xf32, #tpu.memory_space<vmem>> -> memref<1x1x50x64xf32, #tpu.memory_space<vmem>>
    %dma_wait3A_1539 = tpu.memref_squeeze %dma_wait3A_1538 : memref<1x1x50x64xf32, #tpu.memory_space<vmem>> -> memref<50x64xf32, #tpu.memory_space<vmem>>
    %dma_wait3A_1540 = arith.constant 0 : i32
    %dma_wait3A_1541 = tpu.memref_slice %arg5[%dma_wait3A_1533, %dma_wait3A_1540] : memref<512x50xi32, #tpu.memory_space<vmem>> -> memref<1x50xi32, #tpu.memory_space<vmem>>
    %dma_wait3A_1542 = tpu.memref_squeeze %dma_wait3A_1541 : memref<1x50xi32, #tpu.memory_space<vmem>> -> memref<50xi32, #tpu.memory_space<vmem>>
    %dma_wait3A_1543 = arith.constant 0 : i32
    %dma_wait3A_1544 = arith.constant 0 : i32
    %dma_wait3A_1545 = tpu.memref_slice %arg3[%dma_wait3A_1543, %dma_wait3A_1544] : memref<2000000x64xf32, #tpu.memory_space<hbm>> -> memref<2000000x64xf32, #tpu.memory_space<hbm>>
    tpu.wait_indirect_dma semaphore(%arg8 : memref<!tpu.dma_semaphore, #tpu.memory_space<semaphore_mem>>) src(%dma_wait3A_1545 : memref<2000000x64xf32, #tpu.memory_space<hbm>>) dst(%dma_wait3A_1539 : memref<50x64xf32, #tpu.memory_space<vmem>>)
    %dma_wait3A_1546 = arith.constant 0 : i32
    %dma_wait3A_1547 = arith.constant 1 : i32
    %dma_wait3A_1548 = arith.constant 2 : i32
    %dma_wait3A_1549 = arith.constant 0 : i32
    %dma_wait3A_1550 = arith.constant 0 : i32
    %dma_wait3A_1551 = tpu.memref_slice %arg6[%dma_wait3A_1547, %dma_wait3A_1548, %dma_wait3A_1549, %dma_wait3A_1550] : memref<4x8x50x64xf32, #tpu.memory_space<vmem>> -> memref<1x1x50x64xf32, #tpu.memory_space<vmem>>
    %dma_wait3A_1552 = tpu.memref_squeeze %dma_wait3A_1551 : memref<1x1x50x64xf32, #tpu.memory_space<vmem>> -> memref<50x64xf32, #tpu.memory_space<vmem>>
    %dma_wait3A_1553 = arith.constant 0 : i32
    %dma_wait3A_1554 = tpu.memref_slice %arg5[%dma_wait3A_1546, %dma_wait3A_1553] : memref<512x50xi32, #tpu.memory_space<vmem>> -> memref<1x50xi32, #tpu.memory_space<vmem>>
    %dma_wait3A_1555 = tpu.memref_squeeze %dma_wait3A_1554 : memref<1x50xi32, #tpu.memory_space<vmem>> -> memref<50xi32, #tpu.memory_space<vmem>>
    %dma_wait3A_1556 = arith.constant 0 : i32
    %dma_wait3A_1557 = arith.constant 0 : i32
    %dma_wait3A_1558 = tpu.memref_slice %arg3[%dma_wait3A_1556, %dma_wait3A_1557] : memref<2000000x64xf32, #tpu.memory_space<hbm>> -> memref<2000000x64xf32, #tpu.memory_space<hbm>>
    tpu.wait_indirect_dma semaphore(%arg8 : memref<!tpu.dma_semaphore, #tpu.memory_space<semaphore_mem>>) src(%dma_wait3A_1558 : memref<2000000x64xf32, #tpu.memory_space<hbm>>) dst(%dma_wait3A_1552 : memref<50x64xf32, #tpu.memory_space<vmem>>)
    %dma_wait3A_1559 = arith.constant 0 : i32
    %dma_wait3A_1560 = arith.constant 1 : i32
    %dma_wait3A_1561 = arith.constant 3 : i32
    %dma_wait3A_1562 = arith.constant 0 : i32
    %dma_wait3A_1563 = arith.constant 0 : i32
    %dma_wait3A_1564 = tpu.memref_slice %arg6[%dma_wait3A_1560, %dma_wait3A_1561, %dma_wait3A_1562, %dma_wait3A_1563] : memref<4x8x50x64xf32, #tpu.memory_space<vmem>> -> memref<1x1x50x64xf32, #tpu.memory_space<vmem>>
    %dma_wait3A_1565 = tpu.memref_squeeze %dma_wait3A_1564 : memref<1x1x50x64xf32, #tpu.memory_space<vmem>> -> memref<50x64xf32, #tpu.memory_space<vmem>>
    %dma_wait3A_1566 = arith.constant 0 : i32
    %dma_wait3A_1567 = tpu.memref_slice %arg5[%dma_wait3A_1559, %dma_wait3A_1566] : memref<512x50xi32, #tpu.memory_space<vmem>> -> memref<1x50xi32, #tpu.memory_space<vmem>>
    %dma_wait3A_1568 = tpu.memref_squeeze %dma_wait3A_1567 : memref<1x50xi32, #tpu.memory_space<vmem>> -> memref<50xi32, #tpu.memory_space<vmem>>
    %dma_wait3A_1569 = arith.constant 0 : i32
    %dma_wait3A_1570 = arith.constant 0 : i32
    %dma_wait3A_1571 = tpu.memref_slice %arg3[%dma_wait3A_1569, %dma_wait3A_1570] : memref<2000000x64xf32, #tpu.memory_space<hbm>> -> memref<2000000x64xf32, #tpu.memory_space<hbm>>
    tpu.wait_indirect_dma semaphore(%arg8 : memref<!tpu.dma_semaphore, #tpu.memory_space<semaphore_mem>>) src(%dma_wait3A_1571 : memref<2000000x64xf32, #tpu.memory_space<hbm>>) dst(%dma_wait3A_1565 : memref<50x64xf32, #tpu.memory_space<vmem>>)
    %dma_wait3A_1572 = arith.constant 0 : i32
    %dma_wait3A_1573 = arith.constant 1 : i32
    %dma_wait3A_1574 = arith.constant 4 : i32
    %dma_wait3A_1575 = arith.constant 0 : i32
    %dma_wait3A_1576 = arith.constant 0 : i32
    %dma_wait3A_1577 = tpu.memref_slice %arg6[%dma_wait3A_1573, %dma_wait3A_1574, %dma_wait3A_1575, %dma_wait3A_1576] : memref<4x8x50x64xf32, #tpu.memory_space<vmem>> -> memref<1x1x50x64xf32, #tpu.memory_space<vmem>>
    %dma_wait3A_1578 = tpu.memref_squeeze %dma_wait3A_1577 : memref<1x1x50x64xf32, #tpu.memory_space<vmem>> -> memref<50x64xf32, #tpu.memory_space<vmem>>
    %dma_wait3A_1579 = arith.constant 0 : i32
    %dma_wait3A_1580 = tpu.memref_slice %arg5[%dma_wait3A_1572, %dma_wait3A_1579] : memref<512x50xi32, #tpu.memory_space<vmem>> -> memref<1x50xi32, #tpu.memory_space<vmem>>
    %dma_wait3A_1581 = tpu.memref_squeeze %dma_wait3A_1580 : memref<1x50xi32, #tpu.memory_space<vmem>> -> memref<50xi32, #tpu.memory_space<vmem>>
    %dma_wait3A_1582 = arith.constant 0 : i32
    %dma_wait3A_1583 = arith.constant 0 : i32
    %dma_wait3A_1584 = tpu.memref_slice %arg3[%dma_wait3A_1582, %dma_wait3A_1583] : memref<2000000x64xf32, #tpu.memory_space<hbm>> -> memref<2000000x64xf32, #tpu.memory_space<hbm>>
    tpu.wait_indirect_dma semaphore(%arg8 : memref<!tpu.dma_semaphore, #tpu.memory_space<semaphore_mem>>) src(%dma_wait3A_1584 : memref<2000000x64xf32, #tpu.memory_space<hbm>>) dst(%dma_wait3A_1578 : memref<50x64xf32, #tpu.memory_space<vmem>>)
    %dma_wait3A_1585 = arith.constant 0 : i32
    %dma_wait3A_1586 = arith.constant 1 : i32
    %dma_wait3A_1587 = arith.constant 5 : i32
    %dma_wait3A_1588 = arith.constant 0 : i32
    %dma_wait3A_1589 = arith.constant 0 : i32
    %dma_wait3A_1590 = tpu.memref_slice %arg6[%dma_wait3A_1586, %dma_wait3A_1587, %dma_wait3A_1588, %dma_wait3A_1589] : memref<4x8x50x64xf32, #tpu.memory_space<vmem>> -> memref<1x1x50x64xf32, #tpu.memory_space<vmem>>
    %dma_wait3A_1591 = tpu.memref_squeeze %dma_wait3A_1590 : memref<1x1x50x64xf32, #tpu.memory_space<vmem>> -> memref<50x64xf32, #tpu.memory_space<vmem>>
    %dma_wait3A_1592 = arith.constant 0 : i32
    %dma_wait3A_1593 = tpu.memref_slice %arg5[%dma_wait3A_1585, %dma_wait3A_1592] : memref<512x50xi32, #tpu.memory_space<vmem>> -> memref<1x50xi32, #tpu.memory_space<vmem>>
    %dma_wait3A_1594 = tpu.memref_squeeze %dma_wait3A_1593 : memref<1x50xi32, #tpu.memory_space<vmem>> -> memref<50xi32, #tpu.memory_space<vmem>>
    %dma_wait3A_1595 = arith.constant 0 : i32
    %dma_wait3A_1596 = arith.constant 0 : i32
    %dma_wait3A_1597 = tpu.memref_slice %arg3[%dma_wait3A_1595, %dma_wait3A_1596] : memref<2000000x64xf32, #tpu.memory_space<hbm>> -> memref<2000000x64xf32, #tpu.memory_space<hbm>>
    tpu.wait_indirect_dma semaphore(%arg8 : memref<!tpu.dma_semaphore, #tpu.memory_space<semaphore_mem>>) src(%dma_wait3A_1597 : memref<2000000x64xf32, #tpu.memory_space<hbm>>) dst(%dma_wait3A_1591 : memref<50x64xf32, #tpu.memory_space<vmem>>)
    %dma_wait3A_1598 = arith.constant 0 : i32
    %dma_wait3A_1599 = arith.constant 1 : i32
    %dma_wait3A_1600 = arith.constant 6 : i32
    %dma_wait3A_1601 = arith.constant 0 : i32
    %dma_wait3A_1602 = arith.constant 0 : i32
    %dma_wait3A_1603 = tpu.memref_slice %arg6[%dma_wait3A_1599, %dma_wait3A_1600, %dma_wait3A_1601, %dma_wait3A_1602] : memref<4x8x50x64xf32, #tpu.memory_space<vmem>> -> memref<1x1x50x64xf32, #tpu.memory_space<vmem>>
    %dma_wait3A_1604 = tpu.memref_squeeze %dma_wait3A_1603 : memref<1x1x50x64xf32, #tpu.memory_space<vmem>> -> memref<50x64xf32, #tpu.memory_space<vmem>>
    %dma_wait3A_1605 = arith.constant 0 : i32
    %dma_wait3A_1606 = tpu.memref_slice %arg5[%dma_wait3A_1598, %dma_wait3A_1605] : memref<512x50xi32, #tpu.memory_space<vmem>> -> memref<1x50xi32, #tpu.memory_space<vmem>>
    %dma_wait3A_1607 = tpu.memref_squeeze %dma_wait3A_1606 : memref<1x50xi32, #tpu.memory_space<vmem>> -> memref<50xi32, #tpu.memory_space<vmem>>
    %dma_wait3A_1608 = arith.constant 0 : i32
    %dma_wait3A_1609 = arith.constant 0 : i32
    %dma_wait3A_1610 = tpu.memref_slice %arg3[%dma_wait3A_1608, %dma_wait3A_1609] : memref<2000000x64xf32, #tpu.memory_space<hbm>> -> memref<2000000x64xf32, #tpu.memory_space<hbm>>
    tpu.wait_indirect_dma semaphore(%arg8 : memref<!tpu.dma_semaphore, #tpu.memory_space<semaphore_mem>>) src(%dma_wait3A_1610 : memref<2000000x64xf32, #tpu.memory_space<hbm>>) dst(%dma_wait3A_1604 : memref<50x64xf32, #tpu.memory_space<vmem>>)
    %dma_wait3A_1611 = arith.constant 0 : i32
    %dma_wait3A_1612 = arith.constant 1 : i32
    %dma_wait3A_1613 = arith.constant 7 : i32
    %dma_wait3A_1614 = arith.constant 0 : i32
    %dma_wait3A_1615 = arith.constant 0 : i32
    %dma_wait3A_1616 = tpu.memref_slice %arg6[%dma_wait3A_1612, %dma_wait3A_1613, %dma_wait3A_1614, %dma_wait3A_1615] : memref<4x8x50x64xf32, #tpu.memory_space<vmem>> -> memref<1x1x50x64xf32, #tpu.memory_space<vmem>>
    %dma_wait3A_1617 = tpu.memref_squeeze %dma_wait3A_1616 : memref<1x1x50x64xf32, #tpu.memory_space<vmem>> -> memref<50x64xf32, #tpu.memory_space<vmem>>
    %dma_wait3A_1618 = arith.constant 0 : i32
    %dma_wait3A_1619 = tpu.memref_slice %arg5[%dma_wait3A_1611, %dma_wait3A_1618] : memref<512x50xi32, #tpu.memory_space<vmem>> -> memref<1x50xi32, #tpu.memory_space<vmem>>
    %dma_wait3A_1620 = tpu.memref_squeeze %dma_wait3A_1619 : memref<1x50xi32, #tpu.memory_space<vmem>> -> memref<50xi32, #tpu.memory_space<vmem>>
    %dma_wait3A_1621 = arith.constant 0 : i32
    %dma_wait3A_1622 = arith.constant 0 : i32
    %dma_wait3A_1623 = tpu.memref_slice %arg3[%dma_wait3A_1621, %dma_wait3A_1622] : memref<2000000x64xf32, #tpu.memory_space<hbm>> -> memref<2000000x64xf32, #tpu.memory_space<hbm>>
    tpu.wait_indirect_dma semaphore(%arg8 : memref<!tpu.dma_semaphore, #tpu.memory_space<semaphore_mem>>) src(%dma_wait3A_1623 : memref<2000000x64xf32, #tpu.memory_space<hbm>>) dst(%dma_wait3A_1617 : memref<50x64xf32, #tpu.memory_space<vmem>>)
    %add3A_1624 = arith.constant 488 : i32
    %add3A_1625 = arith.addi %mul3A_2, %add3A_1624 : i32
    %dma_start3A_1626 = arith.constant 1 : i32
    %dma_start3A_1627 = arith.constant 0 : i32
    %dma_start3A_1628 = arith.constant 0 : i32
    %dma_start3A_1629 = arith.constant 0 : i32
    %dma_start3A_1630 = tpu.memref_slice %arg6[%dma_start3A_1626, %dma_start3A_1627, %dma_start3A_1628, %dma_start3A_1629] : memref<4x8x50x64xf32, #tpu.memory_space<vmem>> -> memref<1x8x50x64xf32, #tpu.memory_space<vmem>>
    %dma_start3A_1631 = tpu.memref_squeeze %dma_start3A_1630 : memref<1x8x50x64xf32, #tpu.memory_space<vmem>> -> memref<8x50x64xf32, #tpu.memory_space<vmem>>
    %dma_start3A_1632 = arith.constant 0 : i32
    %dma_start3A_1633 = arith.constant 0 : i32
    %dma_start3A_1634 = tpu.memref_slice %arg4[%add3A_1625, %dma_start3A_1632, %dma_start3A_1633] : memref<16384x56x128xf32, #tpu.memory_space<hbm>> -> memref<8x50x64xf32, #tpu.memory_space<hbm>>
    %dma_start3A_1635 = arith.constant 0 : i32
    %dma_start3A_1636 = arith.constant 0 : i32
    %dma_start3A_1637 = tpu.memref_slice %arg4[%add3A_1625, %dma_start3A_1635, %dma_start3A_1636] : memref<16384x56x128xf32, #tpu.memory_space<hbm>> -> memref<8x50x64xf32, #tpu.memory_space<hbm>>
    %dma_start3A_1638 = arith.constant 0 : i32
    %dma_start3A_1639 = arith.constant 0 : i32
    %dma_start3A_1640 = arith.constant 0 : i32
    %dma_start3A_1641 = tpu.memref_slice %arg6[%dma_start3A_1626, %dma_start3A_1638, %dma_start3A_1639, %dma_start3A_1640] : memref<4x8x50x64xf32, #tpu.memory_space<vmem>> -> memref<1x8x50x64xf32, #tpu.memory_space<vmem>>
    %dma_start3A_1642 = tpu.memref_squeeze %dma_start3A_1641 : memref<1x8x50x64xf32, #tpu.memory_space<vmem>> -> memref<8x50x64xf32, #tpu.memory_space<vmem>>
    tpu.enqueue_dma source(%dma_start3A_1642 : memref<8x50x64xf32, #tpu.memory_space<vmem>>) target(%dma_start3A_1637 : memref<8x50x64xf32, #tpu.memory_space<hbm>>) target_semaphore(%arg12 : memref<!tpu.dma_semaphore, #tpu.memory_space<semaphore_mem>>)
    %dma_wait3A_1643 = arith.constant 0 : i32
    %dma_wait3A_1644 = arith.constant 2 : i32
    %dma_wait3A_1645 = arith.constant 0 : i32
    %dma_wait3A_1646 = arith.constant 0 : i32
    %dma_wait3A_1647 = arith.constant 0 : i32
    %dma_wait3A_1648 = tpu.memref_slice %arg6[%dma_wait3A_1644, %dma_wait3A_1645, %dma_wait3A_1646, %dma_wait3A_1647] : memref<4x8x50x64xf32, #tpu.memory_space<vmem>> -> memref<1x1x50x64xf32, #tpu.memory_space<vmem>>
    %dma_wait3A_1649 = tpu.memref_squeeze %dma_wait3A_1648 : memref<1x1x50x64xf32, #tpu.memory_space<vmem>> -> memref<50x64xf32, #tpu.memory_space<vmem>>
    %dma_wait3A_1650 = arith.constant 0 : i32
    %dma_wait3A_1651 = tpu.memref_slice %arg5[%dma_wait3A_1643, %dma_wait3A_1650] : memref<512x50xi32, #tpu.memory_space<vmem>> -> memref<1x50xi32, #tpu.memory_space<vmem>>
    %dma_wait3A_1652 = tpu.memref_squeeze %dma_wait3A_1651 : memref<1x50xi32, #tpu.memory_space<vmem>> -> memref<50xi32, #tpu.memory_space<vmem>>
    %dma_wait3A_1653 = arith.constant 0 : i32
    %dma_wait3A_1654 = arith.constant 0 : i32
    %dma_wait3A_1655 = tpu.memref_slice %arg3[%dma_wait3A_1653, %dma_wait3A_1654] : memref<2000000x64xf32, #tpu.memory_space<hbm>> -> memref<2000000x64xf32, #tpu.memory_space<hbm>>
    tpu.wait_indirect_dma semaphore(%arg9 : memref<!tpu.dma_semaphore, #tpu.memory_space<semaphore_mem>>) src(%dma_wait3A_1655 : memref<2000000x64xf32, #tpu.memory_space<hbm>>) dst(%dma_wait3A_1649 : memref<50x64xf32, #tpu.memory_space<vmem>>)
    %dma_wait3A_1656 = arith.constant 0 : i32
    %dma_wait3A_1657 = arith.constant 2 : i32
    %dma_wait3A_1658 = arith.constant 1 : i32
    %dma_wait3A_1659 = arith.constant 0 : i32
    %dma_wait3A_1660 = arith.constant 0 : i32
    %dma_wait3A_1661 = tpu.memref_slice %arg6[%dma_wait3A_1657, %dma_wait3A_1658, %dma_wait3A_1659, %dma_wait3A_1660] : memref<4x8x50x64xf32, #tpu.memory_space<vmem>> -> memref<1x1x50x64xf32, #tpu.memory_space<vmem>>
    %dma_wait3A_1662 = tpu.memref_squeeze %dma_wait3A_1661 : memref<1x1x50x64xf32, #tpu.memory_space<vmem>> -> memref<50x64xf32, #tpu.memory_space<vmem>>
    %dma_wait3A_1663 = arith.constant 0 : i32
    %dma_wait3A_1664 = tpu.memref_slice %arg5[%dma_wait3A_1656, %dma_wait3A_1663] : memref<512x50xi32, #tpu.memory_space<vmem>> -> memref<1x50xi32, #tpu.memory_space<vmem>>
    %dma_wait3A_1665 = tpu.memref_squeeze %dma_wait3A_1664 : memref<1x50xi32, #tpu.memory_space<vmem>> -> memref<50xi32, #tpu.memory_space<vmem>>
    %dma_wait3A_1666 = arith.constant 0 : i32
    %dma_wait3A_1667 = arith.constant 0 : i32
    %dma_wait3A_1668 = tpu.memref_slice %arg3[%dma_wait3A_1666, %dma_wait3A_1667] : memref<2000000x64xf32, #tpu.memory_space<hbm>> -> memref<2000000x64xf32, #tpu.memory_space<hbm>>
    tpu.wait_indirect_dma semaphore(%arg9 : memref<!tpu.dma_semaphore, #tpu.memory_space<semaphore_mem>>) src(%dma_wait3A_1668 : memref<2000000x64xf32, #tpu.memory_space<hbm>>) dst(%dma_wait3A_1662 : memref<50x64xf32, #tpu.memory_space<vmem>>)
    %dma_wait3A_1669 = arith.constant 0 : i32
    %dma_wait3A_1670 = arith.constant 2 : i32
    %dma_wait3A_1671 = arith.constant 2 : i32
    %dma_wait3A_1672 = arith.constant 0 : i32
    %dma_wait3A_1673 = arith.constant 0 : i32
    %dma_wait3A_1674 = tpu.memref_slice %arg6[%dma_wait3A_1670, %dma_wait3A_1671, %dma_wait3A_1672, %dma_wait3A_1673] : memref<4x8x50x64xf32, #tpu.memory_space<vmem>> -> memref<1x1x50x64xf32, #tpu.memory_space<vmem>>
    %dma_wait3A_1675 = tpu.memref_squeeze %dma_wait3A_1674 : memref<1x1x50x64xf32, #tpu.memory_space<vmem>> -> memref<50x64xf32, #tpu.memory_space<vmem>>
    %dma_wait3A_1676 = arith.constant 0 : i32
    %dma_wait3A_1677 = tpu.memref_slice %arg5[%dma_wait3A_1669, %dma_wait3A_1676] : memref<512x50xi32, #tpu.memory_space<vmem>> -> memref<1x50xi32, #tpu.memory_space<vmem>>
    %dma_wait3A_1678 = tpu.memref_squeeze %dma_wait3A_1677 : memref<1x50xi32, #tpu.memory_space<vmem>> -> memref<50xi32, #tpu.memory_space<vmem>>
    %dma_wait3A_1679 = arith.constant 0 : i32
    %dma_wait3A_1680 = arith.constant 0 : i32
    %dma_wait3A_1681 = tpu.memref_slice %arg3[%dma_wait3A_1679, %dma_wait3A_1680] : memref<2000000x64xf32, #tpu.memory_space<hbm>> -> memref<2000000x64xf32, #tpu.memory_space<hbm>>
    tpu.wait_indirect_dma semaphore(%arg9 : memref<!tpu.dma_semaphore, #tpu.memory_space<semaphore_mem>>) src(%dma_wait3A_1681 : memref<2000000x64xf32, #tpu.memory_space<hbm>>) dst(%dma_wait3A_1675 : memref<50x64xf32, #tpu.memory_space<vmem>>)
    %dma_wait3A_1682 = arith.constant 0 : i32
    %dma_wait3A_1683 = arith.constant 2 : i32
    %dma_wait3A_1684 = arith.constant 3 : i32
    %dma_wait3A_1685 = arith.constant 0 : i32
    %dma_wait3A_1686 = arith.constant 0 : i32
    %dma_wait3A_1687 = tpu.memref_slice %arg6[%dma_wait3A_1683, %dma_wait3A_1684, %dma_wait3A_1685, %dma_wait3A_1686] : memref<4x8x50x64xf32, #tpu.memory_space<vmem>> -> memref<1x1x50x64xf32, #tpu.memory_space<vmem>>
    %dma_wait3A_1688 = tpu.memref_squeeze %dma_wait3A_1687 : memref<1x1x50x64xf32, #tpu.memory_space<vmem>> -> memref<50x64xf32, #tpu.memory_space<vmem>>
    %dma_wait3A_1689 = arith.constant 0 : i32
    %dma_wait3A_1690 = tpu.memref_slice %arg5[%dma_wait3A_1682, %dma_wait3A_1689] : memref<512x50xi32, #tpu.memory_space<vmem>> -> memref<1x50xi32, #tpu.memory_space<vmem>>
    %dma_wait3A_1691 = tpu.memref_squeeze %dma_wait3A_1690 : memref<1x50xi32, #tpu.memory_space<vmem>> -> memref<50xi32, #tpu.memory_space<vmem>>
    %dma_wait3A_1692 = arith.constant 0 : i32
    %dma_wait3A_1693 = arith.constant 0 : i32
    %dma_wait3A_1694 = tpu.memref_slice %arg3[%dma_wait3A_1692, %dma_wait3A_1693] : memref<2000000x64xf32, #tpu.memory_space<hbm>> -> memref<2000000x64xf32, #tpu.memory_space<hbm>>
    tpu.wait_indirect_dma semaphore(%arg9 : memref<!tpu.dma_semaphore, #tpu.memory_space<semaphore_mem>>) src(%dma_wait3A_1694 : memref<2000000x64xf32, #tpu.memory_space<hbm>>) dst(%dma_wait3A_1688 : memref<50x64xf32, #tpu.memory_space<vmem>>)
    %dma_wait3A_1695 = arith.constant 0 : i32
    %dma_wait3A_1696 = arith.constant 2 : i32
    %dma_wait3A_1697 = arith.constant 4 : i32
    %dma_wait3A_1698 = arith.constant 0 : i32
    %dma_wait3A_1699 = arith.constant 0 : i32
    %dma_wait3A_1700 = tpu.memref_slice %arg6[%dma_wait3A_1696, %dma_wait3A_1697, %dma_wait3A_1698, %dma_wait3A_1699] : memref<4x8x50x64xf32, #tpu.memory_space<vmem>> -> memref<1x1x50x64xf32, #tpu.memory_space<vmem>>
    %dma_wait3A_1701 = tpu.memref_squeeze %dma_wait3A_1700 : memref<1x1x50x64xf32, #tpu.memory_space<vmem>> -> memref<50x64xf32, #tpu.memory_space<vmem>>
    %dma_wait3A_1702 = arith.constant 0 : i32
    %dma_wait3A_1703 = tpu.memref_slice %arg5[%dma_wait3A_1695, %dma_wait3A_1702] : memref<512x50xi32, #tpu.memory_space<vmem>> -> memref<1x50xi32, #tpu.memory_space<vmem>>
    %dma_wait3A_1704 = tpu.memref_squeeze %dma_wait3A_1703 : memref<1x50xi32, #tpu.memory_space<vmem>> -> memref<50xi32, #tpu.memory_space<vmem>>
    %dma_wait3A_1705 = arith.constant 0 : i32
    %dma_wait3A_1706 = arith.constant 0 : i32
    %dma_wait3A_1707 = tpu.memref_slice %arg3[%dma_wait3A_1705, %dma_wait3A_1706] : memref<2000000x64xf32, #tpu.memory_space<hbm>> -> memref<2000000x64xf32, #tpu.memory_space<hbm>>
    tpu.wait_indirect_dma semaphore(%arg9 : memref<!tpu.dma_semaphore, #tpu.memory_space<semaphore_mem>>) src(%dma_wait3A_1707 : memref<2000000x64xf32, #tpu.memory_space<hbm>>) dst(%dma_wait3A_1701 : memref<50x64xf32, #tpu.memory_space<vmem>>)
    %dma_wait3A_1708 = arith.constant 0 : i32
    %dma_wait3A_1709 = arith.constant 2 : i32
    %dma_wait3A_1710 = arith.constant 5 : i32
    %dma_wait3A_1711 = arith.constant 0 : i32
    %dma_wait3A_1712 = arith.constant 0 : i32
    %dma_wait3A_1713 = tpu.memref_slice %arg6[%dma_wait3A_1709, %dma_wait3A_1710, %dma_wait3A_1711, %dma_wait3A_1712] : memref<4x8x50x64xf32, #tpu.memory_space<vmem>> -> memref<1x1x50x64xf32, #tpu.memory_space<vmem>>
    %dma_wait3A_1714 = tpu.memref_squeeze %dma_wait3A_1713 : memref<1x1x50x64xf32, #tpu.memory_space<vmem>> -> memref<50x64xf32, #tpu.memory_space<vmem>>
    %dma_wait3A_1715 = arith.constant 0 : i32
    %dma_wait3A_1716 = tpu.memref_slice %arg5[%dma_wait3A_1708, %dma_wait3A_1715] : memref<512x50xi32, #tpu.memory_space<vmem>> -> memref<1x50xi32, #tpu.memory_space<vmem>>
    %dma_wait3A_1717 = tpu.memref_squeeze %dma_wait3A_1716 : memref<1x50xi32, #tpu.memory_space<vmem>> -> memref<50xi32, #tpu.memory_space<vmem>>
    %dma_wait3A_1718 = arith.constant 0 : i32
    %dma_wait3A_1719 = arith.constant 0 : i32
    %dma_wait3A_1720 = tpu.memref_slice %arg3[%dma_wait3A_1718, %dma_wait3A_1719] : memref<2000000x64xf32, #tpu.memory_space<hbm>> -> memref<2000000x64xf32, #tpu.memory_space<hbm>>
    tpu.wait_indirect_dma semaphore(%arg9 : memref<!tpu.dma_semaphore, #tpu.memory_space<semaphore_mem>>) src(%dma_wait3A_1720 : memref<2000000x64xf32, #tpu.memory_space<hbm>>) dst(%dma_wait3A_1714 : memref<50x64xf32, #tpu.memory_space<vmem>>)
    %dma_wait3A_1721 = arith.constant 0 : i32
    %dma_wait3A_1722 = arith.constant 2 : i32
    %dma_wait3A_1723 = arith.constant 6 : i32
    %dma_wait3A_1724 = arith.constant 0 : i32
    %dma_wait3A_1725 = arith.constant 0 : i32
    %dma_wait3A_1726 = tpu.memref_slice %arg6[%dma_wait3A_1722, %dma_wait3A_1723, %dma_wait3A_1724, %dma_wait3A_1725] : memref<4x8x50x64xf32, #tpu.memory_space<vmem>> -> memref<1x1x50x64xf32, #tpu.memory_space<vmem>>
    %dma_wait3A_1727 = tpu.memref_squeeze %dma_wait3A_1726 : memref<1x1x50x64xf32, #tpu.memory_space<vmem>> -> memref<50x64xf32, #tpu.memory_space<vmem>>
    %dma_wait3A_1728 = arith.constant 0 : i32
    %dma_wait3A_1729 = tpu.memref_slice %arg5[%dma_wait3A_1721, %dma_wait3A_1728] : memref<512x50xi32, #tpu.memory_space<vmem>> -> memref<1x50xi32, #tpu.memory_space<vmem>>
    %dma_wait3A_1730 = tpu.memref_squeeze %dma_wait3A_1729 : memref<1x50xi32, #tpu.memory_space<vmem>> -> memref<50xi32, #tpu.memory_space<vmem>>
    %dma_wait3A_1731 = arith.constant 0 : i32
    %dma_wait3A_1732 = arith.constant 0 : i32
    %dma_wait3A_1733 = tpu.memref_slice %arg3[%dma_wait3A_1731, %dma_wait3A_1732] : memref<2000000x64xf32, #tpu.memory_space<hbm>> -> memref<2000000x64xf32, #tpu.memory_space<hbm>>
    tpu.wait_indirect_dma semaphore(%arg9 : memref<!tpu.dma_semaphore, #tpu.memory_space<semaphore_mem>>) src(%dma_wait3A_1733 : memref<2000000x64xf32, #tpu.memory_space<hbm>>) dst(%dma_wait3A_1727 : memref<50x64xf32, #tpu.memory_space<vmem>>)
    %dma_wait3A_1734 = arith.constant 0 : i32
    %dma_wait3A_1735 = arith.constant 2 : i32
    %dma_wait3A_1736 = arith.constant 7 : i32
    %dma_wait3A_1737 = arith.constant 0 : i32
    %dma_wait3A_1738 = arith.constant 0 : i32
    %dma_wait3A_1739 = tpu.memref_slice %arg6[%dma_wait3A_1735, %dma_wait3A_1736, %dma_wait3A_1737, %dma_wait3A_1738] : memref<4x8x50x64xf32, #tpu.memory_space<vmem>> -> memref<1x1x50x64xf32, #tpu.memory_space<vmem>>
    %dma_wait3A_1740 = tpu.memref_squeeze %dma_wait3A_1739 : memref<1x1x50x64xf32, #tpu.memory_space<vmem>> -> memref<50x64xf32, #tpu.memory_space<vmem>>
    %dma_wait3A_1741 = arith.constant 0 : i32
    %dma_wait3A_1742 = tpu.memref_slice %arg5[%dma_wait3A_1734, %dma_wait3A_1741] : memref<512x50xi32, #tpu.memory_space<vmem>> -> memref<1x50xi32, #tpu.memory_space<vmem>>
    %dma_wait3A_1743 = tpu.memref_squeeze %dma_wait3A_1742 : memref<1x50xi32, #tpu.memory_space<vmem>> -> memref<50xi32, #tpu.memory_space<vmem>>
    %dma_wait3A_1744 = arith.constant 0 : i32
    %dma_wait3A_1745 = arith.constant 0 : i32
    %dma_wait3A_1746 = tpu.memref_slice %arg3[%dma_wait3A_1744, %dma_wait3A_1745] : memref<2000000x64xf32, #tpu.memory_space<hbm>> -> memref<2000000x64xf32, #tpu.memory_space<hbm>>
    tpu.wait_indirect_dma semaphore(%arg9 : memref<!tpu.dma_semaphore, #tpu.memory_space<semaphore_mem>>) src(%dma_wait3A_1746 : memref<2000000x64xf32, #tpu.memory_space<hbm>>) dst(%dma_wait3A_1740 : memref<50x64xf32, #tpu.memory_space<vmem>>)
    %add3A_1747 = arith.constant 496 : i32
    %add3A_1748 = arith.addi %mul3A_2, %add3A_1747 : i32
    %dma_start3A_1749 = arith.constant 2 : i32
    %dma_start3A_1750 = arith.constant 0 : i32
    %dma_start3A_1751 = arith.constant 0 : i32
    %dma_start3A_1752 = arith.constant 0 : i32
    %dma_start3A_1753 = tpu.memref_slice %arg6[%dma_start3A_1749, %dma_start3A_1750, %dma_start3A_1751, %dma_start3A_1752] : memref<4x8x50x64xf32, #tpu.memory_space<vmem>> -> memref<1x8x50x64xf32, #tpu.memory_space<vmem>>
    %dma_start3A_1754 = tpu.memref_squeeze %dma_start3A_1753 : memref<1x8x50x64xf32, #tpu.memory_space<vmem>> -> memref<8x50x64xf32, #tpu.memory_space<vmem>>
    %dma_start3A_1755 = arith.constant 0 : i32
    %dma_start3A_1756 = arith.constant 0 : i32
    %dma_start3A_1757 = tpu.memref_slice %arg4[%add3A_1748, %dma_start3A_1755, %dma_start3A_1756] : memref<16384x56x128xf32, #tpu.memory_space<hbm>> -> memref<8x50x64xf32, #tpu.memory_space<hbm>>
    %dma_start3A_1758 = arith.constant 0 : i32
    %dma_start3A_1759 = arith.constant 0 : i32
    %dma_start3A_1760 = tpu.memref_slice %arg4[%add3A_1748, %dma_start3A_1758, %dma_start3A_1759] : memref<16384x56x128xf32, #tpu.memory_space<hbm>> -> memref<8x50x64xf32, #tpu.memory_space<hbm>>
    %dma_start3A_1761 = arith.constant 0 : i32
    %dma_start3A_1762 = arith.constant 0 : i32
    %dma_start3A_1763 = arith.constant 0 : i32
    %dma_start3A_1764 = tpu.memref_slice %arg6[%dma_start3A_1749, %dma_start3A_1761, %dma_start3A_1762, %dma_start3A_1763] : memref<4x8x50x64xf32, #tpu.memory_space<vmem>> -> memref<1x8x50x64xf32, #tpu.memory_space<vmem>>
    %dma_start3A_1765 = tpu.memref_squeeze %dma_start3A_1764 : memref<1x8x50x64xf32, #tpu.memory_space<vmem>> -> memref<8x50x64xf32, #tpu.memory_space<vmem>>
    tpu.enqueue_dma source(%dma_start3A_1765 : memref<8x50x64xf32, #tpu.memory_space<vmem>>) target(%dma_start3A_1760 : memref<8x50x64xf32, #tpu.memory_space<hbm>>) target_semaphore(%arg13 : memref<!tpu.dma_semaphore, #tpu.memory_space<semaphore_mem>>)
    %dma_wait3A_1766 = arith.constant 0 : i32
    %dma_wait3A_1767 = arith.constant 3 : i32
    %dma_wait3A_1768 = arith.constant 0 : i32
    %dma_wait3A_1769 = arith.constant 0 : i32
    %dma_wait3A_1770 = arith.constant 0 : i32
    %dma_wait3A_1771 = tpu.memref_slice %arg6[%dma_wait3A_1767, %dma_wait3A_1768, %dma_wait3A_1769, %dma_wait3A_1770] : memref<4x8x50x64xf32, #tpu.memory_space<vmem>> -> memref<1x1x50x64xf32, #tpu.memory_space<vmem>>
    %dma_wait3A_1772 = tpu.memref_squeeze %dma_wait3A_1771 : memref<1x1x50x64xf32, #tpu.memory_space<vmem>> -> memref<50x64xf32, #tpu.memory_space<vmem>>
    %dma_wait3A_1773 = arith.constant 0 : i32
    %dma_wait3A_1774 = tpu.memref_slice %arg5[%dma_wait3A_1766, %dma_wait3A_1773] : memref<512x50xi32, #tpu.memory_space<vmem>> -> memref<1x50xi32, #tpu.memory_space<vmem>>
    %dma_wait3A_1775 = tpu.memref_squeeze %dma_wait3A_1774 : memref<1x50xi32, #tpu.memory_space<vmem>> -> memref<50xi32, #tpu.memory_space<vmem>>
    %dma_wait3A_1776 = arith.constant 0 : i32
    %dma_wait3A_1777 = arith.constant 0 : i32
    %dma_wait3A_1778 = tpu.memref_slice %arg3[%dma_wait3A_1776, %dma_wait3A_1777] : memref<2000000x64xf32, #tpu.memory_space<hbm>> -> memref<2000000x64xf32, #tpu.memory_space<hbm>>
    tpu.wait_indirect_dma semaphore(%arg10 : memref<!tpu.dma_semaphore, #tpu.memory_space<semaphore_mem>>) src(%dma_wait3A_1778 : memref<2000000x64xf32, #tpu.memory_space<hbm>>) dst(%dma_wait3A_1772 : memref<50x64xf32, #tpu.memory_space<vmem>>)
    %dma_wait3A_1779 = arith.constant 0 : i32
    %dma_wait3A_1780 = arith.constant 3 : i32
    %dma_wait3A_1781 = arith.constant 1 : i32
    %dma_wait3A_1782 = arith.constant 0 : i32
    %dma_wait3A_1783 = arith.constant 0 : i32
    %dma_wait3A_1784 = tpu.memref_slice %arg6[%dma_wait3A_1780, %dma_wait3A_1781, %dma_wait3A_1782, %dma_wait3A_1783] : memref<4x8x50x64xf32, #tpu.memory_space<vmem>> -> memref<1x1x50x64xf32, #tpu.memory_space<vmem>>
    %dma_wait3A_1785 = tpu.memref_squeeze %dma_wait3A_1784 : memref<1x1x50x64xf32, #tpu.memory_space<vmem>> -> memref<50x64xf32, #tpu.memory_space<vmem>>
    %dma_wait3A_1786 = arith.constant 0 : i32
    %dma_wait3A_1787 = tpu.memref_slice %arg5[%dma_wait3A_1779, %dma_wait3A_1786] : memref<512x50xi32, #tpu.memory_space<vmem>> -> memref<1x50xi32, #tpu.memory_space<vmem>>
    %dma_wait3A_1788 = tpu.memref_squeeze %dma_wait3A_1787 : memref<1x50xi32, #tpu.memory_space<vmem>> -> memref<50xi32, #tpu.memory_space<vmem>>
    %dma_wait3A_1789 = arith.constant 0 : i32
    %dma_wait3A_1790 = arith.constant 0 : i32
    %dma_wait3A_1791 = tpu.memref_slice %arg3[%dma_wait3A_1789, %dma_wait3A_1790] : memref<2000000x64xf32, #tpu.memory_space<hbm>> -> memref<2000000x64xf32, #tpu.memory_space<hbm>>
    tpu.wait_indirect_dma semaphore(%arg10 : memref<!tpu.dma_semaphore, #tpu.memory_space<semaphore_mem>>) src(%dma_wait3A_1791 : memref<2000000x64xf32, #tpu.memory_space<hbm>>) dst(%dma_wait3A_1785 : memref<50x64xf32, #tpu.memory_space<vmem>>)
    %dma_wait3A_1792 = arith.constant 0 : i32
    %dma_wait3A_1793 = arith.constant 3 : i32
    %dma_wait3A_1794 = arith.constant 2 : i32
    %dma_wait3A_1795 = arith.constant 0 : i32
    %dma_wait3A_1796 = arith.constant 0 : i32
    %dma_wait3A_1797 = tpu.memref_slice %arg6[%dma_wait3A_1793, %dma_wait3A_1794, %dma_wait3A_1795, %dma_wait3A_1796] : memref<4x8x50x64xf32, #tpu.memory_space<vmem>> -> memref<1x1x50x64xf32, #tpu.memory_space<vmem>>
    %dma_wait3A_1798 = tpu.memref_squeeze %dma_wait3A_1797 : memref<1x1x50x64xf32, #tpu.memory_space<vmem>> -> memref<50x64xf32, #tpu.memory_space<vmem>>
    %dma_wait3A_1799 = arith.constant 0 : i32
    %dma_wait3A_1800 = tpu.memref_slice %arg5[%dma_wait3A_1792, %dma_wait3A_1799] : memref<512x50xi32, #tpu.memory_space<vmem>> -> memref<1x50xi32, #tpu.memory_space<vmem>>
    %dma_wait3A_1801 = tpu.memref_squeeze %dma_wait3A_1800 : memref<1x50xi32, #tpu.memory_space<vmem>> -> memref<50xi32, #tpu.memory_space<vmem>>
    %dma_wait3A_1802 = arith.constant 0 : i32
    %dma_wait3A_1803 = arith.constant 0 : i32
    %dma_wait3A_1804 = tpu.memref_slice %arg3[%dma_wait3A_1802, %dma_wait3A_1803] : memref<2000000x64xf32, #tpu.memory_space<hbm>> -> memref<2000000x64xf32, #tpu.memory_space<hbm>>
    tpu.wait_indirect_dma semaphore(%arg10 : memref<!tpu.dma_semaphore, #tpu.memory_space<semaphore_mem>>) src(%dma_wait3A_1804 : memref<2000000x64xf32, #tpu.memory_space<hbm>>) dst(%dma_wait3A_1798 : memref<50x64xf32, #tpu.memory_space<vmem>>)
    %dma_wait3A_1805 = arith.constant 0 : i32
    %dma_wait3A_1806 = arith.constant 3 : i32
    %dma_wait3A_1807 = arith.constant 3 : i32
    %dma_wait3A_1808 = arith.constant 0 : i32
    %dma_wait3A_1809 = arith.constant 0 : i32
    %dma_wait3A_1810 = tpu.memref_slice %arg6[%dma_wait3A_1806, %dma_wait3A_1807, %dma_wait3A_1808, %dma_wait3A_1809] : memref<4x8x50x64xf32, #tpu.memory_space<vmem>> -> memref<1x1x50x64xf32, #tpu.memory_space<vmem>>
    %dma_wait3A_1811 = tpu.memref_squeeze %dma_wait3A_1810 : memref<1x1x50x64xf32, #tpu.memory_space<vmem>> -> memref<50x64xf32, #tpu.memory_space<vmem>>
    %dma_wait3A_1812 = arith.constant 0 : i32
    %dma_wait3A_1813 = tpu.memref_slice %arg5[%dma_wait3A_1805, %dma_wait3A_1812] : memref<512x50xi32, #tpu.memory_space<vmem>> -> memref<1x50xi32, #tpu.memory_space<vmem>>
    %dma_wait3A_1814 = tpu.memref_squeeze %dma_wait3A_1813 : memref<1x50xi32, #tpu.memory_space<vmem>> -> memref<50xi32, #tpu.memory_space<vmem>>
    %dma_wait3A_1815 = arith.constant 0 : i32
    %dma_wait3A_1816 = arith.constant 0 : i32
    %dma_wait3A_1817 = tpu.memref_slice %arg3[%dma_wait3A_1815, %dma_wait3A_1816] : memref<2000000x64xf32, #tpu.memory_space<hbm>> -> memref<2000000x64xf32, #tpu.memory_space<hbm>>
    tpu.wait_indirect_dma semaphore(%arg10 : memref<!tpu.dma_semaphore, #tpu.memory_space<semaphore_mem>>) src(%dma_wait3A_1817 : memref<2000000x64xf32, #tpu.memory_space<hbm>>) dst(%dma_wait3A_1811 : memref<50x64xf32, #tpu.memory_space<vmem>>)
    %dma_wait3A_1818 = arith.constant 0 : i32
    %dma_wait3A_1819 = arith.constant 3 : i32
    %dma_wait3A_1820 = arith.constant 4 : i32
    %dma_wait3A_1821 = arith.constant 0 : i32
    %dma_wait3A_1822 = arith.constant 0 : i32
    %dma_wait3A_1823 = tpu.memref_slice %arg6[%dma_wait3A_1819, %dma_wait3A_1820, %dma_wait3A_1821, %dma_wait3A_1822] : memref<4x8x50x64xf32, #tpu.memory_space<vmem>> -> memref<1x1x50x64xf32, #tpu.memory_space<vmem>>
    %dma_wait3A_1824 = tpu.memref_squeeze %dma_wait3A_1823 : memref<1x1x50x64xf32, #tpu.memory_space<vmem>> -> memref<50x64xf32, #tpu.memory_space<vmem>>
    %dma_wait3A_1825 = arith.constant 0 : i32
    %dma_wait3A_1826 = tpu.memref_slice %arg5[%dma_wait3A_1818, %dma_wait3A_1825] : memref<512x50xi32, #tpu.memory_space<vmem>> -> memref<1x50xi32, #tpu.memory_space<vmem>>
    %dma_wait3A_1827 = tpu.memref_squeeze %dma_wait3A_1826 : memref<1x50xi32, #tpu.memory_space<vmem>> -> memref<50xi32, #tpu.memory_space<vmem>>
    %dma_wait3A_1828 = arith.constant 0 : i32
    %dma_wait3A_1829 = arith.constant 0 : i32
    %dma_wait3A_1830 = tpu.memref_slice %arg3[%dma_wait3A_1828, %dma_wait3A_1829] : memref<2000000x64xf32, #tpu.memory_space<hbm>> -> memref<2000000x64xf32, #tpu.memory_space<hbm>>
    tpu.wait_indirect_dma semaphore(%arg10 : memref<!tpu.dma_semaphore, #tpu.memory_space<semaphore_mem>>) src(%dma_wait3A_1830 : memref<2000000x64xf32, #tpu.memory_space<hbm>>) dst(%dma_wait3A_1824 : memref<50x64xf32, #tpu.memory_space<vmem>>)
    %dma_wait3A_1831 = arith.constant 0 : i32
    %dma_wait3A_1832 = arith.constant 3 : i32
    %dma_wait3A_1833 = arith.constant 5 : i32
    %dma_wait3A_1834 = arith.constant 0 : i32
    %dma_wait3A_1835 = arith.constant 0 : i32
    %dma_wait3A_1836 = tpu.memref_slice %arg6[%dma_wait3A_1832, %dma_wait3A_1833, %dma_wait3A_1834, %dma_wait3A_1835] : memref<4x8x50x64xf32, #tpu.memory_space<vmem>> -> memref<1x1x50x64xf32, #tpu.memory_space<vmem>>
    %dma_wait3A_1837 = tpu.memref_squeeze %dma_wait3A_1836 : memref<1x1x50x64xf32, #tpu.memory_space<vmem>> -> memref<50x64xf32, #tpu.memory_space<vmem>>
    %dma_wait3A_1838 = arith.constant 0 : i32
    %dma_wait3A_1839 = tpu.memref_slice %arg5[%dma_wait3A_1831, %dma_wait3A_1838] : memref<512x50xi32, #tpu.memory_space<vmem>> -> memref<1x50xi32, #tpu.memory_space<vmem>>
    %dma_wait3A_1840 = tpu.memref_squeeze %dma_wait3A_1839 : memref<1x50xi32, #tpu.memory_space<vmem>> -> memref<50xi32, #tpu.memory_space<vmem>>
    %dma_wait3A_1841 = arith.constant 0 : i32
    %dma_wait3A_1842 = arith.constant 0 : i32
    %dma_wait3A_1843 = tpu.memref_slice %arg3[%dma_wait3A_1841, %dma_wait3A_1842] : memref<2000000x64xf32, #tpu.memory_space<hbm>> -> memref<2000000x64xf32, #tpu.memory_space<hbm>>
    tpu.wait_indirect_dma semaphore(%arg10 : memref<!tpu.dma_semaphore, #tpu.memory_space<semaphore_mem>>) src(%dma_wait3A_1843 : memref<2000000x64xf32, #tpu.memory_space<hbm>>) dst(%dma_wait3A_1837 : memref<50x64xf32, #tpu.memory_space<vmem>>)
    %dma_wait3A_1844 = arith.constant 0 : i32
    %dma_wait3A_1845 = arith.constant 3 : i32
    %dma_wait3A_1846 = arith.constant 6 : i32
    %dma_wait3A_1847 = arith.constant 0 : i32
    %dma_wait3A_1848 = arith.constant 0 : i32
    %dma_wait3A_1849 = tpu.memref_slice %arg6[%dma_wait3A_1845, %dma_wait3A_1846, %dma_wait3A_1847, %dma_wait3A_1848] : memref<4x8x50x64xf32, #tpu.memory_space<vmem>> -> memref<1x1x50x64xf32, #tpu.memory_space<vmem>>
    %dma_wait3A_1850 = tpu.memref_squeeze %dma_wait3A_1849 : memref<1x1x50x64xf32, #tpu.memory_space<vmem>> -> memref<50x64xf32, #tpu.memory_space<vmem>>
    %dma_wait3A_1851 = arith.constant 0 : i32
    %dma_wait3A_1852 = tpu.memref_slice %arg5[%dma_wait3A_1844, %dma_wait3A_1851] : memref<512x50xi32, #tpu.memory_space<vmem>> -> memref<1x50xi32, #tpu.memory_space<vmem>>
    %dma_wait3A_1853 = tpu.memref_squeeze %dma_wait3A_1852 : memref<1x50xi32, #tpu.memory_space<vmem>> -> memref<50xi32, #tpu.memory_space<vmem>>
    %dma_wait3A_1854 = arith.constant 0 : i32
    %dma_wait3A_1855 = arith.constant 0 : i32
    %dma_wait3A_1856 = tpu.memref_slice %arg3[%dma_wait3A_1854, %dma_wait3A_1855] : memref<2000000x64xf32, #tpu.memory_space<hbm>> -> memref<2000000x64xf32, #tpu.memory_space<hbm>>
    tpu.wait_indirect_dma semaphore(%arg10 : memref<!tpu.dma_semaphore, #tpu.memory_space<semaphore_mem>>) src(%dma_wait3A_1856 : memref<2000000x64xf32, #tpu.memory_space<hbm>>) dst(%dma_wait3A_1850 : memref<50x64xf32, #tpu.memory_space<vmem>>)
    %dma_wait3A_1857 = arith.constant 0 : i32
    %dma_wait3A_1858 = arith.constant 3 : i32
    %dma_wait3A_1859 = arith.constant 7 : i32
    %dma_wait3A_1860 = arith.constant 0 : i32
    %dma_wait3A_1861 = arith.constant 0 : i32
    %dma_wait3A_1862 = tpu.memref_slice %arg6[%dma_wait3A_1858, %dma_wait3A_1859, %dma_wait3A_1860, %dma_wait3A_1861] : memref<4x8x50x64xf32, #tpu.memory_space<vmem>> -> memref<1x1x50x64xf32, #tpu.memory_space<vmem>>
    %dma_wait3A_1863 = tpu.memref_squeeze %dma_wait3A_1862 : memref<1x1x50x64xf32, #tpu.memory_space<vmem>> -> memref<50x64xf32, #tpu.memory_space<vmem>>
    %dma_wait3A_1864 = arith.constant 0 : i32
    %dma_wait3A_1865 = tpu.memref_slice %arg5[%dma_wait3A_1857, %dma_wait3A_1864] : memref<512x50xi32, #tpu.memory_space<vmem>> -> memref<1x50xi32, #tpu.memory_space<vmem>>
    %dma_wait3A_1866 = tpu.memref_squeeze %dma_wait3A_1865 : memref<1x50xi32, #tpu.memory_space<vmem>> -> memref<50xi32, #tpu.memory_space<vmem>>
    %dma_wait3A_1867 = arith.constant 0 : i32
    %dma_wait3A_1868 = arith.constant 0 : i32
    %dma_wait3A_1869 = tpu.memref_slice %arg3[%dma_wait3A_1867, %dma_wait3A_1868] : memref<2000000x64xf32, #tpu.memory_space<hbm>> -> memref<2000000x64xf32, #tpu.memory_space<hbm>>
    tpu.wait_indirect_dma semaphore(%arg10 : memref<!tpu.dma_semaphore, #tpu.memory_space<semaphore_mem>>) src(%dma_wait3A_1869 : memref<2000000x64xf32, #tpu.memory_space<hbm>>) dst(%dma_wait3A_1863 : memref<50x64xf32, #tpu.memory_space<vmem>>)
    %add3A_1870 = arith.constant 504 : i32
    %add3A_1871 = arith.addi %mul3A_2, %add3A_1870 : i32
    %dma_start3A_1872 = arith.constant 3 : i32
    %dma_start3A_1873 = arith.constant 0 : i32
    %dma_start3A_1874 = arith.constant 0 : i32
    %dma_start3A_1875 = arith.constant 0 : i32
    %dma_start3A_1876 = tpu.memref_slice %arg6[%dma_start3A_1872, %dma_start3A_1873, %dma_start3A_1874, %dma_start3A_1875] : memref<4x8x50x64xf32, #tpu.memory_space<vmem>> -> memref<1x8x50x64xf32, #tpu.memory_space<vmem>>
    %dma_start3A_1877 = tpu.memref_squeeze %dma_start3A_1876 : memref<1x8x50x64xf32, #tpu.memory_space<vmem>> -> memref<8x50x64xf32, #tpu.memory_space<vmem>>
    %dma_start3A_1878 = arith.constant 0 : i32
    %dma_start3A_1879 = arith.constant 0 : i32
    %dma_start3A_1880 = tpu.memref_slice %arg4[%add3A_1871, %dma_start3A_1878, %dma_start3A_1879] : memref<16384x56x128xf32, #tpu.memory_space<hbm>> -> memref<8x50x64xf32, #tpu.memory_space<hbm>>
    %dma_start3A_1881 = arith.constant 0 : i32
    %dma_start3A_1882 = arith.constant 0 : i32
    %dma_start3A_1883 = tpu.memref_slice %arg4[%add3A_1871, %dma_start3A_1881, %dma_start3A_1882] : memref<16384x56x128xf32, #tpu.memory_space<hbm>> -> memref<8x50x64xf32, #tpu.memory_space<hbm>>
    %dma_start3A_1884 = arith.constant 0 : i32
    %dma_start3A_1885 = arith.constant 0 : i32
    %dma_start3A_1886 = arith.constant 0 : i32
    %dma_start3A_1887 = tpu.memref_slice %arg6[%dma_start3A_1872, %dma_start3A_1884, %dma_start3A_1885, %dma_start3A_1886] : memref<4x8x50x64xf32, #tpu.memory_space<vmem>> -> memref<1x8x50x64xf32, #tpu.memory_space<vmem>>
    %dma_start3A_1888 = tpu.memref_squeeze %dma_start3A_1887 : memref<1x8x50x64xf32, #tpu.memory_space<vmem>> -> memref<8x50x64xf32, #tpu.memory_space<vmem>>
    tpu.enqueue_dma source(%dma_start3A_1888 : memref<8x50x64xf32, #tpu.memory_space<vmem>>) target(%dma_start3A_1883 : memref<8x50x64xf32, #tpu.memory_space<hbm>>) target_semaphore(%arg14 : memref<!tpu.dma_semaphore, #tpu.memory_space<semaphore_mem>>)
    %dma_wait3A_1889 = arith.constant 0 : i32
    %dma_wait3A_1890 = arith.constant 0 : i32
    %dma_wait3A_1891 = arith.constant 0 : i32
    %dma_wait3A_1892 = arith.constant 0 : i32
    %dma_wait3A_1893 = tpu.memref_slice %arg6[%dma_wait3A_1889, %dma_wait3A_1890, %dma_wait3A_1891, %dma_wait3A_1892] : memref<4x8x50x64xf32, #tpu.memory_space<vmem>> -> memref<1x8x50x64xf32, #tpu.memory_space<vmem>>
    %dma_wait3A_1894 = tpu.memref_squeeze %dma_wait3A_1893 : memref<1x8x50x64xf32, #tpu.memory_space<vmem>> -> memref<8x50x64xf32, #tpu.memory_space<vmem>>
    %dma_wait3A_1895 = arith.constant 0 : i32
    %dma_wait3A_1896 = arith.constant 0 : i32
    %dma_wait3A_1897 = tpu.memref_slice %arg4[%mul3A_2, %dma_wait3A_1895, %dma_wait3A_1896] : memref<16384x56x128xf32, #tpu.memory_space<hbm>> -> memref<8x50x64xf32, #tpu.memory_space<hbm>>
    %dma_wait3A_1898 = arith.constant 0 : i32
    %dma_wait3A_1899 = arith.constant 0 : i32
    %dma_wait3A_1900 = tpu.memref_slice %arg4[%mul3A_2, %dma_wait3A_1898, %dma_wait3A_1899] : memref<16384x56x128xf32, #tpu.memory_space<hbm>> -> memref<8x50x64xf32, #tpu.memory_space<hbm>>
    %dma_wait3A_1901 = arith.constant 0 : i32
    %dma_wait3A_1902 = arith.constant 0 : i32
    %dma_wait3A_1903 = arith.constant 0 : i32
    %dma_wait3A_1904 = tpu.memref_slice %arg6[%dma_wait3A_1889, %dma_wait3A_1901, %dma_wait3A_1902, %dma_wait3A_1903] : memref<4x8x50x64xf32, #tpu.memory_space<vmem>> -> memref<1x8x50x64xf32, #tpu.memory_space<vmem>>
    %dma_wait3A_1905 = tpu.memref_squeeze %dma_wait3A_1904 : memref<1x8x50x64xf32, #tpu.memory_space<vmem>> -> memref<8x50x64xf32, #tpu.memory_space<vmem>>
    tpu.wait_dma2 semaphore(%arg11 : memref<!tpu.dma_semaphore, #tpu.memory_space<semaphore_mem>>) src(%dma_wait3A_1905 : memref<8x50x64xf32, #tpu.memory_space<vmem>>) dst(%dma_wait3A_1900 : memref<8x50x64xf32, #tpu.memory_space<hbm>>)
    %dma_wait3A_1906 = arith.constant 1 : i32
    %dma_wait3A_1907 = arith.constant 0 : i32
    %dma_wait3A_1908 = arith.constant 0 : i32
    %dma_wait3A_1909 = arith.constant 0 : i32
    %dma_wait3A_1910 = tpu.memref_slice %arg6[%dma_wait3A_1906, %dma_wait3A_1907, %dma_wait3A_1908, %dma_wait3A_1909] : memref<4x8x50x64xf32, #tpu.memory_space<vmem>> -> memref<1x8x50x64xf32, #tpu.memory_space<vmem>>
    %dma_wait3A_1911 = tpu.memref_squeeze %dma_wait3A_1910 : memref<1x8x50x64xf32, #tpu.memory_space<vmem>> -> memref<8x50x64xf32, #tpu.memory_space<vmem>>
    %dma_wait3A_1912 = arith.constant 0 : i32
    %dma_wait3A_1913 = arith.constant 0 : i32
    %dma_wait3A_1914 = tpu.memref_slice %arg4[%mul3A_2, %dma_wait3A_1912, %dma_wait3A_1913] : memref<16384x56x128xf32, #tpu.memory_space<hbm>> -> memref<8x50x64xf32, #tpu.memory_space<hbm>>
    %dma_wait3A_1915 = arith.constant 0 : i32
    %dma_wait3A_1916 = arith.constant 0 : i32
    %dma_wait3A_1917 = tpu.memref_slice %arg4[%mul3A_2, %dma_wait3A_1915, %dma_wait3A_1916] : memref<16384x56x128xf32, #tpu.memory_space<hbm>> -> memref<8x50x64xf32, #tpu.memory_space<hbm>>
    %dma_wait3A_1918 = arith.constant 0 : i32
    %dma_wait3A_1919 = arith.constant 0 : i32
    %dma_wait3A_1920 = arith.constant 0 : i32
    %dma_wait3A_1921 = tpu.memref_slice %arg6[%dma_wait3A_1906, %dma_wait3A_1918, %dma_wait3A_1919, %dma_wait3A_1920] : memref<4x8x50x64xf32, #tpu.memory_space<vmem>> -> memref<1x8x50x64xf32, #tpu.memory_space<vmem>>
    %dma_wait3A_1922 = tpu.memref_squeeze %dma_wait3A_1921 : memref<1x8x50x64xf32, #tpu.memory_space<vmem>> -> memref<8x50x64xf32, #tpu.memory_space<vmem>>
    tpu.wait_dma2 semaphore(%arg12 : memref<!tpu.dma_semaphore, #tpu.memory_space<semaphore_mem>>) src(%dma_wait3A_1922 : memref<8x50x64xf32, #tpu.memory_space<vmem>>) dst(%dma_wait3A_1917 : memref<8x50x64xf32, #tpu.memory_space<hbm>>)
    %dma_wait3A_1923 = arith.constant 2 : i32
    %dma_wait3A_1924 = arith.constant 0 : i32
    %dma_wait3A_1925 = arith.constant 0 : i32
    %dma_wait3A_1926 = arith.constant 0 : i32
    %dma_wait3A_1927 = tpu.memref_slice %arg6[%dma_wait3A_1923, %dma_wait3A_1924, %dma_wait3A_1925, %dma_wait3A_1926] : memref<4x8x50x64xf32, #tpu.memory_space<vmem>> -> memref<1x8x50x64xf32, #tpu.memory_space<vmem>>
    %dma_wait3A_1928 = tpu.memref_squeeze %dma_wait3A_1927 : memref<1x8x50x64xf32, #tpu.memory_space<vmem>> -> memref<8x50x64xf32, #tpu.memory_space<vmem>>
    %dma_wait3A_1929 = arith.constant 0 : i32
    %dma_wait3A_1930 = arith.constant 0 : i32
    %dma_wait3A_1931 = tpu.memref_slice %arg4[%mul3A_2, %dma_wait3A_1929, %dma_wait3A_1930] : memref<16384x56x128xf32, #tpu.memory_space<hbm>> -> memref<8x50x64xf32, #tpu.memory_space<hbm>>
    %dma_wait3A_1932 = arith.constant 0 : i32
    %dma_wait3A_1933 = arith.constant 0 : i32
    %dma_wait3A_1934 = tpu.memref_slice %arg4[%mul3A_2, %dma_wait3A_1932, %dma_wait3A_1933] : memref<16384x56x128xf32, #tpu.memory_space<hbm>> -> memref<8x50x64xf32, #tpu.memory_space<hbm>>
    %dma_wait3A_1935 = arith.constant 0 : i32
    %dma_wait3A_1936 = arith.constant 0 : i32
    %dma_wait3A_1937 = arith.constant 0 : i32
    %dma_wait3A_1938 = tpu.memref_slice %arg6[%dma_wait3A_1923, %dma_wait3A_1935, %dma_wait3A_1936, %dma_wait3A_1937] : memref<4x8x50x64xf32, #tpu.memory_space<vmem>> -> memref<1x8x50x64xf32, #tpu.memory_space<vmem>>
    %dma_wait3A_1939 = tpu.memref_squeeze %dma_wait3A_1938 : memref<1x8x50x64xf32, #tpu.memory_space<vmem>> -> memref<8x50x64xf32, #tpu.memory_space<vmem>>
    tpu.wait_dma2 semaphore(%arg13 : memref<!tpu.dma_semaphore, #tpu.memory_space<semaphore_mem>>) src(%dma_wait3A_1939 : memref<8x50x64xf32, #tpu.memory_space<vmem>>) dst(%dma_wait3A_1934 : memref<8x50x64xf32, #tpu.memory_space<hbm>>)
    %dma_wait3A_1940 = arith.constant 3 : i32
    %dma_wait3A_1941 = arith.constant 0 : i32
    %dma_wait3A_1942 = arith.constant 0 : i32
    %dma_wait3A_1943 = arith.constant 0 : i32
    %dma_wait3A_1944 = tpu.memref_slice %arg6[%dma_wait3A_1940, %dma_wait3A_1941, %dma_wait3A_1942, %dma_wait3A_1943] : memref<4x8x50x64xf32, #tpu.memory_space<vmem>> -> memref<1x8x50x64xf32, #tpu.memory_space<vmem>>
    %dma_wait3A_1945 = tpu.memref_squeeze %dma_wait3A_1944 : memref<1x8x50x64xf32, #tpu.memory_space<vmem>> -> memref<8x50x64xf32, #tpu.memory_space<vmem>>
    %dma_wait3A_1946 = arith.constant 0 : i32
    %dma_wait3A_1947 = arith.constant 0 : i32
    %dma_wait3A_1948 = tpu.memref_slice %arg4[%mul3A_2, %dma_wait3A_1946, %dma_wait3A_1947] : memref<16384x56x128xf32, #tpu.memory_space<hbm>> -> memref<8x50x64xf32, #tpu.memory_space<hbm>>
    %dma_wait3A_1949 = arith.constant 0 : i32
    %dma_wait3A_1950 = arith.constant 0 : i32
    %dma_wait3A_1951 = tpu.memref_slice %arg4[%mul3A_2, %dma_wait3A_1949, %dma_wait3A_1950] : memref<16384x56x128xf32, #tpu.memory_space<hbm>> -> memref<8x50x64xf32, #tpu.memory_space<hbm>>
    %dma_wait3A_1952 = arith.constant 0 : i32
    %dma_wait3A_1953 = arith.constant 0 : i32
    %dma_wait3A_1954 = arith.constant 0 : i32
    %dma_wait3A_1955 = tpu.memref_slice %arg6[%dma_wait3A_1940, %dma_wait3A_1952, %dma_wait3A_1953, %dma_wait3A_1954] : memref<4x8x50x64xf32, #tpu.memory_space<vmem>> -> memref<1x8x50x64xf32, #tpu.memory_space<vmem>>
    %dma_wait3A_1956 = tpu.memref_squeeze %dma_wait3A_1955 : memref<1x8x50x64xf32, #tpu.memory_space<vmem>> -> memref<8x50x64xf32, #tpu.memory_space<vmem>>
    tpu.wait_dma2 semaphore(%arg14 : memref<!tpu.dma_semaphore, #tpu.memory_space<semaphore_mem>>) src(%dma_wait3A_1956 : memref<8x50x64xf32, #tpu.memory_space<vmem>>) dst(%dma_wait3A_1951 : memref<8x50x64xf32, #tpu.memory_space<hbm>>)
    return
  }
}

</mosaic_0001>

<sc_bundles>
// kernel: kernel.3.cloned.1.call-start
scs
__scs_entry_jumppad:
0x0: {  	(pc) =	sbr.rel $0x88, $3  }
0x1: {  	(tag) =	ssettag $0x0;
	lr =	simm.s32 $0x1  }
0x2: {  	[smem:$0x3F9F] =	sst lr;
	_ =	strace $0xD0000000  }
0x3: {  	_ = 	snop  }
0x4: {  	_ = 	snop  }
0x5: {  	_ = 	snop  }
0x6: {  	_ = 	snop  }
0x7: {  	_ = 	snop  }
__scs_overlays_trampoline_lowered:
0x8: {  	[smem:$0x3FAE] =	sst s0  }
0x9: {  	[smem:$0x3FAF] =	sst s1  }
0xa: {  	[smem:$0x3FB0] =	sst s2  }
0xb: {  	[smem:$0x3FB1] =	sst s3  }
0xc: {  	[smem:$0x3FB2] =	sst s4  }
0xd: {  	[smem:$0x3FB3] =	sst s5  }
0xe: {  	[smem:$0x3FB4] =	sst s6  }
0xf: {  	[smem:$0x3FB5] =	sst s7  }
0x10: {  	[smem:$0x3FB6] =	sst s8  }
0x11: {  	[smem:$0x3FB7] =	sst s9;
	s0 =	simm.s32 @!p0 $0x0  }
0x12: {  	s1 =	sld [smem:$0x3F9D];
	s0 =	simm.s32 @p0 $0x1  }
0x13: {  	[smem:$0x3FB8] =	sst s0;
	s0 =	simm.s32 @!p1 $0x0  }
0x14: {  	s2 =	sld [smem:$0x3F9C];
	s0 =	simm.s32 @p1 $0x1  }
0x15: {  	[smem:$0x3FB9] =	sst s0;
	s0 =	simm.s32 @!p2 $0x0  }
0x16: {  	s3 =	sld [smem:$0x3FDB];
	s0 =	simm.s32 @p2 $0x1  }
0x17: {  	s4 =	simm.s32 $0x1BF5;
	[smem:$0x3FBB] =	sst s0  }
0x18: {  	s0 =	sld [smem:$0x3F9E];
	_ =	swait.ge [sflag:s4], $0x0  }
0x19: {  	s7 =	sld [smem:$0x3F9F]  }
0x1a: {  	s8 =	sadd.s32 $0xFFFFE003, lr  }
0x1b: {  	s9 =	sadd.s32 $0xFFFFFEF7, lr;
	s5 =	simm.s32 $0xFFFFFFFF;
	p2 =	slt.u32 s8, $0xFFFFF086  }
0x1c: {  	p1 =	slt.u32 s9, $0xF7A;
	s5 =	simm.s32 @!p2 $0x0  }
0x1d: {  	s5 =	simm.s32 @p1 $0x1;
	p0 =	seq.s32 s7, s2  }
0x1e: {  	s7 =	smul.u32 @!p0 $0xF7A, s2;
	p2 =	seq.s32 @!p0 s5, $0x0  }
0x1f: {  	s9 =	smul.u32 $0xF7A, s1;
	s8 =	simm.s32 @!p0 $0x1BF5;
	p2 =	por !p2, p0  }
0x20: {  	[sflag:s8] =	ssyncset.s32 @!p0 $0xFFFFF086;
	s6 =	sadd.s32 @!p0 s3, s7;
	s7 =	simm.s32 @!p0 $0x108  }
0x21: {  	s3 =	sadd.s32 s3, s9;
	s6 =	sadd.s32 @!p0 $0x88, s6;
	s7 =	simm.s32 @p2 $0x1082  }
0x22: {  	[simem:s7], [sflag:s8] =	dma.local @!p0 [hbm:s6], $0xF7A  }
0x23: {  	s9 =	sor.u32 $0xD0000000, s2;
	s6 =	simm.s32 $0x108;
	_ =	swait.ge @!p0 [sflag:s8], $0x0  }
0x24: {  	s3 =	sadd.s32 $0x88, s3;
	s6 =	simm.s32 @!p1 $0x1082;
	[sflag:s4] =	ssyncset.s32 $0xFFFFF086  }
0x25: {  	[simem:s6], [sflag:s4] =	dma.local [hbm:s3], $0xF7A  }
0x26: {  	[smem:$0x3F9F] =	sst s1;
	(tag) =	ssettag s2;
	_ =	strace s9  }
0x27: {  	s1 =	sld [smem:$0x3FAF]  }
0x28: {  	s2 =	sld [smem:$0x3FB0]  }
0x29: {  	s4 =	sld [smem:$0x3FB2]  }
0x2a: {  	p0 =	seq.s32 s5, $0x0;
	s5 =	sld [smem:$0x3FB3]  }
0x2b: {  	s6 =	sld [smem:$0x3FB4]  }
0x2c: {  	s7 =	sld [smem:$0x3FB5]  }
0x2d: {  	s3 =	simm.s32 $0x108;
	s8 =	sld [smem:$0x3FB6]  }
0x2e: {  	s3 =	simm.s32 @!p0 $0x1082;
	s9 =	sld [smem:$0x3FB7]  }
0x2f: {  	lr =	sadd.s32 s0, s3;
	s0 =	sld [smem:$0x3FAE]  }
0x30: {  	s3 =	sld [smem:$0x3FB1]  }
0x31: {  	[smem:$0x3FBA] =	sst s10  }
0x32: {  	s10 =	sld [smem:$0x3FB8];
	_ =	sdelay $0x3  }
0x33: {  	p0 =	seq.s32 s10, $0x1;
	s10 =	sld [smem:$0x3FBA];
	_ =	sdelay $0x3  }
0x34: {  	[smem:$0x3FBA] =	sst s10  }
0x35: {  	s10 =	sld [smem:$0x3FB9];
	_ =	sdelay $0x3  }
0x36: {  	p1 =	seq.s32 s10, $0x1;
	s10 =	sld [smem:$0x3FBA];
	_ =	sdelay $0x3  }
0x37: {  	[smem:$0x3FBA] =	sst s10  }
0x38: {  	s10 =	sld [smem:$0x3FBB]  }
0x39: {  	_ = 	snop;
	(pc) =	sbr.ind lr, $3  }
0x3a: {  	_ = 	snop  }
0x3b: {  	_ = 	snop  }
0x3c: {  	p2 =	seq.s32 s10, $0x1;
	s10 =	sld [smem:$0x3FBA]  }
0x3d: {  	_ =	shalt  }
0x3e: {  	_ =	shalt  }
0x3f: {  	_ =	shalt  }
0x40: {  	_ =	shalt  }
0x41: {  	_ =	shalt  }
0x42: {  	_ =	shalt  }
0x43: {  	_ =	shalt  }
0x44: {  	_ =	shalt  }
0x45: {  	_ =	shalt  }
0x46: {  	_ =	shalt  }
0x47: {  	_ =	shalt  }
0x48: {  	_ =	shalt  }
0x49: {  	_ =	shalt  }
0x4a: {  	_ =	shalt  }
0x4b: {  	_ =	shalt  }
0x4c: {  	_ =	shalt  }
0x4d: {  	_ =	shalt  }
0x4e: {  	_ =	shalt  }
0x4f: {  	_ =	shalt  }
0x50: {  	_ =	shalt  }
0x51: {  	_ =	shalt  }
0x52: {  	_ =	shalt  }
0x53: {  	_ =	shalt  }
0x54: {  	_ =	shalt  }
0x55: {  	_ =	shalt  }
0x56: {  	_ =	shalt  }
0x57: {  	_ =	shalt  }
0x58: {  	_ =	shalt  }
0x59: {  	_ =	shalt  }
0x5a: {  	_ =	shalt  }
0x5b: {  	_ =	shalt  }
0x5c: {  	_ =	shalt  }
0x5d: {  	_ =	shalt  }
0x5e: {  	_ =	shalt  }
0x5f: {  	_ =	shalt  }
0x60: {  	_ =	shalt  }
0x61: {  	_ =	shalt  }
0x62: {  	_ =	shalt  }
0x63: {  	_ =	shalt  }
0x64: {  	_ =	shalt  }
0x65: {  	_ =	shalt  }
0x66: {  	_ =	shalt  }
0x67: {  	_ =	shalt  }
0x68: {  	_ =	shalt  }
0x69: {  	_ =	shalt  }
0x6a: {  	_ =	shalt  }
0x6b: {  	_ =	shalt  }
0x6c: {  	_ =	shalt  }
0x6d: {  	_ =	shalt  }
0x6e: {  	_ =	shalt  }
0x6f: {  	_ =	shalt  }
0x70: {  	_ =	shalt  }
0x71: {  	_ =	shalt  }
0x72: {  	_ =	shalt  }
0x73: {  	_ =	shalt  }
0x74: {  	_ =	shalt  }
0x75: {  	_ =	shalt  }
0x76: {  	_ =	shalt  }
0x77: {  	_ =	shalt  }
0x78: {  	_ =	shalt  }
0x79: {  	_ =	shalt  }
0x7a: {  	_ =	shalt  }
0x7b: {  	_ =	shalt  }
0x7c: {  	_ =	shalt  }
0x7d: {  	_ =	shalt  }
0x7e: {  	_ =	shalt  }
0x7f: {  	_ =	shalt  }
0x80: {  	_ =	shalt  }
0x81: {  	_ =	shalt  }
0x82: {  	_ =	shalt  }
0x83: {  	_ =	shalt  }
0x84: {  	_ =	shalt  }
0x85: {  	_ =	shalt  }
0x86: {  	_ =	shalt  }
0x87: {  	_ =	shalt  }
.Lfunc_end0:
.L_simem_size_0:
called_computation.2_lowered:
.L_overlay_start_0:
0x88: {  	s2 =	sld [smem:$0x3FD9]  }
0x89: {  	s3 =	sld [smem:$0x3FFE];
	_ =	sdelay $0x1  }
0x8a: {  	s1 =	srdreg.scid  }
0x8b: {  	s0 =	sand.u32 $0x1, s1  }
0x8c: {  	s17 =	sshll.u32 s0, $0xA;
	s2 =	sadd.s32 s3, s2  }
0x8d: {  	s2 =	sadd.s32 s2, s17  }
0x8e: {  	[smem:$0x3FC6] =	sst s2  }
0x8f: {  	_ = 	snop  }
0x90: {  	s2 =	sld [smem:$0x3FD0];
	(tm) =	ssettm $0x1  }
0x91: {  	s18 =	sld [smem:$0x3FFB];
	_ =	sdelay $0x3  }
0x92: {  	_ =	strace s18  }
0x93: {  	s3 =	sld [smem:$0x3FFC];
	_ =	sdelay $0x3  }
0x94: {  	_ =	strace s3  }
0x95: {  	s3 =	sld [smem:$0x3FFD];
	_ =	sdelay $0x3  }
0x96: {  	_ =	strace s3  }
0x97: {  	_ =	strace $0x8FFFFFFF  }
0x98: {  	s19 =	sld [smem:$0x3FDB];
	_ =	sdelay $0x1  }
0x99: {  	s4 =	simm.s32 $_scs_section_size  }
0x9a: {  	s5 =	simm.s32 $_size__tile_overlayer_lowered;
	s6 =	simm.s32 $_tile_overlayer_lowered  }
0x9b: {  	s22 =	simm.s32 $0x1BFF;
	s21 =	sshll.u32 s6, $0x1;
	s3 =	sadd.s32 s4, s19  }
0x9c: {  	s7 =	simm.s32 $0x0;
	s20 =	sshll.u32 s5, $0x1;
	s5 =	sadd.s32 s21, s3  }
0x9d: {  	[timem:s7], [sflag:s22] =	dma.local [hbm:s5], s20  }
0x9e: {  	_ =	swait.ge [sflag:s22], s20  }
0x9f: {  	s4 =	ssub.s32 $0x0, s20;
	[sflag:s22] =	ssyncset.done $0x0  }
0xa0: {  	[sflag:s22] =	ssyncadd.s32 s4;
	_ =	sdelay $0x1  }
0xa1: {  	s23 =	simm.s32 $0x1B8B  }
0xa2: {  	_ =	swait.ge [sflag:s23], $0x1  }
0xa3: {  	[sflag:s23] =	ssyncset.done $0x0  }
0xa4: {  	s25 =	simm.s32 $0x1B8E;
	s24 =	sld [smem:$0x3FFE];
	[sflag:s23] =	ssyncadd.s32 $0xFFFFFFFF  }
0xa5: {  	s26 =	simm.s32 $execute0_lowered;
	[smem:$0x3FD2] =	sst s25  }
0xa6: {  	s5 =	sshll.u32 s26, $0x1;
	_ =	strace $0x80000049;
	[dreg:$0x1] =	wrdreg $0xFFFFFFFF  }
0xa7: {  	s28 =	simm.s32 $_size_execute0_lowered;
	s3 =	sadd.s32 s3, s5;
	[dreg:$0x0] =	wrdreg $0x0  }
0xa8: {  	s5 =	sshll.u32 s28, $0x1;
	[dreg:$0x2] =	wrdreg s3  }
0xa9: {  	[dreg:$0x3] =	wrdreg s5  }
0xaa: {  	[dreg:$0x4] =	wrdreg $0xC0  }
0xab: {  	_ =	task [dreg:s7], $0x5FFFF  }
0xac: {  	[dreg:$0x1] =	wrdreg $0xFFFFFFFF  }
0xad: {  	[dreg:$0x0] =	wrdreg $0x60  }
0xae: {  	[dreg:$0x2] =	wrdreg s2  }
0xaf: {  	[dreg:$0x3] =	wrdreg s24  }
0xb0: {  	[dreg:$0x4] =	wrdreg $0x9  }
0xb1: {  	_ =	task.clear_ibuf [dreg:s7], $0x5FFFF;
	_ =	strace $0x90000049  }
0xb2: {  	s29 =	simm.s32 $0x9;
	_ =	strace $0x8000004B  }
0xb3: {  	_ =	swait.ge [sflag:s29], $0x1  }
0xb4: {  	[sflag:s29] =	ssyncadd.s32 $0xFFFFFFFF  }
0xb5: {  	_ =	strace $0x9000004B  }
0xb6: {  	_ =	sfence  }
0xb7: {  	s30 =	sld [smem:$0x0];
	_ =	sdelay $0x2  }
0xb8: {  	s31 =	sshll.u32 s1, $0xD;
	s1 =	sshrl.u32 s1, $0x2  }
0xb9: {  	s3 =	sand.u32 $0x4000, s31;
	s1 =	sadd.s32 s1, s30  }
0xba: {  	s0 =	sor.u32 s3, s0;
	s1 =	sshll.u32 s1, $0x11  }
0xbb: {  	s0 =	sor.u32 s1, s0  }
0xbc: {  	s0 =	sadd.s32 $0x8F2B, s0  }
0xbd: {  	[sflag:s0] =	ssyncadd.remote.s32 $0x1  }
0xbe: {  	_ =	sfence.sel $0xFFFF  }
0xbf: {  	[dreg:$0x0] =	wrdreg $0xFFFFFFFF;
	(pc) =	sbr.abs _section_cstart, $3  }
0xc0: {  	[dreg:$0x1] =	wrdreg $0xFFFFFFFF  }
0xc1: {  	_ =	task.clear_ibuf [dreg:s7], $0x2FFFF;
	_ =	strace $0x9FFFFFFF  }
0xc2: {  	(tm) =	ssettm $0x7FFFFFFF  }
0xc3: {  	_ =	shalt  }
tec
execute0_lowered:
.L_overlay_start_1:
0x0: {  	(tag) =	ssettag $0x1  }
0x1: {  	s0 =	rddreg [dreg:$0x0]  }
0x2: {  	s1 =	rddreg [dreg:$0x1]  }
0x3: {  	s2 =	srdreg.scid;
	s9 =	stileid.u32  }
0x4: {  	s5 =	simm.s32 $0x0;
	s16 =	simm.s32 $0x32;
	s10 =	simm.s32 $0x1  }
0x5: {  	s11 =	simm.s32 $0x40;
	s12 =	simm.s32 $0x80;
	s2 =	sand.u32 $0x1, s2  }
0x6: {  	s3 =	sshll.u32 s9, $0xA;
	s4 =	sshll.u32 s2, $0x9;
	s6 =	ssub.s32 $0x2, s2  }
0x7: {  	[smem:$0x7FF] =	sst s5;
	s4 =	sor.u32 s4, s3;
	s8 =	sshrl.u32 s6, $0x1  }
0x8: {  	_ =	strace $0x8000004A;
	s20 =	smul.u32 $0x7, s4;
	s6 =	ssub.s32 s6, s8  }
0x9: {  	s3 =	sadd.s32 $0xF43200, s1;
	s7 =	smul.u32 $0x380, s4;
	s29 =	smax.u32 s6, $0x1  }
0xa: {  	s1 =	sadd.s32 $0xE00, s1;
	s0 =	sadd.s32 s0, s20;
	[dreg:$0xc] =	wrdreg s29  }
0xb: {  	s4 =	smul.u32 $0x1C00, s4;
	s21 =	sadd.s32 s1, s7;
	[dreg:$0x3] =	wrdreg s0  }
0xc: {  	s30 =	simm.s32 $0x2;
	s22 =	sadd.s32 $0x1C00, s21;
	[dreg:$0x4] =	wrdreg s21  }
0xd: {  	s23 =	sshrl.u32 s4, $0x3;
	s7 =	sadd.s32 $0x3800, s21;
	[dreg:$0x5] =	wrdreg s22  }
0xe: {  	s0 =	sadd.s32 s1, s23;
	s5 =	sadd.s32 $0x5400, s21;
	[dreg:$0x6] =	wrdreg s7  }
0xf: {  	s24 =	smul.u32 $0xE0000, s9;
	[dreg:$0x7] =	wrdreg s5;
	s25 =	sadd.s32 $0x69000, s0  }
0x10: {  	s2 =	smul.u32 $0x70000, s2;
	s26 =	sadd.s32 $0x6AC00, s0;
	[dreg:$0x8] =	wrdreg s25  }
0x11: {  	s1 =	sadd.s32 s24, s1;
	s28 =	sadd.s32 $0x6C800, s0;
	[dreg:$0x9] =	wrdreg s26  }
0x12: {  	s1 =	sadd.s32 s2, s1;
	s0 =	sadd.s32 $0x6E400, s0;
	[dreg:$0xa] =	wrdreg s28  }
0x13: {  	s18 =	simm.s32 $0x3;
	[dreg:$0xb] =	wrdreg s0;
	s31 =	sadd.s32 $0xC400, s1  }
0x14: {  	s26 =	simm.s32 $0x4;
	s0 =	simm.s32 $0x0;
	[dreg:$0xd] =	wrdreg s31  }
.LBB2_1:
0x15: {  	[dreg:$0xe] =	wrdreg s0  }
0x16: {  	s1 =	simm.s32 $0x0;
	s2 =	rddreg [dreg:$0x3];
	s24 =	simm.s32 $0x9  }
0x17: {  	[tilespmem:s1], [sflag:$0x9] =	stream.linear.gather [hbm4b:s2+s1], $0x7000, $0x38;
	v63 =	vld [tilespmem:$0x0]  }
0x18: {  	_ =	swait.ge [sflag:s24], $0x7000  }
0x19: {  	[sflag:s24] =	ssyncset.done $0x0  }
0x1a: {  	s25 =	simm.s32 $0x7000;
	[sflag:s24] =	ssyncadd.s32 $0xFFFF9000  }
0x1b: {  	[tilespmem:s25], [sflag:$0x1] =	stream.indirect.gather [hbm4b:s3+s16], $0x40, s1, s16, $0xb8;
	v63 =	vld [tilespmem:$0x0]  }
0x1c: {  	s28 =	simm.s32 $0x38;
	s31 =	simm.s32 $0x7C80  }
0x1d: {  	[tilespmem:s31], [sflag:$0x1] =	stream.indirect.gather [hbm4b:s3+s16], $0x40, s28, s16, $0xb8;
	v63 =	vld [tilespmem:$0x0]  }
0x1e: {  	s4 =	simm.s32 $0x8900;
	s2 =	simm.s32 $0x70  }
0x1f: {  	[tilespmem:s4], [sflag:$0x1] =	stream.indirect.gather [hbm4b:s3+s16], $0x40, s2, s16, $0xb8;
	v63 =	vld [tilespmem:$0x0]  }
0x20: {  	s5 =	simm.s32 $0xA8;
	s6 =	simm.s32 $0x9580  }
0x21: {  	[tilespmem:s6], [sflag:$0x1] =	stream.indirect.gather [hbm4b:s3+s16], $0x40, s5, s16, $0xb8;
	v63 =	vld [tilespmem:$0x0]  }
0x22: {  	s7 =	simm.s32 $0xE0;
	s8 =	simm.s32 $0xA200  }
0x23: {  	[tilespmem:s8], [sflag:$0x1] =	stream.indirect.gather [hbm4b:s3+s16], $0x40, s7, s16, $0xb8;
	v63 =	vld [tilespmem:$0x0]  }
0x24: {  	s9 =	simm.s32 $0x118;
	s13 =	simm.s32 $0xAE80  }
0x25: {  	[tilespmem:s13], [sflag:$0x1] =	stream.indirect.gather [hbm4b:s3+s16], $0x40, s9, s16, $0xb8;
	v63 =	vld [tilespmem:$0x0]  }
0x26: {  	s14 =	simm.s32 $0x150;
	s15 =	simm.s32 $0xBB00  }
0x27: {  	[tilespmem:s15], [sflag:$0x1] =	stream.indirect.gather [hbm4b:s3+s16], $0x40, s14, s16, $0xb8;
	v63 =	vld [tilespmem:$0x0]  }
0x28: {  	s24 =	simm.s32 $0x188;
	s25 =	simm.s32 $0xC780  }
0x29: {  	[tilespmem:s25], [sflag:$0x1] =	stream.indirect.gather [hbm4b:s3+s16], $0x40, s24, s16, $0xb8;
	v63 =	vld [tilespmem:$0x0]  }
0x2a: {  	s28 =	simm.s32 $0x1C0;
	s31 =	simm.s32 $0xD400  }
0x2b: {  	[tilespmem:s31], [sflag:$0x2] =	stream.indirect.gather [hbm4b:s3+s16], $0x40, s28, s16, $0xb8;
	v63 =	vld [tilespmem:$0x0]  }
0x2c: {  	s2 =	simm.s32 $0x1F8;
	s4 =	simm.s32 $0xE080  }
0x2d: {  	[tilespmem:s4], [sflag:$0x2] =	stream.indirect.gather [hbm4b:s3+s16], $0x40, s2, s16, $0xb8;
	v63 =	vld [tilespmem:$0x0]  }
0x2e: {  	s5 =	simm.s32 $0x230;
	s6 =	simm.s32 $0xED00  }
0x2f: {  	[tilespmem:s6], [sflag:$0x2] =	stream.indirect.gather [hbm4b:s3+s16], $0x40, s5, s16, $0xb8;
	v63 =	vld [tilespmem:$0x0]  }
0x30: {  	s13 =	simm.s32 $0x268;
	s14 =	simm.s32 $0xF980  }
0x31: {  	[tilespmem:s14], [sflag:$0x2] =	stream.indirect.gather [hbm4b:s3+s16], $0x40, s13, s16, $0xb8;
	v63 =	vld [tilespmem:$0x0]  }
0x32: {  	s24 =	simm.s32 $0x2A0;
	s25 =	simm.s32 $0x10600  }
0x33: {  	[tilespmem:s25], [sflag:$0x2] =	stream.indirect.gather [hbm4b:s3+s16], $0x40, s24, s16, $0xb8;
	v63 =	vld [tilespmem:$0x0]  }
0x34: {  	s28 =	simm.s32 $0x2D8;
	s31 =	simm.s32 $0x11280  }
0x35: {  	[tilespmem:s31], [sflag:$0x2] =	stream.indirect.gather [hbm4b:s3+s16], $0x40, s28, s16, $0xb8;
	v63 =	vld [tilespmem:$0x0]  }
0x36: {  	s2 =	simm.s32 $0x310;
	s5 =	simm.s32 $0x11F00  }
0x37: {  	[tilespmem:s5], [sflag:$0x2] =	stream.indirect.gather [hbm4b:s3+s16], $0x40, s2, s16, $0xb8;
	v63 =	vld [tilespmem:$0x0]  }
0x38: {  	s14 =	simm.s32 $0x348;
	s25 =	simm.s32 $0x12B80  }
0x39: {  	[tilespmem:s25], [sflag:$0x2] =	stream.indirect.gather [hbm4b:s3+s16], $0x40, s14, s16, $0xb8;
	v63 =	vld [tilespmem:$0x0]  }
0x3a: {  	s28 =	simm.s32 $0x380;
	s31 =	simm.s32 $0x13800  }
0x3b: {  	[tilespmem:s31], [sflag:$0x3] =	stream.indirect.gather [hbm4b:s3+s16], $0x40, s28, s16, $0xb8;
	v63 =	vld [tilespmem:$0x0]  }
0x3c: {  	s2 =	simm.s32 $0x3B8;
	s5 =	simm.s32 $0x14480  }
0x3d: {  	[tilespmem:s5], [sflag:$0x3] =	stream.indirect.gather [hbm4b:s3+s16], $0x40, s2, s16, $0xb8;
	v63 =	vld [tilespmem:$0x0]  }
0x3e: {  	s14 =	simm.s32 $0x3F0;
	s25 =	simm.s32 $0x15100  }
0x3f: {  	[tilespmem:s25], [sflag:$0x3] =	stream.indirect.gather [hbm4b:s3+s16], $0x40, s14, s16, $0xb8;
	v63 =	vld [tilespmem:$0x0]  }
0x40: {  	s28 =	simm.s32 $0x428;
	s31 =	simm.s32 $0x15D80  }
0x41: {  	[tilespmem:s31], [sflag:$0x3] =	stream.indirect.gather [hbm4b:s3+s16], $0x40, s28, s16, $0xb8;
	v63 =	vld [tilespmem:$0x0]  }
0x42: {  	s2 =	simm.s32 $0x460;
	s5 =	simm.s32 $0x16A00  }
0x43: {  	[tilespmem:s5], [sflag:$0x3] =	stream.indirect.gather [hbm4b:s3+s16], $0x40, s2, s16, $0xb8;
	v63 =	vld [tilespmem:$0x0]  }
0x44: {  	s14 =	simm.s32 $0x498;
	s25 =	simm.s32 $0x17680  }
0x45: {  	[tilespmem:s25], [sflag:$0x3] =	stream.indirect.gather [hbm4b:s3+s16], $0x40, s14, s16, $0xb8;
	v63 =	vld [tilespmem:$0x0]  }
0x46: {  	s28 =	simm.s32 $0x4D0;
	s31 =	simm.s32 $0x18300  }
0x47: {  	[tilespmem:s31], [sflag:$0x3] =	stream.indirect.gather [hbm4b:s3+s16], $0x40, s28, s16, $0xb8;
	v63 =	vld [tilespmem:$0x0]  }
0x48: {  	s1 =	simm.s32 $0x508;
	s2 =	simm.s32 $0x18F80  }
0x49: {  	[tilespmem:s2], [sflag:$0x3] =	stream.indirect.gather [hbm4b:s3+s16], $0x40, s1, s16, $0xb8;
	v63 =	vld [tilespmem:$0x0]  }
0x4a: {  	_ =	swait.ge [sflag:s10], $0xC80  }
0x4b: {  	[sflag:s10] =	ssyncset.done $0x0  }
0x4c: {  	[sflag:s10] =	ssyncadd.s32 $0xFFFFF380  }
0x4d: {  	_ =	swait.ge [sflag:s10], $0xC80  }
0x4e: {  	[sflag:s10] =	ssyncset.done $0x0  }
0x4f: {  	[sflag:s10] =	ssyncadd.s32 $0xFFFFF380  }
0x50: {  	_ =	swait.ge [sflag:s10], $0xC80  }
0x51: {  	[sflag:s10] =	ssyncset.done $0x0  }
0x52: {  	[sflag:s10] =	ssyncadd.s32 $0xFFFFF380  }
0x53: {  	_ =	swait.ge [sflag:s10], $0xC80  }
0x54: {  	[sflag:s10] =	ssyncset.done $0x0  }
0x55: {  	[sflag:s10] =	ssyncadd.s32 $0xFFFFF380  }
0x56: {  	_ =	swait.ge [sflag:s10], $0xC80  }
0x57: {  	[sflag:s10] =	ssyncset.done $0x0  }
0x58: {  	[sflag:s10] =	ssyncadd.s32 $0xFFFFF380  }
0x59: {  	_ =	swait.ge [sflag:s10], $0xC80  }
0x5a: {  	[sflag:s10] =	ssyncset.done $0x0  }
0x5b: {  	[sflag:s10] =	ssyncadd.s32 $0xFFFFF380  }
0x5c: {  	_ =	swait.ge [sflag:s10], $0xC80  }
0x5d: {  	[sflag:s10] =	ssyncset.done $0x0  }
0x5e: {  	[sflag:s10] =	ssyncadd.s32 $0xFFFFF380  }
0x5f: {  	_ =	swait.ge [sflag:s10], $0xC80  }
0x60: {  	[sflag:s10] =	ssyncset.done $0x0  }
0x61: {  	s23 =	simm.s32 $0x7000;
	s2 =	rddreg [dreg:$0x4];
	[sflag:s10] =	ssyncadd.s32 $0xFFFFF380  }
0x62: {  	[hbm4b:s2+s11] =	stream.strided.scatter [tilespmem:s23], [sflag:$0x5], $0xC80, s12, s11, $0x38;
	v63 =	vld [tilespmem:$0x0]  }
0x63: {  	s22 =	simm.s32 $0x7C80;
	s5 =	sadd.s32 $0x380, s2  }
0x64: {  	[hbm4b:s5+s11] =	stream.strided.scatter [tilespmem:s22], [sflag:$0x5], $0xC80, s12, s11, $0x38;
	v63 =	vld [tilespmem:$0x0]  }
0x65: {  	s21 =	simm.s32 $0x8900;
	s14 =	sadd.s32 $0x700, s2  }
0x66: {  	[hbm4b:s14+s11] =	stream.strided.scatter [tilespmem:s21], [sflag:$0x5], $0xC80, s12, s11, $0x38;
	v63 =	vld [tilespmem:$0x0]  }
0x67: {  	s20 =	simm.s32 $0x9580;
	s21 =	sadd.s32 $0xA80, s2  }
0x68: {  	[hbm4b:s21+s11] =	stream.strided.scatter [tilespmem:s20], [sflag:$0x5], $0xC80, s12, s11, $0x38;
	v63 =	vld [tilespmem:$0x0]  }
0x69: {  	s19 =	simm.s32 $0xA200;
	s22 =	sadd.s32 $0xE00, s2  }
0x6a: {  	[hbm4b:s22+s11] =	stream.strided.scatter [tilespmem:s19], [sflag:$0x5], $0xC80, s12, s11, $0x38;
	v63 =	vld [tilespmem:$0x0]  }
0x6b: {  	s17 =	simm.s32 $0xAE80;
	s23 =	sadd.s32 $0x1180, s2  }
0x6c: {  	[hbm4b:s23+s11] =	stream.strided.scatter [tilespmem:s17], [sflag:$0x5], $0xC80, s12, s11, $0x38;
	v63 =	vld [tilespmem:$0x0]  }
0x6d: {  	s15 =	simm.s32 $0xBB00;
	s0 =	sadd.s32 $0x1500, s2  }
0x6e: {  	[hbm4b:s0+s11] =	stream.strided.scatter [tilespmem:s15], [sflag:$0x5], $0xC80, s12, s11, $0x38;
	v63 =	vld [tilespmem:$0x0]  }
0x6f: {  	s8 =	simm.s32 $0xC780;
	s2 =	sadd.s32 $0x1880, s2  }
0x70: {  	[hbm4b:s2+s11] =	stream.strided.scatter [tilespmem:s8], [sflag:$0x5], $0xC80, s12, s11, $0x38;
	v63 =	vld [tilespmem:$0x0]  }
0x71: {  	s17 =	simm.s32 $0x19C00;
	s15 =	simm.s32 $0x540  }
0x72: {  	[tilespmem:s17], [sflag:$0x4] =	stream.indirect.gather [hbm4b:s3+s16], $0x40, s15, s16, $0xb8;
	v63 =	vld [tilespmem:$0x0]  }
0x73: {  	s20 =	simm.s32 $0x1A880;
	s19 =	simm.s32 $0x578  }
0x74: {  	[tilespmem:s20], [sflag:$0x4] =	stream.indirect.gather [hbm4b:s3+s16], $0x40, s19, s16, $0xb8;
	v63 =	vld [tilespmem:$0x0]  }
0x75: {  	s21 =	simm.s32 $0x5B0;
	s23 =	simm.s32 $0x1B500  }
0x76: {  	[tilespmem:s23], [sflag:$0x4] =	stream.indirect.gather [hbm4b:s3+s16], $0x40, s21, s16, $0xb8;
	v63 =	vld [tilespmem:$0x0]  }
0x77: {  	s1 =	simm.s32 $0x5E8;
	s2 =	simm.s32 $0x1C180  }
0x78: {  	[tilespmem:s2], [sflag:$0x4] =	stream.indirect.gather [hbm4b:s3+s16], $0x40, s1, s16, $0xb8;
	v63 =	vld [tilespmem:$0x0]  }
0x79: {  	s15 =	simm.s32 $0x620;
	s17 =	simm.s32 $0x1CE00  }
0x7a: {  	[tilespmem:s17], [sflag:$0x4] =	stream.indirect.gather [hbm4b:s3+s16], $0x40, s15, s16, $0xb8;
	v63 =	vld [tilespmem:$0x0]  }
0x7b: {  	s19 =	simm.s32 $0x658;
	s20 =	simm.s32 $0x1DA80  }
0x7c: {  	[tilespmem:s20], [sflag:$0x4] =	stream.indirect.gather [hbm4b:s3+s16], $0x40, s19, s16, $0xb8;
	v63 =	vld [tilespmem:$0x0]  }
0x7d: {  	s21 =	simm.s32 $0x690;
	s23 =	simm.s32 $0x1E700  }
0x7e: {  	[tilespmem:s23], [sflag:$0x4] =	stream.indirect.gather [hbm4b:s3+s16], $0x40, s21, s16, $0xb8;
	v63 =	vld [tilespmem:$0x0]  }
0x7f: {  	s1 =	simm.s32 $0x6C8;
	s2 =	simm.s32 $0x1F380  }
0x80: {  	[tilespmem:s2], [sflag:$0x4] =	stream.indirect.gather [hbm4b:s3+s16], $0x40, s1, s16, $0xb8;
	v63 =	vld [tilespmem:$0x0]  }
0x81: {  	_ =	swait.ge [sflag:s30], $0xC80  }
0x82: {  	[sflag:s30] =	ssyncset.done $0x0  }
0x83: {  	[sflag:s30] =	ssyncadd.s32 $0xFFFFF380  }
0x84: {  	_ =	swait.ge [sflag:s30], $0xC80  }
0x85: {  	[sflag:s30] =	ssyncset.done $0x0  }
0x86: {  	[sflag:s30] =	ssyncadd.s32 $0xFFFFF380  }
0x87: {  	_ =	swait.ge [sflag:s30], $0xC80  }
0x88: {  	[sflag:s30] =	ssyncset.done $0x0  }
0x89: {  	[sflag:s30] =	ssyncadd.s32 $0xFFFFF380  }
0x8a: {  	_ =	swait.ge [sflag:s30], $0xC80  }
0x8b: {  	[sflag:s30] =	ssyncset.done $0x0  }
0x8c: {  	[sflag:s30] =	ssyncadd.s32 $0xFFFFF380  }
0x8d: {  	_ =	swait.ge [sflag:s30], $0xC80  }
0x8e: {  	[sflag:s30] =	ssyncset.done $0x0  }
0x8f: {  	[sflag:s30] =	ssyncadd.s32 $0xFFFFF380  }
0x90: {  	_ =	swait.ge [sflag:s30], $0xC80  }
0x91: {  	[sflag:s30] =	ssyncset.done $0x0  }
0x92: {  	[sflag:s30] =	ssyncadd.s32 $0xFFFFF380  }
0x93: {  	_ =	swait.ge [sflag:s30], $0xC80  }
0x94: {  	[sflag:s30] =	ssyncset.done $0x0  }
0x95: {  	[sflag:s30] =	ssyncadd.s32 $0xFFFFF380  }
0x96: {  	_ =	swait.ge [sflag:s30], $0xC80  }
0x97: {  	[sflag:s30] =	ssyncset.done $0x0  }
0x98: {  	s9 =	simm.s32 $0xD400;
	s15 =	rddreg [dreg:$0x5];
	[sflag:s30] =	ssyncadd.s32 $0xFFFFF380  }
0x99: {  	[hbm4b:s15+s11] =	stream.strided.scatter [tilespmem:s9], [sflag:$0x6], $0xC80, s12, s11, $0x38;
	v63 =	vld [tilespmem:$0x0]  }
0x9a: {  	s7 =	simm.s32 $0xE080;
	s23 =	sadd.s32 $0x380, s15  }
0x9b: {  	[hbm4b:s23+s11] =	stream.strided.scatter [tilespmem:s7], [sflag:$0x6], $0xC80, s12, s11, $0x38;
	v63 =	vld [tilespmem:$0x0]  }
0x9c: {  	s6 =	simm.s32 $0xED00;
	s0 =	sadd.s32 $0x700, s15  }
0x9d: {  	[hbm4b:s0+s11] =	stream.strided.scatter [tilespmem:s6], [sflag:$0x6], $0xC80, s12, s11, $0x38;
	v63 =	vld [tilespmem:$0x0]  }
0x9e: {  	s4 =	simm.s32 $0xF980;
	s6 =	sadd.s32 $0xA80, s15  }
0x9f: {  	[hbm4b:s6+s11] =	stream.strided.scatter [tilespmem:s4], [sflag:$0x6], $0xC80, s12, s11, $0x38;
	v63 =	vld [tilespmem:$0x0]  }
0xa0: {  	s13 =	simm.s32 $0x10600;
	s7 =	sadd.s32 $0xE00, s15  }
0xa1: {  	[hbm4b:s7+s11] =	stream.strided.scatter [tilespmem:s13], [sflag:$0x6], $0xC80, s12, s11, $0x38;
	v63 =	vld [tilespmem:$0x0]  }
0xa2: {  	s24 =	simm.s32 $0x11280;
	s9 =	sadd.s32 $0x1180, s15  }
0xa3: {  	[hbm4b:s9+s11] =	stream.strided.scatter [tilespmem:s24], [sflag:$0x6], $0xC80, s12, s11, $0x38;
	v63 =	vld [tilespmem:$0x0]  }
0xa4: {  	s4 =	simm.s32 $0x11F00;
	s13 =	sadd.s32 $0x1500, s15  }
0xa5: {  	[hbm4b:s13+s11] =	stream.strided.scatter [tilespmem:s4], [sflag:$0x6], $0xC80, s12, s11, $0x38;
	v63 =	vld [tilespmem:$0x0]  }
0xa6: {  	s15 =	sadd.s32 $0x1880, s15;
	s24 =	simm.s32 $0x12B80  }
0xa7: {  	[hbm4b:s15+s11] =	stream.strided.scatter [tilespmem:s24], [sflag:$0x6], $0xC80, s12, s11, $0x38;
	v63 =	vld [tilespmem:$0x0]  }
0xa8: {  	s24 =	simm.s32 $0x5  }
0xa9: {  	_ =	swait.ge [sflag:s24], $0x6400  }
0xaa: {  	[sflag:s24] =	ssyncset.done $0x0  }
0xab: {  	s31 =	simm.s32 $0x7000;
	s2 =	simm.s32 $0x700;
	[sflag:s24] =	ssyncadd.s32 $0xFFFF9C00  }
0xac: {  	[tilespmem:s31], [sflag:$0x1] =	stream.indirect.gather [hbm4b:s3+s16], $0x40, s2, s16, $0xb8;
	v63 =	vld [tilespmem:$0x0]  }
0xad: {  	s29 =	simm.s32 $0x7C80;
	s6 =	simm.s32 $0x738  }
0xae: {  	[tilespmem:s29], [sflag:$0x1] =	stream.indirect.gather [hbm4b:s3+s16], $0x40, s6, s16, $0xb8;
	v63 =	vld [tilespmem:$0x0]  }
0xaf: {  	s28 =	simm.s32 $0x8900;
	s7 =	simm.s32 $0x770  }
0xb0: {  	[tilespmem:s28], [sflag:$0x1] =	stream.indirect.gather [hbm4b:s3+s16], $0x40, s7, s16, $0xb8;
	v63 =	vld [tilespmem:$0x0]  }
0xb1: {  	s25 =	simm.s32 $0x9580;
	s9 =	simm.s32 $0x7A8  }
0xb2: {  	[tilespmem:s25], [sflag:$0x1] =	stream.indirect.gather [hbm4b:s3+s16], $0x40, s9, s16, $0xb8;
	v63 =	vld [tilespmem:$0x0]  }
0xb3: {  	s14 =	simm.s32 $0xA200;
	s13 =	simm.s32 $0x7E0  }
0xb4: {  	[tilespmem:s14], [sflag:$0x1] =	stream.indirect.gather [hbm4b:s3+s16], $0x40, s13, s16, $0xb8;
	v63 =	vld [tilespmem:$0x0]  }
0xb5: {  	s22 =	simm.s32 $0xAE80;
	s14 =	simm.s32 $0x818  }
0xb6: {  	[tilespmem:s22], [sflag:$0x1] =	stream.indirect.gather [hbm4b:s3+s16], $0x40, s14, s16, $0xb8;
	v63 =	vld [tilespmem:$0x0]  }
0xb7: {  	s5 =	simm.s32 $0xBB00;
	s22 =	simm.s32 $0x850  }
0xb8: {  	[tilespmem:s5], [sflag:$0x1] =	stream.indirect.gather [hbm4b:s3+s16], $0x40, s22, s16, $0xb8;
	v63 =	vld [tilespmem:$0x0]  }
0xb9: {  	s8 =	simm.s32 $0xC780;
	s25 =	simm.s32 $0x888  }
0xba: {  	[tilespmem:s8], [sflag:$0x1] =	stream.indirect.gather [hbm4b:s3+s16], $0x40, s25, s16, $0xb8;
	v63 =	vld [tilespmem:$0x0]  }
0xbb: {  	_ =	swait.ge [sflag:s18], $0xC80  }
0xbc: {  	[sflag:s18] =	ssyncset.done $0x0  }
0xbd: {  	[sflag:s18] =	ssyncadd.s32 $0xFFFFF380  }
0xbe: {  	_ =	swait.ge [sflag:s18], $0xC80  }
0xbf: {  	[sflag:s18] =	ssyncset.done $0x0  }
0xc0: {  	[sflag:s18] =	ssyncadd.s32 $0xFFFFF380  }
0xc1: {  	_ =	swait.ge [sflag:s18], $0xC80  }
0xc2: {  	[sflag:s18] =	ssyncset.done $0x0  }
0xc3: {  	[sflag:s18] =	ssyncadd.s32 $0xFFFFF380  }
0xc4: {  	_ =	swait.ge [sflag:s18], $0xC80  }
0xc5: {  	[sflag:s18] =	ssyncset.done $0x0  }
0xc6: {  	[sflag:s18] =	ssyncadd.s32 $0xFFFFF380  }
0xc7: {  	_ =	swait.ge [sflag:s18], $0xC80  }
0xc8: {  	[sflag:s18] =	ssyncset.done $0x0  }
0xc9: {  	[sflag:s18] =	ssyncadd.s32 $0xFFFFF380  }
0xca: {  	_ =	swait.ge [sflag:s18], $0xC80  }
0xcb: {  	[sflag:s18] =	ssyncset.done $0x0  }
0xcc: {  	[sflag:s18] =	ssyncadd.s32 $0xFFFFF380  }
0xcd: {  	_ =	swait.ge [sflag:s18], $0xC80  }
0xce: {  	[sflag:s18] =	ssyncset.done $0x0  }
0xcf: {  	[sflag:s18] =	ssyncadd.s32 $0xFFFFF380  }
0xd0: {  	_ =	swait.ge [sflag:s18], $0xC80  }
0xd1: {  	[sflag:s18] =	ssyncset.done $0x0  }
0xd2: {  	s14 =	simm.s32 $0x13800;
	s2 =	rddreg [dreg:$0x6];
	[sflag:s18] =	ssyncadd.s32 $0xFFFFF380  }
0xd3: {  	[hbm4b:s2+s11] =	stream.strided.scatter [tilespmem:s14], [sflag:$0x7], $0xC80, s12, s11, $0x38;
	v63 =	vld [tilespmem:$0x0]  }
0xd4: {  	s13 =	simm.s32 $0x14480;
	s28 =	sadd.s32 $0x380, s2  }
0xd5: {  	[hbm4b:s28+s11] =	stream.strided.scatter [tilespmem:s13], [sflag:$0x7], $0xC80, s12, s11, $0x38;
	v63 =	vld [tilespmem:$0x0]  }
0xd6: {  	s9 =	simm.s32 $0x15100;
	s0 =	sadd.s32 $0x700, s2  }
0xd7: {  	[hbm4b:s0+s11] =	stream.strided.scatter [tilespmem:s9], [sflag:$0x7], $0xC80, s12, s11, $0x38;
	v63 =	vld [tilespmem:$0x0]  }
0xd8: {  	s8 =	simm.s32 $0x15D80;
	s5 =	sadd.s32 $0xA80, s2  }
0xd9: {  	[hbm4b:s5+s11] =	stream.strided.scatter [tilespmem:s8], [sflag:$0x7], $0xC80, s12, s11, $0x38;
	v63 =	vld [tilespmem:$0x0]  }
0xda: {  	s7 =	simm.s32 $0x16A00;
	s6 =	sadd.s32 $0xE00, s2  }
0xdb: {  	[hbm4b:s6+s11] =	stream.strided.scatter [tilespmem:s7], [sflag:$0x7], $0xC80, s12, s11, $0x38;
	v63 =	vld [tilespmem:$0x0]  }
0xdc: {  	s22 =	sadd.s32 $0x1180, s2;
	s6 =	simm.s32 $0x17680  }
0xdd: {  	[hbm4b:s22+s11] =	stream.strided.scatter [tilespmem:s6], [sflag:$0x7], $0xC80, s12, s11, $0x38;
	v63 =	vld [tilespmem:$0x0]  }
0xde: {  	s25 =	sadd.s32 $0x1500, s2;
	s5 =	simm.s32 $0x18300  }
0xdf: {  	[hbm4b:s25+s11] =	stream.strided.scatter [tilespmem:s5], [sflag:$0x7], $0xC80, s12, s11, $0x38;
	v63 =	vld [tilespmem:$0x0]  }
0xe0: {  	s28 =	sadd.s32 $0x1880, s2;
	s0 =	simm.s32 $0x18F80;
	s25 =	simm.s32 $0x6  }
0xe1: {  	[hbm4b:s28+s11] =	stream.strided.scatter [tilespmem:s0], [sflag:$0x7], $0xC80, s12, s11, $0x38;
	v63 =	vld [tilespmem:$0x0]  }
0xe2: {  	_ =	swait.ge [sflag:s25], $0x6400  }
0xe3: {  	[sflag:s25] =	ssyncset.done $0x0  }
0xe4: {  	s2 =	simm.s32 $0x8C0;
	s22 =	simm.s32 $0xD400;
	[sflag:s25] =	ssyncadd.s32 $0xFFFF9C00  }
0xe5: {  	[tilespmem:s22], [sflag:$0x2] =	stream.indirect.gather [hbm4b:s3+s16], $0x40, s2, s16, $0xb8;
	v63 =	vld [tilespmem:$0x0]  }
0xe6: {  	s20 =	simm.s32 $0xE080;
	s28 =	simm.s32 $0x8F8  }
0xe7: {  	[tilespmem:s20], [sflag:$0x2] =	stream.indirect.gather [hbm4b:s3+s16], $0x40, s28, s16, $0xb8;
	v63 =	vld [tilespmem:$0x0]  }
0xe8: {  	s19 =	simm.s32 $0xED00;
	s2 =	simm.s32 $0x930  }
0xe9: {  	[tilespmem:s19], [sflag:$0x2] =	stream.indirect.gather [hbm4b:s3+s16], $0x40, s2, s16, $0xb8;
	v63 =	vld [tilespmem:$0x0]  }
0xea: {  	s17 =	simm.s32 $0xF980;
	s20 =	simm.s32 $0x968  }
0xeb: {  	[tilespmem:s17], [sflag:$0x2] =	stream.indirect.gather [hbm4b:s3+s16], $0x40, s20, s16, $0xb8;
	v63 =	vld [tilespmem:$0x0]  }
0xec: {  	s21 =	simm.s32 $0x10600;
	s22 =	simm.s32 $0x9A0  }
0xed: {  	[tilespmem:s21], [sflag:$0x2] =	stream.indirect.gather [hbm4b:s3+s16], $0x40, s22, s16, $0xb8;
	v63 =	vld [tilespmem:$0x0]  }
0xee: {  	s23 =	simm.s32 $0x11280;
	s28 =	simm.s32 $0x9D8  }
0xef: {  	[tilespmem:s23], [sflag:$0x2] =	stream.indirect.gather [hbm4b:s3+s16], $0x40, s28, s16, $0xb8;
	v63 =	vld [tilespmem:$0x0]  }
0xf0: {  	s2 =	simm.s32 $0xA10  }
0xf1: {  	[tilespmem:s4], [sflag:$0x2] =	stream.indirect.gather [hbm4b:s3+s16], $0x40, s2, s16, $0xb8;
	v63 =	vld [tilespmem:$0x0]  }
0xf2: {  	s15 =	simm.s32 $0x12B80;
	s17 =	simm.s32 $0xA48  }
0xf3: {  	[tilespmem:s15], [sflag:$0x2] =	stream.indirect.gather [hbm4b:s3+s16], $0x40, s17, s16, $0xb8;
	v63 =	vld [tilespmem:$0x0]  }
0xf4: {  	_ =	swait.ge [sflag:s26], $0xC80  }
0xf5: {  	[sflag:s26] =	ssyncset.done $0x0  }
0xf6: {  	[sflag:s26] =	ssyncadd.s32 $0xFFFFF380  }
0xf7: {  	_ =	swait.ge [sflag:s26], $0xC80  }
0xf8: {  	[sflag:s26] =	ssyncset.done $0x0  }
0xf9: {  	[sflag:s26] =	ssyncadd.s32 $0xFFFFF380  }
0xfa: {  	_ =	swait.ge [sflag:s26], $0xC80  }
0xfb: {  	[sflag:s26] =	ssyncset.done $0x0  }
0xfc: {  	[sflag:s26] =	ssyncadd.s32 $0xFFFFF380  }
0xfd: {  	_ =	swait.ge [sflag:s26], $0xC80  }
0xfe: {  	[sflag:s26] =	ssyncset.done $0x0  }
0xff: {  	[sflag:s26] =	ssyncadd.s32 $0xFFFFF380  }
0x100: {  	_ =	swait.ge [sflag:s26], $0xC80  }
0x101: {  	[sflag:s26] =	ssyncset.done $0x0  }
0x102: {  	[sflag:s26] =	ssyncadd.s32 $0xFFFFF380  }
0x103: {  	_ =	swait.ge [sflag:s26], $0xC80  }
0x104: {  	[sflag:s26] =	ssyncset.done $0x0  }
0x105: {  	[sflag:s26] =	ssyncadd.s32 $0xFFFFF380  }
0x106: {  	_ =	swait.ge [sflag:s26], $0xC80  }
0x107: {  	[sflag:s26] =	ssyncset.done $0x0  }
0x108: {  	[sflag:s26] =	ssyncadd.s32 $0xFFFFF380  }
0x109: {  	_ =	swait.ge [sflag:s26], $0xC80  }
0x10a: {  	[sflag:s26] =	ssyncset.done $0x0  }
0x10b: {  	s4 =	simm.s32 $0x19C00;
	s2 =	rddreg [dreg:$0x7];
	[sflag:s26] =	ssyncadd.s32 $0xFFFFF380  }
0x10c: {  	[hbm4b:s2+s11] =	stream.strided.scatter [tilespmem:s4], [sflag:$0x8], $0xC80, s12, s11, $0x38;
	v63 =	vld [tilespmem:$0x0]  }
0x10d: {  	s17 =	simm.s32 $0x1A880;
	s19 =	sadd.s32 $0x380, s2  }
0x10e: {  	[hbm4b:s19+s11] =	stream.strided.scatter [tilespmem:s17], [sflag:$0x8], $0xC80, s12, s11, $0x38;
	v63 =	vld [tilespmem:$0x0]  }
0x10f: {  	s15 =	simm.s32 $0x1B500;
	s20 =	sadd.s32 $0x700, s2  }
0x110: {  	[hbm4b:s20+s11] =	stream.strided.scatter [tilespmem:s15], [sflag:$0x8], $0xC80, s12, s11, $0x38;
	v63 =	vld [tilespmem:$0x0]  }
0x111: {  	s22 =	simm.s32 $0x1C180;
	s21 =	sadd.s32 $0xA80, s2  }
0x112: {  	[hbm4b:s21+s11] =	stream.strided.scatter [tilespmem:s22], [sflag:$0x8], $0xC80, s12, s11, $0x38;
	v63 =	vld [tilespmem:$0x0]  }
0x113: {  	s23 =	sadd.s32 $0xE00, s2;
	s21 =	simm.s32 $0x1CE00  }
0x114: {  	[hbm4b:s23+s11] =	stream.strided.scatter [tilespmem:s21], [sflag:$0x8], $0xC80, s12, s11, $0x38;
	v63 =	vld [tilespmem:$0x0]  }
0x115: {  	s28 =	sadd.s32 $0x1180, s2;
	s20 =	simm.s32 $0x1DA80  }
0x116: {  	[hbm4b:s28+s11] =	stream.strided.scatter [tilespmem:s20], [sflag:$0x8], $0xC80, s12, s11, $0x38;
	v63 =	vld [tilespmem:$0x0]  }
0x117: {  	s19 =	sadd.s32 $0x1500, s2;
	s23 =	simm.s32 $0x1E700  }
0x118: {  	[hbm4b:s19+s11] =	stream.strided.scatter [tilespmem:s23], [sflag:$0x8], $0xC80, s12, s11, $0x38;
	v63 =	vld [tilespmem:$0x0]  }
0x119: {  	s28 =	sadd.s32 $0x1880, s2;
	s19 =	simm.s32 $0x1F380  }
0x11a: {  	[hbm4b:s28+s11] =	stream.strided.scatter [tilespmem:s19], [sflag:$0x8], $0xC80, s12, s11, $0x38;
	v63 =	vld [tilespmem:$0x0]  }
0x11b: {  	s28 =	simm.s32 $0x7  }
0x11c: {  	_ =	swait.ge [sflag:s28], $0x6400  }
0x11d: {  	[sflag:s28] =	ssyncset.done $0x0  }
0x11e: {  	s2 =	simm.s32 $0xA80;
	[sflag:s28] =	ssyncadd.s32 $0xFFFF9C00  }
0x11f: {  	[tilespmem:s14], [sflag:$0x3] =	stream.indirect.gather [hbm4b:s3+s16], $0x40, s2, s16, $0xb8;
	v63 =	vld [tilespmem:$0x0]  }
0x120: {  	s14 =	simm.s32 $0xAB8  }
0x121: {  	[tilespmem:s13], [sflag:$0x3] =	stream.indirect.gather [hbm4b:s3+s16], $0x40, s14, s16, $0xb8;
	v63 =	vld [tilespmem:$0x0]  }
0x122: {  	s2 =	simm.s32 $0xAF0  }
0x123: {  	[tilespmem:s9], [sflag:$0x3] =	stream.indirect.gather [hbm4b:s3+s16], $0x40, s2, s16, $0xb8;
	v63 =	vld [tilespmem:$0x0]  }
0x124: {  	s13 =	simm.s32 $0xB28  }
0x125: {  	[tilespmem:s8], [sflag:$0x3] =	stream.indirect.gather [hbm4b:s3+s16], $0x40, s13, s16, $0xb8;
	v63 =	vld [tilespmem:$0x0]  }
0x126: {  	s14 =	simm.s32 $0xB60  }
0x127: {  	[tilespmem:s7], [sflag:$0x3] =	stream.indirect.gather [hbm4b:s3+s16], $0x40, s14, s16, $0xb8;
	v63 =	vld [tilespmem:$0x0]  }
0x128: {  	s2 =	simm.s32 $0xB98  }
0x129: {  	[tilespmem:s6], [sflag:$0x3] =	stream.indirect.gather [hbm4b:s3+s16], $0x40, s2, s16, $0xb8;
	v63 =	vld [tilespmem:$0x0]  }
0x12a: {  	s7 =	simm.s32 $0xBD0  }
0x12b: {  	[tilespmem:s5], [sflag:$0x3] =	stream.indirect.gather [hbm4b:s3+s16], $0x40, s7, s16, $0xb8;
	v63 =	vld [tilespmem:$0x0]  }
0x12c: {  	s8 =	simm.s32 $0xC08  }
0x12d: {  	[tilespmem:s0], [sflag:$0x3] =	stream.indirect.gather [hbm4b:s3+s16], $0x40, s8, s16, $0xb8;
	v63 =	vld [tilespmem:$0x0]  }
0x12e: {  	_ =	swait.ge [sflag:s10], $0xC80  }
0x12f: {  	[sflag:s10] =	ssyncset.done $0x0  }
0x130: {  	[sflag:s10] =	ssyncadd.s32 $0xFFFFF380  }
0x131: {  	_ =	swait.ge [sflag:s10], $0xC80  }
0x132: {  	[sflag:s10] =	ssyncset.done $0x0  }
0x133: {  	[sflag:s10] =	ssyncadd.s32 $0xFFFFF380  }
0x134: {  	_ =	swait.ge [sflag:s10], $0xC80  }
0x135: {  	[sflag:s10] =	ssyncset.done $0x0  }
0x136: {  	[sflag:s10] =	ssyncadd.s32 $0xFFFFF380  }
0x137: {  	_ =	swait.ge [sflag:s10], $0xC80  }
0x138: {  	[sflag:s10] =	ssyncset.done $0x0  }
0x139: {  	[sflag:s10] =	ssyncadd.s32 $0xFFFFF380  }
0x13a: {  	_ =	swait.ge [sflag:s10], $0xC80  }
0x13b: {  	[sflag:s10] =	ssyncset.done $0x0  }
0x13c: {  	[sflag:s10] =	ssyncadd.s32 $0xFFFFF380  }
0x13d: {  	_ =	swait.ge [sflag:s10], $0xC80  }
0x13e: {  	[sflag:s10] =	ssyncset.done $0x0  }
0x13f: {  	[sflag:s10] =	ssyncadd.s32 $0xFFFFF380  }
0x140: {  	_ =	swait.ge [sflag:s10], $0xC80  }
0x141: {  	[sflag:s10] =	ssyncset.done $0x0  }
0x142: {  	[sflag:s10] =	ssyncadd.s32 $0xFFFFF380  }
0x143: {  	_ =	swait.ge [sflag:s10], $0xC80  }
0x144: {  	[sflag:s10] =	ssyncset.done $0x0;
	s2 =	rddreg [dreg:$0xd]  }
0x145: {  	s31 =	simm.s32 $0x7000;
	[sflag:s10] =	ssyncadd.s32 $0xFFFFF380;
	s9 =	sadd.s32 $0xFFFFAC00, s2  }
0x146: {  	[hbm4b:s9+s11] =	stream.strided.scatter [tilespmem:s31], [sflag:$0x5], $0xC80, s12, s11, $0x38;
	v63 =	vld [tilespmem:$0x0]  }
0x147: {  	s29 =	simm.s32 $0x7C80;
	s13 =	sadd.s32 $0xFFFFAF80, s2  }
0x148: {  	[hbm4b:s13+s11] =	stream.strided.scatter [tilespmem:s29], [sflag:$0x5], $0xC80, s12, s11, $0x38;
	v63 =	vld [tilespmem:$0x0]  }
0x149: {  	s14 =	sadd.s32 $0xFFFFB300, s2;
	s31 =	simm.s32 $0x8900  }
0x14a: {  	[hbm4b:s14+s11] =	stream.strided.scatter [tilespmem:s31], [sflag:$0x5], $0xC80, s12, s11, $0x38;
	v63 =	vld [tilespmem:$0x0]  }
0x14b: {  	s6 =	simm.s32 $0x9580;
	s5 =	sadd.s32 $0xFFFFB680, s2  }
0x14c: {  	[hbm4b:s5+s11] =	stream.strided.scatter [tilespmem:s6], [sflag:$0x5], $0xC80, s12, s11, $0x38;
	v63 =	vld [tilespmem:$0x0]  }
0x14d: {  	s8 =	simm.s32 $0xA200;
	s7 =	sadd.s32 $0xFFFFBA00, s2  }
0x14e: {  	[hbm4b:s7+s11] =	stream.strided.scatter [tilespmem:s8], [sflag:$0x5], $0xC80, s12, s11, $0x38;
	v63 =	vld [tilespmem:$0x0]  }
0x14f: {  	s9 =	sadd.s32 $0xFFFFBD80, s2;
	s14 =	simm.s32 $0xAE80  }
0x150: {  	[hbm4b:s9+s11] =	stream.strided.scatter [tilespmem:s14], [sflag:$0x5], $0xC80, s12, s11, $0x38;
	v63 =	vld [tilespmem:$0x0]  }
0x151: {  	s5 =	sadd.s32 $0xFFFFC100, s2;
	s6 =	simm.s32 $0xBB00  }
0x152: {  	[hbm4b:s5+s11] =	stream.strided.scatter [tilespmem:s6], [sflag:$0x5], $0xC80, s12, s11, $0x38;
	v63 =	vld [tilespmem:$0x0]  }
0x153: {  	s7 =	sadd.s32 $0xFFFFC480, s2;
	s8 =	simm.s32 $0xC780;
	s14 =	simm.s32 $0x8  }
0x154: {  	[hbm4b:s7+s11] =	stream.strided.scatter [tilespmem:s8], [sflag:$0x5], $0xC80, s12, s11, $0x38;
	v63 =	vld [tilespmem:$0x0]  }
0x155: {  	_ =	swait.ge [sflag:s14], $0x6400  }
0x156: {  	[sflag:s14] =	ssyncset.done $0x0  }
0x157: {  	s0 =	simm.s32 $0xC40;
	[sflag:s14] =	ssyncadd.s32 $0xFFFF9C00  }
0x158: {  	[tilespmem:s4], [sflag:$0x4] =	stream.indirect.gather [hbm4b:s3+s16], $0x40, s0, s16, $0xb8;
	v63 =	vld [tilespmem:$0x0]  }
0x159: {  	s6 =	simm.s32 $0xC78  }
0x15a: {  	[tilespmem:s17], [sflag:$0x4] =	stream.indirect.gather [hbm4b:s3+s16], $0x40, s6, s16, $0xb8;
	v63 =	vld [tilespmem:$0x0]  }
0x15b: {  	s7 =	simm.s32 $0xCB0  }
0x15c: {  	[tilespmem:s15], [sflag:$0x4] =	stream.indirect.gather [hbm4b:s3+s16], $0x40, s7, s16, $0xb8;
	v63 =	vld [tilespmem:$0x0]  }
0x15d: {  	s8 =	simm.s32 $0xCE8  }
0x15e: {  	[tilespmem:s22], [sflag:$0x4] =	stream.indirect.gather [hbm4b:s3+s16], $0x40, s8, s16, $0xb8;
	v63 =	vld [tilespmem:$0x0]  }
0x15f: {  	s14 =	simm.s32 $0xD20  }
0x160: {  	[tilespmem:s21], [sflag:$0x4] =	stream.indirect.gather [hbm4b:s3+s16], $0x40, s14, s16, $0xb8;
	v63 =	vld [tilespmem:$0x0]  }
0x161: {  	s15 =	simm.s32 $0xD58  }
0x162: {  	[tilespmem:s20], [sflag:$0x4] =	stream.indirect.gather [hbm4b:s3+s16], $0x40, s15, s16, $0xb8;
	v63 =	vld [tilespmem:$0x0]  }
0x163: {  	s17 =	simm.s32 $0xD90  }
0x164: {  	[tilespmem:s23], [sflag:$0x4] =	stream.indirect.gather [hbm4b:s3+s16], $0x40, s17, s16, $0xb8;
	v63 =	vld [tilespmem:$0x0]  }
0x165: {  	s20 =	simm.s32 $0xDC8  }
0x166: {  	[tilespmem:s19], [sflag:$0x4] =	stream.indirect.gather [hbm4b:s3+s16], $0x40, s20, s16, $0xb8;
	v63 =	vld [tilespmem:$0x0]  }
0x167: {  	_ =	swait.ge [sflag:s30], $0xC80  }
0x168: {  	[sflag:s30] =	ssyncset.done $0x0  }
0x169: {  	[sflag:s30] =	ssyncadd.s32 $0xFFFFF380  }
0x16a: {  	_ =	swait.ge [sflag:s30], $0xC80  }
0x16b: {  	[sflag:s30] =	ssyncset.done $0x0  }
0x16c: {  	[sflag:s30] =	ssyncadd.s32 $0xFFFFF380  }
0x16d: {  	_ =	swait.ge [sflag:s30], $0xC80  }
0x16e: {  	[sflag:s30] =	ssyncset.done $0x0  }
0x16f: {  	[sflag:s30] =	ssyncadd.s32 $0xFFFFF380  }
0x170: {  	_ =	swait.ge [sflag:s30], $0xC80  }
0x171: {  	[sflag:s30] =	ssyncset.done $0x0  }
0x172: {  	[sflag:s30] =	ssyncadd.s32 $0xFFFFF380  }
0x173: {  	_ =	swait.ge [sflag:s30], $0xC80  }
0x174: {  	[sflag:s30] =	ssyncset.done $0x0  }
0x175: {  	[sflag:s30] =	ssyncadd.s32 $0xFFFFF380  }
0x176: {  	_ =	swait.ge [sflag:s30], $0xC80  }
0x177: {  	[sflag:s30] =	ssyncset.done $0x0  }
0x178: {  	[sflag:s30] =	ssyncadd.s32 $0xFFFFF380  }
0x179: {  	_ =	swait.ge [sflag:s30], $0xC80  }
0x17a: {  	[sflag:s30] =	ssyncset.done $0x0  }
0x17b: {  	[sflag:s30] =	ssyncadd.s32 $0xFFFFF380  }
0x17c: {  	_ =	swait.ge [sflag:s30], $0xC80  }
0x17d: {  	[sflag:s30] =	ssyncset.done $0x0  }
0x17e: {  	s22 =	simm.s32 $0xD400;
	s21 =	sadd.s32 $0xFFFFC800, s2;
	[sflag:s30] =	ssyncadd.s32 $0xFFFFF380  }
0x17f: {  	[hbm4b:s21+s11] =	stream.strided.scatter [tilespmem:s22], [sflag:$0x6], $0xC80, s12, s11, $0x38;
	v63 =	vld [tilespmem:$0x0]  }
0x180: {  	s4 =	sadd.s32 $0xFFFFCB80, s2;
	s6 =	simm.s32 $0xE080  }
0x181: {  	[hbm4b:s4+s11] =	stream.strided.scatter [tilespmem:s6], [sflag:$0x6], $0xC80, s12, s11, $0x38;
	v63 =	vld [tilespmem:$0x0]  }
0x182: {  	s7 =	sadd.s32 $0xFFFFCF00, s2;
	s8 =	simm.s32 $0xED00  }
0x183: {  	[hbm4b:s7+s11] =	stream.strided.scatter [tilespmem:s8], [sflag:$0x6], $0xC80, s12, s11, $0x38;
	v63 =	vld [tilespmem:$0x0]  }
0x184: {  	s15 =	sadd.s32 $0xFFFFD280, s2;
	s20 =	simm.s32 $0xF980  }
0x185: {  	[hbm4b:s15+s11] =	stream.strided.scatter [tilespmem:s20], [sflag:$0x6], $0xC80, s12, s11, $0x38;
	v63 =	vld [tilespmem:$0x0]  }
0x186: {  	s17 =	sadd.s32 $0xFFFFD600, s2;
	s19 =	simm.s32 $0x10600  }
0x187: {  	[hbm4b:s17+s11] =	stream.strided.scatter [tilespmem:s19], [sflag:$0x6], $0xC80, s12, s11, $0x38;
	v63 =	vld [tilespmem:$0x0]  }
0x188: {  	s21 =	sadd.s32 $0xFFFFD980, s2;
	s7 =	simm.s32 $0x11280  }
0x189: {  	[hbm4b:s21+s11] =	stream.strided.scatter [tilespmem:s7], [sflag:$0x6], $0xC80, s12, s11, $0x38;
	v63 =	vld [tilespmem:$0x0]  }
0x18a: {  	s22 =	sadd.s32 $0xFFFFDD00, s2;
	s17 =	simm.s32 $0x11F00  }
0x18b: {  	[hbm4b:s22+s11] =	stream.strided.scatter [tilespmem:s17], [sflag:$0x6], $0xC80, s12, s11, $0x38;
	v63 =	vld [tilespmem:$0x0]  }
0x18c: {  	s0 =	sadd.s32 $0xFFFFE080, s2;
	s6 =	simm.s32 $0x12B80  }
0x18d: {  	[hbm4b:s0+s11] =	stream.strided.scatter [tilespmem:s6], [sflag:$0x6], $0xC80, s12, s11, $0x38;
	v63 =	vld [tilespmem:$0x0]  }
0x18e: {  	_ =	swait.ge [sflag:s24], $0x6400  }
0x18f: {  	[sflag:s24] =	ssyncset.done $0x0  }
0x190: {  	s4 =	simm.s32 $0xE00;
	s15 =	simm.s32 $0x7000;
	[sflag:s24] =	ssyncadd.s32 $0xFFFF9C00  }
0x191: {  	[tilespmem:s15], [sflag:$0x1] =	stream.indirect.gather [hbm4b:s3+s16], $0x40, s4, s16, $0xb8;
	v63 =	vld [tilespmem:$0x0]  }
0x192: {  	s21 =	simm.s32 $0xE38;
	s22 =	simm.s32 $0x7C80  }
0x193: {  	[tilespmem:s22], [sflag:$0x1] =	stream.indirect.gather [hbm4b:s3+s16], $0x40, s21, s16, $0xb8;
	v63 =	vld [tilespmem:$0x0]  }
0x194: {  	s31 =	simm.s32 $0x8900;
	s24 =	simm.s32 $0xE70  }
0x195: {  	[tilespmem:s31], [sflag:$0x1] =	stream.indirect.gather [hbm4b:s3+s16], $0x40, s24, s16, $0xb8;
	v63 =	vld [tilespmem:$0x0]  }
0x196: {  	s29 =	simm.s32 $0x9580;
	s31 =	simm.s32 $0xEA8  }
0x197: {  	[tilespmem:s29], [sflag:$0x1] =	stream.indirect.gather [hbm4b:s3+s16], $0x40, s31, s16, $0xb8;
	v63 =	vld [tilespmem:$0x0]  }
0x198: {  	s13 =	simm.s32 $0xA200;
	s0 =	simm.s32 $0xEE0  }
0x199: {  	[tilespmem:s13], [sflag:$0x1] =	stream.indirect.gather [hbm4b:s3+s16], $0x40, s0, s16, $0xb8;
	v63 =	vld [tilespmem:$0x0]  }
0x19a: {  	s9 =	simm.s32 $0xAE80;
	s4 =	simm.s32 $0xF18  }
0x19b: {  	[tilespmem:s9], [sflag:$0x1] =	stream.indirect.gather [hbm4b:s3+s16], $0x40, s4, s16, $0xb8;
	v63 =	vld [tilespmem:$0x0]  }
0x19c: {  	s5 =	simm.s32 $0xBB00;
	s9 =	simm.s32 $0xF50  }
0x19d: {  	[tilespmem:s5], [sflag:$0x1] =	stream.indirect.gather [hbm4b:s3+s16], $0x40, s9, s16, $0xb8;
	v63 =	vld [tilespmem:$0x0]  }
0x19e: {  	s15 =	simm.s32 $0xC780;
	s13 =	simm.s32 $0xF88  }
0x19f: {  	[tilespmem:s15], [sflag:$0x1] =	stream.indirect.gather [hbm4b:s3+s16], $0x40, s13, s16, $0xb8;
	v63 =	vld [tilespmem:$0x0]  }
0x1a0: {  	_ =	swait.ge [sflag:s18], $0xC80  }
0x1a1: {  	[sflag:s18] =	ssyncset.done $0x0  }
0x1a2: {  	[sflag:s18] =	ssyncadd.s32 $0xFFFFF380  }
0x1a3: {  	_ =	swait.ge [sflag:s18], $0xC80  }
0x1a4: {  	[sflag:s18] =	ssyncset.done $0x0  }
0x1a5: {  	[sflag:s18] =	ssyncadd.s32 $0xFFFFF380  }
0x1a6: {  	_ =	swait.ge [sflag:s18], $0xC80  }
0x1a7: {  	[sflag:s18] =	ssyncset.done $0x0  }
0x1a8: {  	[sflag:s18] =	ssyncadd.s32 $0xFFFFF380  }
0x1a9: {  	_ =	swait.ge [sflag:s18], $0xC80  }
0x1aa: {  	[sflag:s18] =	ssyncset.done $0x0  }
0x1ab: {  	[sflag:s18] =	ssyncadd.s32 $0xFFFFF380  }
0x1ac: {  	_ =	swait.ge [sflag:s18], $0xC80  }
0x1ad: {  	[sflag:s18] =	ssyncset.done $0x0  }
0x1ae: {  	[sflag:s18] =	ssyncadd.s32 $0xFFFFF380  }
0x1af: {  	_ =	swait.ge [sflag:s18], $0xC80  }
0x1b0: {  	[sflag:s18] =	ssyncset.done $0x0  }
0x1b1: {  	[sflag:s18] =	ssyncadd.s32 $0xFFFFF380  }
0x1b2: {  	_ =	swait.ge [sflag:s18], $0xC80  }
0x1b3: {  	[sflag:s18] =	ssyncset.done $0x0  }
0x1b4: {  	[sflag:s18] =	ssyncadd.s32 $0xFFFFF380  }
0x1b5: {  	_ =	swait.ge [sflag:s18], $0xC80  }
0x1b6: {  	[sflag:s18] =	ssyncset.done $0x0  }
0x1b7: {  	s21 =	sadd.s32 $0xFFFFE400, s2;
	s15 =	simm.s32 $0x13800;
	[sflag:s18] =	ssyncadd.s32 $0xFFFFF380  }
0x1b8: {  	[hbm4b:s21+s11] =	stream.strided.scatter [tilespmem:s15], [sflag:$0x7], $0xC80, s12, s11, $0x38;
	v63 =	vld [tilespmem:$0x0]  }
0x1b9: {  	s22 =	sadd.s32 $0xFFFFE780, s2;
	s5 =	simm.s32 $0x14480  }
0x1ba: {  	[hbm4b:s22+s11] =	stream.strided.scatter [tilespmem:s5], [sflag:$0x7], $0xC80, s12, s11, $0x38;
	v63 =	vld [tilespmem:$0x0]  }
0x1bb: {  	s24 =	sadd.s32 $0xFFFFEB00, s2;
	s13 =	simm.s32 $0x15100  }
0x1bc: {  	[hbm4b:s24+s11] =	stream.strided.scatter [tilespmem:s13], [sflag:$0x7], $0xC80, s12, s11, $0x38;
	v63 =	vld [tilespmem:$0x0]  }
0x1bd: {  	s31 =	sadd.s32 $0xFFFFEE80, s2;
	s4 =	simm.s32 $0x15D80  }
0x1be: {  	[hbm4b:s31+s11] =	stream.strided.scatter [tilespmem:s4], [sflag:$0x7], $0xC80, s12, s11, $0x38;
	v63 =	vld [tilespmem:$0x0]  }
0x1bf: {  	s0 =	sadd.s32 $0xFFFFF200, s2;
	s9 =	simm.s32 $0x16A00  }
0x1c0: {  	[hbm4b:s0+s11] =	stream.strided.scatter [tilespmem:s9], [sflag:$0x7], $0xC80, s12, s11, $0x38;
	v63 =	vld [tilespmem:$0x0]  }
0x1c1: {  	s21 =	sadd.s32 $0xFFFFF580, s2;
	s0 =	simm.s32 $0x17680  }
0x1c2: {  	[hbm4b:s21+s11] =	stream.strided.scatter [tilespmem:s0], [sflag:$0x7], $0xC80, s12, s11, $0x38;
	v63 =	vld [tilespmem:$0x0]  }
0x1c3: {  	s22 =	sadd.s32 $0xFFFFF900, s2;
	s21 =	simm.s32 $0x18300  }
0x1c4: {  	[hbm4b:s22+s11] =	stream.strided.scatter [tilespmem:s21], [sflag:$0x7], $0xC80, s12, s11, $0x38;
	v63 =	vld [tilespmem:$0x0]  }
0x1c5: {  	s24 =	sadd.s32 $0xFFFFFC80, s2;
	s31 =	simm.s32 $0x18F80  }
0x1c6: {  	[hbm4b:s24+s11] =	stream.strided.scatter [tilespmem:s31], [sflag:$0x7], $0xC80, s12, s11, $0x38;
	v63 =	vld [tilespmem:$0x0]  }
0x1c7: {  	_ =	swait.ge [sflag:s25], $0x6400  }
0x1c8: {  	[sflag:s25] =	ssyncset.done $0x0  }
0x1c9: {  	s24 =	simm.s32 $0xFC0;
	[sflag:s25] =	ssyncadd.s32 $0xFFFF9C00;
	s25 =	simm.s32 $0xD400  }
0x1ca: {  	[tilespmem:s25], [sflag:$0x2] =	stream.indirect.gather [hbm4b:s3+s16], $0x40, s24, s16, $0xb8;
	v63 =	vld [tilespmem:$0x0]  }
0x1cb: {  	s14 =	simm.s32 $0xE080;
	s31 =	simm.s32 $0xFF8  }
0x1cc: {  	[tilespmem:s14], [sflag:$0x2] =	stream.indirect.gather [hbm4b:s3+s16], $0x40, s31, s16, $0xb8;
	v63 =	vld [tilespmem:$0x0]  }
0x1cd: {  	s14 =	simm.s32 $0x1030  }
0x1ce: {  	[tilespmem:s8], [sflag:$0x2] =	stream.indirect.gather [hbm4b:s3+s16], $0x40, s14, s16, $0xb8;
	v63 =	vld [tilespmem:$0x0]  }
0x1cf: {  	s22 =	simm.s32 $0x1068  }
0x1d0: {  	[tilespmem:s20], [sflag:$0x2] =	stream.indirect.gather [hbm4b:s3+s16], $0x40, s22, s16, $0xb8;
	v63 =	vld [tilespmem:$0x0]  }
0x1d1: {  	s24 =	simm.s32 $0x10A0  }
0x1d2: {  	[tilespmem:s19], [sflag:$0x2] =	stream.indirect.gather [hbm4b:s3+s16], $0x40, s24, s16, $0xb8;
	v63 =	vld [tilespmem:$0x0]  }
0x1d3: {  	s25 =	simm.s32 $0x10D8  }
0x1d4: {  	[tilespmem:s7], [sflag:$0x2] =	stream.indirect.gather [hbm4b:s3+s16], $0x40, s25, s16, $0xb8;
	v63 =	vld [tilespmem:$0x0]  }
0x1d5: {  	s31 =	simm.s32 $0x1110  }
0x1d6: {  	[tilespmem:s17], [sflag:$0x2] =	stream.indirect.gather [hbm4b:s3+s16], $0x40, s31, s16, $0xb8;
	v63 =	vld [tilespmem:$0x0]  }
0x1d7: {  	s7 =	simm.s32 $0x1148  }
0x1d8: {  	[tilespmem:s6], [sflag:$0x2] =	stream.indirect.gather [hbm4b:s3+s16], $0x40, s7, s16, $0xb8;
	v63 =	vld [tilespmem:$0x0]  }
0x1d9: {  	_ =	swait.ge [sflag:s26], $0xC80  }
0x1da: {  	[sflag:s26] =	ssyncset.done $0x0  }
0x1db: {  	[sflag:s26] =	ssyncadd.s32 $0xFFFFF380  }
0x1dc: {  	_ =	swait.ge [sflag:s26], $0xC80  }
0x1dd: {  	[sflag:s26] =	ssyncset.done $0x0  }
0x1de: {  	[sflag:s26] =	ssyncadd.s32 $0xFFFFF380  }
0x1df: {  	_ =	swait.ge [sflag:s26], $0xC80  }
0x1e0: {  	[sflag:s26] =	ssyncset.done $0x0  }
0x1e1: {  	[sflag:s26] =	ssyncadd.s32 $0xFFFFF380  }
0x1e2: {  	_ =	swait.ge [sflag:s26], $0xC80  }
0x1e3: {  	[sflag:s26] =	ssyncset.done $0x0  }
0x1e4: {  	[sflag:s26] =	ssyncadd.s32 $0xFFFFF380  }
0x1e5: {  	_ =	swait.ge [sflag:s26], $0xC80  }
0x1e6: {  	[sflag:s26] =	ssyncset.done $0x0  }
0x1e7: {  	[sflag:s26] =	ssyncadd.s32 $0xFFFFF380  }
0x1e8: {  	_ =	swait.ge [sflag:s26], $0xC80  }
0x1e9: {  	[sflag:s26] =	ssyncset.done $0x0  }
0x1ea: {  	[sflag:s26] =	ssyncadd.s32 $0xFFFFF380  }
0x1eb: {  	_ =	swait.ge [sflag:s26], $0xC80  }
0x1ec: {  	[sflag:s26] =	ssyncset.done $0x0  }
0x1ed: {  	[sflag:s26] =	ssyncadd.s32 $0xFFFFF380  }
0x1ee: {  	_ =	swait.ge [sflag:s26], $0xC80  }
0x1ef: {  	[sflag:s26] =	ssyncset.done $0x0  }
0x1f0: {  	s8 =	simm.s32 $0x19C00;
	[sflag:s26] =	ssyncadd.s32 $0xFFFFF380  }
0x1f1: {  	[hbm4b:s2+s11] =	stream.strided.scatter [tilespmem:s8], [sflag:$0x8], $0xC80, s12, s11, $0x38;
	v63 =	vld [tilespmem:$0x0]  }
0x1f2: {  	s14 =	sadd.s32 $0x380, s2;
	s17 =	simm.s32 $0x1A880  }
0x1f3: {  	[hbm4b:s14+s11] =	stream.strided.scatter [tilespmem:s17], [sflag:$0x8], $0xC80, s12, s11, $0x38;
	v63 =	vld [tilespmem:$0x0]  }
0x1f4: {  	s20 =	simm.s32 $0x1B500;
	s19 =	sadd.s32 $0x700, s2  }
0x1f5: {  	[hbm4b:s19+s11] =	stream.strided.scatter [tilespmem:s20], [sflag:$0x8], $0xC80, s12, s11, $0x38;
	v63 =	vld [tilespmem:$0x0]  }
0x1f6: {  	s22 =	sadd.s32 $0xA80, s2;
	s24 =	simm.s32 $0x1C180  }
0x1f7: {  	[hbm4b:s22+s11] =	stream.strided.scatter [tilespmem:s24], [sflag:$0x8], $0xC80, s12, s11, $0x38;
	v63 =	vld [tilespmem:$0x0]  }
0x1f8: {  	s25 =	sadd.s32 $0xE00, s2;
	s31 =	simm.s32 $0x1CE00  }
0x1f9: {  	[hbm4b:s25+s11] =	stream.strided.scatter [tilespmem:s31], [sflag:$0x8], $0xC80, s12, s11, $0x38;
	v63 =	vld [tilespmem:$0x0]  }
0x1fa: {  	s7 =	sadd.s32 $0x1180, s2;
	s8 =	simm.s32 $0x1DA80  }
0x1fb: {  	[hbm4b:s7+s11] =	stream.strided.scatter [tilespmem:s8], [sflag:$0x8], $0xC80, s12, s11, $0x38;
	v63 =	vld [tilespmem:$0x0]  }
0x1fc: {  	s14 =	sadd.s32 $0x1500, s2;
	s17 =	simm.s32 $0x1E700  }
0x1fd: {  	[hbm4b:s14+s11] =	stream.strided.scatter [tilespmem:s17], [sflag:$0x8], $0xC80, s12, s11, $0x38;
	v63 =	vld [tilespmem:$0x0]  }
0x1fe: {  	s23 =	simm.s32 $0x1F380;
	s19 =	sadd.s32 $0x1880, s2  }
0x1ff: {  	[hbm4b:s19+s11] =	stream.strided.scatter [tilespmem:s23], [sflag:$0x8], $0xC80, s12, s11, $0x38;
	v63 =	vld [tilespmem:$0x0]  }
0x200: {  	_ =	swait.ge [sflag:s28], $0x6400  }
0x201: {  	[sflag:s28] =	ssyncset.done $0x0  }
0x202: {  	s20 =	simm.s32 $0x1180;
	[sflag:s28] =	ssyncadd.s32 $0xFFFF9C00  }
0x203: {  	[tilespmem:s15], [sflag:$0x3] =	stream.indirect.gather [hbm4b:s3+s16], $0x40, s20, s16, $0xb8;
	v63 =	vld [tilespmem:$0x0]  }
0x204: {  	s22 =	simm.s32 $0x11B8  }
0x205: {  	[tilespmem:s5], [sflag:$0x3] =	stream.indirect.gather [hbm4b:s3+s16], $0x40, s22, s16, $0xb8;
	v63 =	vld [tilespmem:$0x0]  }
0x206: {  	s23 =	simm.s32 $0x11F0  }
0x207: {  	[tilespmem:s13], [sflag:$0x3] =	stream.indirect.gather [hbm4b:s3+s16], $0x40, s23, s16, $0xb8;
	v63 =	vld [tilespmem:$0x0]  }
0x208: {  	s24 =	simm.s32 $0x1228  }
0x209: {  	[tilespmem:s4], [sflag:$0x3] =	stream.indirect.gather [hbm4b:s3+s16], $0x40, s24, s16, $0xb8;
	v63 =	vld [tilespmem:$0x0]  }
0x20a: {  	s25 =	simm.s32 $0x1260  }
0x20b: {  	[tilespmem:s9], [sflag:$0x3] =	stream.indirect.gather [hbm4b:s3+s16], $0x40, s25, s16, $0xb8;
	v63 =	vld [tilespmem:$0x0]  }
0x20c: {  	s1 =	simm.s32 $0x1308;
	s28 =	simm.s32 $0x1298  }
0x20d: {  	[tilespmem:s0], [sflag:$0x3] =	stream.indirect.gather [hbm4b:s3+s16], $0x40, s28, s16, $0xb8;
	v63 =	vld [tilespmem:$0x0]  }
0x20e: {  	s29 =	simm.s32 $0x1C00;
	s31 =	simm.s32 $0x12D0;
	s24 =	sadd.s32 $0x7000, s2  }
0x20f: {  	[tilespmem:s21], [sflag:$0x3] =	stream.indirect.gather [hbm4b:s3+s16], $0x40, s31, s16, $0xb8;
	v63 =	vld [tilespmem:$0x0]  }
.LBB2_2:
0x210: {  	s0 =	simm.s32 $0x18F80  }
0x211: {  	[tilespmem:s0], [sflag:$0x3] =	stream.indirect.gather [hbm4b:s3+s16], $0x40, s1, s16, $0xb8;
	v63 =	vld [tilespmem:$0x0]  }
0x212: {  	s1 =	smov.u32 s29  }
0x213: {  	p0 =	sne.s32 s29, $0x16C00;
	s29 =	sadd.s32 $0x1C00, s29;
	_ =	swait.ge [sflag:s10], $0xC80  }
0x214: {  	[sflag:s10] =	ssyncset.done $0x0  }
0x215: {  	[sflag:s10] =	ssyncadd.s32 $0xFFFFF380  }
0x216: {  	_ =	swait.ge [sflag:s10], $0xC80  }
0x217: {  	[sflag:s10] =	ssyncset.done $0x0  }
0x218: {  	[sflag:s10] =	ssyncadd.s32 $0xFFFFF380  }
0x219: {  	_ =	swait.ge [sflag:s10], $0xC80  }
0x21a: {  	[sflag:s10] =	ssyncset.done $0x0  }
0x21b: {  	[sflag:s10] =	ssyncadd.s32 $0xFFFFF380  }
0x21c: {  	_ =	swait.ge [sflag:s10], $0xC80  }
0x21d: {  	[sflag:s10] =	ssyncset.done $0x0  }
0x21e: {  	[sflag:s10] =	ssyncadd.s32 $0xFFFFF380  }
0x21f: {  	_ =	swait.ge [sflag:s10], $0xC80  }
0x220: {  	[sflag:s10] =	ssyncset.done $0x0  }
0x221: {  	[sflag:s10] =	ssyncadd.s32 $0xFFFFF380  }
0x222: {  	_ =	swait.ge [sflag:s10], $0xC80  }
0x223: {  	[sflag:s10] =	ssyncset.done $0x0  }
0x224: {  	[sflag:s10] =	ssyncadd.s32 $0xFFFFF380  }
0x225: {  	_ =	swait.ge [sflag:s10], $0xC80  }
0x226: {  	[sflag:s10] =	ssyncset.done $0x0  }
0x227: {  	[sflag:s10] =	ssyncadd.s32 $0xFFFFF380  }
0x228: {  	_ =	swait.ge [sflag:s10], $0xC80  }
0x229: {  	[sflag:s10] =	ssyncset.done $0x0  }
0x22a: {  	s2 =	sadd.s32 $0xFFFFAC00, s24;
	s13 =	simm.s32 $0x7000;
	[sflag:s10] =	ssyncadd.s32 $0xFFFFF380  }
0x22b: {  	[hbm4b:s2+s11] =	stream.strided.scatter [tilespmem:s13], [sflag:$0x5], $0xC80, s12, s11, $0x38;
	v63 =	vld [tilespmem:$0x0]  }
0x22c: {  	s15 =	simm.s32 $0x7C80;
	s2 =	sadd.s32 $0xFFFFAF80, s24  }
0x22d: {  	[hbm4b:s2+s11] =	stream.strided.scatter [tilespmem:s15], [sflag:$0x5], $0xC80, s12, s11, $0x38;
	v63 =	vld [tilespmem:$0x0]  }
0x22e: {  	s6 =	simm.s32 $0x8900;
	s2 =	sadd.s32 $0xFFFFB300, s24  }
0x22f: {  	[hbm4b:s2+s11] =	stream.strided.scatter [tilespmem:s6], [sflag:$0x5], $0xC80, s12, s11, $0x38;
	v63 =	vld [tilespmem:$0x0]  }
0x230: {  	s7 =	simm.s32 $0x9580;
	s2 =	sadd.s32 $0xFFFFB680, s24  }
0x231: {  	[hbm4b:s2+s11] =	stream.strided.scatter [tilespmem:s7], [sflag:$0x5], $0xC80, s12, s11, $0x38;
	v63 =	vld [tilespmem:$0x0]  }
0x232: {  	s8 =	simm.s32 $0xA200;
	s2 =	sadd.s32 $0xFFFFBA00, s24  }
0x233: {  	[hbm4b:s2+s11] =	stream.strided.scatter [tilespmem:s8], [sflag:$0x5], $0xC80, s12, s11, $0x38;
	v63 =	vld [tilespmem:$0x0]  }
0x234: {  	s9 =	simm.s32 $0xAE80;
	s2 =	sadd.s32 $0xFFFFBD80, s24  }
0x235: {  	[hbm4b:s2+s11] =	stream.strided.scatter [tilespmem:s9], [sflag:$0x5], $0xC80, s12, s11, $0x38;
	v63 =	vld [tilespmem:$0x0]  }
0x236: {  	s5 =	simm.s32 $0xBB00;
	s2 =	sadd.s32 $0xFFFFC100, s24  }
0x237: {  	[hbm4b:s2+s11] =	stream.strided.scatter [tilespmem:s5], [sflag:$0x5], $0xC80, s12, s11, $0x38;
	v63 =	vld [tilespmem:$0x0]  }
0x238: {  	s14 =	simm.s32 $0xC780;
	s0 =	simm.s32 $0x8;
	s2 =	sadd.s32 $0xFFFFC480, s24  }
0x239: {  	[hbm4b:s2+s11] =	stream.strided.scatter [tilespmem:s14], [sflag:$0x5], $0xC80, s12, s11, $0x38;
	v63 =	vld [tilespmem:$0x0]  }
0x23a: {  	_ =	swait.ge [sflag:s0], $0x6400  }
0x23b: {  	s1 =	sshra.s32 s1, $0x2;
	[sflag:s0] =	ssyncset.done $0x0  }
0x23c: {  	s2 =	sadd.s32 $0xC40, s1;
	[sflag:s0] =	ssyncadd.s32 $0xFFFF9C00;
	s0 =	simm.s32 $0x19C00  }
0x23d: {  	[tilespmem:s0], [sflag:$0x4] =	stream.indirect.gather [hbm4b:s3+s16], $0x40, s2, s16, $0xb8;
	v63 =	vld [tilespmem:$0x0]  }
0x23e: {  	s2 =	sadd.s32 $0xC78, s1;
	s0 =	simm.s32 $0x1A880  }
0x23f: {  	[tilespmem:s0], [sflag:$0x4] =	stream.indirect.gather [hbm4b:s3+s16], $0x40, s2, s16, $0xb8;
	v63 =	vld [tilespmem:$0x0]  }
0x240: {  	s2 =	sadd.s32 $0xCB0, s1;
	s0 =	simm.s32 $0x1B500  }
0x241: {  	[tilespmem:s0], [sflag:$0x4] =	stream.indirect.gather [hbm4b:s3+s16], $0x40, s2, s16, $0xb8;
	v63 =	vld [tilespmem:$0x0]  }
0x242: {  	s2 =	sadd.s32 $0xCE8, s1;
	s0 =	simm.s32 $0x1C180  }
0x243: {  	[tilespmem:s0], [sflag:$0x4] =	stream.indirect.gather [hbm4b:s3+s16], $0x40, s2, s16, $0xb8;
	v63 =	vld [tilespmem:$0x0]  }
0x244: {  	s2 =	sadd.s32 $0xD20, s1;
	s0 =	simm.s32 $0x1CE00  }
0x245: {  	[tilespmem:s0], [sflag:$0x4] =	stream.indirect.gather [hbm4b:s3+s16], $0x40, s2, s16, $0xb8;
	v63 =	vld [tilespmem:$0x0]  }
0x246: {  	s2 =	sadd.s32 $0xD58, s1;
	s0 =	simm.s32 $0x1DA80  }
0x247: {  	[tilespmem:s0], [sflag:$0x4] =	stream.indirect.gather [hbm4b:s3+s16], $0x40, s2, s16, $0xb8;
	v63 =	vld [tilespmem:$0x0]  }
0x248: {  	s2 =	sadd.s32 $0xD90, s1;
	s0 =	simm.s32 $0x1E700  }
0x249: {  	[tilespmem:s0], [sflag:$0x4] =	stream.indirect.gather [hbm4b:s3+s16], $0x40, s2, s16, $0xb8;
	v63 =	vld [tilespmem:$0x0]  }
0x24a: {  	s2 =	sadd.s32 $0xDC8, s1;
	s0 =	simm.s32 $0x1F380  }
0x24b: {  	[tilespmem:s0], [sflag:$0x4] =	stream.indirect.gather [hbm4b:s3+s16], $0x40, s2, s16, $0xb8;
	v63 =	vld [tilespmem:$0x0]  }
0x24c: {  	_ =	swait.ge [sflag:s30], $0xC80  }
0x24d: {  	[sflag:s30] =	ssyncset.done $0x0  }
0x24e: {  	[sflag:s30] =	ssyncadd.s32 $0xFFFFF380  }
0x24f: {  	_ =	swait.ge [sflag:s30], $0xC80  }
0x250: {  	[sflag:s30] =	ssyncset.done $0x0  }
0x251: {  	[sflag:s30] =	ssyncadd.s32 $0xFFFFF380  }
0x252: {  	_ =	swait.ge [sflag:s30], $0xC80  }
0x253: {  	[sflag:s30] =	ssyncset.done $0x0  }
0x254: {  	[sflag:s30] =	ssyncadd.s32 $0xFFFFF380  }
0x255: {  	_ =	swait.ge [sflag:s30], $0xC80  }
0x256: {  	[sflag:s30] =	ssyncset.done $0x0  }
0x257: {  	[sflag:s30] =	ssyncadd.s32 $0xFFFFF380  }
0x258: {  	_ =	swait.ge [sflag:s30], $0xC80  }
0x259: {  	[sflag:s30] =	ssyncset.done $0x0  }
0x25a: {  	[sflag:s30] =	ssyncadd.s32 $0xFFFFF380  }
0x25b: {  	_ =	swait.ge [sflag:s30], $0xC80  }
0x25c: {  	[sflag:s30] =	ssyncset.done $0x0  }
0x25d: {  	[sflag:s30] =	ssyncadd.s32 $0xFFFFF380  }
0x25e: {  	_ =	swait.ge [sflag:s30], $0xC80  }
0x25f: {  	[sflag:s30] =	ssyncset.done $0x0  }
0x260: {  	[sflag:s30] =	ssyncadd.s32 $0xFFFFF380  }
0x261: {  	_ =	swait.ge [sflag:s30], $0xC80  }
0x262: {  	[sflag:s30] =	ssyncset.done $0x0  }
0x263: {  	s17 =	simm.s32 $0xD400;
	s2 =	sadd.s32 $0xFFFFC800, s24;
	[sflag:s30] =	ssyncadd.s32 $0xFFFFF380  }
0x264: {  	[hbm4b:s2+s11] =	stream.strided.scatter [tilespmem:s17], [sflag:$0x6], $0xC80, s12, s11, $0x38;
	v63 =	vld [tilespmem:$0x0]  }
0x265: {  	s19 =	simm.s32 $0xE080;
	s2 =	sadd.s32 $0xFFFFCB80, s24  }
0x266: {  	[hbm4b:s2+s11] =	stream.strided.scatter [tilespmem:s19], [sflag:$0x6], $0xC80, s12, s11, $0x38;
	v63 =	vld [tilespmem:$0x0]  }
0x267: {  	s21 =	simm.s32 $0xED00;
	s2 =	sadd.s32 $0xFFFFCF00, s24  }
0x268: {  	[hbm4b:s2+s11] =	stream.strided.scatter [tilespmem:s21], [sflag:$0x6], $0xC80, s12, s11, $0x38;
	v63 =	vld [tilespmem:$0x0]  }
0x269: {  	s23 =	simm.s32 $0xF980;
	s2 =	sadd.s32 $0xFFFFD280, s24  }
0x26a: {  	[hbm4b:s2+s11] =	stream.strided.scatter [tilespmem:s23], [sflag:$0x6], $0xC80, s12, s11, $0x38;
	v63 =	vld [tilespmem:$0x0]  }
0x26b: {  	s25 =	simm.s32 $0x10600;
	s2 =	sadd.s32 $0xFFFFD600, s24  }
0x26c: {  	[hbm4b:s2+s11] =	stream.strided.scatter [tilespmem:s25], [sflag:$0x6], $0xC80, s12, s11, $0x38;
	v63 =	vld [tilespmem:$0x0]  }
0x26d: {  	s28 =	simm.s32 $0x11280;
	s2 =	sadd.s32 $0xFFFFD980, s24  }
0x26e: {  	[hbm4b:s2+s11] =	stream.strided.scatter [tilespmem:s28], [sflag:$0x6], $0xC80, s12, s11, $0x38;
	v63 =	vld [tilespmem:$0x0]  }
0x26f: {  	s0 =	simm.s32 $0x11F00;
	s2 =	sadd.s32 $0xFFFFDD00, s24  }
0x270: {  	[hbm4b:s2+s11] =	stream.strided.scatter [tilespmem:s0], [sflag:$0x6], $0xC80, s12, s11, $0x38;
	v63 =	vld [tilespmem:$0x0]  }
0x271: {  	s22 =	simm.s32 $0x12B80;
	s2 =	sadd.s32 $0xFFFFE080, s24  }
0x272: {  	[hbm4b:s2+s11] =	stream.strided.scatter [tilespmem:s22], [sflag:$0x6], $0xC80, s12, s11, $0x38;
	v63 =	vld [tilespmem:$0x0]  }
0x273: {  	s2 =	simm.s32 $0x5  }
0x274: {  	_ =	swait.ge [sflag:s2], $0x6400  }
0x275: {  	[sflag:s2] =	ssyncset.done $0x0  }
0x276: {  	[sflag:s2] =	ssyncadd.s32 $0xFFFF9C00;
	s2 =	sadd.s32 $0xE00, s1  }
0x277: {  	[tilespmem:s13], [sflag:$0x1] =	stream.indirect.gather [hbm4b:s3+s16], $0x40, s2, s16, $0xb8;
	v63 =	vld [tilespmem:$0x0]  }
0x278: {  	s2 =	sadd.s32 $0xE38, s1  }
0x279: {  	[tilespmem:s15], [sflag:$0x1] =	stream.indirect.gather [hbm4b:s3+s16], $0x40, s2, s16, $0xb8;
	v63 =	vld [tilespmem:$0x0]  }
0x27a: {  	s2 =	sadd.s32 $0xE70, s1  }
0x27b: {  	[tilespmem:s6], [sflag:$0x1] =	stream.indirect.gather [hbm4b:s3+s16], $0x40, s2, s16, $0xb8;
	v63 =	vld [tilespmem:$0x0]  }
0x27c: {  	s2 =	sadd.s32 $0xEA8, s1  }
0x27d: {  	[tilespmem:s7], [sflag:$0x1] =	stream.indirect.gather [hbm4b:s3+s16], $0x40, s2, s16, $0xb8;
	v63 =	vld [tilespmem:$0x0]  }
0x27e: {  	s2 =	sadd.s32 $0xEE0, s1  }
0x27f: {  	[tilespmem:s8], [sflag:$0x1] =	stream.indirect.gather [hbm4b:s3+s16], $0x40, s2, s16, $0xb8;
	v63 =	vld [tilespmem:$0x0]  }
0x280: {  	s2 =	sadd.s32 $0xF18, s1  }
0x281: {  	[tilespmem:s9], [sflag:$0x1] =	stream.indirect.gather [hbm4b:s3+s16], $0x40, s2, s16, $0xb8;
	v63 =	vld [tilespmem:$0x0]  }
0x282: {  	s2 =	sadd.s32 $0xF50, s1  }
0x283: {  	[tilespmem:s5], [sflag:$0x1] =	stream.indirect.gather [hbm4b:s3+s16], $0x40, s2, s16, $0xb8;
	v63 =	vld [tilespmem:$0x0]  }
0x284: {  	s2 =	sadd.s32 $0xF88, s1;
	s5 =	simm.s32 $0xC780  }
0x285: {  	[tilespmem:s14], [sflag:$0x1] =	stream.indirect.gather [hbm4b:s3+s16], $0x40, s2, s16, $0xb8;
	v63 =	vld [tilespmem:$0x0]  }
0x286: {  	_ =	swait.ge [sflag:s18], $0xC80  }
0x287: {  	[sflag:s18] =	ssyncset.done $0x0  }
0x288: {  	[sflag:s18] =	ssyncadd.s32 $0xFFFFF380  }
0x289: {  	_ =	swait.ge [sflag:s18], $0xC80  }
0x28a: {  	[sflag:s18] =	ssyncset.done $0x0  }
0x28b: {  	[sflag:s18] =	ssyncadd.s32 $0xFFFFF380  }
0x28c: {  	_ =	swait.ge [sflag:s18], $0xC80  }
0x28d: {  	[sflag:s18] =	ssyncset.done $0x0  }
0x28e: {  	[sflag:s18] =	ssyncadd.s32 $0xFFFFF380  }
0x28f: {  	_ =	swait.ge [sflag:s18], $0xC80  }
0x290: {  	[sflag:s18] =	ssyncset.done $0x0  }
0x291: {  	[sflag:s18] =	ssyncadd.s32 $0xFFFFF380  }
0x292: {  	_ =	swait.ge [sflag:s18], $0xC80  }
0x293: {  	[sflag:s18] =	ssyncset.done $0x0  }
0x294: {  	[sflag:s18] =	ssyncadd.s32 $0xFFFFF380  }
0x295: {  	_ =	swait.ge [sflag:s18], $0xC80  }
0x296: {  	[sflag:s18] =	ssyncset.done $0x0  }
0x297: {  	[sflag:s18] =	ssyncadd.s32 $0xFFFFF380  }
0x298: {  	_ =	swait.ge [sflag:s18], $0xC80  }
0x299: {  	[sflag:s18] =	ssyncset.done $0x0  }
0x29a: {  	[sflag:s18] =	ssyncadd.s32 $0xFFFFF380  }
0x29b: {  	_ =	swait.ge [sflag:s18], $0xC80  }
0x29c: {  	[sflag:s18] =	ssyncset.done $0x0  }
0x29d: {  	s31 =	simm.s32 $0x13800;
	s2 =	sadd.s32 $0xFFFFE400, s24;
	[sflag:s18] =	ssyncadd.s32 $0xFFFFF380  }
0x29e: {  	[hbm4b:s2+s11] =	stream.strided.scatter [tilespmem:s31], [sflag:$0x7], $0xC80, s12, s11, $0x38;
	v63 =	vld [tilespmem:$0x0]  }
0x29f: {  	s20 =	simm.s32 $0x14480;
	s2 =	sadd.s32 $0xFFFFE780, s24  }
0x2a0: {  	[hbm4b:s2+s11] =	stream.strided.scatter [tilespmem:s20], [sflag:$0x7], $0xC80, s12, s11, $0x38;
	v63 =	vld [tilespmem:$0x0]  }
0x2a1: {  	s4 =	simm.s32 $0x15100;
	s2 =	sadd.s32 $0xFFFFEB00, s24  }
0x2a2: {  	[hbm4b:s2+s11] =	stream.strided.scatter [tilespmem:s4], [sflag:$0x7], $0xC80, s12, s11, $0x38;
	v63 =	vld [tilespmem:$0x0]  }
0x2a3: {  	s13 =	simm.s32 $0x15D80;
	s2 =	sadd.s32 $0xFFFFEE80, s24  }
0x2a4: {  	[hbm4b:s2+s11] =	stream.strided.scatter [tilespmem:s13], [sflag:$0x7], $0xC80, s12, s11, $0x38;
	v63 =	vld [tilespmem:$0x0]  }
0x2a5: {  	s15 =	simm.s32 $0x16A00;
	s2 =	sadd.s32 $0xFFFFF200, s24  }
0x2a6: {  	[hbm4b:s2+s11] =	stream.strided.scatter [tilespmem:s15], [sflag:$0x7], $0xC80, s12, s11, $0x38;
	v63 =	vld [tilespmem:$0x0]  }
0x2a7: {  	s7 =	simm.s32 $0x17680;
	s2 =	sadd.s32 $0xFFFFF580, s24  }
0x2a8: {  	[hbm4b:s2+s11] =	stream.strided.scatter [tilespmem:s7], [sflag:$0x7], $0xC80, s12, s11, $0x38;
	v63 =	vld [tilespmem:$0x0]  }
0x2a9: {  	s8 =	simm.s32 $0x18300;
	s2 =	sadd.s32 $0xFFFFF900, s24  }
0x2aa: {  	[hbm4b:s2+s11] =	stream.strided.scatter [tilespmem:s8], [sflag:$0x7], $0xC80, s12, s11, $0x38;
	v63 =	vld [tilespmem:$0x0]  }
0x2ab: {  	s6 =	simm.s32 $0x18F80;
	s2 =	sadd.s32 $0xFFFFFC80, s24  }
0x2ac: {  	[hbm4b:s2+s11] =	stream.strided.scatter [tilespmem:s6], [sflag:$0x7], $0xC80, s12, s11, $0x38;
	v63 =	vld [tilespmem:$0x0]  }
0x2ad: {  	s2 =	simm.s32 $0x6  }
0x2ae: {  	_ =	swait.ge [sflag:s2], $0x6400  }
0x2af: {  	[sflag:s2] =	ssyncset.done $0x0  }
0x2b0: {  	s14 =	simm.s32 $0xD400;
	[sflag:s2] =	ssyncadd.s32 $0xFFFF9C00;
	s2 =	sadd.s32 $0xFC0, s1  }
0x2b1: {  	[tilespmem:s17], [sflag:$0x2] =	stream.indirect.gather [hbm4b:s3+s16], $0x40, s2, s16, $0xb8;
	v63 =	vld [tilespmem:$0x0]  }
0x2b2: {  	s2 =	sadd.s32 $0xFF8, s1;
	s17 =	simm.s32 $0xE080  }
0x2b3: {  	[tilespmem:s19], [sflag:$0x2] =	stream.indirect.gather [hbm4b:s3+s16], $0x40, s2, s16, $0xb8;
	v63 =	vld [tilespmem:$0x0]  }
0x2b4: {  	s2 =	sadd.s32 $0x1030, s1;
	s19 =	simm.s32 $0xED00  }
0x2b5: {  	[tilespmem:s21], [sflag:$0x2] =	stream.indirect.gather [hbm4b:s3+s16], $0x40, s2, s16, $0xb8;
	v63 =	vld [tilespmem:$0x0]  }
0x2b6: {  	s2 =	sadd.s32 $0x1068, s1;
	s21 =	simm.s32 $0xF980  }
0x2b7: {  	[tilespmem:s23], [sflag:$0x2] =	stream.indirect.gather [hbm4b:s3+s16], $0x40, s2, s16, $0xb8;
	v63 =	vld [tilespmem:$0x0]  }
0x2b8: {  	s2 =	sadd.s32 $0x10A0, s1;
	s23 =	simm.s32 $0x10600  }
0x2b9: {  	[tilespmem:s25], [sflag:$0x2] =	stream.indirect.gather [hbm4b:s3+s16], $0x40, s2, s16, $0xb8;
	v63 =	vld [tilespmem:$0x0]  }
0x2ba: {  	s2 =	sadd.s32 $0x10D8, s1;
	s25 =	simm.s32 $0x11280  }
0x2bb: {  	[tilespmem:s28], [sflag:$0x2] =	stream.indirect.gather [hbm4b:s3+s16], $0x40, s2, s16, $0xb8;
	v63 =	vld [tilespmem:$0x0]  }
0x2bc: {  	s2 =	sadd.s32 $0x1110, s1;
	s28 =	simm.s32 $0x11F00  }
0x2bd: {  	[tilespmem:s0], [sflag:$0x2] =	stream.indirect.gather [hbm4b:s3+s16], $0x40, s2, s16, $0xb8;
	v63 =	vld [tilespmem:$0x0]  }
0x2be: {  	s2 =	sadd.s32 $0x1148, s1;
	s0 =	simm.s32 $0x12B80  }
0x2bf: {  	[tilespmem:s22], [sflag:$0x2] =	stream.indirect.gather [hbm4b:s3+s16], $0x40, s2, s16, $0xb8;
	v63 =	vld [tilespmem:$0x0]  }
0x2c0: {  	_ =	swait.ge [sflag:s26], $0xC80  }
0x2c1: {  	[sflag:s26] =	ssyncset.done $0x0  }
0x2c2: {  	[sflag:s26] =	ssyncadd.s32 $0xFFFFF380  }
0x2c3: {  	_ =	swait.ge [sflag:s26], $0xC80  }
0x2c4: {  	[sflag:s26] =	ssyncset.done $0x0  }
0x2c5: {  	[sflag:s26] =	ssyncadd.s32 $0xFFFFF380  }
0x2c6: {  	_ =	swait.ge [sflag:s26], $0xC80  }
0x2c7: {  	[sflag:s26] =	ssyncset.done $0x0  }
0x2c8: {  	[sflag:s26] =	ssyncadd.s32 $0xFFFFF380  }
0x2c9: {  	_ =	swait.ge [sflag:s26], $0xC80  }
0x2ca: {  	[sflag:s26] =	ssyncset.done $0x0  }
0x2cb: {  	[sflag:s26] =	ssyncadd.s32 $0xFFFFF380  }
0x2cc: {  	_ =	swait.ge [sflag:s26], $0xC80  }
0x2cd: {  	[sflag:s26] =	ssyncset.done $0x0  }
0x2ce: {  	[sflag:s26] =	ssyncadd.s32 $0xFFFFF380  }
0x2cf: {  	_ =	swait.ge [sflag:s26], $0xC80  }
0x2d0: {  	[sflag:s26] =	ssyncset.done $0x0  }
0x2d1: {  	[sflag:s26] =	ssyncadd.s32 $0xFFFFF380  }
0x2d2: {  	_ =	swait.ge [sflag:s26], $0xC80  }
0x2d3: {  	[sflag:s26] =	ssyncset.done $0x0  }
0x2d4: {  	[sflag:s26] =	ssyncadd.s32 $0xFFFFF380  }
0x2d5: {  	_ =	swait.ge [sflag:s26], $0xC80  }
0x2d6: {  	[sflag:s26] =	ssyncset.done $0x0  }
0x2d7: {  	s2 =	simm.s32 $0x19C00;
	[sflag:s26] =	ssyncadd.s32 $0xFFFFF380  }
0x2d8: {  	[hbm4b:s24+s11] =	stream.strided.scatter [tilespmem:s2], [sflag:$0x8], $0xC80, s12, s11, $0x38;
	v63 =	vld [tilespmem:$0x0]  }
0x2d9: {  	s6 =	simm.s32 $0x1A880;
	s2 =	sadd.s32 $0x380, s24  }
0x2da: {  	[hbm4b:s2+s11] =	stream.strided.scatter [tilespmem:s6], [sflag:$0x8], $0xC80, s12, s11, $0x38;
	v63 =	vld [tilespmem:$0x0]  }
0x2db: {  	s2 =	sadd.s32 $0x700, s24;
	s6 =	simm.s32 $0x1B500  }
0x2dc: {  	[hbm4b:s2+s11] =	stream.strided.scatter [tilespmem:s6], [sflag:$0x8], $0xC80, s12, s11, $0x38;
	v63 =	vld [tilespmem:$0x0]  }
0x2dd: {  	s2 =	sadd.s32 $0xA80, s24;
	s6 =	simm.s32 $0x1C180  }
0x2de: {  	[hbm4b:s2+s11] =	stream.strided.scatter [tilespmem:s6], [sflag:$0x8], $0xC80, s12, s11, $0x38;
	v63 =	vld [tilespmem:$0x0]  }
0x2df: {  	s2 =	sadd.s32 $0xE00, s24;
	s6 =	simm.s32 $0x1CE00  }
0x2e0: {  	[hbm4b:s2+s11] =	stream.strided.scatter [tilespmem:s6], [sflag:$0x8], $0xC80, s12, s11, $0x38;
	v63 =	vld [tilespmem:$0x0]  }
0x2e1: {  	s2 =	sadd.s32 $0x1180, s24;
	s6 =	simm.s32 $0x1DA80  }
0x2e2: {  	[hbm4b:s2+s11] =	stream.strided.scatter [tilespmem:s6], [sflag:$0x8], $0xC80, s12, s11, $0x38;
	v63 =	vld [tilespmem:$0x0]  }
0x2e3: {  	s2 =	sadd.s32 $0x1500, s24;
	s6 =	simm.s32 $0x1E700  }
0x2e4: {  	[hbm4b:s2+s11] =	stream.strided.scatter [tilespmem:s6], [sflag:$0x8], $0xC80, s12, s11, $0x38;
	v63 =	vld [tilespmem:$0x0]  }
0x2e5: {  	s2 =	sadd.s32 $0x1880, s24;
	s6 =	simm.s32 $0x1F380  }
0x2e6: {  	[hbm4b:s2+s11] =	stream.strided.scatter [tilespmem:s6], [sflag:$0x8], $0xC80, s12, s11, $0x38;
	v63 =	vld [tilespmem:$0x0]  }
0x2e7: {  	s2 =	simm.s32 $0x7  }
0x2e8: {  	_ =	swait.ge [sflag:s2], $0x6400  }
0x2e9: {  	[sflag:s2] =	ssyncset.done $0x0  }
0x2ea: {  	s22 =	simm.s32 $0x13800;
	[sflag:s2] =	ssyncadd.s32 $0xFFFF9C00;
	s2 =	sadd.s32 $0x1180, s1  }
0x2eb: {  	[tilespmem:s31], [sflag:$0x3] =	stream.indirect.gather [hbm4b:s3+s16], $0x40, s2, s16, $0xb8;
	v63 =	vld [tilespmem:$0x0]  }
0x2ec: {  	s2 =	sadd.s32 $0x11B8, s1;
	s31 =	simm.s32 $0x14480  }
0x2ed: {  	[tilespmem:s20], [sflag:$0x3] =	stream.indirect.gather [hbm4b:s3+s16], $0x40, s2, s16, $0xb8;
	v63 =	vld [tilespmem:$0x0]  }
0x2ee: {  	s2 =	sadd.s32 $0x11F0, s1;
	s20 =	simm.s32 $0x15100  }
0x2ef: {  	[tilespmem:s4], [sflag:$0x3] =	stream.indirect.gather [hbm4b:s3+s16], $0x40, s2, s16, $0xb8;
	v63 =	vld [tilespmem:$0x0]  }
0x2f0: {  	s2 =	sadd.s32 $0x1228, s1;
	s4 =	simm.s32 $0x15D80  }
0x2f1: {  	[tilespmem:s13], [sflag:$0x3] =	stream.indirect.gather [hbm4b:s3+s16], $0x40, s2, s16, $0xb8;
	v63 =	vld [tilespmem:$0x0]  }
0x2f2: {  	s6 =	simm.s32 $0x16A00;
	s2 =	sadd.s32 $0x1260, s1  }
0x2f3: {  	[tilespmem:s15], [sflag:$0x3] =	stream.indirect.gather [hbm4b:s3+s16], $0x40, s2, s16, $0xb8;
	v63 =	vld [tilespmem:$0x0]  }
.Ltmp0:
0x2f4: {  	s2 =	sadd.s32 $0x1298, s1;
	s15 =	simm.s32 $0x17680;
	(pc) =	sbr.rel @p0 .LBB2_2-.Ltmp0, $4  }
0x2f5: {  	[tilespmem:s7], [sflag:$0x3] =	stream.indirect.gather [hbm4b:s3+s16], $0x40, s2, s16, $0xb8;
	v63 =	vld [tilespmem:$0x0]  }
0x2f6: {  	s9 =	simm.s32 $0x18300;
	s2 =	sadd.s32 $0x12D0, s1  }
0x2f7: {  	[tilespmem:s8], [sflag:$0x3] =	stream.indirect.gather [hbm4b:s3+s16], $0x40, s2, s16, $0xb8;
	v63 =	vld [tilespmem:$0x0]  }
0x2f8: {  	s24 =	sadd.s32 $0x7000, s24;
	s1 =	sadd.s32 $0x1308, s1  }
0x2f9: {  	s2 =	simm.s32 $0x18F80  }
0x2fa: {  	[tilespmem:s2], [sflag:$0x3] =	stream.indirect.gather [hbm4b:s3+s16], $0x40, s1, s16, $0xb8;
	v63 =	vld [tilespmem:$0x0]  }
0x2fb: {  	_ =	swait.ge [sflag:s10], $0xC80  }
0x2fc: {  	[sflag:s10] =	ssyncset.done $0x0  }
0x2fd: {  	[sflag:s10] =	ssyncadd.s32 $0xFFFFF380  }
0x2fe: {  	_ =	swait.ge [sflag:s10], $0xC80  }
0x2ff: {  	[sflag:s10] =	ssyncset.done $0x0  }
0x300: {  	[sflag:s10] =	ssyncadd.s32 $0xFFFFF380  }
0x301: {  	_ =	swait.ge [sflag:s10], $0xC80  }
0x302: {  	[sflag:s10] =	ssyncset.done $0x0  }
0x303: {  	[sflag:s10] =	ssyncadd.s32 $0xFFFFF380  }
0x304: {  	_ =	swait.ge [sflag:s10], $0xC80  }
0x305: {  	[sflag:s10] =	ssyncset.done $0x0  }
0x306: {  	[sflag:s10] =	ssyncadd.s32 $0xFFFFF380  }
0x307: {  	_ =	swait.ge [sflag:s10], $0xC80  }
0x308: {  	[sflag:s10] =	ssyncset.done $0x0  }
0x309: {  	[sflag:s10] =	ssyncadd.s32 $0xFFFFF380  }
0x30a: {  	_ =	swait.ge [sflag:s10], $0xC80  }
0x30b: {  	[sflag:s10] =	ssyncset.done $0x0  }
0x30c: {  	[sflag:s10] =	ssyncadd.s32 $0xFFFFF380  }
0x30d: {  	_ =	swait.ge [sflag:s10], $0xC80  }
0x30e: {  	[sflag:s10] =	ssyncset.done $0x0  }
0x30f: {  	[sflag:s10] =	ssyncadd.s32 $0xFFFFF380  }
0x310: {  	_ =	swait.ge [sflag:s10], $0xC80  }
0x311: {  	[sflag:s10] =	ssyncset.done $0x0  }
0x312: {  	s24 =	simm.s32 $0x7000;
	s2 =	rddreg [dreg:$0x8];
	[sflag:s10] =	ssyncadd.s32 $0xFFFFF380  }
0x313: {  	[hbm4b:s2+s11] =	stream.strided.scatter [tilespmem:s24], [sflag:$0x5], $0xC80, s12, s11, $0x38;
	v63 =	vld [tilespmem:$0x0]  }
0x314: {  	s13 =	simm.s32 $0x7C80;
	s29 =	sadd.s32 $0x380, s2  }
0x315: {  	[hbm4b:s29+s11] =	stream.strided.scatter [tilespmem:s13], [sflag:$0x5], $0xC80, s12, s11, $0x38;
	v63 =	vld [tilespmem:$0x0]  }
0x316: {  	s8 =	simm.s32 $0x8900;
	s7 =	sadd.s32 $0x700, s2  }
0x317: {  	[hbm4b:s7+s11] =	stream.strided.scatter [tilespmem:s8], [sflag:$0x5], $0xC80, s12, s11, $0x38;
	v63 =	vld [tilespmem:$0x0]  }
0x318: {  	s24 =	simm.s32 $0x9580;
	s13 =	sadd.s32 $0xA80, s2  }
0x319: {  	[hbm4b:s13+s11] =	stream.strided.scatter [tilespmem:s24], [sflag:$0x5], $0xC80, s12, s11, $0x38;
	v63 =	vld [tilespmem:$0x0]  }
0x31a: {  	s29 =	sadd.s32 $0xE00, s2;
	s7 =	simm.s32 $0xA200  }
0x31b: {  	[hbm4b:s29+s11] =	stream.strided.scatter [tilespmem:s7], [sflag:$0x5], $0xC80, s12, s11, $0x38;
	v63 =	vld [tilespmem:$0x0]  }
0x31c: {  	s8 =	sadd.s32 $0x1180, s2;
	s13 =	simm.s32 $0xAE80  }
0x31d: {  	[hbm4b:s8+s11] =	stream.strided.scatter [tilespmem:s13], [sflag:$0x5], $0xC80, s12, s11, $0x38;
	v63 =	vld [tilespmem:$0x0]  }
0x31e: {  	s24 =	sadd.s32 $0x1500, s2;
	s29 =	simm.s32 $0xBB00  }
0x31f: {  	[hbm4b:s24+s11] =	stream.strided.scatter [tilespmem:s29], [sflag:$0x5], $0xC80, s12, s11, $0x38;
	v63 =	vld [tilespmem:$0x0]  }
0x320: {  	s7 =	sadd.s32 $0x1880, s2  }
0x321: {  	[hbm4b:s7+s11] =	stream.strided.scatter [tilespmem:s5], [sflag:$0x5], $0xC80, s12, s11, $0x38;
	v63 =	vld [tilespmem:$0x0]  }
0x322: {  	s5 =	simm.s32 $0x8  }
0x323: {  	_ =	swait.ge [sflag:s5], $0x6400  }
0x324: {  	[sflag:s5] =	ssyncset.done $0x0  }
0x325: {  	s8 =	simm.s32 $0x6E40;
	s7 =	simm.s32 $0x19C00;
	[sflag:s5] =	ssyncadd.s32 $0xFFFF9C00  }
0x326: {  	[tilespmem:s7], [sflag:$0x4] =	stream.indirect.gather [hbm4b:s3+s16], $0x40, s8, s16, $0xb8;
	v63 =	vld [tilespmem:$0x0]  }
0x327: {  	s13 =	simm.s32 $0x6E78;
	s8 =	simm.s32 $0x1A880  }
0x328: {  	[tilespmem:s8], [sflag:$0x4] =	stream.indirect.gather [hbm4b:s3+s16], $0x40, s13, s16, $0xb8;
	v63 =	vld [tilespmem:$0x0]  }
0x329: {  	s24 =	simm.s32 $0x6EB0;
	s13 =	simm.s32 $0x1B500  }
0x32a: {  	[tilespmem:s13], [sflag:$0x4] =	stream.indirect.gather [hbm4b:s3+s16], $0x40, s24, s16, $0xb8;
	v63 =	vld [tilespmem:$0x0]  }
0x32b: {  	s29 =	simm.s32 $0x6EE8;
	s24 =	simm.s32 $0x1C180  }
0x32c: {  	[tilespmem:s24], [sflag:$0x4] =	stream.indirect.gather [hbm4b:s3+s16], $0x40, s29, s16, $0xb8;
	v63 =	vld [tilespmem:$0x0]  }
0x32d: {  	s2 =	simm.s32 $0x6F20;
	s29 =	simm.s32 $0x1CE00  }
0x32e: {  	[tilespmem:s29], [sflag:$0x4] =	stream.indirect.gather [hbm4b:s3+s16], $0x40, s2, s16, $0xb8;
	v63 =	vld [tilespmem:$0x0]  }
0x32f: {  	s1 =	simm.s32 $0x6F58;
	s2 =	simm.s32 $0x1DA80  }
0x330: {  	[tilespmem:s2], [sflag:$0x4] =	stream.indirect.gather [hbm4b:s3+s16], $0x40, s1, s16, $0xb8;
	v63 =	vld [tilespmem:$0x0]  }
0x331: {  	s2 =	simm.s32 $0x1E700;
	s1 =	simm.s32 $0x6F90  }
0x332: {  	[tilespmem:s2], [sflag:$0x4] =	stream.indirect.gather [hbm4b:s3+s16], $0x40, s1, s16, $0xb8;
	v63 =	vld [tilespmem:$0x0]  }
0x333: {  	s2 =	simm.s32 $0x1F380;
	s1 =	simm.s32 $0x6FC8  }
0x334: {  	[tilespmem:s2], [sflag:$0x4] =	stream.indirect.gather [hbm4b:s3+s16], $0x40, s1, s16, $0xb8;
	v63 =	vld [tilespmem:$0x0]  }
0x335: {  	_ =	swait.ge [sflag:s30], $0xC80  }
0x336: {  	[sflag:s30] =	ssyncset.done $0x0  }
0x337: {  	[sflag:s30] =	ssyncadd.s32 $0xFFFFF380  }
0x338: {  	_ =	swait.ge [sflag:s30], $0xC80  }
0x339: {  	[sflag:s30] =	ssyncset.done $0x0  }
0x33a: {  	[sflag:s30] =	ssyncadd.s32 $0xFFFFF380  }
0x33b: {  	_ =	swait.ge [sflag:s30], $0xC80  }
0x33c: {  	[sflag:s30] =	ssyncset.done $0x0  }
0x33d: {  	[sflag:s30] =	ssyncadd.s32 $0xFFFFF380  }
0x33e: {  	_ =	swait.ge [sflag:s30], $0xC80  }
0x33f: {  	[sflag:s30] =	ssyncset.done $0x0  }
0x340: {  	[sflag:s30] =	ssyncadd.s32 $0xFFFFF380  }
0x341: {  	_ =	swait.ge [sflag:s30], $0xC80  }
0x342: {  	[sflag:s30] =	ssyncset.done $0x0  }
0x343: {  	[sflag:s30] =	ssyncadd.s32 $0xFFFFF380  }
0x344: {  	_ =	swait.ge [sflag:s30], $0xC80  }
0x345: {  	[sflag:s30] =	ssyncset.done $0x0  }
0x346: {  	[sflag:s30] =	ssyncadd.s32 $0xFFFFF380  }
0x347: {  	_ =	swait.ge [sflag:s30], $0xC80  }
0x348: {  	[sflag:s30] =	ssyncset.done $0x0  }
0x349: {  	[sflag:s30] =	ssyncadd.s32 $0xFFFFF380  }
0x34a: {  	_ =	swait.ge [sflag:s30], $0xC80  }
0x34b: {  	[sflag:s30] =	ssyncset.done $0x0  }
0x34c: {  	s2 =	rddreg [dreg:$0x9];
	[sflag:s30] =	ssyncadd.s32 $0xFFFFF380  }
0x34d: {  	[hbm4b:s2+s11] =	stream.strided.scatter [tilespmem:s14], [sflag:$0x6], $0xC80, s12, s11, $0x38;
	v63 =	vld [tilespmem:$0x0]  }
0x34e: {  	s14 =	sadd.s32 $0x380, s2  }
0x34f: {  	[hbm4b:s14+s11] =	stream.strided.scatter [tilespmem:s17], [sflag:$0x6], $0xC80, s12, s11, $0x38;
	v63 =	vld [tilespmem:$0x0]  }
0x350: {  	s17 =	sadd.s32 $0x700, s2  }
0x351: {  	[hbm4b:s17+s11] =	stream.strided.scatter [tilespmem:s19], [sflag:$0x6], $0xC80, s12, s11, $0x38;
	v63 =	vld [tilespmem:$0x0]  }
0x352: {  	s19 =	sadd.s32 $0xA80, s2  }
0x353: {  	[hbm4b:s19+s11] =	stream.strided.scatter [tilespmem:s21], [sflag:$0x6], $0xC80, s12, s11, $0x38;
	v63 =	vld [tilespmem:$0x0]  }
0x354: {  	s21 =	sadd.s32 $0xE00, s2  }
0x355: {  	[hbm4b:s21+s11] =	stream.strided.scatter [tilespmem:s23], [sflag:$0x6], $0xC80, s12, s11, $0x38;
	v63 =	vld [tilespmem:$0x0]  }
0x356: {  	s14 =	sadd.s32 $0x1180, s2  }
0x357: {  	[hbm4b:s14+s11] =	stream.strided.scatter [tilespmem:s25], [sflag:$0x6], $0xC80, s12, s11, $0x38;
	v63 =	vld [tilespmem:$0x0]  }
0x358: {  	s17 =	sadd.s32 $0x1500, s2  }
0x359: {  	[hbm4b:s17+s11] =	stream.strided.scatter [tilespmem:s28], [sflag:$0x6], $0xC80, s12, s11, $0x38;
	v63 =	vld [tilespmem:$0x0]  }
0x35a: {  	s19 =	sadd.s32 $0x1880, s2  }
0x35b: {  	[hbm4b:s19+s11] =	stream.strided.scatter [tilespmem:s0], [sflag:$0x6], $0xC80, s12, s11, $0x38;
	v63 =	vld [tilespmem:$0x0]  }
0x35c: {  	_ =	swait.ge [sflag:s18], $0xC80  }
0x35d: {  	[sflag:s18] =	ssyncset.done $0x0  }
0x35e: {  	[sflag:s18] =	ssyncadd.s32 $0xFFFFF380  }
0x35f: {  	_ =	swait.ge [sflag:s18], $0xC80  }
0x360: {  	[sflag:s18] =	ssyncset.done $0x0  }
0x361: {  	[sflag:s18] =	ssyncadd.s32 $0xFFFFF380  }
0x362: {  	_ =	swait.ge [sflag:s18], $0xC80  }
0x363: {  	[sflag:s18] =	ssyncset.done $0x0  }
0x364: {  	[sflag:s18] =	ssyncadd.s32 $0xFFFFF380  }
0x365: {  	_ =	swait.ge [sflag:s18], $0xC80  }
0x366: {  	[sflag:s18] =	ssyncset.done $0x0  }
0x367: {  	[sflag:s18] =	ssyncadd.s32 $0xFFFFF380  }
0x368: {  	_ =	swait.ge [sflag:s18], $0xC80  }
0x369: {  	[sflag:s18] =	ssyncset.done $0x0  }
0x36a: {  	[sflag:s18] =	ssyncadd.s32 $0xFFFFF380  }
0x36b: {  	_ =	swait.ge [sflag:s18], $0xC80  }
0x36c: {  	[sflag:s18] =	ssyncset.done $0x0  }
0x36d: {  	[sflag:s18] =	ssyncadd.s32 $0xFFFFF380  }
0x36e: {  	_ =	swait.ge [sflag:s18], $0xC80  }
0x36f: {  	[sflag:s18] =	ssyncset.done $0x0  }
0x370: {  	[sflag:s18] =	ssyncadd.s32 $0xFFFFF380  }
0x371: {  	_ =	swait.ge [sflag:s18], $0xC80  }
0x372: {  	[sflag:s18] =	ssyncset.done $0x0  }
0x373: {  	s21 =	rddreg [dreg:$0xa];
	[sflag:s18] =	ssyncadd.s32 $0xFFFFF380  }
0x374: {  	[hbm4b:s21+s11] =	stream.strided.scatter [tilespmem:s22], [sflag:$0x7], $0xC80, s12, s11, $0x38;
	v63 =	vld [tilespmem:$0x0]  }
0x375: {  	s22 =	sadd.s32 $0x380, s21  }
0x376: {  	[hbm4b:s22+s11] =	stream.strided.scatter [tilespmem:s31], [sflag:$0x7], $0xC80, s12, s11, $0x38;
	v63 =	vld [tilespmem:$0x0]  }
0x377: {  	s23 =	sadd.s32 $0x700, s21  }
0x378: {  	[hbm4b:s23+s11] =	stream.strided.scatter [tilespmem:s20], [sflag:$0x7], $0xC80, s12, s11, $0x38;
	v63 =	vld [tilespmem:$0x0]  }
0x379: {  	s25 =	sadd.s32 $0xA80, s21  }
0x37a: {  	[hbm4b:s25+s11] =	stream.strided.scatter [tilespmem:s4], [sflag:$0x7], $0xC80, s12, s11, $0x38;
	v63 =	vld [tilespmem:$0x0]  }
0x37b: {  	s28 =	sadd.s32 $0xE00, s21  }
0x37c: {  	[hbm4b:s28+s11] =	stream.strided.scatter [tilespmem:s6], [sflag:$0x7], $0xC80, s12, s11, $0x38;
	v63 =	vld [tilespmem:$0x0]  }
0x37d: {  	s31 =	sadd.s32 $0x1180, s21  }
0x37e: {  	[hbm4b:s31+s11] =	stream.strided.scatter [tilespmem:s15], [sflag:$0x7], $0xC80, s12, s11, $0x38;
	v63 =	vld [tilespmem:$0x0]  }
0x37f: {  	s0 =	sadd.s32 $0x1500, s21  }
0x380: {  	[hbm4b:s0+s11] =	stream.strided.scatter [tilespmem:s9], [sflag:$0x7], $0xC80, s12, s11, $0x38;
	v63 =	vld [tilespmem:$0x0]  }
0x381: {  	s2 =	sadd.s32 $0x1880, s21;
	s4 =	simm.s32 $0x18F80  }
0x382: {  	[hbm4b:s2+s11] =	stream.strided.scatter [tilespmem:s4], [sflag:$0x7], $0xC80, s12, s11, $0x38;
	v63 =	vld [tilespmem:$0x0]  }
0x383: {  	_ =	swait.ge [sflag:s26], $0xC80  }
0x384: {  	[sflag:s26] =	ssyncset.done $0x0  }
0x385: {  	[sflag:s26] =	ssyncadd.s32 $0xFFFFF380  }
0x386: {  	_ =	swait.ge [sflag:s26], $0xC80  }
0x387: {  	[sflag:s26] =	ssyncset.done $0x0  }
0x388: {  	[sflag:s26] =	ssyncadd.s32 $0xFFFFF380  }
0x389: {  	_ =	swait.ge [sflag:s26], $0xC80  }
0x38a: {  	[sflag:s26] =	ssyncset.done $0x0  }
0x38b: {  	[sflag:s26] =	ssyncadd.s32 $0xFFFFF380  }
0x38c: {  	_ =	swait.ge [sflag:s26], $0xC80  }
0x38d: {  	[sflag:s26] =	ssyncset.done $0x0  }
0x38e: {  	[sflag:s26] =	ssyncadd.s32 $0xFFFFF380  }
0x38f: {  	_ =	swait.ge [sflag:s26], $0xC80  }
0x390: {  	[sflag:s26] =	ssyncset.done $0x0  }
0x391: {  	[sflag:s26] =	ssyncadd.s32 $0xFFFFF380  }
0x392: {  	_ =	swait.ge [sflag:s26], $0xC80  }
0x393: {  	[sflag:s26] =	ssyncset.done $0x0  }
0x394: {  	[sflag:s26] =	ssyncadd.s32 $0xFFFFF380  }
0x395: {  	_ =	swait.ge [sflag:s26], $0xC80  }
0x396: {  	[sflag:s26] =	ssyncset.done $0x0  }
0x397: {  	[sflag:s26] =	ssyncadd.s32 $0xFFFFF380  }
0x398: {  	_ =	swait.ge [sflag:s26], $0xC80  }
0x399: {  	[sflag:s26] =	ssyncset.done $0x0  }
0x39a: {  	s6 =	rddreg [dreg:$0xb];
	[sflag:s26] =	ssyncadd.s32 $0xFFFFF380  }
0x39b: {  	[hbm4b:s6+s11] =	stream.strided.scatter [tilespmem:s7], [sflag:$0x8], $0xC80, s12, s11, $0x38;
	v63 =	vld [tilespmem:$0x0]  }
0x39c: {  	s7 =	sadd.s32 $0x380, s6  }
0x39d: {  	[hbm4b:s7+s11] =	stream.strided.scatter [tilespmem:s8], [sflag:$0x8], $0xC80, s12, s11, $0x38;
	v63 =	vld [tilespmem:$0x0]  }
0x39e: {  	s9 =	sadd.s32 $0x700, s6  }
0x39f: {  	[hbm4b:s9+s11] =	stream.strided.scatter [tilespmem:s13], [sflag:$0x8], $0xC80, s12, s11, $0x38;
	v63 =	vld [tilespmem:$0x0]  }
0x3a0: {  	s14 =	sadd.s32 $0xA80, s6  }
0x3a1: {  	[hbm4b:s14+s11] =	stream.strided.scatter [tilespmem:s24], [sflag:$0x8], $0xC80, s12, s11, $0x38;
	v63 =	vld [tilespmem:$0x0]  }
0x3a2: {  	s15 =	sadd.s32 $0xE00, s6  }
0x3a3: {  	[hbm4b:s15+s11] =	stream.strided.scatter [tilespmem:s29], [sflag:$0x8], $0xC80, s12, s11, $0x38;
	v63 =	vld [tilespmem:$0x0]  }
0x3a4: {  	s19 =	simm.s32 $0x1DA80;
	s17 =	sadd.s32 $0x1180, s6  }
0x3a5: {  	[hbm4b:s17+s11] =	stream.strided.scatter [tilespmem:s19], [sflag:$0x8], $0xC80, s12, s11, $0x38;
	v63 =	vld [tilespmem:$0x0]  }
0x3a6: {  	s21 =	simm.s32 $0x1E700;
	s20 =	sadd.s32 $0x1500, s6  }
0x3a7: {  	[hbm4b:s20+s11] =	stream.strided.scatter [tilespmem:s21], [sflag:$0x8], $0xC80, s12, s11, $0x38;
	v63 =	vld [tilespmem:$0x0]  }
0x3a8: {  	s23 =	simm.s32 $0x1F380;
	s22 =	sadd.s32 $0x1880, s6;
	s24 =	simm.s32 $0x5  }
0x3a9: {  	[hbm4b:s22+s11] =	stream.strided.scatter [tilespmem:s23], [sflag:$0x8], $0xC80, s12, s11, $0x38;
	v63 =	vld [tilespmem:$0x0]  }
0x3aa: {  	_ =	swait.ge [sflag:s24], $0x6400  }
0x3ab: {  	[sflag:s24] =	ssyncset.done $0x0  }
0x3ac: {  	s25 =	simm.s32 $0x6;
	[sflag:s24] =	ssyncadd.s32 $0xFFFF9C00  }
0x3ad: {  	_ =	swait.ge [sflag:s25], $0x6400  }
0x3ae: {  	[sflag:s25] =	ssyncset.done $0x0  }
0x3af: {  	s28 =	simm.s32 $0x7;
	[sflag:s25] =	ssyncadd.s32 $0xFFFF9C00  }
0x3b0: {  	_ =	swait.ge [sflag:s28], $0x6400  }
0x3b1: {  	[sflag:s28] =	ssyncset.done $0x0  }
0x3b2: {  	[sflag:s28] =	ssyncadd.s32 $0xFFFF9C00  }
0x3b3: {  	_ =	swait.ge [sflag:s5], $0x6400  }
0x3b4: {  	s29 =	rddreg [dreg:$0xe]  }
0x3b5: {  	s31 =	rddreg [dreg:$0xc];
	s0 =	sadd.s32 $0x1, s29  }
0x3b6: {  	p0 =	sne.s32 s0, s31  }
.Ltmp1:
0x3b7: {  	_ = 	snop;
	(pc) =	sbr.rel @p0 .LBB2_1-.Ltmp1, $3  }
0x3b8: {  	_ =	sdelay $0x1  }
0x3b9: {  	[sflag:s5] =	ssyncset.done $0x0  }
0x3ba: {  	[sflag:s5] =	ssyncadd.s32 $0xFFFF9C00  }
0x3bb: {  	_ =	sfence.sel $0x180000  }
0x3bc: {  	[bflag:$0x0] =	sbarrier.arrive $0xFFFF  }
0x3bd: {  	_ =	strace $0x9000004A  }
0x3be: {  	s0 =	stileid.u32;
	[bflag:$0x2] =	sbarrier.arrive $0xFFFF  }
0x3bf: {  	p0 =	sne.s32 s0, $0x0;
	s0 =	rddreg [dreg:$0x2]  }
0x3c0: {  	s0 =	sadd.s32 @!p0 $0x100000, s0  }
0x3c1: {  	[sflag:s0] =	ssyncadd.tile.s32 @!p0 $0x1;
	_ =	shalt  }
.Lfunc_end2:
_tile_overlayer_lowered:
.L_overlay_start_2:
0x3c2: {  	(tag) =	ssettag $0x2  }
0x3c3: {  	s0 =	rddreg [dreg:$0x0];
	s2 =	stileid.u32  }
0x3c4: {  	s1 =	rddreg [dreg:$0x1];
	p0 =	sne.s32 s2, $0x0  }
0x3c5: {  	s3 =	rddreg [dreg:$0x2];
	[bflag:$0x3] =	sbarrier.arrive $0xFFFF;
	s2 =	simm.s32 @!p0 $0x1C09  }
0x3c6: {  	[timem:s3], [sflag:s2] =	dma.local @!p0 [hbm:s0], s1  }
0x3c7: {  	s0 =	simm.s32 @!p0 $0x9  }
0x3c8: {  	_ =	swait.ge @!p0 [sflag:s0], s1  }
0x3c9: {  	s1 =	ssub.s32 @!p0 $0x0, s1;
	[sflag:s0] =	ssyncset.done @!p0 $0x0  }
0x3ca: {  	[sflag:s0] =	ssyncadd.s32 @!p0 s1  }
0x3cb: {  	[bflag:$0x3] =	sbarrier.arrive $0xFFFF  }
0x3cc: {  	_ =	shalt  }

// kernel: sparse-core-data-format-call.1.cloned.1.call-start
scs
called_computation.1_lowered:
.L_overlay_start_0:
0x0: {  	s2 =	sld [smem:$0x3FD9]  }
0x1: {  	s3 =	sld [smem:$0x3FFE];
	_ =	sdelay $0x1  }
0x2: {  	s1 =	srdreg.scid  }
0x3: {  	s0 =	sand.u32 $0x1, s1  }
0x4: {  	s18 =	sshll.u32 s0, $0xA;
	s2 =	sadd.s32 s3, s2  }
0x5: {  	s2 =	sadd.s32 s2, s18  }
0x6: {  	[smem:$0x3FC6] =	sst s2  }
0x7: {  	_ = 	snop  }
0x8: {  	s2 =	sld [smem:$0x3FC8];
	(tm) =	ssettm $0x1  }
0x9: {  	s19 =	sld [smem:$0x3FFB];
	_ =	sdelay $0x3  }
0xa: {  	_ =	strace s19  }
0xb: {  	s3 =	sld [smem:$0x3FFC];
	_ =	sdelay $0x3  }
0xc: {  	_ =	strace s3  }
0xd: {  	s3 =	sld [smem:$0x3FFD];
	_ =	sdelay $0x3  }
0xe: {  	_ =	strace s3  }
0xf: {  	_ =	strace $0x8FFFFFFF  }
0x10: {  	s20 =	sld [smem:$0x3FDB];
	_ =	sdelay $0x1  }
0x11: {  	s4 =	simm.s32 $_scs_section_size  }
0x12: {  	s5 =	simm.s32 $_size__tile_overlayer_lowered;
	s6 =	simm.s32 $_tile_overlayer_lowered  }
0x13: {  	s23 =	simm.s32 $0x1BFF;
	s22 =	sshll.u32 s6, $0x1;
	s3 =	sadd.s32 s4, s20  }
0x14: {  	s7 =	simm.s32 $0x0;
	s21 =	sshll.u32 s5, $0x1;
	s5 =	sadd.s32 s22, s3  }
0x15: {  	[timem:s7], [sflag:s23] =	dma.local [hbm:s5], s21  }
0x16: {  	_ =	swait.ge [sflag:s23], s21  }
0x17: {  	s4 =	ssub.s32 $0x0, s21;
	[sflag:s23] =	ssyncset.done $0x0  }
0x18: {  	[sflag:s23] =	ssyncadd.s32 s4;
	_ =	sdelay $0x1  }
0x19: {  	s24 =	simm.s32 $0x1B8B  }
0x1a: {  	_ =	swait.ge [sflag:s24], $0x1  }
0x1b: {  	[sflag:s24] =	ssyncset.done $0x0  }
0x1c: {  	s26 =	simm.s32 $0x1B8E;
	s25 =	sld [smem:$0x3FFE];
	[sflag:s24] =	ssyncadd.s32 $0xFFFFFFFF  }
0x1d: {  	s27 =	simm.s32 $execute0_lowered;
	[smem:$0x3FD2] =	sst s26  }
0x1e: {  	s5 =	sshll.u32 s27, $0x1;
	_ =	strace $0x80000046;
	[dreg:$0x1] =	wrdreg $0xFFFFFFFF  }
0x1f: {  	s28 =	simm.s32 $_size_execute0_lowered;
	s3 =	sadd.s32 s3, s5;
	[dreg:$0x0] =	wrdreg $0x0  }
0x20: {  	s5 =	sshll.u32 s28, $0x1;
	[dreg:$0x2] =	wrdreg s3  }
0x21: {  	[dreg:$0x3] =	wrdreg s5  }
0x22: {  	[dreg:$0x4] =	wrdreg $0xC0  }
0x23: {  	_ =	task [dreg:s7], $0x5FFFF  }
0x24: {  	[dreg:$0x1] =	wrdreg $0xFFFFFFFF  }
0x25: {  	[dreg:$0x0] =	wrdreg $0x60  }
0x26: {  	[dreg:$0x2] =	wrdreg s2  }
0x27: {  	[dreg:$0x3] =	wrdreg s25  }
0x28: {  	[dreg:$0x4] =	wrdreg $0x9  }
0x29: {  	_ =	task.clear_ibuf [dreg:s7], $0x5FFFF;
	_ =	strace $0x90000046  }
0x2a: {  	s29 =	simm.s32 $0x9;
	_ =	strace $0x80000048  }
0x2b: {  	_ =	swait.ge [sflag:s29], $0x1  }
0x2c: {  	[sflag:s29] =	ssyncadd.s32 $0xFFFFFFFF  }
0x2d: {  	_ =	strace $0x90000048  }
0x2e: {  	_ =	sfence  }
0x2f: {  	s30 =	sld [smem:$0x0];
	_ =	sdelay $0x2  }
0x30: {  	s31 =	sshll.u32 s1, $0xD;
	s1 =	sshrl.u32 s1, $0x2  }
0x31: {  	s3 =	sand.u32 $0x4000, s31;
	s1 =	sadd.s32 s1, s30  }
0x32: {  	s0 =	sor.u32 s3, s0;
	s1 =	sshll.u32 s1, $0x11  }
0x33: {  	s0 =	sor.u32 s1, s0  }
0x34: {  	s0 =	sadd.s32 $0x8F2B, s0  }
0x35: {  	[sflag:s0] =	ssyncadd.remote.s32 $0x1  }
0x36: {  	_ =	sfence.sel $0xFFFF  }
0x37: {  	[dreg:$0x0] =	wrdreg $0xFFFFFFFF;
	(pc) =	sbr.abs _section_cstart, $3  }
0x38: {  	[dreg:$0x1] =	wrdreg $0xFFFFFFFF  }
0x39: {  	_ =	task.clear_ibuf [dreg:s7], $0x2FFFF;
	_ =	strace $0x9FFFFFFF  }
0x3a: {  	(tm) =	ssettm $0x7FFFFFFF  }
0x3b: {  	_ =	shalt  }
tec
execute0_lowered:
.L_overlay_start_1:
0x0: {  	(tag) =	ssettag $0x1  }
0x1: {  	s0 =	srdreg.scid;
	s2 =	rddreg [dreg:$0x0]  }
0x2: {  	s5 =	rddreg [dreg:$0x1];
	s1 =	stileid.u32  }
0x3: {  	s4 =	simm.s32 $0x1;
	s6 =	simm.s32 $0x2;
	s15 =	simm.s32 $0x0  }
0x4: {  	p0 =	por $0x0, $0x0;
	s8 =	simm.s32 $0x80;
	s0 =	sshll.u32 s0, $0x4  }
0x5: {  	s14 =	simm.s32 $0x0;
	s9 =	simm.s32 $0x0;
	s3 =	sand.u32 $0x10, s0  }
.Ltmp0:
0x6: {  	s10 =	simm.s32 $0x0;
	s3 =	sor.u32 s1, s3;
	(pc) =	sbr.rel .LBB1_1-.Ltmp0, $4  }
0x7: {  	s0 =	rddreg [dreg:$0x2];
	_ =	strace $0x80000047;
	s3 =	sshll.u32 s3, $0x7  }
0x8: {  	s12 =	simm.s32 $0x0;
	[sflag:s4] =	ssyncpa.u1 $0x0;
	s7 =	ssub.s32 $0xF4200, s3  }
0x9: {  	s13 =	simm.s32 $0x0;
	[sflag:s6] =	ssyncpa.u1 $0x0;
	s6 =	sshrl.u32 s7, $0xC  }
0xa: {  	s5 =	sadd.s32 $0xE00, s5;
	s11 =	smov.u32 s3;
	s7 =	sadd.s32 $0x2, s6  }
.LBB1_5:
0xb: {  	p1 =	slt.u32 s13, $0x2  }
0xc: {  	s17 =	smov.u32 s15;
	p2 =	sgt.s32 @!p1 s15, $0xF41C0;
	s16 =	sshra.s32 @!p1 s15, $0x1F  }
0xd: {  	p3 =	sgt.s32 @!p1 s14, $0x40;
	s18 =	sshra.s32 @!p1 s14, $0x1F;
	p2 =	por !p2, p1  }
0xe: {  	s15 =	sand.u32 @!p1 s16, s15;
	p3 =	por !p3, p1;
	s16 =	smov.u32 s14  }
0xf: {  	s14 =	sand.u32 @!p1 s18, s14;
	s17 =	simm.s32 @p2 $0xF41C0;
	s16 =	simm.s32 @p3 $0x40  }
0x10: {  	s15 =	ssub.s32 @!p1 s17, s15;
	s14 =	ssub.s32 @!p1 s16, s14  }
0x11: {  	s18 =	smov.u32 s12;
	s16 =	sadd.s32 @!p1 $0xFFF0BE40, s15;
	s17 =	sadd.s32 @!p1 $0xFFFFFFC0, s14  }
0x12: {  	s15 =	ssub.s32 @!p1 $0xF4240, s15;
	p2 =	sgt.s32 @!p1 s16, $0x7F;
	p3 =	sgt.s32 @!p1 s17, $0x3F  }
0x13: {  	s14 =	ssub.s32 @!p1 $0x80, s14;
	p2 =	por !p2, p1;
	p3 =	por !p3, p1  }
0x14: {  	s16 =	sadd.s32 $0x1000, s11;
	s15 =	simm.s32 @!p2 $0x0;
	s14 =	simm.s32 @!p3 $0x0  }
0x15: {  	p2 =	sgt.s32 s16, $0xF423F;
	s14 =	smul.u32 @!p1 s14, s15;
	s15 =	sadd.s32 $0x40, s12  }
0x16: {  	s18 =	smov.u32 @p2 s15  }
0x17: {  	s16 =	smov.u32 @p2 s3;
	p2 =	sgt.s32 s18, $0x3F  }
0x18: {  	s18 =	simm.s32 @p2 $0x0;
	p2 =	sne.s32 s13, s7  }
.Ltmp1:
0x19: {  	p0 =	por !p0, !p0;
	s17 =	simm.s32 @!p1 $0x2;
	(pc) =	sbr.rel @!p2 .LBB1_6-.Ltmp1, $4  }
0x1a: {  	s15 =	smov.u32 s9;
	s9 =	smov.u32 s11;
	s14 =	sand.u32 @!p1 $0x3FFFFFFF, s14  }
0x1b: {  	s11 =	smov.u32 s16;
	_ =	swait.ge @!p1 [sflag:s17], s14;
	s19 =	ssub.s32 @!p1 $0x0, s14  }
0x1c: {  	s14 =	smov.u32 s10;
	s13 =	sadd.s32 $0x1, s13;
	[sflag:s17] =	ssyncset.done @!p1 $0x0  }
0x1d: {  	s10 =	smov.u32 s12;
	s12 =	smov.u32 s18;
	[sflag:s17] =	ssyncadd.s32 @!p1 s19  }
.LBB1_1:
0x1e: {  	p1 =	sgt.u32 s13, s6  }
0x1f: {  	s16 =	sshrl.u32 @!p1 s12, $0x3  }
0x20: {  	s17 =	sshll.u32 @!p1 s11, $0x3;
	s16 =	smul.u32 @!p1 $0x7A1400, s16  }
0x21: {  	s18 =	sshll.u32 @!p1 s12, $0x7;
	s17 =	sand.u32 @!p1 $0xFFFFFC00, s17  }
0x22: {  	s16 =	sadd.s32 @!p1 s16, s17;
	s17 =	sand.u32 @!p1 $0x380, s18  }
0x23: {  	s18 =	sand.u32 @!p1 $0x7F, s11;
	s16 =	sor.u32 @!p1 s17, s16  }
0x24: {  	s17 =	sor.u32 @!p1 s18, s16  }
0x25: {  	s18 =	smulhi.u32 @!p1 $0x218D6287, s17;
	_ =	sdelay $0x1  }
0x26: {  	s16 =	smulhi.u32 @!p1 $0x218D6287, s16;
	s18 =	sshrl.u32 @!p1 s18, $0x11  }
0x27: {  	s18 =	smul.u32 @!p1 $0xF4280, s18  }
0x28: {  	s19 =	sxor.u32 @!p1 $0xFFFFFFFF, s13;
	s16 =	sshrl.u32 @!p1 s16, $0x11  }
0x29: {  	s19 =	sshll.u32 @!p1 s19, $0xD;
	s16 =	sand.u32 @!p1 $0x3F, s16;
	s17 =	ssub.s32 @!p1 s17, s18  }
0x2a: {  	s16 =	smul.u32 @!p1 $0x1E850, s16;
	s18 =	sshrl.u32 @!p1 s17, $0x3;
	s17 =	sand.u32 @!p1 $0x7, s17  }
0x2b: {  	s19 =	sand.u32 @!p1 $0x2000, s19;
	s18 =	sadd.s32 @!p1 s2, s18;
	s17 =	sshll.u32 @!p1 s17, $0x12  }
0x2c: {  	s16 =	sadd.s32 @!p1 s16, s18;
	s17 =	sor.u32 @!p1 $0x400, s17;
	s18 =	simm.s32 @!p1 $0x7A1400  }
0x2d: {  	[tilespmem:s19], [sflag:$0x1] =	stream.strided.gather @!p1 [hbm4b:s16+s17], $0x2000, s18, s17, $0x38;
	[tilespmem:$0x8100] =	vst v63  }
0x2e: {  	p1 =	seq.s32 s13, $0x0  }
0x2f: {  	p2 =	sge.u32 @!p1 s13, s7  }
0x30: {  	p1 =	por p1, p2  }
.Ltmp2:
0x31: {  	_ = 	snop;
	(pc) =	sbr.rel @p1 .LBB1_5-.Ltmp2, $1  }
0x32: {  	_ =	sdelay $0x3  }
0x33: {  	s16 =	simm.s32 $0x1  }
0x34: {  	_ =	swait.ge [sflag:s4], $0x2000;
	s16 =	simm.s32 @!p0 $0x0  }
0x35: {  	[sflag:s4] =	ssyncset.done $0x0;
	s17 =	sshll.u32 s16, $0xD  }
0x36: {  	[sflag:s4] =	ssyncadd.s32 $0xFFFFE000;
	s17 =	sor.u32 $0x40, s17  }
0x37: {  	s16 =	smul.u32 $0x8200, s16;
	v0 =	vld [tilespmem:s17+$0x30]  }
0x38: {  	v1 =	vld [tilespmem:s17+$0xFFFFFFD0]  }
0x39: {  	s16 =	sshrl.u32 s16, $0x2;
	v5 =	vld [tilespmem:s17+$0xFFFFFFE0]  }
0x3a: {  	v6 =	vld [tilespmem:s17+$0xFFFFFFF0];
	s19 =	sor.u32 $0x4000, s16  }
0x3b: {  	s31 =	sand.u32 $0x1, s13;
	v4 =	vld [tilespmem:s17+$0x0];
	s18 =	sadd.s32 $0x0, s19  }
0x3c: {  	v3 =	vld [tilespmem:s17+$0x10];
	s16 =	smul.u32 $0x8200, s31;
	[tilespmem:s18+$0x1C70 ss:$0x41] =	vst.msk $0xffff, v0  }
0x3d: {  	v2 =	vld [tilespmem:s17+$0x20];
	[tilespmem:s18+$0x410 ss:$0x41] =	vst.msk $0xffff, v1  }
0x3e: {  	s16 =	sshrl.u32 s16, $0x2;
	v1 =	vld [tilespmem:s17+$0xFFFFFFC0];
	[tilespmem:s18+$0x820 ss:$0x41] =	vst.msk $0xffff, v5;
	s17 =	sadd.s32 $0x80, s17  }
0x3f: {  	s20 =	simm.s32 $0x4;
	s21 =	simm.s32 $0x8;
	s16 =	sor.u32 $0x4000, s16;
	[tilespmem:s18+$0xC30 ss:$0x41] =	vst.msk $0xffff, v6;
	v0 =	vld [tilespmem:s17+$0x30]  }
.LBB1_3:
0x40: {  	p1 =	sne.s32 s21, $0xFC;
	v5 =	vld [tilespmem:s17+$0xFFFFFFD0];
	[tilespmem:s18+$0x1040 ss:$0x41] =	vst.msk $0xffff, v4  }
0x41: {  	v6 =	vld [tilespmem:s17+$0xFFFFFFE0];
	[tilespmem:s18+$0x1450 ss:$0x41] =	vst.msk $0xffff, v3  }
0x42: {  	s22 =	sshra.s32 s20, $0x2;
	s20 =	smov.u32 s21;
	v7 =	vld [tilespmem:s17+$0xFFFFFFF0];
	[tilespmem:s18+$0x1860 ss:$0x41] =	vst.msk $0xffff, v2  }
.Ltmp3:
0x43: {  	v4 =	vld [tilespmem:s17+$0x0];
	[tilespmem:s18+$0x0 ss:$0x41] =	vst.msk $0xffff, v1;
	s18 =	sadd.s32 s22, s19;
	(pc) =	sbr.rel @p1 .LBB1_3-.Ltmp3, $4  }
0x44: {  	v3 =	vld [tilespmem:s17+$0x10];
	[tilespmem:s18+$0x1C70 ss:$0x41] =	vst.msk $0xffff, v0  }
0x45: {  	[tilespmem:s18+$0x410 ss:$0x41] =	vst.msk $0xffff, v5;
	v2 =	vld [tilespmem:s17+$0x20]  }
0x46: {  	v1 =	vld [tilespmem:s17+$0xFFFFFFC0];
	[tilespmem:s18+$0x820 ss:$0x41] =	vst.msk $0xffff, v6;
	s17 =	sadd.s32 $0x80, s17  }
0x47: {  	s21 =	sadd.s32 $0x4, s21;
	v0 =	vld [tilespmem:s17+$0x30];
	[tilespmem:s18+$0xC30 ss:$0x41] =	vst.msk $0xffff, v7  }
0x48: {  	s21 =	sshll.u32 s9, $0x7;
	s22 =	sshll.u32 s10, $0x3;
	s20 =	sshra.s32 s20, $0x2  }
0x49: {  	p1 =	sgt.s32 s9, $0xF41C0;
	s30 =	sshra.s32 s9, $0x1F;
	s25 =	sshra.s32 s10, $0x1F  }
0x4a: {  	v5 =	vld [tilespmem:s17+$0xFFFFFFD0];
	s28 =	sshrl.u32 s10, $0x3;
	s23 =	sand.u32 $0xFFFFFC00, s21;
	s22 =	sand.u32 $0xFFFFFC00, s22  }
0x4b: {  	[tilespmem:s18+$0x1040 ss:$0x41] =	vst.msk $0xffff, v4;
	v58 =	vld [tilespmem:s17+$0xFFFFFFE0];
	s21 =	sand.u32 $0x380, s21;
	s19 =	sadd.s32 s20, s19;
	s22 =	sadd.s32 s22, s23  }
0x4c: {  	v59 =	vld [tilespmem:s17+$0xFFFFFFF0];
	[tilespmem:s18+$0x1450 ss:$0x41] =	vst.msk $0xffff, v3;
	s29 =	sor.u32 s21, s22;
	s21 =	smov.u32 s9;
	s22 =	sand.u32 s30, s9  }
0x4d: {  	v60 =	vld [tilespmem:s17+$0x0];
	[tilespmem:s18+$0x1860 ss:$0x41] =	vst.msk $0xffff, v2;
	s30 =	sand.u32 $0x7, s10;
	s20 =	sshrl.u32 s29, $0x7;
	s21 =	simm.s32 @!p1 $0xF41C0  }
0x4e: {  	v61 =	vld [tilespmem:s17+$0x10];
	[tilespmem:s18+$0x0 ss:$0x41] =	vst.msk $0xffff, v1;
	p1 =	sgt.s32 s10, $0x40;
	s24 =	ssub.s32 s21, s22;
	s21 =	smov.u32 s10  }
0x4f: {  	v62 =	vld [tilespmem:s17+$0x20];
	[tilespmem:s19+$0x1C70 ss:$0x41] =	vst.msk $0xffff, v0;
	s31 =	smulhi.u32 $0x218DEF5, s20;
	s22 =	sand.u32 s25, s10;
	s21 =	simm.s32 @!p1 $0x40  }
0x50: {  	v63 =	vld [tilespmem:s17+$0xFFFFFFC0];
	[tilespmem:s19+$0x410 ss:$0x41] =	vst.msk $0xffff, v5;
	s26 =	sadd.s32 $0xFFF0BE40, s24;
	s17 =	ssub.s32 $0xF4240, s24;
	s21 =	ssub.s32 s21, s22  }
0x51: {  	[tilespmem:s19+$0x820 ss:$0x41] =	vst.msk $0xffff, v58;
	s23 =	sshrl.u32 s31, $0xD;
	p1 =	sgt.s32 s26, $0x7F;
	s27 =	sadd.s32 $0xFFFFFFC0, s21  }
0x52: {  	[tilespmem:s19+$0xC30 ss:$0x41] =	vst.msk $0xffff, v59;
	s23 =	smul.u32 $0xF4240, s23;
	s18 =	ssub.s32 $0x80, s21;
	p2 =	sgt.s32 s27, $0x3F  }
.Ltmp4:
0x53: {  	[tilespmem:s19+$0x1040 ss:$0x41] =	vst.msk $0xffff, v60;
	s17 =	simm.s32 @p1 $0x0;
	s18 =	simm.s32 @p2 $0x0;
	(pc) =	sbr.rel .LBB1_5-.Ltmp4, $4  }
0x54: {  	s29 =	sand.u32 $0xF, s28;
	[tilespmem:s19+$0x1450 ss:$0x41] =	vst.msk $0xffff, v61;
	s20 =	ssub.s32 s20, s23;
	s17 =	smul.u32 s18, s17  }
0x55: {  	[tilespmem:s19+$0x1860 ss:$0x41] =	vst.msk $0xffff, v62;
	s21 =	sshll.u32 s30, $0x12;
	s20 =	sshll.u32 s20, $0x4;
	s18 =	sadd.s32 s5, s29  }
0x56: {  	[tilespmem:s19+$0x0 ss:$0x41] =	vst.msk $0xffff, v63;
	s31 =	sor.u32 $0x40, s21;
	s18 =	sadd.s32 s20, s18;
	s17 =	sand.u32 $0x3FFFFFFF, s17  }
0x57: {  	[hbm4b:s18+s31] =	stream.strided.scatter [tilespmem:s16], [sflag:$0x2], s17, s8, s31, $0x18;
	[tilespmem:$0x8100] =	vst v63  }
.LBB1_6:
0x58: {  	_ =	sfence.sel $0x180000  }
0x59: {  	s2 =	simm.s32 $0x1;
	[bflag:$0x0] =	sbarrier.arrive $0xFFFF  }
0x5a: {  	s31 =	simm.s32 $0x2;
	[sflag:s2] =	ssyncpa.u1 $0x1  }
0x5b: {  	[sflag:s31] =	ssyncpa.u1 $0x1  }
0x5c: {  	p0 =	sne.s32 s1, $0x0;
	_ =	strace $0x90000047  }
0x5d: {  	s0 =	sadd.s32 @!p0 $0x100000, s0;
	[bflag:$0x2] =	sbarrier.arrive $0xFFFF  }
0x5e: {  	[sflag:s0] =	ssyncadd.tile.s32 @!p0 $0x1;
	_ =	shalt  }
.Lfunc_end1:
_tile_overlayer_lowered:
.L_overlay_start_2:
0x5f: {  	(tag) =	ssettag $0x2  }
0x60: {  	s0 =	rddreg [dreg:$0x0];
	s2 =	stileid.u32  }
0x61: {  	s1 =	rddreg [dreg:$0x1];
	p0 =	sne.s32 s2, $0x0  }
0x62: {  	s3 =	rddreg [dreg:$0x2];
	[bflag:$0x3] =	sbarrier.arrive $0xFFFF;
	s2 =	simm.s32 @!p0 $0x1C01  }
0x63: {  	[timem:s3], [sflag:s2] =	dma.local @!p0 [hbm:s0], s1  }
0x64: {  	s0 =	simm.s32 @!p0 $0x1  }
0x65: {  	_ =	swait.ge @!p0 [sflag:s0], s1  }
0x66: {  	s1 =	ssub.s32 @!p0 $0x0, s1;
	[sflag:s0] =	ssyncset.done @!p0 $0x0  }
0x67: {  	[sflag:s0] =	ssyncadd.s32 @!p0 s1  }
0x68: {  	[bflag:$0x3] =	sbarrier.arrive $0xFFFF  }
0x69: {  	_ =	shalt  }

// kernel: sparse-core-data-format-call.cloned.1.call-start
scs
called_computation_lowered:
.L_overlay_start_0:
0x0: {  	s2 =	sld [smem:$0x3FD9]  }
0x1: {  	s3 =	sld [smem:$0x3FFE];
	_ =	sdelay $0x1  }
0x2: {  	s1 =	srdreg.scid  }
0x3: {  	s0 =	sand.u32 $0x1, s1  }
0x4: {  	s18 =	sshll.u32 s0, $0xA;
	s2 =	sadd.s32 s3, s2  }
0x5: {  	s2 =	sadd.s32 s2, s18  }
0x6: {  	[smem:$0x3FC6] =	sst s2  }
0x7: {  	_ = 	snop  }
0x8: {  	s2 =	sld [smem:$0x3FD0];
	(tm) =	ssettm $0x1  }
0x9: {  	s19 =	sld [smem:$0x3FFB];
	_ =	sdelay $0x3  }
0xa: {  	_ =	strace s19  }
0xb: {  	s3 =	sld [smem:$0x3FFC];
	_ =	sdelay $0x3  }
0xc: {  	_ =	strace s3  }
0xd: {  	s3 =	sld [smem:$0x3FFD];
	_ =	sdelay $0x3  }
0xe: {  	_ =	strace s3  }
0xf: {  	_ =	strace $0x8FFFFFFF  }
0x10: {  	s20 =	sld [smem:$0x3FDB];
	_ =	sdelay $0x1  }
0x11: {  	s4 =	simm.s32 $_scs_section_size  }
0x12: {  	s5 =	simm.s32 $_size__tile_overlayer_lowered;
	s6 =	simm.s32 $_tile_overlayer_lowered  }
0x13: {  	s23 =	simm.s32 $0x1BFF;
	s22 =	sshll.u32 s6, $0x1;
	s3 =	sadd.s32 s4, s20  }
0x14: {  	s7 =	simm.s32 $0x0;
	s21 =	sshll.u32 s5, $0x1;
	s5 =	sadd.s32 s22, s3  }
0x15: {  	[timem:s7], [sflag:s23] =	dma.local [hbm:s5], s21  }
0x16: {  	_ =	swait.ge [sflag:s23], s21  }
0x17: {  	s4 =	ssub.s32 $0x0, s21;
	[sflag:s23] =	ssyncset.done $0x0  }
0x18: {  	[sflag:s23] =	ssyncadd.s32 s4;
	_ =	sdelay $0x1  }
0x19: {  	s24 =	simm.s32 $0x1B8B  }
0x1a: {  	_ =	swait.ge [sflag:s24], $0x1  }
0x1b: {  	[sflag:s24] =	ssyncset.done $0x0  }
0x1c: {  	s26 =	simm.s32 $0x1B8E;
	s25 =	sld [smem:$0x3FFE];
	[sflag:s24] =	ssyncadd.s32 $0xFFFFFFFF  }
0x1d: {  	s27 =	simm.s32 $execute0_lowered;
	[smem:$0x3FD2] =	sst s26  }
0x1e: {  	s5 =	sshll.u32 s27, $0x1;
	_ =	strace $0x8000004C;
	[dreg:$0x1] =	wrdreg $0xFFFFFFFF  }
0x1f: {  	s28 =	simm.s32 $_size_execute0_lowered;
	s3 =	sadd.s32 s3, s5;
	[dreg:$0x0] =	wrdreg $0x0  }
0x20: {  	s5 =	sshll.u32 s28, $0x1;
	[dreg:$0x2] =	wrdreg s3  }
0x21: {  	[dreg:$0x3] =	wrdreg s5  }
0x22: {  	[dreg:$0x4] =	wrdreg $0xC0  }
0x23: {  	_ =	task [dreg:s7], $0x5FFFF  }
0x24: {  	[dreg:$0x1] =	wrdreg $0xFFFFFFFF  }
0x25: {  	[dreg:$0x0] =	wrdreg $0x60  }
0x26: {  	[dreg:$0x2] =	wrdreg s25  }
0x27: {  	[dreg:$0x3] =	wrdreg s2  }
0x28: {  	[dreg:$0x4] =	wrdreg $0x9  }
0x29: {  	_ =	task.clear_ibuf [dreg:s7], $0x5FFFF;
	_ =	strace $0x9000004C  }
0x2a: {  	s29 =	simm.s32 $0x9;
	_ =	strace $0x8000004E  }
0x2b: {  	_ =	swait.ge [sflag:s29], $0x1  }
0x2c: {  	[sflag:s29] =	ssyncadd.s32 $0xFFFFFFFF  }
0x2d: {  	_ =	strace $0x9000004E  }
0x2e: {  	_ =	sfence  }
0x2f: {  	s30 =	sld [smem:$0x0];
	_ =	sdelay $0x2  }
0x30: {  	s31 =	sshll.u32 s1, $0xD;
	s1 =	sshrl.u32 s1, $0x2  }
0x31: {  	s3 =	sand.u32 $0x4000, s31;
	s1 =	sadd.s32 s1, s30  }
0x32: {  	s0 =	sor.u32 s3, s0;
	s1 =	sshll.u32 s1, $0x11  }
0x33: {  	s0 =	sor.u32 s1, s0  }
0x34: {  	s0 =	sadd.s32 $0x8F2B, s0  }
0x35: {  	[sflag:s0] =	ssyncadd.remote.s32 $0x1  }
0x36: {  	_ =	sfence.sel $0xFFFF  }
0x37: {  	[dreg:$0x0] =	wrdreg $0xFFFFFFFF;
	(pc) =	sbr.abs _section_cstart, $3  }
0x38: {  	[dreg:$0x1] =	wrdreg $0xFFFFFFFF  }
0x39: {  	_ =	task.clear_ibuf [dreg:s7], $0x2FFFF;
	_ =	strace $0x9FFFFFFF  }
0x3a: {  	(tm) =	ssettm $0x7FFFFFFF  }
0x3b: {  	_ =	shalt  }
tec
execute0_lowered:
.L_overlay_start_1:
0x0: {  	(tag) =	ssettag $0x1  }
0x1: {  	s0 =	srdreg.scid  }
0x2: {  	s1 =	sshll.u32 s0, $0x4  }
0x3: {  	s0 =	stileid.u32;
	s1 =	sand.u32 $0x10, s1  }
0x4: {  	s1 =	sor.u32 s0, s1  }
0x5: {  	s6 =	rddreg [dreg:$0x0];
	s4 =	simm.s32 $0x1;
	s2 =	sshll.u32 s1, $0x7  }
0x6: {  	s7 =	simm.s32 $0x2;
	s12 =	simm.s32 $0x0;
	s1 =	ssub.s32 $0x4000, s2  }
0x7: {  	s8 =	simm.s32 $0x20000;
	s13 =	simm.s32 $0x0;
	s3 =	sand.u32 $0xF80, s1  }
0x8: {  	s9 =	simm.s32 $0x0;
	s5 =	sshrl.u32 s1, $0xC;
	p0 =	sne.s32 s3, $0x0  }
.Ltmp0:
0x9: {  	s1 =	rddreg [dreg:$0x2];
	s4 =	simm.s32 @!p0 $0x0;
	(pc) =	sbr.rel .LBB1_1-.Ltmp0, $4  }
0xa: {  	s11 =	simm.s32 $0x0;
	s3 =	rddreg [dreg:$0x1];
	s5 =	sadd.s32 s4, s5  }
0xb: {  	_ =	strace $0x8000004D;
	s4 =	simm.s32 $0x1;
	s5 =	smul.u32 $0x32, s5  }
0xc: {  	s6 =	sadd.s32 $0xE00, s6;
	s10 =	smov.u32 s2;
	[sflag:s4] =	ssyncpa.u1 $0x0  }
0xd: {  	p0 =	por $0x0, $0x0;
	[sflag:s7] =	ssyncpa.u1 $0x0;
	s7 =	sor.u32 $0x1, s5  }
.LBB1_4:
0xe: {  	s16 =	sshll.u32 s13, $0x3;
	s17 =	sand.u32 $0x78, s13  }
0xf: {  	s30 =	sand.u32 $0x1F800, s13;
	s12 =	sshll.u32 s12, $0x11;
	s16 =	sand.u32 $0x3C00, s16  }
0x10: {  	[tilespmem:s15+$0x810 ss:$0x81] =	vst.msk $0xffff, v2;
	s31 =	sand.u32 $0x7, s13;
	s16 =	sor.u32 s17, s16;
	s17 =	sadd.s32 s3, s30  }
0x11: {  	[tilespmem:s15+$0x1020 ss:$0x81] =	vst.msk $0xffff, v0;
	s13 =	sshll.u32 s31, $0x12;
	s12 =	sadd.s32 s12, s17;
	s16 =	sshrl.u32 s16, $0x3  }
0x12: {  	[tilespmem:s15+$0x0 ss:$0x81] =	vst.msk $0xffff, v1;
	s13 =	sor.u32 $0x400, s13;
	s12 =	sadd.s32 s16, s12  }
0x13: {  	[hbm4b:s12+s13] =	stream.strided.scatter [tilespmem:s14], [sflag:$0x2], $0x2000, s8, s13, $0x20;
	[tilespmem:$0x8080] =	vst v63  }
.LBB1_5:
0x14: {  	s14 =	sadd.s32 $0x1, s9  }
0x15: {  	s12 =	sadd.s32 $0x1000, s10;
	s16 =	smov.u32 s10;
	p2 =	sgt.s32 s14, $0x31  }
0x16: {  	s16 =	smov.u32 @p2 s12  }
0x17: {  	s14 =	simm.s32 @p2 $0x0;
	p2 =	sgt.s32 s16, $0x3FFF  }
0x18: {  	s16 =	smov.u32 @p2 s2;
	p2 =	sne.s32 s11, s7  }
.Ltmp1:
0x19: {  	p1 =	slt.u32 s11, $0x2;
	(pc) =	sbr.rel @!p2 .LBB1_6-.Ltmp1, $4  }
0x1a: {  	s15 =	simm.s32 @!p1 $0x2  }
0x1b: {  	s13 =	smov.u32 s10;
	p0 =	por !p0, !p0;
	_ =	swait.ge @!p1 [sflag:s15], $0x2000  }
0x1c: {  	s12 =	smov.u32 s9;
	[sflag:s15] =	ssyncset.done @!p1 $0x0;
	s9 =	smov.u32 s14  }
0x1d: {  	s11 =	sadd.s32 $0x1, s11;
	[sflag:s15] =	ssyncadd.s32 @!p1 $0xFFFFE000;
	s10 =	smov.u32 s16  }
.LBB1_1:
0x1e: {  	p1 =	sge.u32 s11, s5  }
0x1f: {  	s14 =	sand.u32 @!p1 $0x1FFFFFF, s9  }
0x20: {  	s15 =	smulhi.u32 @!p1 $0x4924925, s14;
	_ =	sdelay $0x1  }
0x21: {  	s15 =	smul.u32 @!p1 $0x38, s15  }
0x22: {  	s16 =	sxor.u32 @!p1 $0xFFFFFFFF, s11;
	s17 =	smul.u32 @!p1 $0x380, s10  }
0x23: {  	s31 =	sadd.s32 $0xFFFFFFFF, s11;
	s16 =	sshll.u32 @!p1 s16, $0xD;
	s14 =	ssub.s32 @!p1 s14, s15  }
0x24: {  	s15 =	sand.u32 @!p1 $0x2000, s16;
	s16 =	sadd.s32 @!p1 s6, s17;
	s14 =	sshll.u32 @!p1 s14, $0x4  }
0x25: {  	s17 =	simm.s32 @!p1 $0x1C00;
	s14 =	sadd.s32 @!p1 s14, s16;
	s16 =	simm.s32 @!p1 $0x40  }
0x26: {  	[tilespmem:s15], [sflag:$0x1] =	stream.strided.gather @!p1 [hbm4b:s14+s16], $0x2000, s17, s16, $0x38;
	[tilespmem:$0x8080] =	vst v63  }
0x27: {  	p1 =	sge.u32 s31, s5  }
.Ltmp2:
0x28: {  	_ = 	snop;
	(pc) =	sbr.rel @p1 .LBB1_5-.Ltmp2, $1  }
0x29: {  	_ =	sdelay $0x3  }
0x2a: {  	s14 =	simm.s32 $0x1  }
0x2b: {  	_ =	swait.ge [sflag:s4], $0x2000;
	s14 =	simm.s32 @!p0 $0x0  }
0x2c: {  	[sflag:s4] =	ssyncset.done $0x0;
	s15 =	sshll.u32 s14, $0xD  }
0x2d: {  	[sflag:s4] =	ssyncadd.s32 $0xFFFFE000;
	s18 =	sor.u32 $0x20, s15  }
0x2e: {  	s14 =	smul.u32 $0x8100, s14;
	v3 =	vld [tilespmem:s18+$0x10]  }
0x2f: {  	s30 =	sand.u32 $0x1, s11;
	v2 =	vld [tilespmem:s18+$0xFFFFFFF0]  }
0x30: {  	s15 =	smul.u32 $0x8100, s30;
	s14 =	sshrl.u32 s14, $0x2;
	v0 =	vld [tilespmem:s18+$0x0]  }
0x31: {  	v1 =	vld [tilespmem:s18+$0xFFFFFFE0];
	s16 =	sor.u32 $0x4000, s14  }
0x32: {  	s31 =	sshrl.u32 s15, $0x2;
	s15 =	sadd.s32 $0x0, s16  }
0x33: {  	s17 =	simm.s32 $0x4;
	s18 =	sadd.s32 $0x40, s18;
	s14 =	sor.u32 $0x4000, s31;
	[tilespmem:s15+$0x1830 ss:$0x81] =	vst.msk $0xffff, v3  }
.LBB1_3:
0x34: {  	v3 =	vld [tilespmem:s18+$0x10];
	p1 =	sne.s32 s17, $0x1FC;
	[tilespmem:s15+$0x810 ss:$0x81] =	vst.msk $0xffff, v2;
	s19 =	smov.u32 s17;
	s17 =	sadd.s32 $0x4, s17  }
.Ltmp3:
0x35: {  	v2 =	vld [tilespmem:s18+$0xFFFFFFF0];
	[tilespmem:s15+$0x1020 ss:$0x81] =	vst.msk $0xffff, v0;
	(pc) =	sbr.rel @p1 .LBB1_3-.Ltmp3, $4  }
0x36: {  	v0 =	vld [tilespmem:s18+$0x0];
	[tilespmem:s15+$0x0 ss:$0x81] =	vst.msk $0xffff, v1  }
0x37: {  	s15 =	sshra.s32 s19, $0x2;
	v1 =	vld [tilespmem:s18+$0xFFFFFFE0]  }
0x38: {  	s15 =	sadd.s32 s15, s16  }
0x39: {  	s18 =	sadd.s32 $0x40, s18;
	[tilespmem:s15+$0x1830 ss:$0x81] =	vst.msk $0xffff, v3  }
.Ltmp4:
0x3a: {  	_ = 	snop;
	(pc) =	sbr.rel .LBB1_4-.Ltmp4, $1  }
0x3b: {  	_ =	sdelay $0x3  }
.LBB1_6:
0x3c: {  	_ =	sfence.sel $0x180000  }
0x3d: {  	s2 =	simm.s32 $0x1;
	[bflag:$0x0] =	sbarrier.arrive $0xFFFF  }
0x3e: {  	s31 =	simm.s32 $0x2;
	[sflag:s2] =	ssyncpa.u1 $0x1  }
0x3f: {  	[sflag:s31] =	ssyncpa.u1 $0x1  }
0x40: {  	p0 =	sne.s32 s0, $0x0;
	_ =	strace $0x9000004D  }
0x41: {  	s0 =	sadd.s32 @!p0 $0x100000, s1;
	[bflag:$0x2] =	sbarrier.arrive $0xFFFF  }
0x42: {  	[sflag:s0] =	ssyncadd.tile.s32 @!p0 $0x1;
	_ =	shalt  }
.Lfunc_end1:
_tile_overlayer_lowered:
.L_overlay_start_2:
0x43: {  	(tag) =	ssettag $0x2  }
0x44: {  	s0 =	rddreg [dreg:$0x0];
	s2 =	stileid.u32  }
0x45: {  	s1 =	rddreg [dreg:$0x1];
	p0 =	sne.s32 s2, $0x0  }
0x46: {  	s3 =	rddreg [dreg:$0x2];
	[bflag:$0x3] =	sbarrier.arrive $0xFFFF;
	s2 =	simm.s32 @!p0 $0x1C01  }
0x47: {  	[timem:s3], [sflag:s2] =	dma.local @!p0 [hbm:s0], s1  }
0x48: {  	s0 =	simm.s32 @!p0 $0x1  }
0x49: {  	_ =	swait.ge @!p0 [sflag:s0], s1  }
0x4a: {  	s1 =	ssub.s32 @!p0 $0x0, s1;
	[sflag:s0] =	ssyncset.done @!p0 $0x0  }
0x4b: {  	[sflag:s0] =	ssyncadd.s32 @!p0 s1  }
0x4c: {  	[bflag:$0x3] =	sbarrier.arrive $0xFFFF  }
0x4d: {  	_ =	shalt  }

</sc_bundles>
